<compile_context>
chip_gen: v7x
topology: tpu7x:2x2x1
jax: 0.10.2.dev20260603
libtpu: 0.0.44.dev20260713+nightly
codegen_flags: <defaults>
</compile_context>

<pallas_src>
import jax
import jax.numpy as jnp
from jax import lax
from jax.experimental import pallas as pl
from jax.experimental.pallas import tpu as pltpu
from jax.experimental.pallas import tpu_sc as plsc

N = 10000
E = 160000
D = 300
DP = 320
DH = DP // 2
DE = 16
G = 512

NSUB = 16
NP = 10240
ROWS = NP // NSUB

CH = 80
EPW = E // NSUB
NCH = EPW // CH
NBUF = 5
OUTER = NCH // NBUF

NB = 1000
NGRID = N // NB


def _sc_x_body(xl, xr, idx3, x_out, acc_x, idx_v, rows_v,
               sem0, sem1, sem2, sem3, sem4):
    c = lax.axis_index("c")
    s = lax.axis_index("s")
    r0 = s * ROWS
    gsems = (sem0, sem1, sem2, sem3, sem4)

    def zrow(r, _):
        for cc in range(DH // 32):
            rows_v[0, r, pl.ds(cc * 32, 32)] = jnp.zeros((32,), jnp.bfloat16)
        return 0

    lax.fori_loop(0, CH, zrow, 0)
    for k in range(ROWS // CH):
        pltpu.sync_copy(rows_v.at[0], acc_x.at[pl.ds(r0 + k * CH, CH)])
    pltpu.sync_copy(idx3.at[s], idx_v)
    plsc.subcore_barrier()

    def run_phase(xtab):
        for b in range(NBUF):
            pltpu.async_copy(xtab.at[idx_v.at[b, 0]], rows_v.at[b], gsems[b])

        def outer(p, _):
            g0 = p * NBUF
            for ji in range(NBUF):
                g = g0 + ji
                pltpu.make_async_copy(xtab.at[idx_v.at[g, 0]],
                                      rows_v.at[ji], gsems[ji]).wait()
                pltpu.sync_copy(rows_v.at[ji],
                                acc_x.at[idx_v.at[g, 1]], add=True)
                gn = g + NBUF

                @pl.when(gn < NCH)
                def _():
                    pltpu.async_copy(xtab.at[idx_v.at[gn, 0]],
                                     rows_v.at[ji], gsems[ji])
            return 0

        lax.fori_loop(0, OUTER, outer, 0)

    @pl.when(c == 0)
    def _():
        run_phase(xl)

    @pl.when(c == 1)
    def _():
        run_phase(xr)

    plsc.subcore_barrier()
    pltpu.sync_copy(acc_x.at[pl.ds(r0, ROWS)],
                    x_out.at[c, pl.ds(r0, ROWS)])


def _sc_x(xl, xr, idx3):
    mesh = plsc.VectorSubcoreMesh(core_axis_name="c", subcore_axis_name="s")
    f = pl.kernel(
        _sc_x_body,
        out_type=jax.ShapeDtypeStruct((2, NP, DH), jnp.bfloat16),
        mesh=mesh,
        compiler_params=pltpu.CompilerParams(use_tc_tiling_on_sc=False),
        scratch_types=(
            pltpu.VMEM_SHARED((NP, DH), jnp.bfloat16),
            pltpu.VMEM((NCH, 2, CH), jnp.int32),
            pltpu.VMEM((NBUF, CH, DH), jnp.bfloat16),
            pltpu.SemaphoreType.DMA,
            pltpu.SemaphoreType.DMA,
            pltpu.SemaphoreType.DMA,
            pltpu.SemaphoreType.DMA,
            pltpu.SemaphoreType.DMA,
        ),
    )
    return f(xl, xr, idx3)


def _sc_ea_body(s16, ea, idx3, a_out, s_out,
                acc_ad, idx_v, ea_v, rows_v,
                sem0, sem1, sem2, sem3, sem4):
    c = lax.axis_index("c")
    s = lax.axis_index("s")
    r0 = s * ROWS
    gsems = (sem0, sem1, sem2, sem3, sem4)

    def zrow(r, _):
        ea_v[r, :] = jnp.zeros((DE,), jnp.float32)
        return 0

    lax.fori_loop(0, CH, zrow, 0)
    for k in range(ROWS // CH):
        pltpu.sync_copy(ea_v.at[pl.ds(0, CH)],
                        acc_ad.at[pl.ds(r0 + k * CH, CH)])
    pltpu.sync_copy(idx3.at[s], idx_v)
    plsc.subcore_barrier()

    base = s * EPW

    @pl.when(c == 0)
    def _():
        for b in range(NBUF):
            pltpu.async_copy(s16.at[idx_v.at[b, 0]], rows_v.at[b], gsems[b])

        def outer(p, _):
            for ji in range(NBUF):
                g = p * NBUF + ji
                pltpu.make_async_copy(s16.at[idx_v.at[g, 0]],
                                      rows_v.at[ji], gsems[ji]).wait()
                pltpu.sync_copy(rows_v.at[ji],
                                acc_ad.at[idx_v.at[g, 1]], add=True)
                gn = g + NBUF

                @pl.when(gn < NCH)
                def _():
                    pltpu.async_copy(s16.at[idx_v.at[gn, 0]],
                                     rows_v.at[ji], gsems[ji])
            return 0

        lax.fori_loop(0, OUTER, outer, 0)

    @pl.when(c == 1)
    def _():
        def outer(p, _):
            pltpu.sync_copy(ea.at[pl.ds(base + p * (NBUF * CH), NBUF * CH)],
                            ea_v)
            for ji in range(NBUF):
                g = p * NBUF + ji
                pltpu.sync_copy(ea_v.at[pl.ds(ji * CH, CH)],
                                acc_ad.at[idx_v.at[g, 1]], add=True)
            return 0

        lax.fori_loop(0, OUTER, outer, 0)

    plsc.subcore_barrier()

    @pl.when(c == 0)
    def _():
        pltpu.sync_copy(acc_ad.at[pl.ds(r0, ROWS)], s_out.at[pl.ds(r0, ROWS)])

    @pl.when(c == 1)
    def _():
        pltpu.sync_copy(acc_ad.at[pl.ds(r0, ROWS)], a_out.at[pl.ds(r0, ROWS)])


def _sc_ea(s16, ea, idx3):
    mesh = plsc.VectorSubcoreMesh(core_axis_name="c", subcore_axis_name="s")
    f = pl.kernel(
        _sc_ea_body,
        out_type=(
            jax.ShapeDtypeStruct((NP, DE), jnp.float32),
            jax.ShapeDtypeStruct((NP, DE), jnp.float32),
        ),
        mesh=mesh,
        compiler_params=pltpu.CompilerParams(use_tc_tiling_on_sc=False),
        scratch_types=(
            pltpu.VMEM_SHARED((NP, DE), jnp.float32),
            pltpu.VMEM((NCH, 2, CH), jnp.int32),
            pltpu.VMEM((NBUF * CH, DE), jnp.float32),
            pltpu.VMEM((NBUF, CH, DE), jnp.float32),
            pltpu.SemaphoreType.DMA,
            pltpu.SemaphoreType.DMA,
            pltpu.SemaphoreType.DMA,
            pltpu.SemaphoreType.DMA,
            pltpu.SemaphoreType.DMA,
        ),
    )
    return f(s16, ea, idx3)


def _tc_s_body(x_ref, w_ref, s_ref):
    s_ref[...] = jnp.dot(x_ref[...], w_ref[...],
                         precision=lax.Precision.HIGHEST,
                         preferred_element_type=jnp.float32)


def _tc_s(x, win16):
    return pl.pallas_call(
        _tc_s_body,
        grid=(NGRID,),
        in_specs=[pl.BlockSpec((NB, D), lambda i: (i, 0)),
                  pl.BlockSpec((D, DE), lambda i: (0, 0))],
        out_specs=pl.BlockSpec((NB, DE), lambda i: (i, 0)),
        out_shape=jax.ShapeDtypeStruct((N, DE), jnp.float32),
    )(x, win16)


def _tc_body(x0_ref, x1_ref, a_ref, s_ref, bt_ref,
             wgp_ref, wge_ref, wie_ref,
             w1_ref, b1_ref, w2_ref, b2_ref,
             z_ref, segmax_s, counts_s, p0_s, p1_s):
    i = pl.program_id(0)

    @pl.when(i == 0)
    def _():
        segmax_s[...] = jnp.full((1, G), -jnp.inf, jnp.float32)
        counts_s[...] = jnp.zeros((1, G), jnp.float32)
        p0_s[...] = jnp.zeros((G, D), jnp.float32)
        p1_s[...] = jnp.zeros((G, D), jnp.float32)

    x0 = x0_ref[0]
    x1 = x1_ref[0]
    aef = a_ref[...]
    sagg = s_ref[...]
    btc = bt_ref[0]

    wgp = wgp_ref[...]
    h = (jnp.dot(x0, wgp[:DH], preferred_element_type=jnp.float32)
         + jnp.dot(x1, wgp[DH:], preferred_element_type=jnp.float32)
         + jnp.dot(aef.astype(jnp.bfloat16), wge_ref[...],
                   preferred_element_type=jnp.float32))
    h = jnp.maximum(h, 0.0)

    imp_pre = sagg[:, 0:1] + jnp.dot(aef, wie_ref[...],
                                     precision=lax.Precision.HIGHEST,
                                     preferred_element_type=jnp.float32)
    imp = jnp.maximum(imp_pre, 0.0) + jnp.log1p(jnp.exp(-jnp.abs(imp_pre)))

    seg = lax.broadcasted_iota(jnp.int32, (1, G), 1)
    mask = btc == seg
    maskb = mask.astype(jnp.bfloat16)

    counts_s[...] += jnp.sum(maskb.astype(jnp.float32), axis=0, keepdims=True)
    m = jnp.max(jnp.where(mask, imp, -jnp.inf), axis=0, keepdims=True)
    segmax_s[...] = jnp.maximum(segmax_s[...], m)

    dn = (((0,), (0,)), ((), ()))
    p0_s[...] += lax.dot_general(maskb, h.astype(jnp.bfloat16), dn,
                                 preferred_element_type=jnp.float32)
    p1_s[...] += lax.dot_general(maskb, (h * imp).astype(jnp.bfloat16), dn,
                                 preferred_element_type=jnp.float32)

    @pl.when(i == NGRID - 1)
    def _():
        om = segmax_s[...]
        cnt = jnp.maximum(counts_s[...], 1.0)
        stacked = jnp.concatenate([1.0 / (10.0 * om), 1.0 / cnt], axis=0)
        eye = (lax.broadcasted_iota(jnp.int32, (G, G), 0)
               == lax.broadcasted_iota(jnp.int32, (G, G), 1)
               ).astype(jnp.float32)
        cols = lax.dot_general(eye, stacked, (((1,), (1,)), ((), ())),
                               precision=lax.Precision.HIGHEST,
                               preferred_element_type=jnp.float32)
        inv10om = cols[:, 0:1]
        invcnt = cols[:, 1:2]
        pooled = (p1_s[...] * inv10om + 0.9 * p0_s[...]) * invcnt
        z1 = jnp.maximum(
            jnp.dot(pooled, w1_ref[...], preferred_element_type=jnp.float32)
            + b1_ref[...], 0.0)
        z_ref[...] = (jnp.dot(z1, w2_ref[...],
                              preferred_element_type=jnp.float32)
                      + b2_ref[...])


def _tc_dense(x_parts, a_parts, s_parts, batch3, wgp, wge, wie,
              w1, b1r, w2, b2r):
    full = lambda shp: pl.BlockSpec(shp, lambda i: (0,) * len(shp))
    return pl.pallas_call(
        _tc_body,
        grid=(NGRID,),
        in_specs=[
            pl.BlockSpec((1, NB, DH), lambda i: (0, i, 0)),
            pl.BlockSpec((1, NB, DH), lambda i: (1, i, 0)),
            pl.BlockSpec((NB, DE), lambda i: (i, 0)),
            pl.BlockSpec((NB, DE), lambda i: (i, 0)),
            pl.BlockSpec((1, NB, 1), lambda i: (i, 0, 0)),
            full((DP, D)), full((DE, D)), full((DE, 1)),
            full((D, D)), full((1, D)), full((D, D)), full((1, D)),
        ],
        out_specs=pl.BlockSpec((G, D), lambda i: (0, 0)),
        out_shape=jax.ShapeDtypeStruct((G, D), jnp.float32),
        scratch_shapes=[
            pltpu.VMEM((1, G), jnp.float32),
            pltpu.VMEM((1, G), jnp.float32),
            pltpu.VMEM((G, D), jnp.float32),
            pltpu.VMEM((G, D), jnp.float32),
        ],
    )(x_parts, x_parts, a_parts, s_parts, batch3,
      wgp, wge, wie, w1, b1r, w2, b2r)


def kernel(x, edge_index, edge_attr, batch, Wi_n, Wi_e, Wg_n, Wg_e, bg,
           W1, b1, W2, b2):
    win16 = jnp.pad(Wi_n, ((0, 0), (0, DE - 1)))
    s16 = _tc_s(x, win16)
    idx3 = jnp.stack([edge_index[0].reshape(NSUB, NCH, CH),
                      edge_index[1].reshape(NSUB, NCH, CH)], axis=2)
    a_parts, s_parts = _sc_ea(s16, edge_attr, idx3)

    xb = x.astype(jnp.bfloat16)
    xl = xb[:, :DH]
    xr = jnp.concatenate(
        [xb[:, DH:], jnp.ones((N, 1), jnp.bfloat16),
         jnp.zeros((N, DP - D - 1), jnp.bfloat16)], axis=1)
    x_parts = _sc_x(xl, xr, idx3)

    wgp = jnp.pad(Wg_n, ((0, DP - D), (0, 0))).at[D].set(bg)
    wgp = wgp.astype(jnp.bfloat16)
    batch3 = batch.reshape(NGRID, NB, 1)

    return _tc_dense(x_parts, a_parts, s_parts, batch3, wgp,
                     Wg_e.astype(jnp.bfloat16), Wi_e,
                     W1, b1.reshape(1, D), W2, b2.reshape(1, D))

# --- scband reference (transcript-rebuilt; emitter-appended) ---
"""Pipeline reference for scband-graphcl-61933428408695 (READ-ONLY COPY).

The authoritative reference and input builder live on the scoring server;
editing this copy changes nothing except your own understanding.
"""

import jax, jax.numpy as jnp
import numpy as np

N = 10000   # nodes
E = 160000  # edges
D = 300     # feature dim (hardcoded by projection head)
DE = 16     # edge feature dim
G = 512     # number of graphs in the batch


def setup_inputs(seed: int = 0) -> dict:
    key = jax.random.key(seed)
    ks = jax.random.split(key, 12)
    x = jax.random.normal(ks[0], (N, D), dtype=jnp.float32)
    edge_index = jax.random.randint(ks[1], (2, E), 0, N, dtype=jnp.int32)
    edge_attr = jax.random.normal(ks[2], (E, DE), dtype=jnp.float32)
    batch = jnp.sort(jax.random.randint(ks[3], (N,), 0, G, dtype=jnp.int32))
    # node importance estimator params (message-passing -> scalar importance)
    Wi_n = jax.random.normal(ks[4], (D, 1), dtype=jnp.float32) * 0.05
    Wi_e = jax.random.normal(ks[5], (DE, 1), dtype=jnp.float32) * 0.05
    # gnn params (single message-passing layer, out dim 300)
    Wg_n = jax.random.normal(ks[6], (D, D), dtype=jnp.float32) * 0.05
    Wg_e = jax.random.normal(ks[7], (DE, D), dtype=jnp.float32) * 0.05
    bg = jnp.zeros((D,), dtype=jnp.float32)
    # projection head: Linear(300,300) -> ReLU -> Linear(300,300)
    W1 = jax.random.normal(ks[8], (D, D), dtype=jnp.float32) * 0.05
    b1 = jnp.zeros((D,), dtype=jnp.float32)
    W2 = jax.random.normal(ks[9], (D, D), dtype=jnp.float32) * 0.05
    b2 = jnp.zeros((D,), dtype=jnp.float32)
    return {"x": x, "edge_index": edge_index, "edge_attr": edge_attr, "batch": batch,
            "Wi_n": Wi_n, "Wi_e": Wi_e, "Wg_n": Wg_n, "Wg_e": Wg_e, "bg": bg,
            "W1": W1, "b1": b1, "W2": W2, "b2": b2}


def reference(x, edge_index, edge_attr, batch, Wi_n, Wi_e, Wg_n, Wg_e, bg, W1, b1, W2, b2):
    src = edge_index[0]
    dst = edge_index[1]
    # node_imp = node_imp_estimator(x, edge_index, edge_attr, batch)  -> [N, 1], positive
    msg_i = x[src] @ Wi_n + edge_attr @ Wi_e
    agg_i = jax.ops.segment_sum(msg_i, dst, num_segments=N)
    node_imp = jax.nn.softplus(agg_i)  # [N, 1]
    # x = gnn(x, edge_index, edge_attr)  -> [N, 300]
    msg_g = x[src] @ Wg_n + edge_attr @ Wg_e + bg
    h = jax.nn.relu(jax.ops.segment_sum(msg_g, dst, num_segments=N))
    # out, _ = torch_scatter.scatter_max(node_imp.reshape(1,-1), batch)
    out = jax.ops.segment_max(node_imp.reshape(-1), batch, num_segments=G)
    out = out.reshape(-1, 1)
    out = out[batch]  # [N, 1]
    node_imp = node_imp / (out * 10.0)
    node_imp = node_imp + 0.9
    node_imp = jnp.broadcast_to(node_imp, (N, D))  # expand(-1, 300)
    hx = h * node_imp
    # global_mean_pool(hx, batch)
    counts = jax.ops.segment_sum(jnp.ones((N,), dtype=jnp.float32), batch, num_segments=G)
    pooled = jax.ops.segment_sum(hx, batch, num_segments=G) / jnp.maximum(counts, 1.0)[:, None]
    # projection head
    z = jax.nn.relu(pooled @ W1 + b1) @ W2 + b2
    return z

if __name__ == "__main__":
    import jax
    _d = setup_inputs()
    print(jax.jit(kernel)(*tuple(_d.values())))

</pallas_src>

<mosaic_0001>
#map = affine_map<(d0, d1) -> (0, 0)>
#map1 = affine_map<(d0, d1) -> (0, 0, 0, 0)>
#map2 = affine_map<(d0, d1) -> (0, 0, 0)>
module attributes {stable_mosaic.version = 14 : i64} {
  func.func @_sc_x_body(%arg0: i32, %arg1: i32, %arg2: memref<10000x160xbf16, #tpu.memory_space<hbm>>, %arg3: memref<10000x160xbf16, #tpu.memory_space<hbm>>, %arg4: memref<16x125x2x80xi32, #tpu.memory_space<hbm>>, %arg5: memref<2x10240x160xbf16, #tpu.memory_space<hbm>>, %arg6: memref<10240x160xbf16, #tpu.memory_space<vmem_shared>>, %arg7: memref<125x2x80xi32, #tpu.memory_space<vmem>>, %arg8: memref<5x80x160xbf16, #tpu.memory_space<vmem>>, %arg9: memref<!tpu.dma_semaphore, #tpu.memory_space<semaphore_mem>>, %arg10: memref<!tpu.dma_semaphore, #tpu.memory_space<semaphore_mem>>, %arg11: memref<!tpu.dma_semaphore, #tpu.memory_space<semaphore_mem>>, %arg12: memref<!tpu.dma_semaphore, #tpu.memory_space<semaphore_mem>>, %arg13: memref<!tpu.dma_semaphore, #tpu.memory_space<semaphore_mem>>) attributes {dimension_semantics = [#tpu.dimension_semantics<core_parallel>, #tpu.dimension_semantics<subcore_parallel>], iteration_bounds = array<i64: 2, 16>, scalar_prefetch = 0 : i64, scratch_operands = 8 : i64, tpu.core_type = #tpu.core_type<sc_vector_subcore>, window_params = [{transform_indices = #map}, {transform_indices = #map}, {transform_indices = #map1}, {transform_indices = #map2}]} {
    %mul3A = arith.constant 640 : i32
    %mul3A_0 = arith.muli %arg1, %mul3A : i32
    %scan3A = arith.constant 0 : i32
    %scan3A_1 = arith.constant 0 : i32
    %scan3A_2 = arith.constant 80 : i32
    %scan3A_3 = arith.addi %scan3A_1, %scan3A_2 : i32
    %scan3A_4 = arith.constant 1 : i32
    %scan3A_5 = scf.for %scan3A_37 = %scan3A_1 to %scan3A_3 step %scan3A_4 iter_args(%scan3A_38 = %scan3A) -> (i32)  : i32 {
      %broadcast_in_dim3A = arith.constant 0.000000e+00 : bf16
      %broadcast_in_dim3A_39 = vector.broadcast %broadcast_in_dim3A : bf16 to vector<32xbf16>
      %swap3A = arith.constant 0 : i32
      %swap3A_40 = arith.index_cast %swap3A : i32 to index
      %swap3A_41 = arith.index_cast %scan3A_37 : i32 to index
      %swap3A_42 = arith.constant 0 : index
      %swap3A_43 = tpu.vector_load %arg8[%swap3A_40, %swap3A_41, %swap3A_42] {strides = array<i32>} : memref<5x80x160xbf16, #tpu.memory_space<vmem>>, vector<1x1x32xbf16>,
      %swap3A_44 = vector.shape_cast %swap3A_43 : vector<1x1x32xbf16> to vector<32xbf16>
      %swap3A_45 = vector.shape_cast %broadcast_in_dim3A_39 : vector<32xbf16> to vector<1x1x32xbf16>
      tpu.vector_store %arg8[%swap3A_40, %swap3A_41, %swap3A_42], %swap3A_45 {strides = array<i32>} : memref<5x80x160xbf16, #tpu.memory_space<vmem>>, vector<1x1x32xbf16>,
      %broadcast_in_dim3A_46 = arith.constant 0.000000e+00 : bf16
      %broadcast_in_dim3A_47 = vector.broadcast %broadcast_in_dim3A_46 : bf16 to vector<32xbf16>
      %swap3A_48 = arith.constant 0 : i32
      %swap3A_49 = arith.index_cast %swap3A_48 : i32 to index
      %swap3A_50 = arith.index_cast %scan3A_37 : i32 to index
      %swap3A_51 = arith.constant 32 : index
      %swap3A_52 = tpu.vector_load %arg8[%swap3A_49, %swap3A_50, %swap3A_51] {strides = array<i32>} : memref<5x80x160xbf16, #tpu.memory_space<vmem>>, vector<1x1x32xbf16>,
      %swap3A_53 = vector.shape_cast %swap3A_52 : vector<1x1x32xbf16> to vector<32xbf16>
      %swap3A_54 = vector.shape_cast %broadcast_in_dim3A_47 : vector<32xbf16> to vector<1x1x32xbf16>
      tpu.vector_store %arg8[%swap3A_49, %swap3A_50, %swap3A_51], %swap3A_54 {strides = array<i32>} : memref<5x80x160xbf16, #tpu.memory_space<vmem>>, vector<1x1x32xbf16>,
      %broadcast_in_dim3A_55 = arith.constant 0.000000e+00 : bf16
      %broadcast_in_dim3A_56 = vector.broadcast %broadcast_in_dim3A_55 : bf16 to vector<32xbf16>
      %swap3A_57 = arith.constant 0 : i32
      %swap3A_58 = arith.index_cast %swap3A_57 : i32 to index
      %swap3A_59 = arith.index_cast %scan3A_37 : i32 to index
      %swap3A_60 = arith.constant 64 : index
      %swap3A_61 = tpu.vector_load %arg8[%swap3A_58, %swap3A_59, %swap3A_60] {strides = array<i32>} : memref<5x80x160xbf16, #tpu.memory_space<vmem>>, vector<1x1x32xbf16>,
      %swap3A_62 = vector.shape_cast %swap3A_61 : vector<1x1x32xbf16> to vector<32xbf16>
      %swap3A_63 = vector.shape_cast %broadcast_in_dim3A_56 : vector<32xbf16> to vector<1x1x32xbf16>
      tpu.vector_store %arg8[%swap3A_58, %swap3A_59, %swap3A_60], %swap3A_63 {strides = array<i32>} : memref<5x80x160xbf16, #tpu.memory_space<vmem>>, vector<1x1x32xbf16>,
      %broadcast_in_dim3A_64 = arith.constant 0.000000e+00 : bf16
      %broadcast_in_dim3A_65 = vector.broadcast %broadcast_in_dim3A_64 : bf16 to vector<32xbf16>
      %swap3A_66 = arith.constant 0 : i32
      %swap3A_67 = arith.index_cast %swap3A_66 : i32 to index
      %swap3A_68 = arith.index_cast %scan3A_37 : i32 to index
      %swap3A_69 = arith.constant 96 : index
      %swap3A_70 = tpu.vector_load %arg8[%swap3A_67, %swap3A_68, %swap3A_69] {strides = array<i32>} : memref<5x80x160xbf16, #tpu.memory_space<vmem>>, vector<1x1x32xbf16>,
      %swap3A_71 = vector.shape_cast %swap3A_70 : vector<1x1x32xbf16> to vector<32xbf16>
      %swap3A_72 = vector.shape_cast %broadcast_in_dim3A_65 : vector<32xbf16> to vector<1x1x32xbf16>
      tpu.vector_store %arg8[%swap3A_67, %swap3A_68, %swap3A_69], %swap3A_72 {strides = array<i32>} : memref<5x80x160xbf16, #tpu.memory_space<vmem>>, vector<1x1x32xbf16>,
      %broadcast_in_dim3A_73 = arith.constant 0.000000e+00 : bf16
      %broadcast_in_dim3A_74 = vector.broadcast %broadcast_in_dim3A_73 : bf16 to vector<32xbf16>
      %swap3A_75 = arith.constant 0 : i32
      %swap3A_76 = arith.index_cast %swap3A_75 : i32 to index
      %swap3A_77 = arith.index_cast %scan3A_37 : i32 to index
      %swap3A_78 = arith.constant 128 : index
      %swap3A_79 = tpu.vector_load %arg8[%swap3A_76, %swap3A_77, %swap3A_78] {strides = array<i32>} : memref<5x80x160xbf16, #tpu.memory_space<vmem>>, vector<1x1x32xbf16>,
      %swap3A_80 = vector.shape_cast %swap3A_79 : vector<1x1x32xbf16> to vector<32xbf16>
      %swap3A_81 = vector.shape_cast %broadcast_in_dim3A_74 : vector<32xbf16> to vector<1x1x32xbf16>
      tpu.vector_store %arg8[%swap3A_76, %swap3A_77, %swap3A_78], %swap3A_81 {strides = array<i32>} : memref<5x80x160xbf16, #tpu.memory_space<vmem>>, vector<1x1x32xbf16>,
      %scan3A_82 = arith.constant 0 : i32
      scf.yield %scan3A_82 : i32
    }
    %scan3A_6 = arith.constant 80 : i32
    %add3A = arith.constant 0 : i32
    %add3A_7 = arith.addi %mul3A_0, %add3A : i32
    %run_scoped3A = arith.constant 0 : i32
    "tpu.region"() ({
      %run_scoped3A_37 = tpu.sem_alloc : memref<!tpu.dma_semaphore, #tpu.memory_space<semaphore_mem>>
      %dma_start3A = arith.constant 0 : i32
      %dma_start3A_38 = arith.constant 0 : i32
      %dma_start3A_39 = tpu.memref_slice %arg8[%run_scoped3A, %dma_start3A, %dma_start3A_38] : memref<5x80x160xbf16, #tpu.memory_space<vmem>> -> memref<1x80x160xbf16, #tpu.memory_space<vmem>>
      %dma_start3A_40 = tpu.memref_squeeze %dma_start3A_39 : memref<1x80x160xbf16, #tpu.memory_space<vmem>> -> memref<80x160xbf16, #tpu.memory_space<vmem>>
      %dma_start3A_41 = arith.constant 0 : i32
      %dma_start3A_42 = tpu.memref_slice %arg6[%add3A_7, %dma_start3A_41] : memref<10240x160xbf16, #tpu.memory_space<vmem_shared>> -> memref<80x160xbf16, #tpu.memory_space<vmem_shared>>
      %dma_start3A_43 = arith.constant 0 : i32
      %dma_start3A_44 = tpu.memref_slice %arg6[%add3A_7, %dma_start3A_43] : memref<10240x160xbf16, #tpu.memory_space<vmem_shared>> -> memref<80x160xbf16, #tpu.memory_space<vmem_shared>>
      %dma_start3A_45 = arith.constant 0 : i32
      %dma_start3A_46 = arith.constant 0 : i32
      %dma_start3A_47 = tpu.memref_slice %arg8[%run_scoped3A, %dma_start3A_45, %dma_start3A_46] : memref<5x80x160xbf16, #tpu.memory_space<vmem>> -> memref<1x80x160xbf16, #tpu.memory_space<vmem>>
      %dma_start3A_48 = tpu.memref_squeeze %dma_start3A_47 : memref<1x80x160xbf16, #tpu.memory_space<vmem>> -> memref<80x160xbf16, #tpu.memory_space<vmem>>
      tpu.enqueue_dma source(%dma_start3A_48 : memref<80x160xbf16, #tpu.memory_space<vmem>>) target(%dma_start3A_44 : memref<80x160xbf16, #tpu.memory_space<vmem_shared>>) target_semaphore(%run_scoped3A_37 : memref<!tpu.dma_semaphore, #tpu.memory_space<semaphore_mem>>)
      %dma_wait3A = arith.constant 0 : i32
      %dma_wait3A_49 = arith.constant 0 : i32
      %dma_wait3A_50 = tpu.memref_slice %arg8[%run_scoped3A, %dma_wait3A, %dma_wait3A_49] : memref<5x80x160xbf16, #tpu.memory_space<vmem>> -> memref<1x80x160xbf16, #tpu.memory_space<vmem>>
      %dma_wait3A_51 = tpu.memref_squeeze %dma_wait3A_50 : memref<1x80x160xbf16, #tpu.memory_space<vmem>> -> memref<80x160xbf16, #tpu.memory_space<vmem>>
      %dma_wait3A_52 = arith.constant 0 : i32
      %dma_wait3A_53 = tpu.memref_slice %arg6[%add3A_7, %dma_wait3A_52] : memref<10240x160xbf16, #tpu.memory_space<vmem_shared>> -> memref<80x160xbf16, #tpu.memory_space<vmem_shared>>
      %dma_wait3A_54 = arith.constant 0 : i32
      %dma_wait3A_55 = tpu.memref_slice %arg6[%add3A_7, %dma_wait3A_54] : memref<10240x160xbf16, #tpu.memory_space<vmem_shared>> -> memref<80x160xbf16, #tpu.memory_space<vmem_shared>>
      %dma_wait3A_56 = arith.constant 0 : i32
      %dma_wait3A_57 = arith.constant 0 : i32
      %dma_wait3A_58 = tpu.memref_slice %arg8[%run_scoped3A, %dma_wait3A_56, %dma_wait3A_57] : memref<5x80x160xbf16, #tpu.memory_space<vmem>> -> memref<1x80x160xbf16, #tpu.memory_space<vmem>>
      %dma_wait3A_59 = tpu.memref_squeeze %dma_wait3A_58 : memref<1x80x160xbf16, #tpu.memory_space<vmem>> -> memref<80x160xbf16, #tpu.memory_space<vmem>>
      tpu.wait_dma2 semaphore(%run_scoped3A_37 : memref<!tpu.dma_semaphore, #tpu.memory_space<semaphore_mem>>) src(%dma_wait3A_59 : memref<80x160xbf16, #tpu.memory_space<vmem>>) dst(%dma_wait3A_55 : memref<80x160xbf16, #tpu.memory_space<vmem_shared>>)
      tpu.yield
    }) : () -> ()
    %add3A_8 = arith.constant 80 : i32
    %add3A_9 = arith.addi %mul3A_0, %add3A_8 : i32
    %run_scoped3A_10 = arith.constant 0 : i32
    "tpu.region"() ({
      %run_scoped3A_37 = tpu.sem_alloc : memref<!tpu.dma_semaphore, #tpu.memory_space<semaphore_mem>>
      %dma_start3A = arith.constant 0 : i32
      %dma_start3A_38 = arith.constant 0 : i32
      %dma_start3A_39 = tpu.memref_slice %arg8[%run_scoped3A_10, %dma_start3A, %dma_start3A_38] : memref<5x80x160xbf16, #tpu.memory_space<vmem>> -> memref<1x80x160xbf16, #tpu.memory_space<vmem>>
      %dma_start3A_40 = tpu.memref_squeeze %dma_start3A_39 : memref<1x80x160xbf16, #tpu.memory_space<vmem>> -> memref<80x160xbf16, #tpu.memory_space<vmem>>
      %dma_start3A_41 = arith.constant 0 : i32
      %dma_start3A_42 = tpu.memref_slice %arg6[%add3A_9, %dma_start3A_41] : memref<10240x160xbf16, #tpu.memory_space<vmem_shared>> -> memref<80x160xbf16, #tpu.memory_space<vmem_shared>>
      %dma_start3A_43 = arith.constant 0 : i32
      %dma_start3A_44 = tpu.memref_slice %arg6[%add3A_9, %dma_start3A_43] : memref<10240x160xbf16, #tpu.memory_space<vmem_shared>> -> memref<80x160xbf16, #tpu.memory_space<vmem_shared>>
      %dma_start3A_45 = arith.constant 0 : i32
      %dma_start3A_46 = arith.constant 0 : i32
      %dma_start3A_47 = tpu.memref_slice %arg8[%run_scoped3A_10, %dma_start3A_45, %dma_start3A_46] : memref<5x80x160xbf16, #tpu.memory_space<vmem>> -> memref<1x80x160xbf16, #tpu.memory_space<vmem>>
      %dma_start3A_48 = tpu.memref_squeeze %dma_start3A_47 : memref<1x80x160xbf16, #tpu.memory_space<vmem>> -> memref<80x160xbf16, #tpu.memory_space<vmem>>
      tpu.enqueue_dma source(%dma_start3A_48 : memref<80x160xbf16, #tpu.memory_space<vmem>>) target(%dma_start3A_44 : memref<80x160xbf16, #tpu.memory_space<vmem_shared>>) target_semaphore(%run_scoped3A_37 : memref<!tpu.dma_semaphore, #tpu.memory_space<semaphore_mem>>)
      %dma_wait3A = arith.constant 0 : i32
      %dma_wait3A_49 = arith.constant 0 : i32
      %dma_wait3A_50 = tpu.memref_slice %arg8[%run_scoped3A_10, %dma_wait3A, %dma_wait3A_49] : memref<5x80x160xbf16, #tpu.memory_space<vmem>> -> memref<1x80x160xbf16, #tpu.memory_space<vmem>>
      %dma_wait3A_51 = tpu.memref_squeeze %dma_wait3A_50 : memref<1x80x160xbf16, #tpu.memory_space<vmem>> -> memref<80x160xbf16, #tpu.memory_space<vmem>>
      %dma_wait3A_52 = arith.constant 0 : i32
      %dma_wait3A_53 = tpu.memref_slice %arg6[%add3A_9, %dma_wait3A_52] : memref<10240x160xbf16, #tpu.memory_space<vmem_shared>> -> memref<80x160xbf16, #tpu.memory_space<vmem_shared>>
      %dma_wait3A_54 = arith.constant 0 : i32
      %dma_wait3A_55 = tpu.memref_slice %arg6[%add3A_9, %dma_wait3A_54] : memref<10240x160xbf16, #tpu.memory_space<vmem_shared>> -> memref<80x160xbf16, #tpu.memory_space<vmem_shared>>
      %dma_wait3A_56 = arith.constant 0 : i32
      %dma_wait3A_57 = arith.constant 0 : i32
      %dma_wait3A_58 = tpu.memref_slice %arg8[%run_scoped3A_10, %dma_wait3A_56, %dma_wait3A_57] : memref<5x80x160xbf16, #tpu.memory_space<vmem>> -> memref<1x80x160xbf16, #tpu.memory_space<vmem>>
      %dma_wait3A_59 = tpu.memref_squeeze %dma_wait3A_58 : memref<1x80x160xbf16, #tpu.memory_space<vmem>> -> memref<80x160xbf16, #tpu.memory_space<vmem>>
      tpu.wait_dma2 semaphore(%run_scoped3A_37 : memref<!tpu.dma_semaphore, #tpu.memory_space<semaphore_mem>>) src(%dma_wait3A_59 : memref<80x160xbf16, #tpu.memory_space<vmem>>) dst(%dma_wait3A_55 : memref<80x160xbf16, #tpu.memory_space<vmem_shared>>)
      tpu.yield
    }) : () -> ()
    %add3A_11 = arith.constant 160 : i32
    %add3A_12 = arith.addi %mul3A_0, %add3A_11 : i32
    %run_scoped3A_13 = arith.constant 0 : i32
    "tpu.region"() ({
      %run_scoped3A_37 = tpu.sem_alloc : memref<!tpu.dma_semaphore, #tpu.memory_space<semaphore_mem>>
      %dma_start3A = arith.constant 0 : i32
      %dma_start3A_38 = arith.constant 0 : i32
      %dma_start3A_39 = tpu.memref_slice %arg8[%run_scoped3A_13, %dma_start3A, %dma_start3A_38] : memref<5x80x160xbf16, #tpu.memory_space<vmem>> -> memref<1x80x160xbf16, #tpu.memory_space<vmem>>
      %dma_start3A_40 = tpu.memref_squeeze %dma_start3A_39 : memref<1x80x160xbf16, #tpu.memory_space<vmem>> -> memref<80x160xbf16, #tpu.memory_space<vmem>>
      %dma_start3A_41 = arith.constant 0 : i32
      %dma_start3A_42 = tpu.memref_slice %arg6[%add3A_12, %dma_start3A_41] : memref<10240x160xbf16, #tpu.memory_space<vmem_shared>> -> memref<80x160xbf16, #tpu.memory_space<vmem_shared>>
      %dma_start3A_43 = arith.constant 0 : i32
      %dma_start3A_44 = tpu.memref_slice %arg6[%add3A_12, %dma_start3A_43] : memref<10240x160xbf16, #tpu.memory_space<vmem_shared>> -> memref<80x160xbf16, #tpu.memory_space<vmem_shared>>
      %dma_start3A_45 = arith.constant 0 : i32
      %dma_start3A_46 = arith.constant 0 : i32
      %dma_start3A_47 = tpu.memref_slice %arg8[%run_scoped3A_13, %dma_start3A_45, %dma_start3A_46] : memref<5x80x160xbf16, #tpu.memory_space<vmem>> -> memref<1x80x160xbf16, #tpu.memory_space<vmem>>
      %dma_start3A_48 = tpu.memref_squeeze %dma_start3A_47 : memref<1x80x160xbf16, #tpu.memory_space<vmem>> -> memref<80x160xbf16, #tpu.memory_space<vmem>>
      tpu.enqueue_dma source(%dma_start3A_48 : memref<80x160xbf16, #tpu.memory_space<vmem>>) target(%dma_start3A_44 : memref<80x160xbf16, #tpu.memory_space<vmem_shared>>) target_semaphore(%run_scoped3A_37 : memref<!tpu.dma_semaphore, #tpu.memory_space<semaphore_mem>>)
      %dma_wait3A = arith.constant 0 : i32
      %dma_wait3A_49 = arith.constant 0 : i32
      %dma_wait3A_50 = tpu.memref_slice %arg8[%run_scoped3A_13, %dma_wait3A, %dma_wait3A_49] : memref<5x80x160xbf16, #tpu.memory_space<vmem>> -> memref<1x80x160xbf16, #tpu.memory_space<vmem>>
      %dma_wait3A_51 = tpu.memref_squeeze %dma_wait3A_50 : memref<1x80x160xbf16, #tpu.memory_space<vmem>> -> memref<80x160xbf16, #tpu.memory_space<vmem>>
      %dma_wait3A_52 = arith.constant 0 : i32
      %dma_wait3A_53 = tpu.memref_slice %arg6[%add3A_12, %dma_wait3A_52] : memref<10240x160xbf16, #tpu.memory_space<vmem_shared>> -> memref<80x160xbf16, #tpu.memory_space<vmem_shared>>
      %dma_wait3A_54 = arith.constant 0 : i32
      %dma_wait3A_55 = tpu.memref_slice %arg6[%add3A_12, %dma_wait3A_54] : memref<10240x160xbf16, #tpu.memory_space<vmem_shared>> -> memref<80x160xbf16, #tpu.memory_space<vmem_shared>>
      %dma_wait3A_56 = arith.constant 0 : i32
      %dma_wait3A_57 = arith.constant 0 : i32
      %dma_wait3A_58 = tpu.memref_slice %arg8[%run_scoped3A_13, %dma_wait3A_56, %dma_wait3A_57] : memref<5x80x160xbf16, #tpu.memory_space<vmem>> -> memref<1x80x160xbf16, #tpu.memory_space<vmem>>
      %dma_wait3A_59 = tpu.memref_squeeze %dma_wait3A_58 : memref<1x80x160xbf16, #tpu.memory_space<vmem>> -> memref<80x160xbf16, #tpu.memory_space<vmem>>
      tpu.wait_dma2 semaphore(%run_scoped3A_37 : memref<!tpu.dma_semaphore, #tpu.memory_space<semaphore_mem>>) src(%dma_wait3A_59 : memref<80x160xbf16, #tpu.memory_space<vmem>>) dst(%dma_wait3A_55 : memref<80x160xbf16, #tpu.memory_space<vmem_shared>>)
      tpu.yield
    }) : () -> ()
    %add3A_14 = arith.constant 240 : i32
    %add3A_15 = arith.addi %mul3A_0, %add3A_14 : i32
    %run_scoped3A_16 = arith.constant 0 : i32
    "tpu.region"() ({
      %run_scoped3A_37 = tpu.sem_alloc : memref<!tpu.dma_semaphore, #tpu.memory_space<semaphore_mem>>
      %dma_start3A = arith.constant 0 : i32
      %dma_start3A_38 = arith.constant 0 : i32
      %dma_start3A_39 = tpu.memref_slice %arg8[%run_scoped3A_16, %dma_start3A, %dma_start3A_38] : memref<5x80x160xbf16, #tpu.memory_space<vmem>> -> memref<1x80x160xbf16, #tpu.memory_space<vmem>>
      %dma_start3A_40 = tpu.memref_squeeze %dma_start3A_39 : memref<1x80x160xbf16, #tpu.memory_space<vmem>> -> memref<80x160xbf16, #tpu.memory_space<vmem>>
      %dma_start3A_41 = arith.constant 0 : i32
      %dma_start3A_42 = tpu.memref_slice %arg6[%add3A_15, %dma_start3A_41] : memref<10240x160xbf16, #tpu.memory_space<vmem_shared>> -> memref<80x160xbf16, #tpu.memory_space<vmem_shared>>
      %dma_start3A_43 = arith.constant 0 : i32
      %dma_start3A_44 = tpu.memref_slice %arg6[%add3A_15, %dma_start3A_43] : memref<10240x160xbf16, #tpu.memory_space<vmem_shared>> -> memref<80x160xbf16, #tpu.memory_space<vmem_shared>>
      %dma_start3A_45 = arith.constant 0 : i32
      %dma_start3A_46 = arith.constant 0 : i32
      %dma_start3A_47 = tpu.memref_slice %arg8[%run_scoped3A_16, %dma_start3A_45, %dma_start3A_46] : memref<5x80x160xbf16, #tpu.memory_space<vmem>> -> memref<1x80x160xbf16, #tpu.memory_space<vmem>>
      %dma_start3A_48 = tpu.memref_squeeze %dma_start3A_47 : memref<1x80x160xbf16, #tpu.memory_space<vmem>> -> memref<80x160xbf16, #tpu.memory_space<vmem>>
      tpu.enqueue_dma source(%dma_start3A_48 : memref<80x160xbf16, #tpu.memory_space<vmem>>) target(%dma_start3A_44 : memref<80x160xbf16, #tpu.memory_space<vmem_shared>>) target_semaphore(%run_scoped3A_37 : memref<!tpu.dma_semaphore, #tpu.memory_space<semaphore_mem>>)
      %dma_wait3A = arith.constant 0 : i32
      %dma_wait3A_49 = arith.constant 0 : i32
      %dma_wait3A_50 = tpu.memref_slice %arg8[%run_scoped3A_16, %dma_wait3A, %dma_wait3A_49] : memref<5x80x160xbf16, #tpu.memory_space<vmem>> -> memref<1x80x160xbf16, #tpu.memory_space<vmem>>
      %dma_wait3A_51 = tpu.memref_squeeze %dma_wait3A_50 : memref<1x80x160xbf16, #tpu.memory_space<vmem>> -> memref<80x160xbf16, #tpu.memory_space<vmem>>
      %dma_wait3A_52 = arith.constant 0 : i32
      %dma_wait3A_53 = tpu.memref_slice %arg6[%add3A_15, %dma_wait3A_52] : memref<10240x160xbf16, #tpu.memory_space<vmem_shared>> -> memref<80x160xbf16, #tpu.memory_space<vmem_shared>>
      %dma_wait3A_54 = arith.constant 0 : i32
      %dma_wait3A_55 = tpu.memref_slice %arg6[%add3A_15, %dma_wait3A_54] : memref<10240x160xbf16, #tpu.memory_space<vmem_shared>> -> memref<80x160xbf16, #tpu.memory_space<vmem_shared>>
      %dma_wait3A_56 = arith.constant 0 : i32
      %dma_wait3A_57 = arith.constant 0 : i32
      %dma_wait3A_58 = tpu.memref_slice %arg8[%run_scoped3A_16, %dma_wait3A_56, %dma_wait3A_57] : memref<5x80x160xbf16, #tpu.memory_space<vmem>> -> memref<1x80x160xbf16, #tpu.memory_space<vmem>>
      %dma_wait3A_59 = tpu.memref_squeeze %dma_wait3A_58 : memref<1x80x160xbf16, #tpu.memory_space<vmem>> -> memref<80x160xbf16, #tpu.memory_space<vmem>>
      tpu.wait_dma2 semaphore(%run_scoped3A_37 : memref<!tpu.dma_semaphore, #tpu.memory_space<semaphore_mem>>) src(%dma_wait3A_59 : memref<80x160xbf16, #tpu.memory_space<vmem>>) dst(%dma_wait3A_55 : memref<80x160xbf16, #tpu.memory_space<vmem_shared>>)
      tpu.yield
    }) : () -> ()
    %add3A_17 = arith.constant 320 : i32
    %add3A_18 = arith.addi %mul3A_0, %add3A_17 : i32
    %run_scoped3A_19 = arith.constant 0 : i32
    "tpu.region"() ({
      %run_scoped3A_37 = tpu.sem_alloc : memref<!tpu.dma_semaphore, #tpu.memory_space<semaphore_mem>>
      %dma_start3A = arith.constant 0 : i32
      %dma_start3A_38 = arith.constant 0 : i32
      %dma_start3A_39 = tpu.memref_slice %arg8[%run_scoped3A_19, %dma_start3A, %dma_start3A_38] : memref<5x80x160xbf16, #tpu.memory_space<vmem>> -> memref<1x80x160xbf16, #tpu.memory_space<vmem>>
      %dma_start3A_40 = tpu.memref_squeeze %dma_start3A_39 : memref<1x80x160xbf16, #tpu.memory_space<vmem>> -> memref<80x160xbf16, #tpu.memory_space<vmem>>
      %dma_start3A_41 = arith.constant 0 : i32
      %dma_start3A_42 = tpu.memref_slice %arg6[%add3A_18, %dma_start3A_41] : memref<10240x160xbf16, #tpu.memory_space<vmem_shared>> -> memref<80x160xbf16, #tpu.memory_space<vmem_shared>>
      %dma_start3A_43 = arith.constant 0 : i32
      %dma_start3A_44 = tpu.memref_slice %arg6[%add3A_18, %dma_start3A_43] : memref<10240x160xbf16, #tpu.memory_space<vmem_shared>> -> memref<80x160xbf16, #tpu.memory_space<vmem_shared>>
      %dma_start3A_45 = arith.constant 0 : i32
      %dma_start3A_46 = arith.constant 0 : i32
      %dma_start3A_47 = tpu.memref_slice %arg8[%run_scoped3A_19, %dma_start3A_45, %dma_start3A_46] : memref<5x80x160xbf16, #tpu.memory_space<vmem>> -> memref<1x80x160xbf16, #tpu.memory_space<vmem>>
      %dma_start3A_48 = tpu.memref_squeeze %dma_start3A_47 : memref<1x80x160xbf16, #tpu.memory_space<vmem>> -> memref<80x160xbf16, #tpu.memory_space<vmem>>
      tpu.enqueue_dma source(%dma_start3A_48 : memref<80x160xbf16, #tpu.memory_space<vmem>>) target(%dma_start3A_44 : memref<80x160xbf16, #tpu.memory_space<vmem_shared>>) target_semaphore(%run_scoped3A_37 : memref<!tpu.dma_semaphore, #tpu.memory_space<semaphore_mem>>)
      %dma_wait3A = arith.constant 0 : i32
      %dma_wait3A_49 = arith.constant 0 : i32
      %dma_wait3A_50 = tpu.memref_slice %arg8[%run_scoped3A_19, %dma_wait3A, %dma_wait3A_49] : memref<5x80x160xbf16, #tpu.memory_space<vmem>> -> memref<1x80x160xbf16, #tpu.memory_space<vmem>>
      %dma_wait3A_51 = tpu.memref_squeeze %dma_wait3A_50 : memref<1x80x160xbf16, #tpu.memory_space<vmem>> -> memref<80x160xbf16, #tpu.memory_space<vmem>>
      %dma_wait3A_52 = arith.constant 0 : i32
      %dma_wait3A_53 = tpu.memref_slice %arg6[%add3A_18, %dma_wait3A_52] : memref<10240x160xbf16, #tpu.memory_space<vmem_shared>> -> memref<80x160xbf16, #tpu.memory_space<vmem_shared>>
      %dma_wait3A_54 = arith.constant 0 : i32
      %dma_wait3A_55 = tpu.memref_slice %arg6[%add3A_18, %dma_wait3A_54] : memref<10240x160xbf16, #tpu.memory_space<vmem_shared>> -> memref<80x160xbf16, #tpu.memory_space<vmem_shared>>
      %dma_wait3A_56 = arith.constant 0 : i32
      %dma_wait3A_57 = arith.constant 0 : i32
      %dma_wait3A_58 = tpu.memref_slice %arg8[%run_scoped3A_19, %dma_wait3A_56, %dma_wait3A_57] : memref<5x80x160xbf16, #tpu.memory_space<vmem>> -> memref<1x80x160xbf16, #tpu.memory_space<vmem>>
      %dma_wait3A_59 = tpu.memref_squeeze %dma_wait3A_58 : memref<1x80x160xbf16, #tpu.memory_space<vmem>> -> memref<80x160xbf16, #tpu.memory_space<vmem>>
      tpu.wait_dma2 semaphore(%run_scoped3A_37 : memref<!tpu.dma_semaphore, #tpu.memory_space<semaphore_mem>>) src(%dma_wait3A_59 : memref<80x160xbf16, #tpu.memory_space<vmem>>) dst(%dma_wait3A_55 : memref<80x160xbf16, #tpu.memory_space<vmem_shared>>)
      tpu.yield
    }) : () -> ()
    %add3A_20 = arith.constant 400 : i32
    %add3A_21 = arith.addi %mul3A_0, %add3A_20 : i32
    %run_scoped3A_22 = arith.constant 0 : i32
    "tpu.region"() ({
      %run_scoped3A_37 = tpu.sem_alloc : memref<!tpu.dma_semaphore, #tpu.memory_space<semaphore_mem>>
      %dma_start3A = arith.constant 0 : i32
      %dma_start3A_38 = arith.constant 0 : i32
      %dma_start3A_39 = tpu.memref_slice %arg8[%run_scoped3A_22, %dma_start3A, %dma_start3A_38] : memref<5x80x160xbf16, #tpu.memory_space<vmem>> -> memref<1x80x160xbf16, #tpu.memory_space<vmem>>
      %dma_start3A_40 = tpu.memref_squeeze %dma_start3A_39 : memref<1x80x160xbf16, #tpu.memory_space<vmem>> -> memref<80x160xbf16, #tpu.memory_space<vmem>>
      %dma_start3A_41 = arith.constant 0 : i32
      %dma_start3A_42 = tpu.memref_slice %arg6[%add3A_21, %dma_start3A_41] : memref<10240x160xbf16, #tpu.memory_space<vmem_shared>> -> memref<80x160xbf16, #tpu.memory_space<vmem_shared>>
      %dma_start3A_43 = arith.constant 0 : i32
      %dma_start3A_44 = tpu.memref_slice %arg6[%add3A_21, %dma_start3A_43] : memref<10240x160xbf16, #tpu.memory_space<vmem_shared>> -> memref<80x160xbf16, #tpu.memory_space<vmem_shared>>
      %dma_start3A_45 = arith.constant 0 : i32
      %dma_start3A_46 = arith.constant 0 : i32
      %dma_start3A_47 = tpu.memref_slice %arg8[%run_scoped3A_22, %dma_start3A_45, %dma_start3A_46] : memref<5x80x160xbf16, #tpu.memory_space<vmem>> -> memref<1x80x160xbf16, #tpu.memory_space<vmem>>
      %dma_start3A_48 = tpu.memref_squeeze %dma_start3A_47 : memref<1x80x160xbf16, #tpu.memory_space<vmem>> -> memref<80x160xbf16, #tpu.memory_space<vmem>>
      tpu.enqueue_dma source(%dma_start3A_48 : memref<80x160xbf16, #tpu.memory_space<vmem>>) target(%dma_start3A_44 : memref<80x160xbf16, #tpu.memory_space<vmem_shared>>) target_semaphore(%run_scoped3A_37 : memref<!tpu.dma_semaphore, #tpu.memory_space<semaphore_mem>>)
      %dma_wait3A = arith.constant 0 : i32
      %dma_wait3A_49 = arith.constant 0 : i32
      %dma_wait3A_50 = tpu.memref_slice %arg8[%run_scoped3A_22, %dma_wait3A, %dma_wait3A_49] : memref<5x80x160xbf16, #tpu.memory_space<vmem>> -> memref<1x80x160xbf16, #tpu.memory_space<vmem>>
      %dma_wait3A_51 = tpu.memref_squeeze %dma_wait3A_50 : memref<1x80x160xbf16, #tpu.memory_space<vmem>> -> memref<80x160xbf16, #tpu.memory_space<vmem>>
      %dma_wait3A_52 = arith.constant 0 : i32
      %dma_wait3A_53 = tpu.memref_slice %arg6[%add3A_21, %dma_wait3A_52] : memref<10240x160xbf16, #tpu.memory_space<vmem_shared>> -> memref<80x160xbf16, #tpu.memory_space<vmem_shared>>
      %dma_wait3A_54 = arith.constant 0 : i32
      %dma_wait3A_55 = tpu.memref_slice %arg6[%add3A_21, %dma_wait3A_54] : memref<10240x160xbf16, #tpu.memory_space<vmem_shared>> -> memref<80x160xbf16, #tpu.memory_space<vmem_shared>>
      %dma_wait3A_56 = arith.constant 0 : i32
      %dma_wait3A_57 = arith.constant 0 : i32
      %dma_wait3A_58 = tpu.memref_slice %arg8[%run_scoped3A_22, %dma_wait3A_56, %dma_wait3A_57] : memref<5x80x160xbf16, #tpu.memory_space<vmem>> -> memref<1x80x160xbf16, #tpu.memory_space<vmem>>
      %dma_wait3A_59 = tpu.memref_squeeze %dma_wait3A_58 : memref<1x80x160xbf16, #tpu.memory_space<vmem>> -> memref<80x160xbf16, #tpu.memory_space<vmem>>
      tpu.wait_dma2 semaphore(%run_scoped3A_37 : memref<!tpu.dma_semaphore, #tpu.memory_space<semaphore_mem>>) src(%dma_wait3A_59 : memref<80x160xbf16, #tpu.memory_space<vmem>>) dst(%dma_wait3A_55 : memref<80x160xbf16, #tpu.memory_space<vmem_shared>>)
      tpu.yield
    }) : () -> ()
    %add3A_23 = arith.constant 480 : i32
    %add3A_24 = arith.addi %mul3A_0, %add3A_23 : i32
    %run_scoped3A_25 = arith.constant 0 : i32
    "tpu.region"() ({
      %run_scoped3A_37 = tpu.sem_alloc : memref<!tpu.dma_semaphore, #tpu.memory_space<semaphore_mem>>
      %dma_start3A = arith.constant 0 : i32
      %dma_start3A_38 = arith.constant 0 : i32
      %dma_start3A_39 = tpu.memref_slice %arg8[%run_scoped3A_25, %dma_start3A, %dma_start3A_38] : memref<5x80x160xbf16, #tpu.memory_space<vmem>> -> memref<1x80x160xbf16, #tpu.memory_space<vmem>>
      %dma_start3A_40 = tpu.memref_squeeze %dma_start3A_39 : memref<1x80x160xbf16, #tpu.memory_space<vmem>> -> memref<80x160xbf16, #tpu.memory_space<vmem>>
      %dma_start3A_41 = arith.constant 0 : i32
      %dma_start3A_42 = tpu.memref_slice %arg6[%add3A_24, %dma_start3A_41] : memref<10240x160xbf16, #tpu.memory_space<vmem_shared>> -> memref<80x160xbf16, #tpu.memory_space<vmem_shared>>
      %dma_start3A_43 = arith.constant 0 : i32
      %dma_start3A_44 = tpu.memref_slice %arg6[%add3A_24, %dma_start3A_43] : memref<10240x160xbf16, #tpu.memory_space<vmem_shared>> -> memref<80x160xbf16, #tpu.memory_space<vmem_shared>>
      %dma_start3A_45 = arith.constant 0 : i32
      %dma_start3A_46 = arith.constant 0 : i32
      %dma_start3A_47 = tpu.memref_slice %arg8[%run_scoped3A_25, %dma_start3A_45, %dma_start3A_46] : memref<5x80x160xbf16, #tpu.memory_space<vmem>> -> memref<1x80x160xbf16, #tpu.memory_space<vmem>>
      %dma_start3A_48 = tpu.memref_squeeze %dma_start3A_47 : memref<1x80x160xbf16, #tpu.memory_space<vmem>> -> memref<80x160xbf16, #tpu.memory_space<vmem>>
      tpu.enqueue_dma source(%dma_start3A_48 : memref<80x160xbf16, #tpu.memory_space<vmem>>) target(%dma_start3A_44 : memref<80x160xbf16, #tpu.memory_space<vmem_shared>>) target_semaphore(%run_scoped3A_37 : memref<!tpu.dma_semaphore, #tpu.memory_space<semaphore_mem>>)
      %dma_wait3A = arith.constant 0 : i32
      %dma_wait3A_49 = arith.constant 0 : i32
      %dma_wait3A_50 = tpu.memref_slice %arg8[%run_scoped3A_25, %dma_wait3A, %dma_wait3A_49] : memref<5x80x160xbf16, #tpu.memory_space<vmem>> -> memref<1x80x160xbf16, #tpu.memory_space<vmem>>
      %dma_wait3A_51 = tpu.memref_squeeze %dma_wait3A_50 : memref<1x80x160xbf16, #tpu.memory_space<vmem>> -> memref<80x160xbf16, #tpu.memory_space<vmem>>
      %dma_wait3A_52 = arith.constant 0 : i32
      %dma_wait3A_53 = tpu.memref_slice %arg6[%add3A_24, %dma_wait3A_52] : memref<10240x160xbf16, #tpu.memory_space<vmem_shared>> -> memref<80x160xbf16, #tpu.memory_space<vmem_shared>>
      %dma_wait3A_54 = arith.constant 0 : i32
      %dma_wait3A_55 = tpu.memref_slice %arg6[%add3A_24, %dma_wait3A_54] : memref<10240x160xbf16, #tpu.memory_space<vmem_shared>> -> memref<80x160xbf16, #tpu.memory_space<vmem_shared>>
      %dma_wait3A_56 = arith.constant 0 : i32
      %dma_wait3A_57 = arith.constant 0 : i32
      %dma_wait3A_58 = tpu.memref_slice %arg8[%run_scoped3A_25, %dma_wait3A_56, %dma_wait3A_57] : memref<5x80x160xbf16, #tpu.memory_space<vmem>> -> memref<1x80x160xbf16, #tpu.memory_space<vmem>>
      %dma_wait3A_59 = tpu.memref_squeeze %dma_wait3A_58 : memref<1x80x160xbf16, #tpu.memory_space<vmem>> -> memref<80x160xbf16, #tpu.memory_space<vmem>>
      tpu.wait_dma2 semaphore(%run_scoped3A_37 : memref<!tpu.dma_semaphore, #tpu.memory_space<semaphore_mem>>) src(%dma_wait3A_59 : memref<80x160xbf16, #tpu.memory_space<vmem>>) dst(%dma_wait3A_55 : memref<80x160xbf16, #tpu.memory_space<vmem_shared>>)
      tpu.yield
    }) : () -> ()
    %add3A_26 = arith.constant 560 : i32
    %add3A_27 = arith.addi %mul3A_0, %add3A_26 : i32
    %run_scoped3A_28 = arith.constant 0 : i32
    "tpu.region"() ({
      %run_scoped3A_37 = tpu.sem_alloc : memref<!tpu.dma_semaphore, #tpu.memory_space<semaphore_mem>>
      %dma_start3A = arith.constant 0 : i32
      %dma_start3A_38 = arith.constant 0 : i32
      %dma_start3A_39 = tpu.memref_slice %arg8[%run_scoped3A_28, %dma_start3A, %dma_start3A_38] : memref<5x80x160xbf16, #tpu.memory_space<vmem>> -> memref<1x80x160xbf16, #tpu.memory_space<vmem>>
      %dma_start3A_40 = tpu.memref_squeeze %dma_start3A_39 : memref<1x80x160xbf16, #tpu.memory_space<vmem>> -> memref<80x160xbf16, #tpu.memory_space<vmem>>
      %dma_start3A_41 = arith.constant 0 : i32
      %dma_start3A_42 = tpu.memref_slice %arg6[%add3A_27, %dma_start3A_41] : memref<10240x160xbf16, #tpu.memory_space<vmem_shared>> -> memref<80x160xbf16, #tpu.memory_space<vmem_shared>>
      %dma_start3A_43 = arith.constant 0 : i32
      %dma_start3A_44 = tpu.memref_slice %arg6[%add3A_27, %dma_start3A_43] : memref<10240x160xbf16, #tpu.memory_space<vmem_shared>> -> memref<80x160xbf16, #tpu.memory_space<vmem_shared>>
      %dma_start3A_45 = arith.constant 0 : i32
      %dma_start3A_46 = arith.constant 0 : i32
      %dma_start3A_47 = tpu.memref_slice %arg8[%run_scoped3A_28, %dma_start3A_45, %dma_start3A_46] : memref<5x80x160xbf16, #tpu.memory_space<vmem>> -> memref<1x80x160xbf16, #tpu.memory_space<vmem>>
      %dma_start3A_48 = tpu.memref_squeeze %dma_start3A_47 : memref<1x80x160xbf16, #tpu.memory_space<vmem>> -> memref<80x160xbf16, #tpu.memory_space<vmem>>
      tpu.enqueue_dma source(%dma_start3A_48 : memref<80x160xbf16, #tpu.memory_space<vmem>>) target(%dma_start3A_44 : memref<80x160xbf16, #tpu.memory_space<vmem_shared>>) target_semaphore(%run_scoped3A_37 : memref<!tpu.dma_semaphore, #tpu.memory_space<semaphore_mem>>)
      %dma_wait3A = arith.constant 0 : i32
      %dma_wait3A_49 = arith.constant 0 : i32
      %dma_wait3A_50 = tpu.memref_slice %arg8[%run_scoped3A_28, %dma_wait3A, %dma_wait3A_49] : memref<5x80x160xbf16, #tpu.memory_space<vmem>> -> memref<1x80x160xbf16, #tpu.memory_space<vmem>>
      %dma_wait3A_51 = tpu.memref_squeeze %dma_wait3A_50 : memref<1x80x160xbf16, #tpu.memory_space<vmem>> -> memref<80x160xbf16, #tpu.memory_space<vmem>>
      %dma_wait3A_52 = arith.constant 0 : i32
      %dma_wait3A_53 = tpu.memref_slice %arg6[%add3A_27, %dma_wait3A_52] : memref<10240x160xbf16, #tpu.memory_space<vmem_shared>> -> memref<80x160xbf16, #tpu.memory_space<vmem_shared>>
      %dma_wait3A_54 = arith.constant 0 : i32
      %dma_wait3A_55 = tpu.memref_slice %arg6[%add3A_27, %dma_wait3A_54] : memref<10240x160xbf16, #tpu.memory_space<vmem_shared>> -> memref<80x160xbf16, #tpu.memory_space<vmem_shared>>
      %dma_wait3A_56 = arith.constant 0 : i32
      %dma_wait3A_57 = arith.constant 0 : i32
      %dma_wait3A_58 = tpu.memref_slice %arg8[%run_scoped3A_28, %dma_wait3A_56, %dma_wait3A_57] : memref<5x80x160xbf16, #tpu.memory_space<vmem>> -> memref<1x80x160xbf16, #tpu.memory_space<vmem>>
      %dma_wait3A_59 = tpu.memref_squeeze %dma_wait3A_58 : memref<1x80x160xbf16, #tpu.memory_space<vmem>> -> memref<80x160xbf16, #tpu.memory_space<vmem>>
      tpu.wait_dma2 semaphore(%run_scoped3A_37 : memref<!tpu.dma_semaphore, #tpu.memory_space<semaphore_mem>>) src(%dma_wait3A_59 : memref<80x160xbf16, #tpu.memory_space<vmem>>) dst(%dma_wait3A_55 : memref<80x160xbf16, #tpu.memory_space<vmem_shared>>)
      tpu.yield
    }) : () -> ()
    "tpu.region"() ({
      %run_scoped3A_37 = tpu.sem_alloc : memref<!tpu.dma_semaphore, #tpu.memory_space<semaphore_mem>>
      %dma_start3A = arith.constant 0 : i32
      %dma_start3A_38 = arith.constant 0 : i32
      %dma_start3A_39 = arith.constant 0 : i32
      %dma_start3A_40 = tpu.memref_slice %arg4[%arg1, %dma_start3A, %dma_start3A_38, %dma_start3A_39] : memref<16x125x2x80xi32, #tpu.memory_space<hbm>> -> memref<1x125x2x80xi32, #tpu.memory_space<hbm>>
      %dma_start3A_41 = tpu.memref_squeeze %dma_start3A_40 : memref<1x125x2x80xi32, #tpu.memory_space<hbm>> -> memref<125x2x80xi32, #tpu.memory_space<hbm>>
      %dma_start3A_42 = arith.constant 0 : i32
      %dma_start3A_43 = arith.constant 0 : i32
      %dma_start3A_44 = arith.constant 0 : i32
      %dma_start3A_45 = tpu.memref_slice %arg4[%arg1, %dma_start3A_42, %dma_start3A_43, %dma_start3A_44] : memref<16x125x2x80xi32, #tpu.memory_space<hbm>> -> memref<1x125x2x80xi32, #tpu.memory_space<hbm>>
      %dma_start3A_46 = tpu.memref_squeeze %dma_start3A_45 : memref<1x125x2x80xi32, #tpu.memory_space<hbm>> -> memref<125x2x80xi32, #tpu.memory_space<hbm>>
      tpu.enqueue_dma source(%dma_start3A_46 : memref<125x2x80xi32, #tpu.memory_space<hbm>>) target(%arg7 : memref<125x2x80xi32, #tpu.memory_space<vmem>>) target_semaphore(%run_scoped3A_37 : memref<!tpu.dma_semaphore, #tpu.memory_space<semaphore_mem>>)
      %dma_wait3A = arith.constant 0 : i32
      %dma_wait3A_47 = arith.constant 0 : i32
      %dma_wait3A_48 = arith.constant 0 : i32
      %dma_wait3A_49 = tpu.memref_slice %arg4[%arg1, %dma_wait3A, %dma_wait3A_47, %dma_wait3A_48] : memref<16x125x2x80xi32, #tpu.memory_space<hbm>> -> memref<1x125x2x80xi32, #tpu.memory_space<hbm>>
      %dma_wait3A_50 = tpu.memref_squeeze %dma_wait3A_49 : memref<1x125x2x80xi32, #tpu.memory_space<hbm>> -> memref<125x2x80xi32, #tpu.memory_space<hbm>>
      %dma_wait3A_51 = arith.constant 0 : i32
      %dma_wait3A_52 = arith.constant 0 : i32
      %dma_wait3A_53 = arith.constant 0 : i32
      %dma_wait3A_54 = tpu.memref_slice %arg4[%arg1, %dma_wait3A_51, %dma_wait3A_52, %dma_wait3A_53] : memref<16x125x2x80xi32, #tpu.memory_space<hbm>> -> memref<1x125x2x80xi32, #tpu.memory_space<hbm>>
      %dma_wait3A_55 = tpu.memref_squeeze %dma_wait3A_54 : memref<1x125x2x80xi32, #tpu.memory_space<hbm>> -> memref<125x2x80xi32, #tpu.memory_space<hbm>>
      tpu.wait_dma2 semaphore(%run_scoped3A_37 : memref<!tpu.dma_semaphore, #tpu.memory_space<semaphore_mem>>) src(%dma_wait3A_55 : memref<125x2x80xi32, #tpu.memory_space<hbm>>) dst(%arg7 : memref<125x2x80xi32, #tpu.memory_space<vmem>>)
      tpu.yield
    }) : () -> ()
    %barrier3A = arith.constant 0 : index
    tpu.barrier barrier_id(%barrier3A)
    %eq3A = arith.constant 0 : i32
    %eq3A_29 = arith.cmpi eq, %arg0, %eq3A : i32
    %convert_element_type3A = arith.extui %eq3A_29 : i1 to i32
    %cond3A = arith.constant 0 : i32
    %cond3A_30 = arith.cmpi ne, %convert_element_type3A, %cond3A : i32
    scf.if %cond3A_30 {
      %dma_start3A = arith.constant 0 : i32
      %dma_start3A_37 = arith.constant 0 : i32
      %dma_start3A_38 = arith.constant 0 : i32
      %dma_start3A_39 = arith.constant 0 : i32
      %dma_start3A_40 = arith.constant 0 : i32
      %dma_start3A_41 = tpu.memref_slice %arg8[%dma_start3A_38, %dma_start3A_39, %dma_start3A_40] : memref<5x80x160xbf16, #tpu.memory_space<vmem>> -> memref<1x80x160xbf16, #tpu.memory_space<vmem>>
      %dma_start3A_42 = tpu.memref_squeeze %dma_start3A_41 : memref<1x80x160xbf16, #tpu.memory_space<vmem>> -> memref<80x160xbf16, #tpu.memory_space<vmem>>
      %dma_start3A_43 = arith.constant 0 : i32
      %dma_start3A_44 = tpu.memref_slice %arg7[%dma_start3A, %dma_start3A_37, %dma_start3A_43] : memref<125x2x80xi32, #tpu.memory_space<vmem>> -> memref<1x1x80xi32, #tpu.memory_space<vmem>>
      %dma_start3A_45 = tpu.memref_squeeze %dma_start3A_44 : memref<1x1x80xi32, #tpu.memory_space<vmem>> -> memref<80xi32, #tpu.memory_space<vmem>>
      %dma_start3A_46 = arith.constant 0 : i32
      %dma_start3A_47 = arith.constant 0 : i32
      %dma_start3A_48 = tpu.memref_slice %arg2[%dma_start3A_46, %dma_start3A_47] : memref<10000x160xbf16, #tpu.memory_space<hbm>> -> memref<10000x160xbf16, #tpu.memory_space<hbm>>
      tpu.enqueue_indirect_dma source(%dma_start3A_48 : memref<10000x160xbf16, #tpu.memory_space<hbm>>) target(%dma_start3A_42 : memref<80x160xbf16, #tpu.memory_space<vmem>>) offsets(%dma_start3A_45 : memref<80xi32, #tpu.memory_space<vmem>>) semaphore(%arg9 : memref<!tpu.dma_semaphore, #tpu.memory_space<semaphore_mem>>)
      %dma_start3A_49 = arith.constant 1 : i32
      %dma_start3A_50 = arith.constant 0 : i32
      %dma_start3A_51 = arith.constant 1 : i32
      %dma_start3A_52 = arith.constant 0 : i32
      %dma_start3A_53 = arith.constant 0 : i32
      %dma_start3A_54 = tpu.memref_slice %arg8[%dma_start3A_51, %dma_start3A_52, %dma_start3A_53] : memref<5x80x160xbf16, #tpu.memory_space<vmem>> -> memref<1x80x160xbf16, #tpu.memory_space<vmem>>
      %dma_start3A_55 = tpu.memref_squeeze %dma_start3A_54 : memref<1x80x160xbf16, #tpu.memory_space<vmem>> -> memref<80x160xbf16, #tpu.memory_space<vmem>>
      %dma_start3A_56 = arith.constant 0 : i32
      %dma_start3A_57 = tpu.memref_slice %arg7[%dma_start3A_49, %dma_start3A_50, %dma_start3A_56] : memref<125x2x80xi32, #tpu.memory_space<vmem>> -> memref<1x1x80xi32, #tpu.memory_space<vmem>>
      %dma_start3A_58 = tpu.memref_squeeze %dma_start3A_57 : memref<1x1x80xi32, #tpu.memory_space<vmem>> -> memref<80xi32, #tpu.memory_space<vmem>>
      %dma_start3A_59 = arith.constant 0 : i32
      %dma_start3A_60 = arith.constant 0 : i32
      %dma_start3A_61 = tpu.memref_slice %arg2[%dma_start3A_59, %dma_start3A_60] : memref<10000x160xbf16, #tpu.memory_space<hbm>> -> memref<10000x160xbf16, #tpu.memory_space<hbm>>
      tpu.enqueue_indirect_dma source(%dma_start3A_61 : memref<10000x160xbf16, #tpu.memory_space<hbm>>) target(%dma_start3A_55 : memref<80x160xbf16, #tpu.memory_space<vmem>>) offsets(%dma_start3A_58 : memref<80xi32, #tpu.memory_space<vmem>>) semaphore(%arg10 : memref<!tpu.dma_semaphore, #tpu.memory_space<semaphore_mem>>)
      %dma_start3A_62 = arith.constant 2 : i32
      %dma_start3A_63 = arith.constant 0 : i32
      %dma_start3A_64 = arith.constant 2 : i32
      %dma_start3A_65 = arith.constant 0 : i32
      %dma_start3A_66 = arith.constant 0 : i32
      %dma_start3A_67 = tpu.memref_slice %arg8[%dma_start3A_64, %dma_start3A_65, %dma_start3A_66] : memref<5x80x160xbf16, #tpu.memory_space<vmem>> -> memref<1x80x160xbf16, #tpu.memory_space<vmem>>
      %dma_start3A_68 = tpu.memref_squeeze %dma_start3A_67 : memref<1x80x160xbf16, #tpu.memory_space<vmem>> -> memref<80x160xbf16, #tpu.memory_space<vmem>>
      %dma_start3A_69 = arith.constant 0 : i32
      %dma_start3A_70 = tpu.memref_slice %arg7[%dma_start3A_62, %dma_start3A_63, %dma_start3A_69] : memref<125x2x80xi32, #tpu.memory_space<vmem>> -> memref<1x1x80xi32, #tpu.memory_space<vmem>>
      %dma_start3A_71 = tpu.memref_squeeze %dma_start3A_70 : memref<1x1x80xi32, #tpu.memory_space<vmem>> -> memref<80xi32, #tpu.memory_space<vmem>>
      %dma_start3A_72 = arith.constant 0 : i32
      %dma_start3A_73 = arith.constant 0 : i32
      %dma_start3A_74 = tpu.memref_slice %arg2[%dma_start3A_72, %dma_start3A_73] : memref<10000x160xbf16, #tpu.memory_space<hbm>> -> memref<10000x160xbf16, #tpu.memory_space<hbm>>
      tpu.enqueue_indirect_dma source(%dma_start3A_74 : memref<10000x160xbf16, #tpu.memory_space<hbm>>) target(%dma_start3A_68 : memref<80x160xbf16, #tpu.memory_space<vmem>>) offsets(%dma_start3A_71 : memref<80xi32, #tpu.memory_space<vmem>>) semaphore(%arg11 : memref<!tpu.dma_semaphore, #tpu.memory_space<semaphore_mem>>)
      %dma_start3A_75 = arith.constant 3 : i32
      %dma_start3A_76 = arith.constant 0 : i32
      %dma_start3A_77 = arith.constant 3 : i32
      %dma_start3A_78 = arith.constant 0 : i32
      %dma_start3A_79 = arith.constant 0 : i32
      %dma_start3A_80 = tpu.memref_slice %arg8[%dma_start3A_77, %dma_start3A_78, %dma_start3A_79] : memref<5x80x160xbf16, #tpu.memory_space<vmem>> -> memref<1x80x160xbf16, #tpu.memory_space<vmem>>
      %dma_start3A_81 = tpu.memref_squeeze %dma_start3A_80 : memref<1x80x160xbf16, #tpu.memory_space<vmem>> -> memref<80x160xbf16, #tpu.memory_space<vmem>>
      %dma_start3A_82 = arith.constant 0 : i32
      %dma_start3A_83 = tpu.memref_slice %arg7[%dma_start3A_75, %dma_start3A_76, %dma_start3A_82] : memref<125x2x80xi32, #tpu.memory_space<vmem>> -> memref<1x1x80xi32, #tpu.memory_space<vmem>>
      %dma_start3A_84 = tpu.memref_squeeze %dma_start3A_83 : memref<1x1x80xi32, #tpu.memory_space<vmem>> -> memref<80xi32, #tpu.memory_space<vmem>>
      %dma_start3A_85 = arith.constant 0 : i32
      %dma_start3A_86 = arith.constant 0 : i32
      %dma_start3A_87 = tpu.memref_slice %arg2[%dma_start3A_85, %dma_start3A_86] : memref<10000x160xbf16, #tpu.memory_space<hbm>> -> memref<10000x160xbf16, #tpu.memory_space<hbm>>
      tpu.enqueue_indirect_dma source(%dma_start3A_87 : memref<10000x160xbf16, #tpu.memory_space<hbm>>) target(%dma_start3A_81 : memref<80x160xbf16, #tpu.memory_space<vmem>>) offsets(%dma_start3A_84 : memref<80xi32, #tpu.memory_space<vmem>>) semaphore(%arg12 : memref<!tpu.dma_semaphore, #tpu.memory_space<semaphore_mem>>)
      %dma_start3A_88 = arith.constant 4 : i32
      %dma_start3A_89 = arith.constant 0 : i32
      %dma_start3A_90 = arith.constant 4 : i32
      %dma_start3A_91 = arith.constant 0 : i32
      %dma_start3A_92 = arith.constant 0 : i32
      %dma_start3A_93 = tpu.memref_slice %arg8[%dma_start3A_90, %dma_start3A_91, %dma_start3A_92] : memref<5x80x160xbf16, #tpu.memory_space<vmem>> -> memref<1x80x160xbf16, #tpu.memory_space<vmem>>
      %dma_start3A_94 = tpu.memref_squeeze %dma_start3A_93 : memref<1x80x160xbf16, #tpu.memory_space<vmem>> -> memref<80x160xbf16, #tpu.memory_space<vmem>>
      %dma_start3A_95 = arith.constant 0 : i32
      %dma_start3A_96 = tpu.memref_slice %arg7[%dma_start3A_88, %dma_start3A_89, %dma_start3A_95] : memref<125x2x80xi32, #tpu.memory_space<vmem>> -> memref<1x1x80xi32, #tpu.memory_space<vmem>>
      %dma_start3A_97 = tpu.memref_squeeze %dma_start3A_96 : memref<1x1x80xi32, #tpu.memory_space<vmem>> -> memref<80xi32, #tpu.memory_space<vmem>>
      %dma_start3A_98 = arith.constant 0 : i32
      %dma_start3A_99 = arith.constant 0 : i32
      %dma_start3A_100 = tpu.memref_slice %arg2[%dma_start3A_98, %dma_start3A_99] : memref<10000x160xbf16, #tpu.memory_space<hbm>> -> memref<10000x160xbf16, #tpu.memory_space<hbm>>
      tpu.enqueue_indirect_dma source(%dma_start3A_100 : memref<10000x160xbf16, #tpu.memory_space<hbm>>) target(%dma_start3A_94 : memref<80x160xbf16, #tpu.memory_space<vmem>>) offsets(%dma_start3A_97 : memref<80xi32, #tpu.memory_space<vmem>>) semaphore(%arg13 : memref<!tpu.dma_semaphore, #tpu.memory_space<semaphore_mem>>)
      %scan3A_101 = arith.constant 0 : i32
      %scan3A_102 = arith.constant 0 : i32
      %scan3A_103 = arith.constant 25 : i32
      %scan3A_104 = arith.addi %scan3A_102, %scan3A_103 : i32
      %scan3A_105 = arith.constant 1 : i32
      %scan3A_106 = scf.for %scan3A_108 = %scan3A_102 to %scan3A_104 step %scan3A_105 iter_args(%scan3A_109 = %scan3A_101) -> (i32)  : i32 {
        %mul3A_110 = arith.constant 5 : i32
        %mul3A_111 = arith.muli %scan3A_108, %mul3A_110 : i32
        %add3A_112 = arith.constant 0 : i32
        %add3A_113 = arith.addi %mul3A_111, %add3A_112 : i32
        %dma_wait3A = arith.constant 0 : i32
        %dma_wait3A_114 = arith.constant 0 : i32
        %dma_wait3A_115 = arith.constant 0 : i32
        %dma_wait3A_116 = arith.constant 0 : i32
        %dma_wait3A_117 = tpu.memref_slice %arg8[%dma_wait3A_114, %dma_wait3A_115, %dma_wait3A_116] : memref<5x80x160xbf16, #tpu.memory_space<vmem>> -> memref<1x80x160xbf16, #tpu.memory_space<vmem>>
        %dma_wait3A_118 = tpu.memref_squeeze %dma_wait3A_117 : memref<1x80x160xbf16, #tpu.memory_space<vmem>> -> memref<80x160xbf16, #tpu.memory_space<vmem>>
        %dma_wait3A_119 = arith.constant 0 : i32
        %dma_wait3A_120 = tpu.memref_slice %arg7[%add3A_113, %dma_wait3A, %dma_wait3A_119] : memref<125x2x80xi32, #tpu.memory_space<vmem>> -> memref<1x1x80xi32, #tpu.memory_space<vmem>>
        %dma_wait3A_121 = tpu.memref_squeeze %dma_wait3A_120 : memref<1x1x80xi32, #tpu.memory_space<vmem>> -> memref<80xi32, #tpu.memory_space<vmem>>
        %dma_wait3A_122 = arith.constant 0 : i32
        %dma_wait3A_123 = arith.constant 0 : i32
        %dma_wait3A_124 = tpu.memref_slice %arg2[%dma_wait3A_122, %dma_wait3A_123] : memref<10000x160xbf16, #tpu.memory_space<hbm>> -> memref<10000x160xbf16, #tpu.memory_space<hbm>>
        tpu.wait_indirect_dma semaphore(%arg9 : memref<!tpu.dma_semaphore, #tpu.memory_space<semaphore_mem>>) src(%dma_wait3A_124 : memref<10000x160xbf16, #tpu.memory_space<hbm>>) dst(%dma_wait3A_118 : memref<80x160xbf16, #tpu.memory_space<vmem>>)
        %run_scoped3A_125 = arith.constant 0 : i32
        %run_scoped3A_126 = arith.constant 1 : i32
        "tpu.region"() ({
          %run_scoped3A_226 = tpu.sem_alloc : memref<!tpu.dma_semaphore, #tpu.memory_space<semaphore_mem>>
          %dma_start3A_227 = arith.constant 0 : i32
          %dma_start3A_228 = arith.constant 0 : i32
          %dma_start3A_229 = tpu.memref_slice %arg8[%run_scoped3A_125, %dma_start3A_227, %dma_start3A_228] : memref<5x80x160xbf16, #tpu.memory_space<vmem>> -> memref<1x80x160xbf16, #tpu.memory_space<vmem>>
          %dma_start3A_230 = tpu.memref_squeeze %dma_start3A_229 : memref<1x80x160xbf16, #tpu.memory_space<vmem>> -> memref<80x160xbf16, #tpu.memory_space<vmem>>
          %dma_start3A_231 = arith.constant 0 : i32
          %dma_start3A_232 = tpu.memref_slice %arg7[%add3A_113, %run_scoped3A_126, %dma_start3A_231] : memref<125x2x80xi32, #tpu.memory_space<vmem>> -> memref<1x1x80xi32, #tpu.memory_space<vmem>>
          %dma_start3A_233 = tpu.memref_squeeze %dma_start3A_232 : memref<1x1x80xi32, #tpu.memory_space<vmem>> -> memref<80xi32, #tpu.memory_space<vmem>>
          %dma_start3A_234 = arith.constant 0 : i32
          %dma_start3A_235 = arith.constant 0 : i32
          %dma_start3A_236 = tpu.memref_slice %arg6[%dma_start3A_234, %dma_start3A_235] : memref<10240x160xbf16, #tpu.memory_space<vmem_shared>> -> memref<10240x160xbf16, #tpu.memory_space<vmem_shared>>
          tpu.enqueue_indirect_dma source(%dma_start3A_230 : memref<80x160xbf16, #tpu.memory_space<vmem>>) target(%dma_start3A_236 : memref<10240x160xbf16, #tpu.memory_space<vmem_shared>>) offsets(%dma_start3A_233 : memref<80xi32, #tpu.memory_space<vmem>>) semaphore(%run_scoped3A_226 : memref<!tpu.dma_semaphore, #tpu.memory_space<semaphore_mem>>) {add = true}
          %dma_wait3A_237 = arith.constant 0 : i32
          %dma_wait3A_238 = arith.constant 0 : i32
          %dma_wait3A_239 = tpu.memref_slice %arg8[%run_scoped3A_125, %dma_wait3A_237, %dma_wait3A_238] : memref<5x80x160xbf16, #tpu.memory_space<vmem>> -> memref<1x80x160xbf16, #tpu.memory_space<vmem>>
          %dma_wait3A_240 = tpu.memref_squeeze %dma_wait3A_239 : memref<1x80x160xbf16, #tpu.memory_space<vmem>> -> memref<80x160xbf16, #tpu.memory_space<vmem>>
          %dma_wait3A_241 = arith.constant 0 : i32
          %dma_wait3A_242 = tpu.memref_slice %arg7[%add3A_113, %run_scoped3A_126, %dma_wait3A_241] : memref<125x2x80xi32, #tpu.memory_space<vmem>> -> memref<1x1x80xi32, #tpu.memory_space<vmem>>
          %dma_wait3A_243 = tpu.memref_squeeze %dma_wait3A_242 : memref<1x1x80xi32, #tpu.memory_space<vmem>> -> memref<80xi32, #tpu.memory_space<vmem>>
          %dma_wait3A_244 = arith.constant 0 : i32
          %dma_wait3A_245 = arith.constant 0 : i32
          %dma_wait3A_246 = tpu.memref_slice %arg6[%dma_wait3A_244, %dma_wait3A_245] : memref<10240x160xbf16, #tpu.memory_space<vmem_shared>> -> memref<10240x160xbf16, #tpu.memory_space<vmem_shared>>
          tpu.wait_indirect_dma semaphore(%run_scoped3A_226 : memref<!tpu.dma_semaphore, #tpu.memory_space<semaphore_mem>>) src(%dma_wait3A_240 : memref<80x160xbf16, #tpu.memory_space<vmem>>) dst(%dma_wait3A_246 : memref<10240x160xbf16, #tpu.memory_space<vmem_shared>>)
          tpu.yield
        }) : () -> ()
        %add3A_127 = arith.constant 5 : i32
        %add3A_128 = arith.addi %add3A_113, %add3A_127 : i32
        %lt3A = arith.constant 125 : i32
        %lt3A_129 = arith.cmpi slt, %add3A_128, %lt3A : i32
        %convert_element_type3A_130 = arith.extui %lt3A_129 : i1 to i32
        %cond3A_131 = arith.constant 0 : i32
        %cond3A_132 = arith.cmpi ne, %convert_element_type3A_130, %cond3A_131 : i32
        scf.if %cond3A_132 {
          %dma_start3A_226 = arith.constant 0 : i32
          %dma_start3A_227 = arith.constant 0 : i32
          %dma_start3A_228 = arith.constant 0 : i32
          %dma_start3A_229 = arith.constant 0 : i32
          %dma_start3A_230 = tpu.memref_slice %arg8[%dma_start3A_227, %dma_start3A_228, %dma_start3A_229] : memref<5x80x160xbf16, #tpu.memory_space<vmem>> -> memref<1x80x160xbf16, #tpu.memory_space<vmem>>
          %dma_start3A_231 = tpu.memref_squeeze %dma_start3A_230 : memref<1x80x160xbf16, #tpu.memory_space<vmem>> -> memref<80x160xbf16, #tpu.memory_space<vmem>>
          %dma_start3A_232 = arith.constant 0 : i32
          %dma_start3A_233 = tpu.memref_slice %arg7[%add3A_128, %dma_start3A_226, %dma_start3A_232] : memref<125x2x80xi32, #tpu.memory_space<vmem>> -> memref<1x1x80xi32, #tpu.memory_space<vmem>>
          %dma_start3A_234 = tpu.memref_squeeze %dma_start3A_233 : memref<1x1x80xi32, #tpu.memory_space<vmem>> -> memref<80xi32, #tpu.memory_space<vmem>>
          %dma_start3A_235 = arith.constant 0 : i32
          %dma_start3A_236 = arith.constant 0 : i32
          %dma_start3A_237 = tpu.memref_slice %arg2[%dma_start3A_235, %dma_start3A_236] : memref<10000x160xbf16, #tpu.memory_space<hbm>> -> memref<10000x160xbf16, #tpu.memory_space<hbm>>
          tpu.enqueue_indirect_dma source(%dma_start3A_237 : memref<10000x160xbf16, #tpu.memory_space<hbm>>) target(%dma_start3A_231 : memref<80x160xbf16, #tpu.memory_space<vmem>>) offsets(%dma_start3A_234 : memref<80xi32, #tpu.memory_space<vmem>>) semaphore(%arg9 : memref<!tpu.dma_semaphore, #tpu.memory_space<semaphore_mem>>)
        } else {
        }
        %add3A_133 = arith.constant 1 : i32
        %add3A_134 = arith.addi %mul3A_111, %add3A_133 : i32
        %dma_wait3A_135 = arith.constant 0 : i32
        %dma_wait3A_136 = arith.constant 1 : i32
        %dma_wait3A_137 = arith.constant 0 : i32
        %dma_wait3A_138 = arith.constant 0 : i32
        %dma_wait3A_139 = tpu.memref_slice %arg8[%dma_wait3A_136, %dma_wait3A_137, %dma_wait3A_138] : memref<5x80x160xbf16, #tpu.memory_space<vmem>> -> memref<1x80x160xbf16, #tpu.memory_space<vmem>>
        %dma_wait3A_140 = tpu.memref_squeeze %dma_wait3A_139 : memref<1x80x160xbf16, #tpu.memory_space<vmem>> -> memref<80x160xbf16, #tpu.memory_space<vmem>>
        %dma_wait3A_141 = arith.constant 0 : i32
        %dma_wait3A_142 = tpu.memref_slice %arg7[%add3A_134, %dma_wait3A_135, %dma_wait3A_141] : memref<125x2x80xi32, #tpu.memory_space<vmem>> -> memref<1x1x80xi32, #tpu.memory_space<vmem>>
        %dma_wait3A_143 = tpu.memref_squeeze %dma_wait3A_142 : memref<1x1x80xi32, #tpu.memory_space<vmem>> -> memref<80xi32, #tpu.memory_space<vmem>>
        %dma_wait3A_144 = arith.constant 0 : i32
        %dma_wait3A_145 = arith.constant 0 : i32
        %dma_wait3A_146 = tpu.memref_slice %arg2[%dma_wait3A_144, %dma_wait3A_145] : memref<10000x160xbf16, #tpu.memory_space<hbm>> -> memref<10000x160xbf16, #tpu.memory_space<hbm>>
        tpu.wait_indirect_dma semaphore(%arg10 : memref<!tpu.dma_semaphore, #tpu.memory_space<semaphore_mem>>) src(%dma_wait3A_146 : memref<10000x160xbf16, #tpu.memory_space<hbm>>) dst(%dma_wait3A_140 : memref<80x160xbf16, #tpu.memory_space<vmem>>)
        %run_scoped3A_147 = arith.constant 1 : i32
        %run_scoped3A_148 = arith.constant 1 : i32
        "tpu.region"() ({
          %run_scoped3A_226 = tpu.sem_alloc : memref<!tpu.dma_semaphore, #tpu.memory_space<semaphore_mem>>
          %dma_start3A_227 = arith.constant 0 : i32
          %dma_start3A_228 = arith.constant 0 : i32
          %dma_start3A_229 = tpu.memref_slice %arg8[%run_scoped3A_147, %dma_start3A_227, %dma_start3A_228] : memref<5x80x160xbf16, #tpu.memory_space<vmem>> -> memref<1x80x160xbf16, #tpu.memory_space<vmem>>
          %dma_start3A_230 = tpu.memref_squeeze %dma_start3A_229 : memref<1x80x160xbf16, #tpu.memory_space<vmem>> -> memref<80x160xbf16, #tpu.memory_space<vmem>>
          %dma_start3A_231 = arith.constant 0 : i32
          %dma_start3A_232 = tpu.memref_slice %arg7[%add3A_134, %run_scoped3A_148, %dma_start3A_231] : memref<125x2x80xi32, #tpu.memory_space<vmem>> -> memref<1x1x80xi32, #tpu.memory_space<vmem>>
          %dma_start3A_233 = tpu.memref_squeeze %dma_start3A_232 : memref<1x1x80xi32, #tpu.memory_space<vmem>> -> memref<80xi32, #tpu.memory_space<vmem>>
          %dma_start3A_234 = arith.constant 0 : i32
          %dma_start3A_235 = arith.constant 0 : i32
          %dma_start3A_236 = tpu.memref_slice %arg6[%dma_start3A_234, %dma_start3A_235] : memref<10240x160xbf16, #tpu.memory_space<vmem_shared>> -> memref<10240x160xbf16, #tpu.memory_space<vmem_shared>>
          tpu.enqueue_indirect_dma source(%dma_start3A_230 : memref<80x160xbf16, #tpu.memory_space<vmem>>) target(%dma_start3A_236 : memref<10240x160xbf16, #tpu.memory_space<vmem_shared>>) offsets(%dma_start3A_233 : memref<80xi32, #tpu.memory_space<vmem>>) semaphore(%run_scoped3A_226 : memref<!tpu.dma_semaphore, #tpu.memory_space<semaphore_mem>>) {add = true}
          %dma_wait3A_237 = arith.constant 0 : i32
          %dma_wait3A_238 = arith.constant 0 : i32
          %dma_wait3A_239 = tpu.memref_slice %arg8[%run_scoped3A_147, %dma_wait3A_237, %dma_wait3A_238] : memref<5x80x160xbf16, #tpu.memory_space<vmem>> -> memref<1x80x160xbf16, #tpu.memory_space<vmem>>
          %dma_wait3A_240 = tpu.memref_squeeze %dma_wait3A_239 : memref<1x80x160xbf16, #tpu.memory_space<vmem>> -> memref<80x160xbf16, #tpu.memory_space<vmem>>
          %dma_wait3A_241 = arith.constant 0 : i32
          %dma_wait3A_242 = tpu.memref_slice %arg7[%add3A_134, %run_scoped3A_148, %dma_wait3A_241] : memref<125x2x80xi32, #tpu.memory_space<vmem>> -> memref<1x1x80xi32, #tpu.memory_space<vmem>>
          %dma_wait3A_243 = tpu.memref_squeeze %dma_wait3A_242 : memref<1x1x80xi32, #tpu.memory_space<vmem>> -> memref<80xi32, #tpu.memory_space<vmem>>
          %dma_wait3A_244 = arith.constant 0 : i32
          %dma_wait3A_245 = arith.constant 0 : i32
          %dma_wait3A_246 = tpu.memref_slice %arg6[%dma_wait3A_244, %dma_wait3A_245] : memref<10240x160xbf16, #tpu.memory_space<vmem_shared>> -> memref<10240x160xbf16, #tpu.memory_space<vmem_shared>>
          tpu.wait_indirect_dma semaphore(%run_scoped3A_226 : memref<!tpu.dma_semaphore, #tpu.memory_space<semaphore_mem>>) src(%dma_wait3A_240 : memref<80x160xbf16, #tpu.memory_space<vmem>>) dst(%dma_wait3A_246 : memref<10240x160xbf16, #tpu.memory_space<vmem_shared>>)
          tpu.yield
        }) : () -> ()
        %add3A_149 = arith.constant 5 : i32
        %add3A_150 = arith.addi %add3A_134, %add3A_149 : i32
        %lt3A_151 = arith.constant 125 : i32
        %lt3A_152 = arith.cmpi slt, %add3A_150, %lt3A_151 : i32
        %convert_element_type3A_153 = arith.extui %lt3A_152 : i1 to i32
        %cond3A_154 = arith.constant 0 : i32
        %cond3A_155 = arith.cmpi ne, %convert_element_type3A_153, %cond3A_154 : i32
        scf.if %cond3A_155 {
          %dma_start3A_226 = arith.constant 0 : i32
          %dma_start3A_227 = arith.constant 1 : i32
          %dma_start3A_228 = arith.constant 0 : i32
          %dma_start3A_229 = arith.constant 0 : i32
          %dma_start3A_230 = tpu.memref_slice %arg8[%dma_start3A_227, %dma_start3A_228, %dma_start3A_229] : memref<5x80x160xbf16, #tpu.memory_space<vmem>> -> memref<1x80x160xbf16, #tpu.memory_space<vmem>>
          %dma_start3A_231 = tpu.memref_squeeze %dma_start3A_230 : memref<1x80x160xbf16, #tpu.memory_space<vmem>> -> memref<80x160xbf16, #tpu.memory_space<vmem>>
          %dma_start3A_232 = arith.constant 0 : i32
          %dma_start3A_233 = tpu.memref_slice %arg7[%add3A_150, %dma_start3A_226, %dma_start3A_232] : memref<125x2x80xi32, #tpu.memory_space<vmem>> -> memref<1x1x80xi32, #tpu.memory_space<vmem>>
          %dma_start3A_234 = tpu.memref_squeeze %dma_start3A_233 : memref<1x1x80xi32, #tpu.memory_space<vmem>> -> memref<80xi32, #tpu.memory_space<vmem>>
          %dma_start3A_235 = arith.constant 0 : i32
          %dma_start3A_236 = arith.constant 0 : i32
          %dma_start3A_237 = tpu.memref_slice %arg2[%dma_start3A_235, %dma_start3A_236] : memref<10000x160xbf16, #tpu.memory_space<hbm>> -> memref<10000x160xbf16, #tpu.memory_space<hbm>>
          tpu.enqueue_indirect_dma source(%dma_start3A_237 : memref<10000x160xbf16, #tpu.memory_space<hbm>>) target(%dma_start3A_231 : memref<80x160xbf16, #tpu.memory_space<vmem>>) offsets(%dma_start3A_234 : memref<80xi32, #tpu.memory_space<vmem>>) semaphore(%arg10 : memref<!tpu.dma_semaphore, #tpu.memory_space<semaphore_mem>>)
        } else {
        }
        %add3A_156 = arith.constant 2 : i32
        %add3A_157 = arith.addi %mul3A_111, %add3A_156 : i32
        %dma_wait3A_158 = arith.constant 0 : i32
        %dma_wait3A_159 = arith.constant 2 : i32
        %dma_wait3A_160 = arith.constant 0 : i32
        %dma_wait3A_161 = arith.constant 0 : i32
        %dma_wait3A_162 = tpu.memref_slice %arg8[%dma_wait3A_159, %dma_wait3A_160, %dma_wait3A_161] : memref<5x80x160xbf16, #tpu.memory_space<vmem>> -> memref<1x80x160xbf16, #tpu.memory_space<vmem>>
        %dma_wait3A_163 = tpu.memref_squeeze %dma_wait3A_162 : memref<1x80x160xbf16, #tpu.memory_space<vmem>> -> memref<80x160xbf16, #tpu.memory_space<vmem>>
        %dma_wait3A_164 = arith.constant 0 : i32
        %dma_wait3A_165 = tpu.memref_slice %arg7[%add3A_157, %dma_wait3A_158, %dma_wait3A_164] : memref<125x2x80xi32, #tpu.memory_space<vmem>> -> memref<1x1x80xi32, #tpu.memory_space<vmem>>
        %dma_wait3A_166 = tpu.memref_squeeze %dma_wait3A_165 : memref<1x1x80xi32, #tpu.memory_space<vmem>> -> memref<80xi32, #tpu.memory_space<vmem>>
        %dma_wait3A_167 = arith.constant 0 : i32
        %dma_wait3A_168 = arith.constant 0 : i32
        %dma_wait3A_169 = tpu.memref_slice %arg2[%dma_wait3A_167, %dma_wait3A_168] : memref<10000x160xbf16, #tpu.memory_space<hbm>> -> memref<10000x160xbf16, #tpu.memory_space<hbm>>
        tpu.wait_indirect_dma semaphore(%arg11 : memref<!tpu.dma_semaphore, #tpu.memory_space<semaphore_mem>>) src(%dma_wait3A_169 : memref<10000x160xbf16, #tpu.memory_space<hbm>>) dst(%dma_wait3A_163 : memref<80x160xbf16, #tpu.memory_space<vmem>>)
        %run_scoped3A_170 = arith.constant 2 : i32
        %run_scoped3A_171 = arith.constant 1 : i32
        "tpu.region"() ({
          %run_scoped3A_226 = tpu.sem_alloc : memref<!tpu.dma_semaphore, #tpu.memory_space<semaphore_mem>>
          %dma_start3A_227 = arith.constant 0 : i32
          %dma_start3A_228 = arith.constant 0 : i32
          %dma_start3A_229 = tpu.memref_slice %arg8[%run_scoped3A_170, %dma_start3A_227, %dma_start3A_228] : memref<5x80x160xbf16, #tpu.memory_space<vmem>> -> memref<1x80x160xbf16, #tpu.memory_space<vmem>>
          %dma_start3A_230 = tpu.memref_squeeze %dma_start3A_229 : memref<1x80x160xbf16, #tpu.memory_space<vmem>> -> memref<80x160xbf16, #tpu.memory_space<vmem>>
          %dma_start3A_231 = arith.constant 0 : i32
          %dma_start3A_232 = tpu.memref_slice %arg7[%add3A_157, %run_scoped3A_171, %dma_start3A_231] : memref<125x2x80xi32, #tpu.memory_space<vmem>> -> memref<1x1x80xi32, #tpu.memory_space<vmem>>
          %dma_start3A_233 = tpu.memref_squeeze %dma_start3A_232 : memref<1x1x80xi32, #tpu.memory_space<vmem>> -> memref<80xi32, #tpu.memory_space<vmem>>
          %dma_start3A_234 = arith.constant 0 : i32
          %dma_start3A_235 = arith.constant 0 : i32
          %dma_start3A_236 = tpu.memref_slice %arg6[%dma_start3A_234, %dma_start3A_235] : memref<10240x160xbf16, #tpu.memory_space<vmem_shared>> -> memref<10240x160xbf16, #tpu.memory_space<vmem_shared>>
          tpu.enqueue_indirect_dma source(%dma_start3A_230 : memref<80x160xbf16, #tpu.memory_space<vmem>>) target(%dma_start3A_236 : memref<10240x160xbf16, #tpu.memory_space<vmem_shared>>) offsets(%dma_start3A_233 : memref<80xi32, #tpu.memory_space<vmem>>) semaphore(%run_scoped3A_226 : memref<!tpu.dma_semaphore, #tpu.memory_space<semaphore_mem>>) {add = true}
          %dma_wait3A_237 = arith.constant 0 : i32
          %dma_wait3A_238 = arith.constant 0 : i32
          %dma_wait3A_239 = tpu.memref_slice %arg8[%run_scoped3A_170, %dma_wait3A_237, %dma_wait3A_238] : memref<5x80x160xbf16, #tpu.memory_space<vmem>> -> memref<1x80x160xbf16, #tpu.memory_space<vmem>>
          %dma_wait3A_240 = tpu.memref_squeeze %dma_wait3A_239 : memref<1x80x160xbf16, #tpu.memory_space<vmem>> -> memref<80x160xbf16, #tpu.memory_space<vmem>>
          %dma_wait3A_241 = arith.constant 0 : i32
          %dma_wait3A_242 = tpu.memref_slice %arg7[%add3A_157, %run_scoped3A_171, %dma_wait3A_241] : memref<125x2x80xi32, #tpu.memory_space<vmem>> -> memref<1x1x80xi32, #tpu.memory_space<vmem>>
          %dma_wait3A_243 = tpu.memref_squeeze %dma_wait3A_242 : memref<1x1x80xi32, #tpu.memory_space<vmem>> -> memref<80xi32, #tpu.memory_space<vmem>>
          %dma_wait3A_244 = arith.constant 0 : i32
          %dma_wait3A_245 = arith.constant 0 : i32
          %dma_wait3A_246 = tpu.memref_slice %arg6[%dma_wait3A_244, %dma_wait3A_245] : memref<10240x160xbf16, #tpu.memory_space<vmem_shared>> -> memref<10240x160xbf16, #tpu.memory_space<vmem_shared>>
          tpu.wait_indirect_dma semaphore(%run_scoped3A_226 : memref<!tpu.dma_semaphore, #tpu.memory_space<semaphore_mem>>) src(%dma_wait3A_240 : memref<80x160xbf16, #tpu.memory_space<vmem>>) dst(%dma_wait3A_246 : memref<10240x160xbf16, #tpu.memory_space<vmem_shared>>)
          tpu.yield
        }) : () -> ()
        %add3A_172 = arith.constant 5 : i32
        %add3A_173 = arith.addi %add3A_157, %add3A_172 : i32
        %lt3A_174 = arith.constant 125 : i32
        %lt3A_175 = arith.cmpi slt, %add3A_173, %lt3A_174 : i32
        %convert_element_type3A_176 = arith.extui %lt3A_175 : i1 to i32
        %cond3A_177 = arith.constant 0 : i32
        %cond3A_178 = arith.cmpi ne, %convert_element_type3A_176, %cond3A_177 : i32
        scf.if %cond3A_178 {
          %dma_start3A_226 = arith.constant 0 : i32
          %dma_start3A_227 = arith.constant 2 : i32
          %dma_start3A_228 = arith.constant 0 : i32
          %dma_start3A_229 = arith.constant 0 : i32
          %dma_start3A_230 = tpu.memref_slice %arg8[%dma_start3A_227, %dma_start3A_228, %dma_start3A_229] : memref<5x80x160xbf16, #tpu.memory_space<vmem>> -> memref<1x80x160xbf16, #tpu.memory_space<vmem>>
          %dma_start3A_231 = tpu.memref_squeeze %dma_start3A_230 : memref<1x80x160xbf16, #tpu.memory_space<vmem>> -> memref<80x160xbf16, #tpu.memory_space<vmem>>
          %dma_start3A_232 = arith.constant 0 : i32
          %dma_start3A_233 = tpu.memref_slice %arg7[%add3A_173, %dma_start3A_226, %dma_start3A_232] : memref<125x2x80xi32, #tpu.memory_space<vmem>> -> memref<1x1x80xi32, #tpu.memory_space<vmem>>
          %dma_start3A_234 = tpu.memref_squeeze %dma_start3A_233 : memref<1x1x80xi32, #tpu.memory_space<vmem>> -> memref<80xi32, #tpu.memory_space<vmem>>
          %dma_start3A_235 = arith.constant 0 : i32
          %dma_start3A_236 = arith.constant 0 : i32
          %dma_start3A_237 = tpu.memref_slice %arg2[%dma_start3A_235, %dma_start3A_236] : memref<10000x160xbf16, #tpu.memory_space<hbm>> -> memref<10000x160xbf16, #tpu.memory_space<hbm>>
          tpu.enqueue_indirect_dma source(%dma_start3A_237 : memref<10000x160xbf16, #tpu.memory_space<hbm>>) target(%dma_start3A_231 : memref<80x160xbf16, #tpu.memory_space<vmem>>) offsets(%dma_start3A_234 : memref<80xi32, #tpu.memory_space<vmem>>) semaphore(%arg11 : memref<!tpu.dma_semaphore, #tpu.memory_space<semaphore_mem>>)
        } else {
        }
        %add3A_179 = arith.constant 3 : i32
        %add3A_180 = arith.addi %mul3A_111, %add3A_179 : i32
        %dma_wait3A_181 = arith.constant 0 : i32
        %dma_wait3A_182 = arith.constant 3 : i32
        %dma_wait3A_183 = arith.constant 0 : i32
        %dma_wait3A_184 = arith.constant 0 : i32
        %dma_wait3A_185 = tpu.memref_slice %arg8[%dma_wait3A_182, %dma_wait3A_183, %dma_wait3A_184] : memref<5x80x160xbf16, #tpu.memory_space<vmem>> -> memref<1x80x160xbf16, #tpu.memory_space<vmem>>
        %dma_wait3A_186 = tpu.memref_squeeze %dma_wait3A_185 : memref<1x80x160xbf16, #tpu.memory_space<vmem>> -> memref<80x160xbf16, #tpu.memory_space<vmem>>
        %dma_wait3A_187 = arith.constant 0 : i32
        %dma_wait3A_188 = tpu.memref_slice %arg7[%add3A_180, %dma_wait3A_181, %dma_wait3A_187] : memref<125x2x80xi32, #tpu.memory_space<vmem>> -> memref<1x1x80xi32, #tpu.memory_space<vmem>>
        %dma_wait3A_189 = tpu.memref_squeeze %dma_wait3A_188 : memref<1x1x80xi32, #tpu.memory_space<vmem>> -> memref<80xi32, #tpu.memory_space<vmem>>
        %dma_wait3A_190 = arith.constant 0 : i32
        %dma_wait3A_191 = arith.constant 0 : i32
        %dma_wait3A_192 = tpu.memref_slice %arg2[%dma_wait3A_190, %dma_wait3A_191] : memref<10000x160xbf16, #tpu.memory_space<hbm>> -> memref<10000x160xbf16, #tpu.memory_space<hbm>>
        tpu.wait_indirect_dma semaphore(%arg12 : memref<!tpu.dma_semaphore, #tpu.memory_space<semaphore_mem>>) src(%dma_wait3A_192 : memref<10000x160xbf16, #tpu.memory_space<hbm>>) dst(%dma_wait3A_186 : memref<80x160xbf16, #tpu.memory_space<vmem>>)
        %run_scoped3A_193 = arith.constant 3 : i32
        %run_scoped3A_194 = arith.constant 1 : i32
        "tpu.region"() ({
          %run_scoped3A_226 = tpu.sem_alloc : memref<!tpu.dma_semaphore, #tpu.memory_space<semaphore_mem>>
          %dma_start3A_227 = arith.constant 0 : i32
          %dma_start3A_228 = arith.constant 0 : i32
          %dma_start3A_229 = tpu.memref_slice %arg8[%run_scoped3A_193, %dma_start3A_227, %dma_start3A_228] : memref<5x80x160xbf16, #tpu.memory_space<vmem>> -> memref<1x80x160xbf16, #tpu.memory_space<vmem>>
          %dma_start3A_230 = tpu.memref_squeeze %dma_start3A_229 : memref<1x80x160xbf16, #tpu.memory_space<vmem>> -> memref<80x160xbf16, #tpu.memory_space<vmem>>
          %dma_start3A_231 = arith.constant 0 : i32
          %dma_start3A_232 = tpu.memref_slice %arg7[%add3A_180, %run_scoped3A_194, %dma_start3A_231] : memref<125x2x80xi32, #tpu.memory_space<vmem>> -> memref<1x1x80xi32, #tpu.memory_space<vmem>>
          %dma_start3A_233 = tpu.memref_squeeze %dma_start3A_232 : memref<1x1x80xi32, #tpu.memory_space<vmem>> -> memref<80xi32, #tpu.memory_space<vmem>>
          %dma_start3A_234 = arith.constant 0 : i32
          %dma_start3A_235 = arith.constant 0 : i32
          %dma_start3A_236 = tpu.memref_slice %arg6[%dma_start3A_234, %dma_start3A_235] : memref<10240x160xbf16, #tpu.memory_space<vmem_shared>> -> memref<10240x160xbf16, #tpu.memory_space<vmem_shared>>
          tpu.enqueue_indirect_dma source(%dma_start3A_230 : memref<80x160xbf16, #tpu.memory_space<vmem>>) target(%dma_start3A_236 : memref<10240x160xbf16, #tpu.memory_space<vmem_shared>>) offsets(%dma_start3A_233 : memref<80xi32, #tpu.memory_space<vmem>>) semaphore(%run_scoped3A_226 : memref<!tpu.dma_semaphore, #tpu.memory_space<semaphore_mem>>) {add = true}
          %dma_wait3A_237 = arith.constant 0 : i32
          %dma_wait3A_238 = arith.constant 0 : i32
          %dma_wait3A_239 = tpu.memref_slice %arg8[%run_scoped3A_193, %dma_wait3A_237, %dma_wait3A_238] : memref<5x80x160xbf16, #tpu.memory_space<vmem>> -> memref<1x80x160xbf16, #tpu.memory_space<vmem>>
          %dma_wait3A_240 = tpu.memref_squeeze %dma_wait3A_239 : memref<1x80x160xbf16, #tpu.memory_space<vmem>> -> memref<80x160xbf16, #tpu.memory_space<vmem>>
          %dma_wait3A_241 = arith.constant 0 : i32
          %dma_wait3A_242 = tpu.memref_slice %arg7[%add3A_180, %run_scoped3A_194, %dma_wait3A_241] : memref<125x2x80xi32, #tpu.memory_space<vmem>> -> memref<1x1x80xi32, #tpu.memory_space<vmem>>
          %dma_wait3A_243 = tpu.memref_squeeze %dma_wait3A_242 : memref<1x1x80xi32, #tpu.memory_space<vmem>> -> memref<80xi32, #tpu.memory_space<vmem>>
          %dma_wait3A_244 = arith.constant 0 : i32
          %dma_wait3A_245 = arith.constant 0 : i32
          %dma_wait3A_246 = tpu.memref_slice %arg6[%dma_wait3A_244, %dma_wait3A_245] : memref<10240x160xbf16, #tpu.memory_space<vmem_shared>> -> memref<10240x160xbf16, #tpu.memory_space<vmem_shared>>
          tpu.wait_indirect_dma semaphore(%run_scoped3A_226 : memref<!tpu.dma_semaphore, #tpu.memory_space<semaphore_mem>>) src(%dma_wait3A_240 : memref<80x160xbf16, #tpu.memory_space<vmem>>) dst(%dma_wait3A_246 : memref<10240x160xbf16, #tpu.memory_space<vmem_shared>>)
          tpu.yield
        }) : () -> ()
        %add3A_195 = arith.constant 5 : i32
        %add3A_196 = arith.addi %add3A_180, %add3A_195 : i32
        %lt3A_197 = arith.constant 125 : i32
        %lt3A_198 = arith.cmpi slt, %add3A_196, %lt3A_197 : i32
        %convert_element_type3A_199 = arith.extui %lt3A_198 : i1 to i32
        %cond3A_200 = arith.constant 0 : i32
        %cond3A_201 = arith.cmpi ne, %convert_element_type3A_199, %cond3A_200 : i32
        scf.if %cond3A_201 {
          %dma_start3A_226 = arith.constant 0 : i32
          %dma_start3A_227 = arith.constant 3 : i32
          %dma_start3A_228 = arith.constant 0 : i32
          %dma_start3A_229 = arith.constant 0 : i32
          %dma_start3A_230 = tpu.memref_slice %arg8[%dma_start3A_227, %dma_start3A_228, %dma_start3A_229] : memref<5x80x160xbf16, #tpu.memory_space<vmem>> -> memref<1x80x160xbf16, #tpu.memory_space<vmem>>
          %dma_start3A_231 = tpu.memref_squeeze %dma_start3A_230 : memref<1x80x160xbf16, #tpu.memory_space<vmem>> -> memref<80x160xbf16, #tpu.memory_space<vmem>>
          %dma_start3A_232 = arith.constant 0 : i32
          %dma_start3A_233 = tpu.memref_slice %arg7[%add3A_196, %dma_start3A_226, %dma_start3A_232] : memref<125x2x80xi32, #tpu.memory_space<vmem>> -> memref<1x1x80xi32, #tpu.memory_space<vmem>>
          %dma_start3A_234 = tpu.memref_squeeze %dma_start3A_233 : memref<1x1x80xi32, #tpu.memory_space<vmem>> -> memref<80xi32, #tpu.memory_space<vmem>>
          %dma_start3A_235 = arith.constant 0 : i32
          %dma_start3A_236 = arith.constant 0 : i32
          %dma_start3A_237 = tpu.memref_slice %arg2[%dma_start3A_235, %dma_start3A_236] : memref<10000x160xbf16, #tpu.memory_space<hbm>> -> memref<10000x160xbf16, #tpu.memory_space<hbm>>
          tpu.enqueue_indirect_dma source(%dma_start3A_237 : memref<10000x160xbf16, #tpu.memory_space<hbm>>) target(%dma_start3A_231 : memref<80x160xbf16, #tpu.memory_space<vmem>>) offsets(%dma_start3A_234 : memref<80xi32, #tpu.memory_space<vmem>>) semaphore(%arg12 : memref<!tpu.dma_semaphore, #tpu.memory_space<semaphore_mem>>)
        } else {
        }
        %add3A_202 = arith.constant 4 : i32
        %add3A_203 = arith.addi %mul3A_111, %add3A_202 : i32
        %dma_wait3A_204 = arith.constant 0 : i32
        %dma_wait3A_205 = arith.constant 4 : i32
        %dma_wait3A_206 = arith.constant 0 : i32
        %dma_wait3A_207 = arith.constant 0 : i32
        %dma_wait3A_208 = tpu.memref_slice %arg8[%dma_wait3A_205, %dma_wait3A_206, %dma_wait3A_207] : memref<5x80x160xbf16, #tpu.memory_space<vmem>> -> memref<1x80x160xbf16, #tpu.memory_space<vmem>>
        %dma_wait3A_209 = tpu.memref_squeeze %dma_wait3A_208 : memref<1x80x160xbf16, #tpu.memory_space<vmem>> -> memref<80x160xbf16, #tpu.memory_space<vmem>>
        %dma_wait3A_210 = arith.constant 0 : i32
        %dma_wait3A_211 = tpu.memref_slice %arg7[%add3A_203, %dma_wait3A_204, %dma_wait3A_210] : memref<125x2x80xi32, #tpu.memory_space<vmem>> -> memref<1x1x80xi32, #tpu.memory_space<vmem>>
        %dma_wait3A_212 = tpu.memref_squeeze %dma_wait3A_211 : memref<1x1x80xi32, #tpu.memory_space<vmem>> -> memref<80xi32, #tpu.memory_space<vmem>>
        %dma_wait3A_213 = arith.constant 0 : i32
        %dma_wait3A_214 = arith.constant 0 : i32
        %dma_wait3A_215 = tpu.memref_slice %arg2[%dma_wait3A_213, %dma_wait3A_214] : memref<10000x160xbf16, #tpu.memory_space<hbm>> -> memref<10000x160xbf16, #tpu.memory_space<hbm>>
        tpu.wait_indirect_dma semaphore(%arg13 : memref<!tpu.dma_semaphore, #tpu.memory_space<semaphore_mem>>) src(%dma_wait3A_215 : memref<10000x160xbf16, #tpu.memory_space<hbm>>) dst(%dma_wait3A_209 : memref<80x160xbf16, #tpu.memory_space<vmem>>)
        %run_scoped3A_216 = arith.constant 4 : i32
        %run_scoped3A_217 = arith.constant 1 : i32
        "tpu.region"() ({
          %run_scoped3A_226 = tpu.sem_alloc : memref<!tpu.dma_semaphore, #tpu.memory_space<semaphore_mem>>
          %dma_start3A_227 = arith.constant 0 : i32
          %dma_start3A_228 = arith.constant 0 : i32
          %dma_start3A_229 = tpu.memref_slice %arg8[%run_scoped3A_216, %dma_start3A_227, %dma_start3A_228] : memref<5x80x160xbf16, #tpu.memory_space<vmem>> -> memref<1x80x160xbf16, #tpu.memory_space<vmem>>
          %dma_start3A_230 = tpu.memref_squeeze %dma_start3A_229 : memref<1x80x160xbf16, #tpu.memory_space<vmem>> -> memref<80x160xbf16, #tpu.memory_space<vmem>>
          %dma_start3A_231 = arith.constant 0 : i32
          %dma_start3A_232 = tpu.memref_slice %arg7[%add3A_203, %run_scoped3A_217, %dma_start3A_231] : memref<125x2x80xi32, #tpu.memory_space<vmem>> -> memref<1x1x80xi32, #tpu.memory_space<vmem>>
          %dma_start3A_233 = tpu.memref_squeeze %dma_start3A_232 : memref<1x1x80xi32, #tpu.memory_space<vmem>> -> memref<80xi32, #tpu.memory_space<vmem>>
          %dma_start3A_234 = arith.constant 0 : i32
          %dma_start3A_235 = arith.constant 0 : i32
          %dma_start3A_236 = tpu.memref_slice %arg6[%dma_start3A_234, %dma_start3A_235] : memref<10240x160xbf16, #tpu.memory_space<vmem_shared>> -> memref<10240x160xbf16, #tpu.memory_space<vmem_shared>>
          tpu.enqueue_indirect_dma source(%dma_start3A_230 : memref<80x160xbf16, #tpu.memory_space<vmem>>) target(%dma_start3A_236 : memref<10240x160xbf16, #tpu.memory_space<vmem_shared>>) offsets(%dma_start3A_233 : memref<80xi32, #tpu.memory_space<vmem>>) semaphore(%run_scoped3A_226 : memref<!tpu.dma_semaphore, #tpu.memory_space<semaphore_mem>>) {add = true}
          %dma_wait3A_237 = arith.constant 0 : i32
          %dma_wait3A_238 = arith.constant 0 : i32
          %dma_wait3A_239 = tpu.memref_slice %arg8[%run_scoped3A_216, %dma_wait3A_237, %dma_wait3A_238] : memref<5x80x160xbf16, #tpu.memory_space<vmem>> -> memref<1x80x160xbf16, #tpu.memory_space<vmem>>
          %dma_wait3A_240 = tpu.memref_squeeze %dma_wait3A_239 : memref<1x80x160xbf16, #tpu.memory_space<vmem>> -> memref<80x160xbf16, #tpu.memory_space<vmem>>
          %dma_wait3A_241 = arith.constant 0 : i32
          %dma_wait3A_242 = tpu.memref_slice %arg7[%add3A_203, %run_scoped3A_217, %dma_wait3A_241] : memref<125x2x80xi32, #tpu.memory_space<vmem>> -> memref<1x1x80xi32, #tpu.memory_space<vmem>>
          %dma_wait3A_243 = tpu.memref_squeeze %dma_wait3A_242 : memref<1x1x80xi32, #tpu.memory_space<vmem>> -> memref<80xi32, #tpu.memory_space<vmem>>
          %dma_wait3A_244 = arith.constant 0 : i32
          %dma_wait3A_245 = arith.constant 0 : i32
          %dma_wait3A_246 = tpu.memref_slice %arg6[%dma_wait3A_244, %dma_wait3A_245] : memref<10240x160xbf16, #tpu.memory_space<vmem_shared>> -> memref<10240x160xbf16, #tpu.memory_space<vmem_shared>>
          tpu.wait_indirect_dma semaphore(%run_scoped3A_226 : memref<!tpu.dma_semaphore, #tpu.memory_space<semaphore_mem>>) src(%dma_wait3A_240 : memref<80x160xbf16, #tpu.memory_space<vmem>>) dst(%dma_wait3A_246 : memref<10240x160xbf16, #tpu.memory_space<vmem_shared>>)
          tpu.yield
        }) : () -> ()
        %add3A_218 = arith.constant 5 : i32
        %add3A_219 = arith.addi %add3A_203, %add3A_218 : i32
        %lt3A_220 = arith.constant 125 : i32
        %lt3A_221 = arith.cmpi slt, %add3A_219, %lt3A_220 : i32
        %convert_element_type3A_222 = arith.extui %lt3A_221 : i1 to i32
        %cond3A_223 = arith.constant 0 : i32
        %cond3A_224 = arith.cmpi ne, %convert_element_type3A_222, %cond3A_223 : i32
        scf.if %cond3A_224 {
          %dma_start3A_226 = arith.constant 0 : i32
          %dma_start3A_227 = arith.constant 4 : i32
          %dma_start3A_228 = arith.constant 0 : i32
          %dma_start3A_229 = arith.constant 0 : i32
          %dma_start3A_230 = tpu.memref_slice %arg8[%dma_start3A_227, %dma_start3A_228, %dma_start3A_229] : memref<5x80x160xbf16, #tpu.memory_space<vmem>> -> memref<1x80x160xbf16, #tpu.memory_space<vmem>>
          %dma_start3A_231 = tpu.memref_squeeze %dma_start3A_230 : memref<1x80x160xbf16, #tpu.memory_space<vmem>> -> memref<80x160xbf16, #tpu.memory_space<vmem>>
          %dma_start3A_232 = arith.constant 0 : i32
          %dma_start3A_233 = tpu.memref_slice %arg7[%add3A_219, %dma_start3A_226, %dma_start3A_232] : memref<125x2x80xi32, #tpu.memory_space<vmem>> -> memref<1x1x80xi32, #tpu.memory_space<vmem>>
          %dma_start3A_234 = tpu.memref_squeeze %dma_start3A_233 : memref<1x1x80xi32, #tpu.memory_space<vmem>> -> memref<80xi32, #tpu.memory_space<vmem>>
          %dma_start3A_235 = arith.constant 0 : i32
          %dma_start3A_236 = arith.constant 0 : i32
          %dma_start3A_237 = tpu.memref_slice %arg2[%dma_start3A_235, %dma_start3A_236] : memref<10000x160xbf16, #tpu.memory_space<hbm>> -> memref<10000x160xbf16, #tpu.memory_space<hbm>>
          tpu.enqueue_indirect_dma source(%dma_start3A_237 : memref<10000x160xbf16, #tpu.memory_space<hbm>>) target(%dma_start3A_231 : memref<80x160xbf16, #tpu.memory_space<vmem>>) offsets(%dma_start3A_234 : memref<80xi32, #tpu.memory_space<vmem>>) semaphore(%arg13 : memref<!tpu.dma_semaphore, #tpu.memory_space<semaphore_mem>>)
        } else {
        }
        %scan3A_225 = arith.constant 0 : i32
        scf.yield %scan3A_225 : i32
      }
      %scan3A_107 = arith.constant 25 : i32
    } else {
    }
    %eq3A_31 = arith.constant 1 : i32
    %eq3A_32 = arith.cmpi eq, %arg0, %eq3A_31 : i32
    %convert_element_type3A_33 = arith.extui %eq3A_32 : i1 to i32
    %cond3A_34 = arith.constant 0 : i32
    %cond3A_35 = arith.cmpi ne, %convert_element_type3A_33, %cond3A_34 : i32
    scf.if %cond3A_35 {
      %dma_start3A = arith.constant 0 : i32
      %dma_start3A_37 = arith.constant 0 : i32
      %dma_start3A_38 = arith.constant 0 : i32
      %dma_start3A_39 = arith.constant 0 : i32
      %dma_start3A_40 = arith.constant 0 : i32
      %dma_start3A_41 = tpu.memref_slice %arg8[%dma_start3A_38, %dma_start3A_39, %dma_start3A_40] : memref<5x80x160xbf16, #tpu.memory_space<vmem>> -> memref<1x80x160xbf16, #tpu.memory_space<vmem>>
      %dma_start3A_42 = tpu.memref_squeeze %dma_start3A_41 : memref<1x80x160xbf16, #tpu.memory_space<vmem>> -> memref<80x160xbf16, #tpu.memory_space<vmem>>
      %dma_start3A_43 = arith.constant 0 : i32
      %dma_start3A_44 = tpu.memref_slice %arg7[%dma_start3A, %dma_start3A_37, %dma_start3A_43] : memref<125x2x80xi32, #tpu.memory_space<vmem>> -> memref<1x1x80xi32, #tpu.memory_space<vmem>>
      %dma_start3A_45 = tpu.memref_squeeze %dma_start3A_44 : memref<1x1x80xi32, #tpu.memory_space<vmem>> -> memref<80xi32, #tpu.memory_space<vmem>>
      %dma_start3A_46 = arith.constant 0 : i32
      %dma_start3A_47 = arith.constant 0 : i32
      %dma_start3A_48 = tpu.memref_slice %arg3[%dma_start3A_46, %dma_start3A_47] : memref<10000x160xbf16, #tpu.memory_space<hbm>> -> memref<10000x160xbf16, #tpu.memory_space<hbm>>
      tpu.enqueue_indirect_dma source(%dma_start3A_48 : memref<10000x160xbf16, #tpu.memory_space<hbm>>) target(%dma_start3A_42 : memref<80x160xbf16, #tpu.memory_space<vmem>>) offsets(%dma_start3A_45 : memref<80xi32, #tpu.memory_space<vmem>>) semaphore(%arg9 : memref<!tpu.dma_semaphore, #tpu.memory_space<semaphore_mem>>)
      %dma_start3A_49 = arith.constant 1 : i32
      %dma_start3A_50 = arith.constant 0 : i32
      %dma_start3A_51 = arith.constant 1 : i32
      %dma_start3A_52 = arith.constant 0 : i32
      %dma_start3A_53 = arith.constant 0 : i32
      %dma_start3A_54 = tpu.memref_slice %arg8[%dma_start3A_51, %dma_start3A_52, %dma_start3A_53] : memref<5x80x160xbf16, #tpu.memory_space<vmem>> -> memref<1x80x160xbf16, #tpu.memory_space<vmem>>
      %dma_start3A_55 = tpu.memref_squeeze %dma_start3A_54 : memref<1x80x160xbf16, #tpu.memory_space<vmem>> -> memref<80x160xbf16, #tpu.memory_space<vmem>>
      %dma_start3A_56 = arith.constant 0 : i32
      %dma_start3A_57 = tpu.memref_slice %arg7[%dma_start3A_49, %dma_start3A_50, %dma_start3A_56] : memref<125x2x80xi32, #tpu.memory_space<vmem>> -> memref<1x1x80xi32, #tpu.memory_space<vmem>>
      %dma_start3A_58 = tpu.memref_squeeze %dma_start3A_57 : memref<1x1x80xi32, #tpu.memory_space<vmem>> -> memref<80xi32, #tpu.memory_space<vmem>>
      %dma_start3A_59 = arith.constant 0 : i32
      %dma_start3A_60 = arith.constant 0 : i32
      %dma_start3A_61 = tpu.memref_slice %arg3[%dma_start3A_59, %dma_start3A_60] : memref<10000x160xbf16, #tpu.memory_space<hbm>> -> memref<10000x160xbf16, #tpu.memory_space<hbm>>
      tpu.enqueue_indirect_dma source(%dma_start3A_61 : memref<10000x160xbf16, #tpu.memory_space<hbm>>) target(%dma_start3A_55 : memref<80x160xbf16, #tpu.memory_space<vmem>>) offsets(%dma_start3A_58 : memref<80xi32, #tpu.memory_space<vmem>>) semaphore(%arg10 : memref<!tpu.dma_semaphore, #tpu.memory_space<semaphore_mem>>)
      %dma_start3A_62 = arith.constant 2 : i32
      %dma_start3A_63 = arith.constant 0 : i32
      %dma_start3A_64 = arith.constant 2 : i32
      %dma_start3A_65 = arith.constant 0 : i32
      %dma_start3A_66 = arith.constant 0 : i32
      %dma_start3A_67 = tpu.memref_slice %arg8[%dma_start3A_64, %dma_start3A_65, %dma_start3A_66] : memref<5x80x160xbf16, #tpu.memory_space<vmem>> -> memref<1x80x160xbf16, #tpu.memory_space<vmem>>
      %dma_start3A_68 = tpu.memref_squeeze %dma_start3A_67 : memref<1x80x160xbf16, #tpu.memory_space<vmem>> -> memref<80x160xbf16, #tpu.memory_space<vmem>>
      %dma_start3A_69 = arith.constant 0 : i32
      %dma_start3A_70 = tpu.memref_slice %arg7[%dma_start3A_62, %dma_start3A_63, %dma_start3A_69] : memref<125x2x80xi32, #tpu.memory_space<vmem>> -> memref<1x1x80xi32, #tpu.memory_space<vmem>>
      %dma_start3A_71 = tpu.memref_squeeze %dma_start3A_70 : memref<1x1x80xi32, #tpu.memory_space<vmem>> -> memref<80xi32, #tpu.memory_space<vmem>>
      %dma_start3A_72 = arith.constant 0 : i32
      %dma_start3A_73 = arith.constant 0 : i32
      %dma_start3A_74 = tpu.memref_slice %arg3[%dma_start3A_72, %dma_start3A_73] : memref<10000x160xbf16, #tpu.memory_space<hbm>> -> memref<10000x160xbf16, #tpu.memory_space<hbm>>
      tpu.enqueue_indirect_dma source(%dma_start3A_74 : memref<10000x160xbf16, #tpu.memory_space<hbm>>) target(%dma_start3A_68 : memref<80x160xbf16, #tpu.memory_space<vmem>>) offsets(%dma_start3A_71 : memref<80xi32, #tpu.memory_space<vmem>>) semaphore(%arg11 : memref<!tpu.dma_semaphore, #tpu.memory_space<semaphore_mem>>)
      %dma_start3A_75 = arith.constant 3 : i32
      %dma_start3A_76 = arith.constant 0 : i32
      %dma_start3A_77 = arith.constant 3 : i32
      %dma_start3A_78 = arith.constant 0 : i32
      %dma_start3A_79 = arith.constant 0 : i32
      %dma_start3A_80 = tpu.memref_slice %arg8[%dma_start3A_77, %dma_start3A_78, %dma_start3A_79] : memref<5x80x160xbf16, #tpu.memory_space<vmem>> -> memref<1x80x160xbf16, #tpu.memory_space<vmem>>
      %dma_start3A_81 = tpu.memref_squeeze %dma_start3A_80 : memref<1x80x160xbf16, #tpu.memory_space<vmem>> -> memref<80x160xbf16, #tpu.memory_space<vmem>>
      %dma_start3A_82 = arith.constant 0 : i32
      %dma_start3A_83 = tpu.memref_slice %arg7[%dma_start3A_75, %dma_start3A_76, %dma_start3A_82] : memref<125x2x80xi32, #tpu.memory_space<vmem>> -> memref<1x1x80xi32, #tpu.memory_space<vmem>>
      %dma_start3A_84 = tpu.memref_squeeze %dma_start3A_83 : memref<1x1x80xi32, #tpu.memory_space<vmem>> -> memref<80xi32, #tpu.memory_space<vmem>>
      %dma_start3A_85 = arith.constant 0 : i32
      %dma_start3A_86 = arith.constant 0 : i32
      %dma_start3A_87 = tpu.memref_slice %arg3[%dma_start3A_85, %dma_start3A_86] : memref<10000x160xbf16, #tpu.memory_space<hbm>> -> memref<10000x160xbf16, #tpu.memory_space<hbm>>
      tpu.enqueue_indirect_dma source(%dma_start3A_87 : memref<10000x160xbf16, #tpu.memory_space<hbm>>) target(%dma_start3A_81 : memref<80x160xbf16, #tpu.memory_space<vmem>>) offsets(%dma_start3A_84 : memref<80xi32, #tpu.memory_space<vmem>>) semaphore(%arg12 : memref<!tpu.dma_semaphore, #tpu.memory_space<semaphore_mem>>)
      %dma_start3A_88 = arith.constant 4 : i32
      %dma_start3A_89 = arith.constant 0 : i32
      %dma_start3A_90 = arith.constant 4 : i32
      %dma_start3A_91 = arith.constant 0 : i32
      %dma_start3A_92 = arith.constant 0 : i32
      %dma_start3A_93 = tpu.memref_slice %arg8[%dma_start3A_90, %dma_start3A_91, %dma_start3A_92] : memref<5x80x160xbf16, #tpu.memory_space<vmem>> -> memref<1x80x160xbf16, #tpu.memory_space<vmem>>
      %dma_start3A_94 = tpu.memref_squeeze %dma_start3A_93 : memref<1x80x160xbf16, #tpu.memory_space<vmem>> -> memref<80x160xbf16, #tpu.memory_space<vmem>>
      %dma_start3A_95 = arith.constant 0 : i32
      %dma_start3A_96 = tpu.memref_slice %arg7[%dma_start3A_88, %dma_start3A_89, %dma_start3A_95] : memref<125x2x80xi32, #tpu.memory_space<vmem>> -> memref<1x1x80xi32, #tpu.memory_space<vmem>>
      %dma_start3A_97 = tpu.memref_squeeze %dma_start3A_96 : memref<1x1x80xi32, #tpu.memory_space<vmem>> -> memref<80xi32, #tpu.memory_space<vmem>>
      %dma_start3A_98 = arith.constant 0 : i32
      %dma_start3A_99 = arith.constant 0 : i32
      %dma_start3A_100 = tpu.memref_slice %arg3[%dma_start3A_98, %dma_start3A_99] : memref<10000x160xbf16, #tpu.memory_space<hbm>> -> memref<10000x160xbf16, #tpu.memory_space<hbm>>
      tpu.enqueue_indirect_dma source(%dma_start3A_100 : memref<10000x160xbf16, #tpu.memory_space<hbm>>) target(%dma_start3A_94 : memref<80x160xbf16, #tpu.memory_space<vmem>>) offsets(%dma_start3A_97 : memref<80xi32, #tpu.memory_space<vmem>>) semaphore(%arg13 : memref<!tpu.dma_semaphore, #tpu.memory_space<semaphore_mem>>)
      %scan3A_101 = arith.constant 0 : i32
      %scan3A_102 = arith.constant 0 : i32
      %scan3A_103 = arith.constant 25 : i32
      %scan3A_104 = arith.addi %scan3A_102, %scan3A_103 : i32
      %scan3A_105 = arith.constant 1 : i32
      %scan3A_106 = scf.for %scan3A_108 = %scan3A_102 to %scan3A_104 step %scan3A_105 iter_args(%scan3A_109 = %scan3A_101) -> (i32)  : i32 {
        %mul3A_110 = arith.constant 5 : i32
        %mul3A_111 = arith.muli %scan3A_108, %mul3A_110 : i32
        %add3A_112 = arith.constant 0 : i32
        %add3A_113 = arith.addi %mul3A_111, %add3A_112 : i32
        %dma_wait3A = arith.constant 0 : i32
        %dma_wait3A_114 = arith.constant 0 : i32
        %dma_wait3A_115 = arith.constant 0 : i32
        %dma_wait3A_116 = arith.constant 0 : i32
        %dma_wait3A_117 = tpu.memref_slice %arg8[%dma_wait3A_114, %dma_wait3A_115, %dma_wait3A_116] : memref<5x80x160xbf16, #tpu.memory_space<vmem>> -> memref<1x80x160xbf16, #tpu.memory_space<vmem>>
        %dma_wait3A_118 = tpu.memref_squeeze %dma_wait3A_117 : memref<1x80x160xbf16, #tpu.memory_space<vmem>> -> memref<80x160xbf16, #tpu.memory_space<vmem>>
        %dma_wait3A_119 = arith.constant 0 : i32
        %dma_wait3A_120 = tpu.memref_slice %arg7[%add3A_113, %dma_wait3A, %dma_wait3A_119] : memref<125x2x80xi32, #tpu.memory_space<vmem>> -> memref<1x1x80xi32, #tpu.memory_space<vmem>>
        %dma_wait3A_121 = tpu.memref_squeeze %dma_wait3A_120 : memref<1x1x80xi32, #tpu.memory_space<vmem>> -> memref<80xi32, #tpu.memory_space<vmem>>
        %dma_wait3A_122 = arith.constant 0 : i32
        %dma_wait3A_123 = arith.constant 0 : i32
        %dma_wait3A_124 = tpu.memref_slice %arg3[%dma_wait3A_122, %dma_wait3A_123] : memref<10000x160xbf16, #tpu.memory_space<hbm>> -> memref<10000x160xbf16, #tpu.memory_space<hbm>>
        tpu.wait_indirect_dma semaphore(%arg9 : memref<!tpu.dma_semaphore, #tpu.memory_space<semaphore_mem>>) src(%dma_wait3A_124 : memref<10000x160xbf16, #tpu.memory_space<hbm>>) dst(%dma_wait3A_118 : memref<80x160xbf16, #tpu.memory_space<vmem>>)
        %run_scoped3A_125 = arith.constant 0 : i32
        %run_scoped3A_126 = arith.constant 1 : i32
        "tpu.region"() ({
          %run_scoped3A_226 = tpu.sem_alloc : memref<!tpu.dma_semaphore, #tpu.memory_space<semaphore_mem>>
          %dma_start3A_227 = arith.constant 0 : i32
          %dma_start3A_228 = arith.constant 0 : i32
          %dma_start3A_229 = tpu.memref_slice %arg8[%run_scoped3A_125, %dma_start3A_227, %dma_start3A_228] : memref<5x80x160xbf16, #tpu.memory_space<vmem>> -> memref<1x80x160xbf16, #tpu.memory_space<vmem>>
          %dma_start3A_230 = tpu.memref_squeeze %dma_start3A_229 : memref<1x80x160xbf16, #tpu.memory_space<vmem>> -> memref<80x160xbf16, #tpu.memory_space<vmem>>
          %dma_start3A_231 = arith.constant 0 : i32
          %dma_start3A_232 = tpu.memref_slice %arg7[%add3A_113, %run_scoped3A_126, %dma_start3A_231] : memref<125x2x80xi32, #tpu.memory_space<vmem>> -> memref<1x1x80xi32, #tpu.memory_space<vmem>>
          %dma_start3A_233 = tpu.memref_squeeze %dma_start3A_232 : memref<1x1x80xi32, #tpu.memory_space<vmem>> -> memref<80xi32, #tpu.memory_space<vmem>>
          %dma_start3A_234 = arith.constant 0 : i32
          %dma_start3A_235 = arith.constant 0 : i32
          %dma_start3A_236 = tpu.memref_slice %arg6[%dma_start3A_234, %dma_start3A_235] : memref<10240x160xbf16, #tpu.memory_space<vmem_shared>> -> memref<10240x160xbf16, #tpu.memory_space<vmem_shared>>
          tpu.enqueue_indirect_dma source(%dma_start3A_230 : memref<80x160xbf16, #tpu.memory_space<vmem>>) target(%dma_start3A_236 : memref<10240x160xbf16, #tpu.memory_space<vmem_shared>>) offsets(%dma_start3A_233 : memref<80xi32, #tpu.memory_space<vmem>>) semaphore(%run_scoped3A_226 : memref<!tpu.dma_semaphore, #tpu.memory_space<semaphore_mem>>) {add = true}
          %dma_wait3A_237 = arith.constant 0 : i32
          %dma_wait3A_238 = arith.constant 0 : i32
          %dma_wait3A_239 = tpu.memref_slice %arg8[%run_scoped3A_125, %dma_wait3A_237, %dma_wait3A_238] : memref<5x80x160xbf16, #tpu.memory_space<vmem>> -> memref<1x80x160xbf16, #tpu.memory_space<vmem>>
          %dma_wait3A_240 = tpu.memref_squeeze %dma_wait3A_239 : memref<1x80x160xbf16, #tpu.memory_space<vmem>> -> memref<80x160xbf16, #tpu.memory_space<vmem>>
          %dma_wait3A_241 = arith.constant 0 : i32
          %dma_wait3A_242 = tpu.memref_slice %arg7[%add3A_113, %run_scoped3A_126, %dma_wait3A_241] : memref<125x2x80xi32, #tpu.memory_space<vmem>> -> memref<1x1x80xi32, #tpu.memory_space<vmem>>
          %dma_wait3A_243 = tpu.memref_squeeze %dma_wait3A_242 : memref<1x1x80xi32, #tpu.memory_space<vmem>> -> memref<80xi32, #tpu.memory_space<vmem>>
          %dma_wait3A_244 = arith.constant 0 : i32
          %dma_wait3A_245 = arith.constant 0 : i32
          %dma_wait3A_246 = tpu.memref_slice %arg6[%dma_wait3A_244, %dma_wait3A_245] : memref<10240x160xbf16, #tpu.memory_space<vmem_shared>> -> memref<10240x160xbf16, #tpu.memory_space<vmem_shared>>
          tpu.wait_indirect_dma semaphore(%run_scoped3A_226 : memref<!tpu.dma_semaphore, #tpu.memory_space<semaphore_mem>>) src(%dma_wait3A_240 : memref<80x160xbf16, #tpu.memory_space<vmem>>) dst(%dma_wait3A_246 : memref<10240x160xbf16, #tpu.memory_space<vmem_shared>>)
          tpu.yield
        }) : () -> ()
        %add3A_127 = arith.constant 5 : i32
        %add3A_128 = arith.addi %add3A_113, %add3A_127 : i32
        %lt3A = arith.constant 125 : i32
        %lt3A_129 = arith.cmpi slt, %add3A_128, %lt3A : i32
        %convert_element_type3A_130 = arith.extui %lt3A_129 : i1 to i32
        %cond3A_131 = arith.constant 0 : i32
        %cond3A_132 = arith.cmpi ne, %convert_element_type3A_130, %cond3A_131 : i32
        scf.if %cond3A_132 {
          %dma_start3A_226 = arith.constant 0 : i32
          %dma_start3A_227 = arith.constant 0 : i32
          %dma_start3A_228 = arith.constant 0 : i32
          %dma_start3A_229 = arith.constant 0 : i32
          %dma_start3A_230 = tpu.memref_slice %arg8[%dma_start3A_227, %dma_start3A_228, %dma_start3A_229] : memref<5x80x160xbf16, #tpu.memory_space<vmem>> -> memref<1x80x160xbf16, #tpu.memory_space<vmem>>
          %dma_start3A_231 = tpu.memref_squeeze %dma_start3A_230 : memref<1x80x160xbf16, #tpu.memory_space<vmem>> -> memref<80x160xbf16, #tpu.memory_space<vmem>>
          %dma_start3A_232 = arith.constant 0 : i32
          %dma_start3A_233 = tpu.memref_slice %arg7[%add3A_128, %dma_start3A_226, %dma_start3A_232] : memref<125x2x80xi32, #tpu.memory_space<vmem>> -> memref<1x1x80xi32, #tpu.memory_space<vmem>>
          %dma_start3A_234 = tpu.memref_squeeze %dma_start3A_233 : memref<1x1x80xi32, #tpu.memory_space<vmem>> -> memref<80xi32, #tpu.memory_space<vmem>>
          %dma_start3A_235 = arith.constant 0 : i32
          %dma_start3A_236 = arith.constant 0 : i32
          %dma_start3A_237 = tpu.memref_slice %arg3[%dma_start3A_235, %dma_start3A_236] : memref<10000x160xbf16, #tpu.memory_space<hbm>> -> memref<10000x160xbf16, #tpu.memory_space<hbm>>
          tpu.enqueue_indirect_dma source(%dma_start3A_237 : memref<10000x160xbf16, #tpu.memory_space<hbm>>) target(%dma_start3A_231 : memref<80x160xbf16, #tpu.memory_space<vmem>>) offsets(%dma_start3A_234 : memref<80xi32, #tpu.memory_space<vmem>>) semaphore(%arg9 : memref<!tpu.dma_semaphore, #tpu.memory_space<semaphore_mem>>)
        } else {
        }
        %add3A_133 = arith.constant 1 : i32
        %add3A_134 = arith.addi %mul3A_111, %add3A_133 : i32
        %dma_wait3A_135 = arith.constant 0 : i32
        %dma_wait3A_136 = arith.constant 1 : i32
        %dma_wait3A_137 = arith.constant 0 : i32
        %dma_wait3A_138 = arith.constant 0 : i32
        %dma_wait3A_139 = tpu.memref_slice %arg8[%dma_wait3A_136, %dma_wait3A_137, %dma_wait3A_138] : memref<5x80x160xbf16, #tpu.memory_space<vmem>> -> memref<1x80x160xbf16, #tpu.memory_space<vmem>>
        %dma_wait3A_140 = tpu.memref_squeeze %dma_wait3A_139 : memref<1x80x160xbf16, #tpu.memory_space<vmem>> -> memref<80x160xbf16, #tpu.memory_space<vmem>>
        %dma_wait3A_141 = arith.constant 0 : i32
        %dma_wait3A_142 = tpu.memref_slice %arg7[%add3A_134, %dma_wait3A_135, %dma_wait3A_141] : memref<125x2x80xi32, #tpu.memory_space<vmem>> -> memref<1x1x80xi32, #tpu.memory_space<vmem>>
        %dma_wait3A_143 = tpu.memref_squeeze %dma_wait3A_142 : memref<1x1x80xi32, #tpu.memory_space<vmem>> -> memref<80xi32, #tpu.memory_space<vmem>>
        %dma_wait3A_144 = arith.constant 0 : i32
        %dma_wait3A_145 = arith.constant 0 : i32
        %dma_wait3A_146 = tpu.memref_slice %arg3[%dma_wait3A_144, %dma_wait3A_145] : memref<10000x160xbf16, #tpu.memory_space<hbm>> -> memref<10000x160xbf16, #tpu.memory_space<hbm>>
        tpu.wait_indirect_dma semaphore(%arg10 : memref<!tpu.dma_semaphore, #tpu.memory_space<semaphore_mem>>) src(%dma_wait3A_146 : memref<10000x160xbf16, #tpu.memory_space<hbm>>) dst(%dma_wait3A_140 : memref<80x160xbf16, #tpu.memory_space<vmem>>)
        %run_scoped3A_147 = arith.constant 1 : i32
        %run_scoped3A_148 = arith.constant 1 : i32
        "tpu.region"() ({
          %run_scoped3A_226 = tpu.sem_alloc : memref<!tpu.dma_semaphore, #tpu.memory_space<semaphore_mem>>
          %dma_start3A_227 = arith.constant 0 : i32
          %dma_start3A_228 = arith.constant 0 : i32
          %dma_start3A_229 = tpu.memref_slice %arg8[%run_scoped3A_147, %dma_start3A_227, %dma_start3A_228] : memref<5x80x160xbf16, #tpu.memory_space<vmem>> -> memref<1x80x160xbf16, #tpu.memory_space<vmem>>
          %dma_start3A_230 = tpu.memref_squeeze %dma_start3A_229 : memref<1x80x160xbf16, #tpu.memory_space<vmem>> -> memref<80x160xbf16, #tpu.memory_space<vmem>>
          %dma_start3A_231 = arith.constant 0 : i32
          %dma_start3A_232 = tpu.memref_slice %arg7[%add3A_134, %run_scoped3A_148, %dma_start3A_231] : memref<125x2x80xi32, #tpu.memory_space<vmem>> -> memref<1x1x80xi32, #tpu.memory_space<vmem>>
          %dma_start3A_233 = tpu.memref_squeeze %dma_start3A_232 : memref<1x1x80xi32, #tpu.memory_space<vmem>> -> memref<80xi32, #tpu.memory_space<vmem>>
          %dma_start3A_234 = arith.constant 0 : i32
          %dma_start3A_235 = arith.constant 0 : i32
          %dma_start3A_236 = tpu.memref_slice %arg6[%dma_start3A_234, %dma_start3A_235] : memref<10240x160xbf16, #tpu.memory_space<vmem_shared>> -> memref<10240x160xbf16, #tpu.memory_space<vmem_shared>>
          tpu.enqueue_indirect_dma source(%dma_start3A_230 : memref<80x160xbf16, #tpu.memory_space<vmem>>) target(%dma_start3A_236 : memref<10240x160xbf16, #tpu.memory_space<vmem_shared>>) offsets(%dma_start3A_233 : memref<80xi32, #tpu.memory_space<vmem>>) semaphore(%run_scoped3A_226 : memref<!tpu.dma_semaphore, #tpu.memory_space<semaphore_mem>>) {add = true}
          %dma_wait3A_237 = arith.constant 0 : i32
          %dma_wait3A_238 = arith.constant 0 : i32
          %dma_wait3A_239 = tpu.memref_slice %arg8[%run_scoped3A_147, %dma_wait3A_237, %dma_wait3A_238] : memref<5x80x160xbf16, #tpu.memory_space<vmem>> -> memref<1x80x160xbf16, #tpu.memory_space<vmem>>
          %dma_wait3A_240 = tpu.memref_squeeze %dma_wait3A_239 : memref<1x80x160xbf16, #tpu.memory_space<vmem>> -> memref<80x160xbf16, #tpu.memory_space<vmem>>
          %dma_wait3A_241 = arith.constant 0 : i32
          %dma_wait3A_242 = tpu.memref_slice %arg7[%add3A_134, %run_scoped3A_148, %dma_wait3A_241] : memref<125x2x80xi32, #tpu.memory_space<vmem>> -> memref<1x1x80xi32, #tpu.memory_space<vmem>>
          %dma_wait3A_243 = tpu.memref_squeeze %dma_wait3A_242 : memref<1x1x80xi32, #tpu.memory_space<vmem>> -> memref<80xi32, #tpu.memory_space<vmem>>
          %dma_wait3A_244 = arith.constant 0 : i32
          %dma_wait3A_245 = arith.constant 0 : i32
          %dma_wait3A_246 = tpu.memref_slice %arg6[%dma_wait3A_244, %dma_wait3A_245] : memref<10240x160xbf16, #tpu.memory_space<vmem_shared>> -> memref<10240x160xbf16, #tpu.memory_space<vmem_shared>>
          tpu.wait_indirect_dma semaphore(%run_scoped3A_226 : memref<!tpu.dma_semaphore, #tpu.memory_space<semaphore_mem>>) src(%dma_wait3A_240 : memref<80x160xbf16, #tpu.memory_space<vmem>>) dst(%dma_wait3A_246 : memref<10240x160xbf16, #tpu.memory_space<vmem_shared>>)
          tpu.yield
        }) : () -> ()
        %add3A_149 = arith.constant 5 : i32
        %add3A_150 = arith.addi %add3A_134, %add3A_149 : i32
        %lt3A_151 = arith.constant 125 : i32
        %lt3A_152 = arith.cmpi slt, %add3A_150, %lt3A_151 : i32
        %convert_element_type3A_153 = arith.extui %lt3A_152 : i1 to i32
        %cond3A_154 = arith.constant 0 : i32
        %cond3A_155 = arith.cmpi ne, %convert_element_type3A_153, %cond3A_154 : i32
        scf.if %cond3A_155 {
          %dma_start3A_226 = arith.constant 0 : i32
          %dma_start3A_227 = arith.constant 1 : i32
          %dma_start3A_228 = arith.constant 0 : i32
          %dma_start3A_229 = arith.constant 0 : i32
          %dma_start3A_230 = tpu.memref_slice %arg8[%dma_start3A_227, %dma_start3A_228, %dma_start3A_229] : memref<5x80x160xbf16, #tpu.memory_space<vmem>> -> memref<1x80x160xbf16, #tpu.memory_space<vmem>>
          %dma_start3A_231 = tpu.memref_squeeze %dma_start3A_230 : memref<1x80x160xbf16, #tpu.memory_space<vmem>> -> memref<80x160xbf16, #tpu.memory_space<vmem>>
          %dma_start3A_232 = arith.constant 0 : i32
          %dma_start3A_233 = tpu.memref_slice %arg7[%add3A_150, %dma_start3A_226, %dma_start3A_232] : memref<125x2x80xi32, #tpu.memory_space<vmem>> -> memref<1x1x80xi32, #tpu.memory_space<vmem>>
          %dma_start3A_234 = tpu.memref_squeeze %dma_start3A_233 : memref<1x1x80xi32, #tpu.memory_space<vmem>> -> memref<80xi32, #tpu.memory_space<vmem>>
          %dma_start3A_235 = arith.constant 0 : i32
          %dma_start3A_236 = arith.constant 0 : i32
          %dma_start3A_237 = tpu.memref_slice %arg3[%dma_start3A_235, %dma_start3A_236] : memref<10000x160xbf16, #tpu.memory_space<hbm>> -> memref<10000x160xbf16, #tpu.memory_space<hbm>>
          tpu.enqueue_indirect_dma source(%dma_start3A_237 : memref<10000x160xbf16, #tpu.memory_space<hbm>>) target(%dma_start3A_231 : memref<80x160xbf16, #tpu.memory_space<vmem>>) offsets(%dma_start3A_234 : memref<80xi32, #tpu.memory_space<vmem>>) semaphore(%arg10 : memref<!tpu.dma_semaphore, #tpu.memory_space<semaphore_mem>>)
        } else {
        }
        %add3A_156 = arith.constant 2 : i32
        %add3A_157 = arith.addi %mul3A_111, %add3A_156 : i32
        %dma_wait3A_158 = arith.constant 0 : i32
        %dma_wait3A_159 = arith.constant 2 : i32
        %dma_wait3A_160 = arith.constant 0 : i32
        %dma_wait3A_161 = arith.constant 0 : i32
        %dma_wait3A_162 = tpu.memref_slice %arg8[%dma_wait3A_159, %dma_wait3A_160, %dma_wait3A_161] : memref<5x80x160xbf16, #tpu.memory_space<vmem>> -> memref<1x80x160xbf16, #tpu.memory_space<vmem>>
        %dma_wait3A_163 = tpu.memref_squeeze %dma_wait3A_162 : memref<1x80x160xbf16, #tpu.memory_space<vmem>> -> memref<80x160xbf16, #tpu.memory_space<vmem>>
        %dma_wait3A_164 = arith.constant 0 : i32
        %dma_wait3A_165 = tpu.memref_slice %arg7[%add3A_157, %dma_wait3A_158, %dma_wait3A_164] : memref<125x2x80xi32, #tpu.memory_space<vmem>> -> memref<1x1x80xi32, #tpu.memory_space<vmem>>
        %dma_wait3A_166 = tpu.memref_squeeze %dma_wait3A_165 : memref<1x1x80xi32, #tpu.memory_space<vmem>> -> memref<80xi32, #tpu.memory_space<vmem>>
        %dma_wait3A_167 = arith.constant 0 : i32
        %dma_wait3A_168 = arith.constant 0 : i32
        %dma_wait3A_169 = tpu.memref_slice %arg3[%dma_wait3A_167, %dma_wait3A_168] : memref<10000x160xbf16, #tpu.memory_space<hbm>> -> memref<10000x160xbf16, #tpu.memory_space<hbm>>
        tpu.wait_indirect_dma semaphore(%arg11 : memref<!tpu.dma_semaphore, #tpu.memory_space<semaphore_mem>>) src(%dma_wait3A_169 : memref<10000x160xbf16, #tpu.memory_space<hbm>>) dst(%dma_wait3A_163 : memref<80x160xbf16, #tpu.memory_space<vmem>>)
        %run_scoped3A_170 = arith.constant 2 : i32
        %run_scoped3A_171 = arith.constant 1 : i32
        "tpu.region"() ({
          %run_scoped3A_226 = tpu.sem_alloc : memref<!tpu.dma_semaphore, #tpu.memory_space<semaphore_mem>>
          %dma_start3A_227 = arith.constant 0 : i32
          %dma_start3A_228 = arith.constant 0 : i32
          %dma_start3A_229 = tpu.memref_slice %arg8[%run_scoped3A_170, %dma_start3A_227, %dma_start3A_228] : memref<5x80x160xbf16, #tpu.memory_space<vmem>> -> memref<1x80x160xbf16, #tpu.memory_space<vmem>>
          %dma_start3A_230 = tpu.memref_squeeze %dma_start3A_229 : memref<1x80x160xbf16, #tpu.memory_space<vmem>> -> memref<80x160xbf16, #tpu.memory_space<vmem>>
          %dma_start3A_231 = arith.constant 0 : i32
          %dma_start3A_232 = tpu.memref_slice %arg7[%add3A_157, %run_scoped3A_171, %dma_start3A_231] : memref<125x2x80xi32, #tpu.memory_space<vmem>> -> memref<1x1x80xi32, #tpu.memory_space<vmem>>
          %dma_start3A_233 = tpu.memref_squeeze %dma_start3A_232 : memref<1x1x80xi32, #tpu.memory_space<vmem>> -> memref<80xi32, #tpu.memory_space<vmem>>
          %dma_start3A_234 = arith.constant 0 : i32
          %dma_start3A_235 = arith.constant 0 : i32
          %dma_start3A_236 = tpu.memref_slice %arg6[%dma_start3A_234, %dma_start3A_235] : memref<10240x160xbf16, #tpu.memory_space<vmem_shared>> -> memref<10240x160xbf16, #tpu.memory_space<vmem_shared>>
          tpu.enqueue_indirect_dma source(%dma_start3A_230 : memref<80x160xbf16, #tpu.memory_space<vmem>>) target(%dma_start3A_236 : memref<10240x160xbf16, #tpu.memory_space<vmem_shared>>) offsets(%dma_start3A_233 : memref<80xi32, #tpu.memory_space<vmem>>) semaphore(%run_scoped3A_226 : memref<!tpu.dma_semaphore, #tpu.memory_space<semaphore_mem>>) {add = true}
          %dma_wait3A_237 = arith.constant 0 : i32
          %dma_wait3A_238 = arith.constant 0 : i32
          %dma_wait3A_239 = tpu.memref_slice %arg8[%run_scoped3A_170, %dma_wait3A_237, %dma_wait3A_238] : memref<5x80x160xbf16, #tpu.memory_space<vmem>> -> memref<1x80x160xbf16, #tpu.memory_space<vmem>>
          %dma_wait3A_240 = tpu.memref_squeeze %dma_wait3A_239 : memref<1x80x160xbf16, #tpu.memory_space<vmem>> -> memref<80x160xbf16, #tpu.memory_space<vmem>>
          %dma_wait3A_241 = arith.constant 0 : i32
          %dma_wait3A_242 = tpu.memref_slice %arg7[%add3A_157, %run_scoped3A_171, %dma_wait3A_241] : memref<125x2x80xi32, #tpu.memory_space<vmem>> -> memref<1x1x80xi32, #tpu.memory_space<vmem>>
          %dma_wait3A_243 = tpu.memref_squeeze %dma_wait3A_242 : memref<1x1x80xi32, #tpu.memory_space<vmem>> -> memref<80xi32, #tpu.memory_space<vmem>>
          %dma_wait3A_244 = arith.constant 0 : i32
          %dma_wait3A_245 = arith.constant 0 : i32
          %dma_wait3A_246 = tpu.memref_slice %arg6[%dma_wait3A_244, %dma_wait3A_245] : memref<10240x160xbf16, #tpu.memory_space<vmem_shared>> -> memref<10240x160xbf16, #tpu.memory_space<vmem_shared>>
          tpu.wait_indirect_dma semaphore(%run_scoped3A_226 : memref<!tpu.dma_semaphore, #tpu.memory_space<semaphore_mem>>) src(%dma_wait3A_240 : memref<80x160xbf16, #tpu.memory_space<vmem>>) dst(%dma_wait3A_246 : memref<10240x160xbf16, #tpu.memory_space<vmem_shared>>)
          tpu.yield
        }) : () -> ()
        %add3A_172 = arith.constant 5 : i32
        %add3A_173 = arith.addi %add3A_157, %add3A_172 : i32
        %lt3A_174 = arith.constant 125 : i32
        %lt3A_175 = arith.cmpi slt, %add3A_173, %lt3A_174 : i32
        %convert_element_type3A_176 = arith.extui %lt3A_175 : i1 to i32
        %cond3A_177 = arith.constant 0 : i32
        %cond3A_178 = arith.cmpi ne, %convert_element_type3A_176, %cond3A_177 : i32
        scf.if %cond3A_178 {
          %dma_start3A_226 = arith.constant 0 : i32
          %dma_start3A_227 = arith.constant 2 : i32
          %dma_start3A_228 = arith.constant 0 : i32
          %dma_start3A_229 = arith.constant 0 : i32
          %dma_start3A_230 = tpu.memref_slice %arg8[%dma_start3A_227, %dma_start3A_228, %dma_start3A_229] : memref<5x80x160xbf16, #tpu.memory_space<vmem>> -> memref<1x80x160xbf16, #tpu.memory_space<vmem>>
          %dma_start3A_231 = tpu.memref_squeeze %dma_start3A_230 : memref<1x80x160xbf16, #tpu.memory_space<vmem>> -> memref<80x160xbf16, #tpu.memory_space<vmem>>
          %dma_start3A_232 = arith.constant 0 : i32
          %dma_start3A_233 = tpu.memref_slice %arg7[%add3A_173, %dma_start3A_226, %dma_start3A_232] : memref<125x2x80xi32, #tpu.memory_space<vmem>> -> memref<1x1x80xi32, #tpu.memory_space<vmem>>
          %dma_start3A_234 = tpu.memref_squeeze %dma_start3A_233 : memref<1x1x80xi32, #tpu.memory_space<vmem>> -> memref<80xi32, #tpu.memory_space<vmem>>
          %dma_start3A_235 = arith.constant 0 : i32
          %dma_start3A_236 = arith.constant 0 : i32
          %dma_start3A_237 = tpu.memref_slice %arg3[%dma_start3A_235, %dma_start3A_236] : memref<10000x160xbf16, #tpu.memory_space<hbm>> -> memref<10000x160xbf16, #tpu.memory_space<hbm>>
          tpu.enqueue_indirect_dma source(%dma_start3A_237 : memref<10000x160xbf16, #tpu.memory_space<hbm>>) target(%dma_start3A_231 : memref<80x160xbf16, #tpu.memory_space<vmem>>) offsets(%dma_start3A_234 : memref<80xi32, #tpu.memory_space<vmem>>) semaphore(%arg11 : memref<!tpu.dma_semaphore, #tpu.memory_space<semaphore_mem>>)
        } else {
        }
        %add3A_179 = arith.constant 3 : i32
        %add3A_180 = arith.addi %mul3A_111, %add3A_179 : i32
        %dma_wait3A_181 = arith.constant 0 : i32
        %dma_wait3A_182 = arith.constant 3 : i32
        %dma_wait3A_183 = arith.constant 0 : i32
        %dma_wait3A_184 = arith.constant 0 : i32
        %dma_wait3A_185 = tpu.memref_slice %arg8[%dma_wait3A_182, %dma_wait3A_183, %dma_wait3A_184] : memref<5x80x160xbf16, #tpu.memory_space<vmem>> -> memref<1x80x160xbf16, #tpu.memory_space<vmem>>
        %dma_wait3A_186 = tpu.memref_squeeze %dma_wait3A_185 : memref<1x80x160xbf16, #tpu.memory_space<vmem>> -> memref<80x160xbf16, #tpu.memory_space<vmem>>
        %dma_wait3A_187 = arith.constant 0 : i32
        %dma_wait3A_188 = tpu.memref_slice %arg7[%add3A_180, %dma_wait3A_181, %dma_wait3A_187] : memref<125x2x80xi32, #tpu.memory_space<vmem>> -> memref<1x1x80xi32, #tpu.memory_space<vmem>>
        %dma_wait3A_189 = tpu.memref_squeeze %dma_wait3A_188 : memref<1x1x80xi32, #tpu.memory_space<vmem>> -> memref<80xi32, #tpu.memory_space<vmem>>
        %dma_wait3A_190 = arith.constant 0 : i32
        %dma_wait3A_191 = arith.constant 0 : i32
        %dma_wait3A_192 = tpu.memref_slice %arg3[%dma_wait3A_190, %dma_wait3A_191] : memref<10000x160xbf16, #tpu.memory_space<hbm>> -> memref<10000x160xbf16, #tpu.memory_space<hbm>>
        tpu.wait_indirect_dma semaphore(%arg12 : memref<!tpu.dma_semaphore, #tpu.memory_space<semaphore_mem>>) src(%dma_wait3A_192 : memref<10000x160xbf16, #tpu.memory_space<hbm>>) dst(%dma_wait3A_186 : memref<80x160xbf16, #tpu.memory_space<vmem>>)
        %run_scoped3A_193 = arith.constant 3 : i32
        %run_scoped3A_194 = arith.constant 1 : i32
        "tpu.region"() ({
          %run_scoped3A_226 = tpu.sem_alloc : memref<!tpu.dma_semaphore, #tpu.memory_space<semaphore_mem>>
          %dma_start3A_227 = arith.constant 0 : i32
          %dma_start3A_228 = arith.constant 0 : i32
          %dma_start3A_229 = tpu.memref_slice %arg8[%run_scoped3A_193, %dma_start3A_227, %dma_start3A_228] : memref<5x80x160xbf16, #tpu.memory_space<vmem>> -> memref<1x80x160xbf16, #tpu.memory_space<vmem>>
          %dma_start3A_230 = tpu.memref_squeeze %dma_start3A_229 : memref<1x80x160xbf16, #tpu.memory_space<vmem>> -> memref<80x160xbf16, #tpu.memory_space<vmem>>
          %dma_start3A_231 = arith.constant 0 : i32
          %dma_start3A_232 = tpu.memref_slice %arg7[%add3A_180, %run_scoped3A_194, %dma_start3A_231] : memref<125x2x80xi32, #tpu.memory_space<vmem>> -> memref<1x1x80xi32, #tpu.memory_space<vmem>>
          %dma_start3A_233 = tpu.memref_squeeze %dma_start3A_232 : memref<1x1x80xi32, #tpu.memory_space<vmem>> -> memref<80xi32, #tpu.memory_space<vmem>>
          %dma_start3A_234 = arith.constant 0 : i32
          %dma_start3A_235 = arith.constant 0 : i32
          %dma_start3A_236 = tpu.memref_slice %arg6[%dma_start3A_234, %dma_start3A_235] : memref<10240x160xbf16, #tpu.memory_space<vmem_shared>> -> memref<10240x160xbf16, #tpu.memory_space<vmem_shared>>
          tpu.enqueue_indirect_dma source(%dma_start3A_230 : memref<80x160xbf16, #tpu.memory_space<vmem>>) target(%dma_start3A_236 : memref<10240x160xbf16, #tpu.memory_space<vmem_shared>>) offsets(%dma_start3A_233 : memref<80xi32, #tpu.memory_space<vmem>>) semaphore(%run_scoped3A_226 : memref<!tpu.dma_semaphore, #tpu.memory_space<semaphore_mem>>) {add = true}
          %dma_wait3A_237 = arith.constant 0 : i32
          %dma_wait3A_238 = arith.constant 0 : i32
          %dma_wait3A_239 = tpu.memref_slice %arg8[%run_scoped3A_193, %dma_wait3A_237, %dma_wait3A_238] : memref<5x80x160xbf16, #tpu.memory_space<vmem>> -> memref<1x80x160xbf16, #tpu.memory_space<vmem>>
          %dma_wait3A_240 = tpu.memref_squeeze %dma_wait3A_239 : memref<1x80x160xbf16, #tpu.memory_space<vmem>> -> memref<80x160xbf16, #tpu.memory_space<vmem>>
          %dma_wait3A_241 = arith.constant 0 : i32
          %dma_wait3A_242 = tpu.memref_slice %arg7[%add3A_180, %run_scoped3A_194, %dma_wait3A_241] : memref<125x2x80xi32, #tpu.memory_space<vmem>> -> memref<1x1x80xi32, #tpu.memory_space<vmem>>
          %dma_wait3A_243 = tpu.memref_squeeze %dma_wait3A_242 : memref<1x1x80xi32, #tpu.memory_space<vmem>> -> memref<80xi32, #tpu.memory_space<vmem>>
          %dma_wait3A_244 = arith.constant 0 : i32
          %dma_wait3A_245 = arith.constant 0 : i32
          %dma_wait3A_246 = tpu.memref_slice %arg6[%dma_wait3A_244, %dma_wait3A_245] : memref<10240x160xbf16, #tpu.memory_space<vmem_shared>> -> memref<10240x160xbf16, #tpu.memory_space<vmem_shared>>
          tpu.wait_indirect_dma semaphore(%run_scoped3A_226 : memref<!tpu.dma_semaphore, #tpu.memory_space<semaphore_mem>>) src(%dma_wait3A_240 : memref<80x160xbf16, #tpu.memory_space<vmem>>) dst(%dma_wait3A_246 : memref<10240x160xbf16, #tpu.memory_space<vmem_shared>>)
          tpu.yield
        }) : () -> ()
        %add3A_195 = arith.constant 5 : i32
        %add3A_196 = arith.addi %add3A_180, %add3A_195 : i32
        %lt3A_197 = arith.constant 125 : i32
        %lt3A_198 = arith.cmpi slt, %add3A_196, %lt3A_197 : i32
        %convert_element_type3A_199 = arith.extui %lt3A_198 : i1 to i32
        %cond3A_200 = arith.constant 0 : i32
        %cond3A_201 = arith.cmpi ne, %convert_element_type3A_199, %cond3A_200 : i32
        scf.if %cond3A_201 {
          %dma_start3A_226 = arith.constant 0 : i32
          %dma_start3A_227 = arith.constant 3 : i32
          %dma_start3A_228 = arith.constant 0 : i32
          %dma_start3A_229 = arith.constant 0 : i32
          %dma_start3A_230 = tpu.memref_slice %arg8[%dma_start3A_227, %dma_start3A_228, %dma_start3A_229] : memref<5x80x160xbf16, #tpu.memory_space<vmem>> -> memref<1x80x160xbf16, #tpu.memory_space<vmem>>
          %dma_start3A_231 = tpu.memref_squeeze %dma_start3A_230 : memref<1x80x160xbf16, #tpu.memory_space<vmem>> -> memref<80x160xbf16, #tpu.memory_space<vmem>>
          %dma_start3A_232 = arith.constant 0 : i32
          %dma_start3A_233 = tpu.memref_slice %arg7[%add3A_196, %dma_start3A_226, %dma_start3A_232] : memref<125x2x80xi32, #tpu.memory_space<vmem>> -> memref<1x1x80xi32, #tpu.memory_space<vmem>>
          %dma_start3A_234 = tpu.memref_squeeze %dma_start3A_233 : memref<1x1x80xi32, #tpu.memory_space<vmem>> -> memref<80xi32, #tpu.memory_space<vmem>>
          %dma_start3A_235 = arith.constant 0 : i32
          %dma_start3A_236 = arith.constant 0 : i32
          %dma_start3A_237 = tpu.memref_slice %arg3[%dma_start3A_235, %dma_start3A_236] : memref<10000x160xbf16, #tpu.memory_space<hbm>> -> memref<10000x160xbf16, #tpu.memory_space<hbm>>
          tpu.enqueue_indirect_dma source(%dma_start3A_237 : memref<10000x160xbf16, #tpu.memory_space<hbm>>) target(%dma_start3A_231 : memref<80x160xbf16, #tpu.memory_space<vmem>>) offsets(%dma_start3A_234 : memref<80xi32, #tpu.memory_space<vmem>>) semaphore(%arg12 : memref<!tpu.dma_semaphore, #tpu.memory_space<semaphore_mem>>)
        } else {
        }
        %add3A_202 = arith.constant 4 : i32
        %add3A_203 = arith.addi %mul3A_111, %add3A_202 : i32
        %dma_wait3A_204 = arith.constant 0 : i32
        %dma_wait3A_205 = arith.constant 4 : i32
        %dma_wait3A_206 = arith.constant 0 : i32
        %dma_wait3A_207 = arith.constant 0 : i32
        %dma_wait3A_208 = tpu.memref_slice %arg8[%dma_wait3A_205, %dma_wait3A_206, %dma_wait3A_207] : memref<5x80x160xbf16, #tpu.memory_space<vmem>> -> memref<1x80x160xbf16, #tpu.memory_space<vmem>>
        %dma_wait3A_209 = tpu.memref_squeeze %dma_wait3A_208 : memref<1x80x160xbf16, #tpu.memory_space<vmem>> -> memref<80x160xbf16, #tpu.memory_space<vmem>>
        %dma_wait3A_210 = arith.constant 0 : i32
        %dma_wait3A_211 = tpu.memref_slice %arg7[%add3A_203, %dma_wait3A_204, %dma_wait3A_210] : memref<125x2x80xi32, #tpu.memory_space<vmem>> -> memref<1x1x80xi32, #tpu.memory_space<vmem>>
        %dma_wait3A_212 = tpu.memref_squeeze %dma_wait3A_211 : memref<1x1x80xi32, #tpu.memory_space<vmem>> -> memref<80xi32, #tpu.memory_space<vmem>>
        %dma_wait3A_213 = arith.constant 0 : i32
        %dma_wait3A_214 = arith.constant 0 : i32
        %dma_wait3A_215 = tpu.memref_slice %arg3[%dma_wait3A_213, %dma_wait3A_214] : memref<10000x160xbf16, #tpu.memory_space<hbm>> -> memref<10000x160xbf16, #tpu.memory_space<hbm>>
        tpu.wait_indirect_dma semaphore(%arg13 : memref<!tpu.dma_semaphore, #tpu.memory_space<semaphore_mem>>) src(%dma_wait3A_215 : memref<10000x160xbf16, #tpu.memory_space<hbm>>) dst(%dma_wait3A_209 : memref<80x160xbf16, #tpu.memory_space<vmem>>)
        %run_scoped3A_216 = arith.constant 4 : i32
        %run_scoped3A_217 = arith.constant 1 : i32
        "tpu.region"() ({
          %run_scoped3A_226 = tpu.sem_alloc : memref<!tpu.dma_semaphore, #tpu.memory_space<semaphore_mem>>
          %dma_start3A_227 = arith.constant 0 : i32
          %dma_start3A_228 = arith.constant 0 : i32
          %dma_start3A_229 = tpu.memref_slice %arg8[%run_scoped3A_216, %dma_start3A_227, %dma_start3A_228] : memref<5x80x160xbf16, #tpu.memory_space<vmem>> -> memref<1x80x160xbf16, #tpu.memory_space<vmem>>
          %dma_start3A_230 = tpu.memref_squeeze %dma_start3A_229 : memref<1x80x160xbf16, #tpu.memory_space<vmem>> -> memref<80x160xbf16, #tpu.memory_space<vmem>>
          %dma_start3A_231 = arith.constant 0 : i32
          %dma_start3A_232 = tpu.memref_slice %arg7[%add3A_203, %run_scoped3A_217, %dma_start3A_231] : memref<125x2x80xi32, #tpu.memory_space<vmem>> -> memref<1x1x80xi32, #tpu.memory_space<vmem>>
          %dma_start3A_233 = tpu.memref_squeeze %dma_start3A_232 : memref<1x1x80xi32, #tpu.memory_space<vmem>> -> memref<80xi32, #tpu.memory_space<vmem>>
          %dma_start3A_234 = arith.constant 0 : i32
          %dma_start3A_235 = arith.constant 0 : i32
          %dma_start3A_236 = tpu.memref_slice %arg6[%dma_start3A_234, %dma_start3A_235] : memref<10240x160xbf16, #tpu.memory_space<vmem_shared>> -> memref<10240x160xbf16, #tpu.memory_space<vmem_shared>>
          tpu.enqueue_indirect_dma source(%dma_start3A_230 : memref<80x160xbf16, #tpu.memory_space<vmem>>) target(%dma_start3A_236 : memref<10240x160xbf16, #tpu.memory_space<vmem_shared>>) offsets(%dma_start3A_233 : memref<80xi32, #tpu.memory_space<vmem>>) semaphore(%run_scoped3A_226 : memref<!tpu.dma_semaphore, #tpu.memory_space<semaphore_mem>>) {add = true}
          %dma_wait3A_237 = arith.constant 0 : i32
          %dma_wait3A_238 = arith.constant 0 : i32
          %dma_wait3A_239 = tpu.memref_slice %arg8[%run_scoped3A_216, %dma_wait3A_237, %dma_wait3A_238] : memref<5x80x160xbf16, #tpu.memory_space<vmem>> -> memref<1x80x160xbf16, #tpu.memory_space<vmem>>
          %dma_wait3A_240 = tpu.memref_squeeze %dma_wait3A_239 : memref<1x80x160xbf16, #tpu.memory_space<vmem>> -> memref<80x160xbf16, #tpu.memory_space<vmem>>
          %dma_wait3A_241 = arith.constant 0 : i32
          %dma_wait3A_242 = tpu.memref_slice %arg7[%add3A_203, %run_scoped3A_217, %dma_wait3A_241] : memref<125x2x80xi32, #tpu.memory_space<vmem>> -> memref<1x1x80xi32, #tpu.memory_space<vmem>>
          %dma_wait3A_243 = tpu.memref_squeeze %dma_wait3A_242 : memref<1x1x80xi32, #tpu.memory_space<vmem>> -> memref<80xi32, #tpu.memory_space<vmem>>
          %dma_wait3A_244 = arith.constant 0 : i32
          %dma_wait3A_245 = arith.constant 0 : i32
          %dma_wait3A_246 = tpu.memref_slice %arg6[%dma_wait3A_244, %dma_wait3A_245] : memref<10240x160xbf16, #tpu.memory_space<vmem_shared>> -> memref<10240x160xbf16, #tpu.memory_space<vmem_shared>>
          tpu.wait_indirect_dma semaphore(%run_scoped3A_226 : memref<!tpu.dma_semaphore, #tpu.memory_space<semaphore_mem>>) src(%dma_wait3A_240 : memref<80x160xbf16, #tpu.memory_space<vmem>>) dst(%dma_wait3A_246 : memref<10240x160xbf16, #tpu.memory_space<vmem_shared>>)
          tpu.yield
        }) : () -> ()
        %add3A_218 = arith.constant 5 : i32
        %add3A_219 = arith.addi %add3A_203, %add3A_218 : i32
        %lt3A_220 = arith.constant 125 : i32
        %lt3A_221 = arith.cmpi slt, %add3A_219, %lt3A_220 : i32
        %convert_element_type3A_222 = arith.extui %lt3A_221 : i1 to i32
        %cond3A_223 = arith.constant 0 : i32
        %cond3A_224 = arith.cmpi ne, %convert_element_type3A_222, %cond3A_223 : i32
        scf.if %cond3A_224 {
          %dma_start3A_226 = arith.constant 0 : i32
          %dma_start3A_227 = arith.constant 4 : i32
          %dma_start3A_228 = arith.constant 0 : i32
          %dma_start3A_229 = arith.constant 0 : i32
          %dma_start3A_230 = tpu.memref_slice %arg8[%dma_start3A_227, %dma_start3A_228, %dma_start3A_229] : memref<5x80x160xbf16, #tpu.memory_space<vmem>> -> memref<1x80x160xbf16, #tpu.memory_space<vmem>>
          %dma_start3A_231 = tpu.memref_squeeze %dma_start3A_230 : memref<1x80x160xbf16, #tpu.memory_space<vmem>> -> memref<80x160xbf16, #tpu.memory_space<vmem>>
          %dma_start3A_232 = arith.constant 0 : i32
          %dma_start3A_233 = tpu.memref_slice %arg7[%add3A_219, %dma_start3A_226, %dma_start3A_232] : memref<125x2x80xi32, #tpu.memory_space<vmem>> -> memref<1x1x80xi32, #tpu.memory_space<vmem>>
          %dma_start3A_234 = tpu.memref_squeeze %dma_start3A_233 : memref<1x1x80xi32, #tpu.memory_space<vmem>> -> memref<80xi32, #tpu.memory_space<vmem>>
          %dma_start3A_235 = arith.constant 0 : i32
          %dma_start3A_236 = arith.constant 0 : i32
          %dma_start3A_237 = tpu.memref_slice %arg3[%dma_start3A_235, %dma_start3A_236] : memref<10000x160xbf16, #tpu.memory_space<hbm>> -> memref<10000x160xbf16, #tpu.memory_space<hbm>>
          tpu.enqueue_indirect_dma source(%dma_start3A_237 : memref<10000x160xbf16, #tpu.memory_space<hbm>>) target(%dma_start3A_231 : memref<80x160xbf16, #tpu.memory_space<vmem>>) offsets(%dma_start3A_234 : memref<80xi32, #tpu.memory_space<vmem>>) semaphore(%arg13 : memref<!tpu.dma_semaphore, #tpu.memory_space<semaphore_mem>>)
        } else {
        }
        %scan3A_225 = arith.constant 0 : i32
        scf.yield %scan3A_225 : i32
      }
      %scan3A_107 = arith.constant 25 : i32
    } else {
    }
    %barrier3A_36 = arith.constant 0 : index
    tpu.barrier barrier_id(%barrier3A_36)
    "tpu.region"() ({
      %run_scoped3A_37 = tpu.sem_alloc : memref<!tpu.dma_semaphore, #tpu.memory_space<semaphore_mem>>
      %dma_start3A = arith.constant 0 : i32
      %dma_start3A_38 = tpu.memref_slice %arg5[%arg0, %mul3A_0, %dma_start3A] : memref<2x10240x160xbf16, #tpu.memory_space<hbm>> -> memref<1x640x160xbf16, #tpu.memory_space<hbm>>
      %dma_start3A_39 = tpu.memref_squeeze %dma_start3A_38 : memref<1x640x160xbf16, #tpu.memory_space<hbm>> -> memref<640x160xbf16, #tpu.memory_space<hbm>>
      %dma_start3A_40 = arith.constant 0 : i32
      %dma_start3A_41 = tpu.memref_slice %arg6[%mul3A_0, %dma_start3A_40] : memref<10240x160xbf16, #tpu.memory_space<vmem_shared>> -> memref<640x160xbf16, #tpu.memory_space<vmem_shared>>
      tpu.enqueue_dma source(%dma_start3A_41 : memref<640x160xbf16, #tpu.memory_space<vmem_shared>>) target(%dma_start3A_39 : memref<640x160xbf16, #tpu.memory_space<hbm>>) target_semaphore(%run_scoped3A_37 : memref<!tpu.dma_semaphore, #tpu.memory_space<semaphore_mem>>)
      %dma_wait3A = arith.constant 0 : i32
      %dma_wait3A_42 = tpu.memref_slice %arg5[%arg0, %mul3A_0, %dma_wait3A] : memref<2x10240x160xbf16, #tpu.memory_space<hbm>> -> memref<1x640x160xbf16, #tpu.memory_space<hbm>>
      %dma_wait3A_43 = tpu.memref_squeeze %dma_wait3A_42 : memref<1x640x160xbf16, #tpu.memory_space<hbm>> -> memref<640x160xbf16, #tpu.memory_space<hbm>>
      %dma_wait3A_44 = arith.constant 0 : i32
      %dma_wait3A_45 = tpu.memref_slice %arg6[%mul3A_0, %dma_wait3A_44] : memref<10240x160xbf16, #tpu.memory_space<vmem_shared>> -> memref<640x160xbf16, #tpu.memory_space<vmem_shared>>
      tpu.wait_dma2 semaphore(%run_scoped3A_37 : memref<!tpu.dma_semaphore, #tpu.memory_space<semaphore_mem>>) src(%dma_wait3A_45 : memref<640x160xbf16, #tpu.memory_space<vmem_shared>>) dst(%dma_wait3A_43 : memref<640x160xbf16, #tpu.memory_space<hbm>>)
      tpu.yield
    }) : () -> ()
    return
  }
}

#map = affine_map<(d0, d1) -> (0, 0)>
#map1 = affine_map<(d0, d1) -> (0, 0, 0, 0)>
module attributes {stable_mosaic.version = 14 : i64} {
  func.func @_sc_ea_body(%arg0: i32, %arg1: i32, %arg2: memref<10000x16xf32, #tpu.memory_space<hbm>>, %arg3: memref<160000x16xf32, #tpu.memory_space<hbm>>, %arg4: memref<16x125x2x80xi32, #tpu.memory_space<hbm>>, %arg5: memref<10240x16xf32, #tpu.memory_space<hbm>>, %arg6: memref<10240x16xf32, #tpu.memory_space<hbm>>, %arg7: memref<10240x16xf32, #tpu.memory_space<vmem_shared>>, %arg8: memref<125x2x80xi32, #tpu.memory_space<vmem>>, %arg9: memref<400x16xf32, #tpu.memory_space<vmem>>, %arg10: memref<5x80x16xf32, #tpu.memory_space<vmem>>, %arg11: memref<!tpu.dma_semaphore, #tpu.memory_space<semaphore_mem>>, %arg12: memref<!tpu.dma_semaphore, #tpu.memory_space<semaphore_mem>>, %arg13: memref<!tpu.dma_semaphore, #tpu.memory_space<semaphore_mem>>, %arg14: memref<!tpu.dma_semaphore, #tpu.memory_space<semaphore_mem>>, %arg15: memref<!tpu.dma_semaphore, #tpu.memory_space<semaphore_mem>>) attributes {dimension_semantics = [#tpu.dimension_semantics<core_parallel>, #tpu.dimension_semantics<subcore_parallel>], iteration_bounds = array<i64: 2, 16>, scalar_prefetch = 0 : i64, scratch_operands = 9 : i64, tpu.core_type = #tpu.core_type<sc_vector_subcore>, window_params = [{transform_indices = #map}, {transform_indices = #map}, {transform_indices = #map1}, {transform_indices = #map}, {transform_indices = #map}]} {
    %mul3A = arith.constant 640 : i32
    %mul3A_0 = arith.muli %arg1, %mul3A : i32
    %scan3A = arith.constant 0 : i32
    %scan3A_1 = arith.constant 0 : i32
    %scan3A_2 = arith.constant 80 : i32
    %scan3A_3 = arith.addi %scan3A_1, %scan3A_2 : i32
    %scan3A_4 = arith.constant 1 : i32
    %scan3A_5 = scf.for %scan3A_42 = %scan3A_1 to %scan3A_3 step %scan3A_4 iter_args(%scan3A_43 = %scan3A) -> (i32)  : i32 {
      %broadcast_in_dim3A = arith.constant 0.000000e+00 : f32
      %broadcast_in_dim3A_44 = vector.broadcast %broadcast_in_dim3A : f32 to vector<16xf32>
      %swap3A = arith.index_cast %scan3A_42 : i32 to index
      %swap3A_45 = arith.constant 0 : index
      %swap3A_46 = tpu.vector_load %arg9[%swap3A, %swap3A_45] {strides = array<i32>} : memref<400x16xf32, #tpu.memory_space<vmem>>, vector<1x16xf32>,
      %swap3A_47 = vector.shape_cast %swap3A_46 : vector<1x16xf32> to vector<16xf32>
      %swap3A_48 = vector.shape_cast %broadcast_in_dim3A_44 : vector<16xf32> to vector<1x16xf32>
      tpu.vector_store %arg9[%swap3A, %swap3A_45], %swap3A_48 {strides = array<i32>} : memref<400x16xf32, #tpu.memory_space<vmem>>, vector<1x16xf32>,
      %scan3A_49 = arith.constant 0 : i32
      scf.yield %scan3A_49 : i32
    }
    %scan3A_6 = arith.constant 80 : i32
    %add3A = arith.constant 0 : i32
    %add3A_7 = arith.addi %mul3A_0, %add3A : i32
    "tpu.region"() ({
      %run_scoped3A = tpu.sem_alloc : memref<!tpu.dma_semaphore, #tpu.memory_space<semaphore_mem>>
      %dma_start3A = arith.constant 0 : i32
      %dma_start3A_42 = arith.constant 0 : i32
      %dma_start3A_43 = tpu.memref_slice %arg9[%dma_start3A, %dma_start3A_42] : memref<400x16xf32, #tpu.memory_space<vmem>> -> memref<80x16xf32, #tpu.memory_space<vmem>>
      %dma_start3A_44 = arith.constant 0 : i32
      %dma_start3A_45 = tpu.memref_slice %arg7[%add3A_7, %dma_start3A_44] : memref<10240x16xf32, #tpu.memory_space<vmem_shared>> -> memref<80x16xf32, #tpu.memory_space<vmem_shared>>
      %dma_start3A_46 = arith.constant 0 : i32
      %dma_start3A_47 = tpu.memref_slice %arg7[%add3A_7, %dma_start3A_46] : memref<10240x16xf32, #tpu.memory_space<vmem_shared>> -> memref<80x16xf32, #tpu.memory_space<vmem_shared>>
      %dma_start3A_48 = arith.constant 0 : i32
      %dma_start3A_49 = arith.constant 0 : i32
      %dma_start3A_50 = tpu.memref_slice %arg9[%dma_start3A_48, %dma_start3A_49] : memref<400x16xf32, #tpu.memory_space<vmem>> -> memref<80x16xf32, #tpu.memory_space<vmem>>
      tpu.enqueue_dma source(%dma_start3A_50 : memref<80x16xf32, #tpu.memory_space<vmem>>) target(%dma_start3A_47 : memref<80x16xf32, #tpu.memory_space<vmem_shared>>) target_semaphore(%run_scoped3A : memref<!tpu.dma_semaphore, #tpu.memory_space<semaphore_mem>>)
      %dma_wait3A = arith.constant 0 : i32
      %dma_wait3A_51 = arith.constant 0 : i32
      %dma_wait3A_52 = tpu.memref_slice %arg9[%dma_wait3A, %dma_wait3A_51] : memref<400x16xf32, #tpu.memory_space<vmem>> -> memref<80x16xf32, #tpu.memory_space<vmem>>
      %dma_wait3A_53 = arith.constant 0 : i32
      %dma_wait3A_54 = tpu.memref_slice %arg7[%add3A_7, %dma_wait3A_53] : memref<10240x16xf32, #tpu.memory_space<vmem_shared>> -> memref<80x16xf32, #tpu.memory_space<vmem_shared>>
      %dma_wait3A_55 = arith.constant 0 : i32
      %dma_wait3A_56 = tpu.memref_slice %arg7[%add3A_7, %dma_wait3A_55] : memref<10240x16xf32, #tpu.memory_space<vmem_shared>> -> memref<80x16xf32, #tpu.memory_space<vmem_shared>>
      %dma_wait3A_57 = arith.constant 0 : i32
      %dma_wait3A_58 = arith.constant 0 : i32
      %dma_wait3A_59 = tpu.memref_slice %arg9[%dma_wait3A_57, %dma_wait3A_58] : memref<400x16xf32, #tpu.memory_space<vmem>> -> memref<80x16xf32, #tpu.memory_space<vmem>>
      tpu.wait_dma2 semaphore(%run_scoped3A : memref<!tpu.dma_semaphore, #tpu.memory_space<semaphore_mem>>) src(%dma_wait3A_59 : memref<80x16xf32, #tpu.memory_space<vmem>>) dst(%dma_wait3A_56 : memref<80x16xf32, #tpu.memory_space<vmem_shared>>)
      tpu.yield
    }) : () -> ()
    %add3A_8 = arith.constant 80 : i32
    %add3A_9 = arith.addi %mul3A_0, %add3A_8 : i32
    "tpu.region"() ({
      %run_scoped3A = tpu.sem_alloc : memref<!tpu.dma_semaphore, #tpu.memory_space<semaphore_mem>>
      %dma_start3A = arith.constant 0 : i32
      %dma_start3A_42 = arith.constant 0 : i32
      %dma_start3A_43 = tpu.memref_slice %arg9[%dma_start3A, %dma_start3A_42] : memref<400x16xf32, #tpu.memory_space<vmem>> -> memref<80x16xf32, #tpu.memory_space<vmem>>
      %dma_start3A_44 = arith.constant 0 : i32
      %dma_start3A_45 = tpu.memref_slice %arg7[%add3A_9, %dma_start3A_44] : memref<10240x16xf32, #tpu.memory_space<vmem_shared>> -> memref<80x16xf32, #tpu.memory_space<vmem_shared>>
      %dma_start3A_46 = arith.constant 0 : i32
      %dma_start3A_47 = tpu.memref_slice %arg7[%add3A_9, %dma_start3A_46] : memref<10240x16xf32, #tpu.memory_space<vmem_shared>> -> memref<80x16xf32, #tpu.memory_space<vmem_shared>>
      %dma_start3A_48 = arith.constant 0 : i32
      %dma_start3A_49 = arith.constant 0 : i32
      %dma_start3A_50 = tpu.memref_slice %arg9[%dma_start3A_48, %dma_start3A_49] : memref<400x16xf32, #tpu.memory_space<vmem>> -> memref<80x16xf32, #tpu.memory_space<vmem>>
      tpu.enqueue_dma source(%dma_start3A_50 : memref<80x16xf32, #tpu.memory_space<vmem>>) target(%dma_start3A_47 : memref<80x16xf32, #tpu.memory_space<vmem_shared>>) target_semaphore(%run_scoped3A : memref<!tpu.dma_semaphore, #tpu.memory_space<semaphore_mem>>)
      %dma_wait3A = arith.constant 0 : i32
      %dma_wait3A_51 = arith.constant 0 : i32
      %dma_wait3A_52 = tpu.memref_slice %arg9[%dma_wait3A, %dma_wait3A_51] : memref<400x16xf32, #tpu.memory_space<vmem>> -> memref<80x16xf32, #tpu.memory_space<vmem>>
      %dma_wait3A_53 = arith.constant 0 : i32
      %dma_wait3A_54 = tpu.memref_slice %arg7[%add3A_9, %dma_wait3A_53] : memref<10240x16xf32, #tpu.memory_space<vmem_shared>> -> memref<80x16xf32, #tpu.memory_space<vmem_shared>>
      %dma_wait3A_55 = arith.constant 0 : i32
      %dma_wait3A_56 = tpu.memref_slice %arg7[%add3A_9, %dma_wait3A_55] : memref<10240x16xf32, #tpu.memory_space<vmem_shared>> -> memref<80x16xf32, #tpu.memory_space<vmem_shared>>
      %dma_wait3A_57 = arith.constant 0 : i32
      %dma_wait3A_58 = arith.constant 0 : i32
      %dma_wait3A_59 = tpu.memref_slice %arg9[%dma_wait3A_57, %dma_wait3A_58] : memref<400x16xf32, #tpu.memory_space<vmem>> -> memref<80x16xf32, #tpu.memory_space<vmem>>
      tpu.wait_dma2 semaphore(%run_scoped3A : memref<!tpu.dma_semaphore, #tpu.memory_space<semaphore_mem>>) src(%dma_wait3A_59 : memref<80x16xf32, #tpu.memory_space<vmem>>) dst(%dma_wait3A_56 : memref<80x16xf32, #tpu.memory_space<vmem_shared>>)
      tpu.yield
    }) : () -> ()
    %add3A_10 = arith.constant 160 : i32
    %add3A_11 = arith.addi %mul3A_0, %add3A_10 : i32
    "tpu.region"() ({
      %run_scoped3A = tpu.sem_alloc : memref<!tpu.dma_semaphore, #tpu.memory_space<semaphore_mem>>
      %dma_start3A = arith.constant 0 : i32
      %dma_start3A_42 = arith.constant 0 : i32
      %dma_start3A_43 = tpu.memref_slice %arg9[%dma_start3A, %dma_start3A_42] : memref<400x16xf32, #tpu.memory_space<vmem>> -> memref<80x16xf32, #tpu.memory_space<vmem>>
      %dma_start3A_44 = arith.constant 0 : i32
      %dma_start3A_45 = tpu.memref_slice %arg7[%add3A_11, %dma_start3A_44] : memref<10240x16xf32, #tpu.memory_space<vmem_shared>> -> memref<80x16xf32, #tpu.memory_space<vmem_shared>>
      %dma_start3A_46 = arith.constant 0 : i32
      %dma_start3A_47 = tpu.memref_slice %arg7[%add3A_11, %dma_start3A_46] : memref<10240x16xf32, #tpu.memory_space<vmem_shared>> -> memref<80x16xf32, #tpu.memory_space<vmem_shared>>
      %dma_start3A_48 = arith.constant 0 : i32
      %dma_start3A_49 = arith.constant 0 : i32
      %dma_start3A_50 = tpu.memref_slice %arg9[%dma_start3A_48, %dma_start3A_49] : memref<400x16xf32, #tpu.memory_space<vmem>> -> memref<80x16xf32, #tpu.memory_space<vmem>>
      tpu.enqueue_dma source(%dma_start3A_50 : memref<80x16xf32, #tpu.memory_space<vmem>>) target(%dma_start3A_47 : memref<80x16xf32, #tpu.memory_space<vmem_shared>>) target_semaphore(%run_scoped3A : memref<!tpu.dma_semaphore, #tpu.memory_space<semaphore_mem>>)
      %dma_wait3A = arith.constant 0 : i32
      %dma_wait3A_51 = arith.constant 0 : i32
      %dma_wait3A_52 = tpu.memref_slice %arg9[%dma_wait3A, %dma_wait3A_51] : memref<400x16xf32, #tpu.memory_space<vmem>> -> memref<80x16xf32, #tpu.memory_space<vmem>>
      %dma_wait3A_53 = arith.constant 0 : i32
      %dma_wait3A_54 = tpu.memref_slice %arg7[%add3A_11, %dma_wait3A_53] : memref<10240x16xf32, #tpu.memory_space<vmem_shared>> -> memref<80x16xf32, #tpu.memory_space<vmem_shared>>
      %dma_wait3A_55 = arith.constant 0 : i32
      %dma_wait3A_56 = tpu.memref_slice %arg7[%add3A_11, %dma_wait3A_55] : memref<10240x16xf32, #tpu.memory_space<vmem_shared>> -> memref<80x16xf32, #tpu.memory_space<vmem_shared>>
      %dma_wait3A_57 = arith.constant 0 : i32
      %dma_wait3A_58 = arith.constant 0 : i32
      %dma_wait3A_59 = tpu.memref_slice %arg9[%dma_wait3A_57, %dma_wait3A_58] : memref<400x16xf32, #tpu.memory_space<vmem>> -> memref<80x16xf32, #tpu.memory_space<vmem>>
      tpu.wait_dma2 semaphore(%run_scoped3A : memref<!tpu.dma_semaphore, #tpu.memory_space<semaphore_mem>>) src(%dma_wait3A_59 : memref<80x16xf32, #tpu.memory_space<vmem>>) dst(%dma_wait3A_56 : memref<80x16xf32, #tpu.memory_space<vmem_shared>>)
      tpu.yield
    }) : () -> ()
    %add3A_12 = arith.constant 240 : i32
    %add3A_13 = arith.addi %mul3A_0, %add3A_12 : i32
    "tpu.region"() ({
      %run_scoped3A = tpu.sem_alloc : memref<!tpu.dma_semaphore, #tpu.memory_space<semaphore_mem>>
      %dma_start3A = arith.constant 0 : i32
      %dma_start3A_42 = arith.constant 0 : i32
      %dma_start3A_43 = tpu.memref_slice %arg9[%dma_start3A, %dma_start3A_42] : memref<400x16xf32, #tpu.memory_space<vmem>> -> memref<80x16xf32, #tpu.memory_space<vmem>>
      %dma_start3A_44 = arith.constant 0 : i32
      %dma_start3A_45 = tpu.memref_slice %arg7[%add3A_13, %dma_start3A_44] : memref<10240x16xf32, #tpu.memory_space<vmem_shared>> -> memref<80x16xf32, #tpu.memory_space<vmem_shared>>
      %dma_start3A_46 = arith.constant 0 : i32
      %dma_start3A_47 = tpu.memref_slice %arg7[%add3A_13, %dma_start3A_46] : memref<10240x16xf32, #tpu.memory_space<vmem_shared>> -> memref<80x16xf32, #tpu.memory_space<vmem_shared>>
      %dma_start3A_48 = arith.constant 0 : i32
      %dma_start3A_49 = arith.constant 0 : i32
      %dma_start3A_50 = tpu.memref_slice %arg9[%dma_start3A_48, %dma_start3A_49] : memref<400x16xf32, #tpu.memory_space<vmem>> -> memref<80x16xf32, #tpu.memory_space<vmem>>
      tpu.enqueue_dma source(%dma_start3A_50 : memref<80x16xf32, #tpu.memory_space<vmem>>) target(%dma_start3A_47 : memref<80x16xf32, #tpu.memory_space<vmem_shared>>) target_semaphore(%run_scoped3A : memref<!tpu.dma_semaphore, #tpu.memory_space<semaphore_mem>>)
      %dma_wait3A = arith.constant 0 : i32
      %dma_wait3A_51 = arith.constant 0 : i32
      %dma_wait3A_52 = tpu.memref_slice %arg9[%dma_wait3A, %dma_wait3A_51] : memref<400x16xf32, #tpu.memory_space<vmem>> -> memref<80x16xf32, #tpu.memory_space<vmem>>
      %dma_wait3A_53 = arith.constant 0 : i32
      %dma_wait3A_54 = tpu.memref_slice %arg7[%add3A_13, %dma_wait3A_53] : memref<10240x16xf32, #tpu.memory_space<vmem_shared>> -> memref<80x16xf32, #tpu.memory_space<vmem_shared>>
      %dma_wait3A_55 = arith.constant 0 : i32
      %dma_wait3A_56 = tpu.memref_slice %arg7[%add3A_13, %dma_wait3A_55] : memref<10240x16xf32, #tpu.memory_space<vmem_shared>> -> memref<80x16xf32, #tpu.memory_space<vmem_shared>>
      %dma_wait3A_57 = arith.constant 0 : i32
      %dma_wait3A_58 = arith.constant 0 : i32
      %dma_wait3A_59 = tpu.memref_slice %arg9[%dma_wait3A_57, %dma_wait3A_58] : memref<400x16xf32, #tpu.memory_space<vmem>> -> memref<80x16xf32, #tpu.memory_space<vmem>>
      tpu.wait_dma2 semaphore(%run_scoped3A : memref<!tpu.dma_semaphore, #tpu.memory_space<semaphore_mem>>) src(%dma_wait3A_59 : memref<80x16xf32, #tpu.memory_space<vmem>>) dst(%dma_wait3A_56 : memref<80x16xf32, #tpu.memory_space<vmem_shared>>)
      tpu.yield
    }) : () -> ()
    %add3A_14 = arith.constant 320 : i32
    %add3A_15 = arith.addi %mul3A_0, %add3A_14 : i32
    "tpu.region"() ({
      %run_scoped3A = tpu.sem_alloc : memref<!tpu.dma_semaphore, #tpu.memory_space<semaphore_mem>>
      %dma_start3A = arith.constant 0 : i32
      %dma_start3A_42 = arith.constant 0 : i32
      %dma_start3A_43 = tpu.memref_slice %arg9[%dma_start3A, %dma_start3A_42] : memref<400x16xf32, #tpu.memory_space<vmem>> -> memref<80x16xf32, #tpu.memory_space<vmem>>
      %dma_start3A_44 = arith.constant 0 : i32
      %dma_start3A_45 = tpu.memref_slice %arg7[%add3A_15, %dma_start3A_44] : memref<10240x16xf32, #tpu.memory_space<vmem_shared>> -> memref<80x16xf32, #tpu.memory_space<vmem_shared>>
      %dma_start3A_46 = arith.constant 0 : i32
      %dma_start3A_47 = tpu.memref_slice %arg7[%add3A_15, %dma_start3A_46] : memref<10240x16xf32, #tpu.memory_space<vmem_shared>> -> memref<80x16xf32, #tpu.memory_space<vmem_shared>>
      %dma_start3A_48 = arith.constant 0 : i32
      %dma_start3A_49 = arith.constant 0 : i32
      %dma_start3A_50 = tpu.memref_slice %arg9[%dma_start3A_48, %dma_start3A_49] : memref<400x16xf32, #tpu.memory_space<vmem>> -> memref<80x16xf32, #tpu.memory_space<vmem>>
      tpu.enqueue_dma source(%dma_start3A_50 : memref<80x16xf32, #tpu.memory_space<vmem>>) target(%dma_start3A_47 : memref<80x16xf32, #tpu.memory_space<vmem_shared>>) target_semaphore(%run_scoped3A : memref<!tpu.dma_semaphore, #tpu.memory_space<semaphore_mem>>)
      %dma_wait3A = arith.constant 0 : i32
      %dma_wait3A_51 = arith.constant 0 : i32
      %dma_wait3A_52 = tpu.memref_slice %arg9[%dma_wait3A, %dma_wait3A_51] : memref<400x16xf32, #tpu.memory_space<vmem>> -> memref<80x16xf32, #tpu.memory_space<vmem>>
      %dma_wait3A_53 = arith.constant 0 : i32
      %dma_wait3A_54 = tpu.memref_slice %arg7[%add3A_15, %dma_wait3A_53] : memref<10240x16xf32, #tpu.memory_space<vmem_shared>> -> memref<80x16xf32, #tpu.memory_space<vmem_shared>>
      %dma_wait3A_55 = arith.constant 0 : i32
      %dma_wait3A_56 = tpu.memref_slice %arg7[%add3A_15, %dma_wait3A_55] : memref<10240x16xf32, #tpu.memory_space<vmem_shared>> -> memref<80x16xf32, #tpu.memory_space<vmem_shared>>
      %dma_wait3A_57 = arith.constant 0 : i32
      %dma_wait3A_58 = arith.constant 0 : i32
      %dma_wait3A_59 = tpu.memref_slice %arg9[%dma_wait3A_57, %dma_wait3A_58] : memref<400x16xf32, #tpu.memory_space<vmem>> -> memref<80x16xf32, #tpu.memory_space<vmem>>
      tpu.wait_dma2 semaphore(%run_scoped3A : memref<!tpu.dma_semaphore, #tpu.memory_space<semaphore_mem>>) src(%dma_wait3A_59 : memref<80x16xf32, #tpu.memory_space<vmem>>) dst(%dma_wait3A_56 : memref<80x16xf32, #tpu.memory_space<vmem_shared>>)
      tpu.yield
    }) : () -> ()
    %add3A_16 = arith.constant 400 : i32
    %add3A_17 = arith.addi %mul3A_0, %add3A_16 : i32
    "tpu.region"() ({
      %run_scoped3A = tpu.sem_alloc : memref<!tpu.dma_semaphore, #tpu.memory_space<semaphore_mem>>
      %dma_start3A = arith.constant 0 : i32
      %dma_start3A_42 = arith.constant 0 : i32
      %dma_start3A_43 = tpu.memref_slice %arg9[%dma_start3A, %dma_start3A_42] : memref<400x16xf32, #tpu.memory_space<vmem>> -> memref<80x16xf32, #tpu.memory_space<vmem>>
      %dma_start3A_44 = arith.constant 0 : i32
      %dma_start3A_45 = tpu.memref_slice %arg7[%add3A_17, %dma_start3A_44] : memref<10240x16xf32, #tpu.memory_space<vmem_shared>> -> memref<80x16xf32, #tpu.memory_space<vmem_shared>>
      %dma_start3A_46 = arith.constant 0 : i32
      %dma_start3A_47 = tpu.memref_slice %arg7[%add3A_17, %dma_start3A_46] : memref<10240x16xf32, #tpu.memory_space<vmem_shared>> -> memref<80x16xf32, #tpu.memory_space<vmem_shared>>
      %dma_start3A_48 = arith.constant 0 : i32
      %dma_start3A_49 = arith.constant 0 : i32
      %dma_start3A_50 = tpu.memref_slice %arg9[%dma_start3A_48, %dma_start3A_49] : memref<400x16xf32, #tpu.memory_space<vmem>> -> memref<80x16xf32, #tpu.memory_space<vmem>>
      tpu.enqueue_dma source(%dma_start3A_50 : memref<80x16xf32, #tpu.memory_space<vmem>>) target(%dma_start3A_47 : memref<80x16xf32, #tpu.memory_space<vmem_shared>>) target_semaphore(%run_scoped3A : memref<!tpu.dma_semaphore, #tpu.memory_space<semaphore_mem>>)
      %dma_wait3A = arith.constant 0 : i32
      %dma_wait3A_51 = arith.constant 0 : i32
      %dma_wait3A_52 = tpu.memref_slice %arg9[%dma_wait3A, %dma_wait3A_51] : memref<400x16xf32, #tpu.memory_space<vmem>> -> memref<80x16xf32, #tpu.memory_space<vmem>>
      %dma_wait3A_53 = arith.constant 0 : i32
      %dma_wait3A_54 = tpu.memref_slice %arg7[%add3A_17, %dma_wait3A_53] : memref<10240x16xf32, #tpu.memory_space<vmem_shared>> -> memref<80x16xf32, #tpu.memory_space<vmem_shared>>
      %dma_wait3A_55 = arith.constant 0 : i32
      %dma_wait3A_56 = tpu.memref_slice %arg7[%add3A_17, %dma_wait3A_55] : memref<10240x16xf32, #tpu.memory_space<vmem_shared>> -> memref<80x16xf32, #tpu.memory_space<vmem_shared>>
      %dma_wait3A_57 = arith.constant 0 : i32
      %dma_wait3A_58 = arith.constant 0 : i32
      %dma_wait3A_59 = tpu.memref_slice %arg9[%dma_wait3A_57, %dma_wait3A_58] : memref<400x16xf32, #tpu.memory_space<vmem>> -> memref<80x16xf32, #tpu.memory_space<vmem>>
      tpu.wait_dma2 semaphore(%run_scoped3A : memref<!tpu.dma_semaphore, #tpu.memory_space<semaphore_mem>>) src(%dma_wait3A_59 : memref<80x16xf32, #tpu.memory_space<vmem>>) dst(%dma_wait3A_56 : memref<80x16xf32, #tpu.memory_space<vmem_shared>>)
      tpu.yield
    }) : () -> ()
    %add3A_18 = arith.constant 480 : i32
    %add3A_19 = arith.addi %mul3A_0, %add3A_18 : i32
    "tpu.region"() ({
      %run_scoped3A = tpu.sem_alloc : memref<!tpu.dma_semaphore, #tpu.memory_space<semaphore_mem>>
      %dma_start3A = arith.constant 0 : i32
      %dma_start3A_42 = arith.constant 0 : i32
      %dma_start3A_43 = tpu.memref_slice %arg9[%dma_start3A, %dma_start3A_42] : memref<400x16xf32, #tpu.memory_space<vmem>> -> memref<80x16xf32, #tpu.memory_space<vmem>>
      %dma_start3A_44 = arith.constant 0 : i32
      %dma_start3A_45 = tpu.memref_slice %arg7[%add3A_19, %dma_start3A_44] : memref<10240x16xf32, #tpu.memory_space<vmem_shared>> -> memref<80x16xf32, #tpu.memory_space<vmem_shared>>
      %dma_start3A_46 = arith.constant 0 : i32
      %dma_start3A_47 = tpu.memref_slice %arg7[%add3A_19, %dma_start3A_46] : memref<10240x16xf32, #tpu.memory_space<vmem_shared>> -> memref<80x16xf32, #tpu.memory_space<vmem_shared>>
      %dma_start3A_48 = arith.constant 0 : i32
      %dma_start3A_49 = arith.constant 0 : i32
      %dma_start3A_50 = tpu.memref_slice %arg9[%dma_start3A_48, %dma_start3A_49] : memref<400x16xf32, #tpu.memory_space<vmem>> -> memref<80x16xf32, #tpu.memory_space<vmem>>
      tpu.enqueue_dma source(%dma_start3A_50 : memref<80x16xf32, #tpu.memory_space<vmem>>) target(%dma_start3A_47 : memref<80x16xf32, #tpu.memory_space<vmem_shared>>) target_semaphore(%run_scoped3A : memref<!tpu.dma_semaphore, #tpu.memory_space<semaphore_mem>>)
      %dma_wait3A = arith.constant 0 : i32
      %dma_wait3A_51 = arith.constant 0 : i32
      %dma_wait3A_52 = tpu.memref_slice %arg9[%dma_wait3A, %dma_wait3A_51] : memref<400x16xf32, #tpu.memory_space<vmem>> -> memref<80x16xf32, #tpu.memory_space<vmem>>
      %dma_wait3A_53 = arith.constant 0 : i32
      %dma_wait3A_54 = tpu.memref_slice %arg7[%add3A_19, %dma_wait3A_53] : memref<10240x16xf32, #tpu.memory_space<vmem_shared>> -> memref<80x16xf32, #tpu.memory_space<vmem_shared>>
      %dma_wait3A_55 = arith.constant 0 : i32
      %dma_wait3A_56 = tpu.memref_slice %arg7[%add3A_19, %dma_wait3A_55] : memref<10240x16xf32, #tpu.memory_space<vmem_shared>> -> memref<80x16xf32, #tpu.memory_space<vmem_shared>>
      %dma_wait3A_57 = arith.constant 0 : i32
      %dma_wait3A_58 = arith.constant 0 : i32
      %dma_wait3A_59 = tpu.memref_slice %arg9[%dma_wait3A_57, %dma_wait3A_58] : memref<400x16xf32, #tpu.memory_space<vmem>> -> memref<80x16xf32, #tpu.memory_space<vmem>>
      tpu.wait_dma2 semaphore(%run_scoped3A : memref<!tpu.dma_semaphore, #tpu.memory_space<semaphore_mem>>) src(%dma_wait3A_59 : memref<80x16xf32, #tpu.memory_space<vmem>>) dst(%dma_wait3A_56 : memref<80x16xf32, #tpu.memory_space<vmem_shared>>)
      tpu.yield
    }) : () -> ()
    %add3A_20 = arith.constant 560 : i32
    %add3A_21 = arith.addi %mul3A_0, %add3A_20 : i32
    "tpu.region"() ({
      %run_scoped3A = tpu.sem_alloc : memref<!tpu.dma_semaphore, #tpu.memory_space<semaphore_mem>>
      %dma_start3A = arith.constant 0 : i32
      %dma_start3A_42 = arith.constant 0 : i32
      %dma_start3A_43 = tpu.memref_slice %arg9[%dma_start3A, %dma_start3A_42] : memref<400x16xf32, #tpu.memory_space<vmem>> -> memref<80x16xf32, #tpu.memory_space<vmem>>
      %dma_start3A_44 = arith.constant 0 : i32
      %dma_start3A_45 = tpu.memref_slice %arg7[%add3A_21, %dma_start3A_44] : memref<10240x16xf32, #tpu.memory_space<vmem_shared>> -> memref<80x16xf32, #tpu.memory_space<vmem_shared>>
      %dma_start3A_46 = arith.constant 0 : i32
      %dma_start3A_47 = tpu.memref_slice %arg7[%add3A_21, %dma_start3A_46] : memref<10240x16xf32, #tpu.memory_space<vmem_shared>> -> memref<80x16xf32, #tpu.memory_space<vmem_shared>>
      %dma_start3A_48 = arith.constant 0 : i32
      %dma_start3A_49 = arith.constant 0 : i32
      %dma_start3A_50 = tpu.memref_slice %arg9[%dma_start3A_48, %dma_start3A_49] : memref<400x16xf32, #tpu.memory_space<vmem>> -> memref<80x16xf32, #tpu.memory_space<vmem>>
      tpu.enqueue_dma source(%dma_start3A_50 : memref<80x16xf32, #tpu.memory_space<vmem>>) target(%dma_start3A_47 : memref<80x16xf32, #tpu.memory_space<vmem_shared>>) target_semaphore(%run_scoped3A : memref<!tpu.dma_semaphore, #tpu.memory_space<semaphore_mem>>)
      %dma_wait3A = arith.constant 0 : i32
      %dma_wait3A_51 = arith.constant 0 : i32
      %dma_wait3A_52 = tpu.memref_slice %arg9[%dma_wait3A, %dma_wait3A_51] : memref<400x16xf32, #tpu.memory_space<vmem>> -> memref<80x16xf32, #tpu.memory_space<vmem>>
      %dma_wait3A_53 = arith.constant 0 : i32
      %dma_wait3A_54 = tpu.memref_slice %arg7[%add3A_21, %dma_wait3A_53] : memref<10240x16xf32, #tpu.memory_space<vmem_shared>> -> memref<80x16xf32, #tpu.memory_space<vmem_shared>>
      %dma_wait3A_55 = arith.constant 0 : i32
      %dma_wait3A_56 = tpu.memref_slice %arg7[%add3A_21, %dma_wait3A_55] : memref<10240x16xf32, #tpu.memory_space<vmem_shared>> -> memref<80x16xf32, #tpu.memory_space<vmem_shared>>
      %dma_wait3A_57 = arith.constant 0 : i32
      %dma_wait3A_58 = arith.constant 0 : i32
      %dma_wait3A_59 = tpu.memref_slice %arg9[%dma_wait3A_57, %dma_wait3A_58] : memref<400x16xf32, #tpu.memory_space<vmem>> -> memref<80x16xf32, #tpu.memory_space<vmem>>
      tpu.wait_dma2 semaphore(%run_scoped3A : memref<!tpu.dma_semaphore, #tpu.memory_space<semaphore_mem>>) src(%dma_wait3A_59 : memref<80x16xf32, #tpu.memory_space<vmem>>) dst(%dma_wait3A_56 : memref<80x16xf32, #tpu.memory_space<vmem_shared>>)
      tpu.yield
    }) : () -> ()
    "tpu.region"() ({
      %run_scoped3A = tpu.sem_alloc : memref<!tpu.dma_semaphore, #tpu.memory_space<semaphore_mem>>
      %dma_start3A = arith.constant 0 : i32
      %dma_start3A_42 = arith.constant 0 : i32
      %dma_start3A_43 = arith.constant 0 : i32
      %dma_start3A_44 = tpu.memref_slice %arg4[%arg1, %dma_start3A, %dma_start3A_42, %dma_start3A_43] : memref<16x125x2x80xi32, #tpu.memory_space<hbm>> -> memref<1x125x2x80xi32, #tpu.memory_space<hbm>>
      %dma_start3A_45 = tpu.memref_squeeze %dma_start3A_44 : memref<1x125x2x80xi32, #tpu.memory_space<hbm>> -> memref<125x2x80xi32, #tpu.memory_space<hbm>>
      %dma_start3A_46 = arith.constant 0 : i32
      %dma_start3A_47 = arith.constant 0 : i32
      %dma_start3A_48 = arith.constant 0 : i32
      %dma_start3A_49 = tpu.memref_slice %arg4[%arg1, %dma_start3A_46, %dma_start3A_47, %dma_start3A_48] : memref<16x125x2x80xi32, #tpu.memory_space<hbm>> -> memref<1x125x2x80xi32, #tpu.memory_space<hbm>>
      %dma_start3A_50 = tpu.memref_squeeze %dma_start3A_49 : memref<1x125x2x80xi32, #tpu.memory_space<hbm>> -> memref<125x2x80xi32, #tpu.memory_space<hbm>>
      tpu.enqueue_dma source(%dma_start3A_50 : memref<125x2x80xi32, #tpu.memory_space<hbm>>) target(%arg8 : memref<125x2x80xi32, #tpu.memory_space<vmem>>) target_semaphore(%run_scoped3A : memref<!tpu.dma_semaphore, #tpu.memory_space<semaphore_mem>>)
      %dma_wait3A = arith.constant 0 : i32
      %dma_wait3A_51 = arith.constant 0 : i32
      %dma_wait3A_52 = arith.constant 0 : i32
      %dma_wait3A_53 = tpu.memref_slice %arg4[%arg1, %dma_wait3A, %dma_wait3A_51, %dma_wait3A_52] : memref<16x125x2x80xi32, #tpu.memory_space<hbm>> -> memref<1x125x2x80xi32, #tpu.memory_space<hbm>>
      %dma_wait3A_54 = tpu.memref_squeeze %dma_wait3A_53 : memref<1x125x2x80xi32, #tpu.memory_space<hbm>> -> memref<125x2x80xi32, #tpu.memory_space<hbm>>
      %dma_wait3A_55 = arith.constant 0 : i32
      %dma_wait3A_56 = arith.constant 0 : i32
      %dma_wait3A_57 = arith.constant 0 : i32
      %dma_wait3A_58 = tpu.memref_slice %arg4[%arg1, %dma_wait3A_55, %dma_wait3A_56, %dma_wait3A_57] : memref<16x125x2x80xi32, #tpu.memory_space<hbm>> -> memref<1x125x2x80xi32, #tpu.memory_space<hbm>>
      %dma_wait3A_59 = tpu.memref_squeeze %dma_wait3A_58 : memref<1x125x2x80xi32, #tpu.memory_space<hbm>> -> memref<125x2x80xi32, #tpu.memory_space<hbm>>
      tpu.wait_dma2 semaphore(%run_scoped3A : memref<!tpu.dma_semaphore, #tpu.memory_space<semaphore_mem>>) src(%dma_wait3A_59 : memref<125x2x80xi32, #tpu.memory_space<hbm>>) dst(%arg8 : memref<125x2x80xi32, #tpu.memory_space<vmem>>)
      tpu.yield
    }) : () -> ()
    %barrier3A = arith.constant 0 : index
    tpu.barrier barrier_id(%barrier3A)
    %mul3A_22 = arith.constant 10000 : i32
    %mul3A_23 = arith.muli %arg1, %mul3A_22 : i32
    %eq3A = arith.constant 0 : i32
    %eq3A_24 = arith.cmpi eq, %arg0, %eq3A : i32
    %convert_element_type3A = arith.extui %eq3A_24 : i1 to i32
    %cond3A = arith.constant 0 : i32
    %cond3A_25 = arith.cmpi ne, %convert_element_type3A, %cond3A : i32
    scf.if %cond3A_25 {
      %dma_start3A = arith.constant 0 : i32
      %dma_start3A_42 = arith.constant 0 : i32
      %dma_start3A_43 = arith.constant 0 : i32
      %dma_start3A_44 = arith.constant 0 : i32
      %dma_start3A_45 = arith.constant 0 : i32
      %dma_start3A_46 = tpu.memref_slice %arg10[%dma_start3A_43, %dma_start3A_44, %dma_start3A_45] : memref<5x80x16xf32, #tpu.memory_space<vmem>> -> memref<1x80x16xf32, #tpu.memory_space<vmem>>
      %dma_start3A_47 = tpu.memref_squeeze %dma_start3A_46 : memref<1x80x16xf32, #tpu.memory_space<vmem>> -> memref<80x16xf32, #tpu.memory_space<vmem>>
      %dma_start3A_48 = arith.constant 0 : i32
      %dma_start3A_49 = tpu.memref_slice %arg8[%dma_start3A, %dma_start3A_42, %dma_start3A_48] : memref<125x2x80xi32, #tpu.memory_space<vmem>> -> memref<1x1x80xi32, #tpu.memory_space<vmem>>
      %dma_start3A_50 = tpu.memref_squeeze %dma_start3A_49 : memref<1x1x80xi32, #tpu.memory_space<vmem>> -> memref<80xi32, #tpu.memory_space<vmem>>
      %dma_start3A_51 = arith.constant 0 : i32
      %dma_start3A_52 = arith.constant 0 : i32
      %dma_start3A_53 = tpu.memref_slice %arg2[%dma_start3A_51, %dma_start3A_52] : memref<10000x16xf32, #tpu.memory_space<hbm>> -> memref<10000x16xf32, #tpu.memory_space<hbm>>
      tpu.enqueue_indirect_dma source(%dma_start3A_53 : memref<10000x16xf32, #tpu.memory_space<hbm>>) target(%dma_start3A_47 : memref<80x16xf32, #tpu.memory_space<vmem>>) offsets(%dma_start3A_50 : memref<80xi32, #tpu.memory_space<vmem>>) semaphore(%arg11 : memref<!tpu.dma_semaphore, #tpu.memory_space<semaphore_mem>>)
      %dma_start3A_54 = arith.constant 1 : i32
      %dma_start3A_55 = arith.constant 0 : i32
      %dma_start3A_56 = arith.constant 1 : i32
      %dma_start3A_57 = arith.constant 0 : i32
      %dma_start3A_58 = arith.constant 0 : i32
      %dma_start3A_59 = tpu.memref_slice %arg10[%dma_start3A_56, %dma_start3A_57, %dma_start3A_58] : memref<5x80x16xf32, #tpu.memory_space<vmem>> -> memref<1x80x16xf32, #tpu.memory_space<vmem>>
      %dma_start3A_60 = tpu.memref_squeeze %dma_start3A_59 : memref<1x80x16xf32, #tpu.memory_space<vmem>> -> memref<80x16xf32, #tpu.memory_space<vmem>>
      %dma_start3A_61 = arith.constant 0 : i32
      %dma_start3A_62 = tpu.memref_slice %arg8[%dma_start3A_54, %dma_start3A_55, %dma_start3A_61] : memref<125x2x80xi32, #tpu.memory_space<vmem>> -> memref<1x1x80xi32, #tpu.memory_space<vmem>>
      %dma_start3A_63 = tpu.memref_squeeze %dma_start3A_62 : memref<1x1x80xi32, #tpu.memory_space<vmem>> -> memref<80xi32, #tpu.memory_space<vmem>>
      %dma_start3A_64 = arith.constant 0 : i32
      %dma_start3A_65 = arith.constant 0 : i32
      %dma_start3A_66 = tpu.memref_slice %arg2[%dma_start3A_64, %dma_start3A_65] : memref<10000x16xf32, #tpu.memory_space<hbm>> -> memref<10000x16xf32, #tpu.memory_space<hbm>>
      tpu.enqueue_indirect_dma source(%dma_start3A_66 : memref<10000x16xf32, #tpu.memory_space<hbm>>) target(%dma_start3A_60 : memref<80x16xf32, #tpu.memory_space<vmem>>) offsets(%dma_start3A_63 : memref<80xi32, #tpu.memory_space<vmem>>) semaphore(%arg12 : memref<!tpu.dma_semaphore, #tpu.memory_space<semaphore_mem>>)
      %dma_start3A_67 = arith.constant 2 : i32
      %dma_start3A_68 = arith.constant 0 : i32
      %dma_start3A_69 = arith.constant 2 : i32
      %dma_start3A_70 = arith.constant 0 : i32
      %dma_start3A_71 = arith.constant 0 : i32
      %dma_start3A_72 = tpu.memref_slice %arg10[%dma_start3A_69, %dma_start3A_70, %dma_start3A_71] : memref<5x80x16xf32, #tpu.memory_space<vmem>> -> memref<1x80x16xf32, #tpu.memory_space<vmem>>
      %dma_start3A_73 = tpu.memref_squeeze %dma_start3A_72 : memref<1x80x16xf32, #tpu.memory_space<vmem>> -> memref<80x16xf32, #tpu.memory_space<vmem>>
      %dma_start3A_74 = arith.constant 0 : i32
      %dma_start3A_75 = tpu.memref_slice %arg8[%dma_start3A_67, %dma_start3A_68, %dma_start3A_74] : memref<125x2x80xi32, #tpu.memory_space<vmem>> -> memref<1x1x80xi32, #tpu.memory_space<vmem>>
      %dma_start3A_76 = tpu.memref_squeeze %dma_start3A_75 : memref<1x1x80xi32, #tpu.memory_space<vmem>> -> memref<80xi32, #tpu.memory_space<vmem>>
      %dma_start3A_77 = arith.constant 0 : i32
      %dma_start3A_78 = arith.constant 0 : i32
      %dma_start3A_79 = tpu.memref_slice %arg2[%dma_start3A_77, %dma_start3A_78] : memref<10000x16xf32, #tpu.memory_space<hbm>> -> memref<10000x16xf32, #tpu.memory_space<hbm>>
      tpu.enqueue_indirect_dma source(%dma_start3A_79 : memref<10000x16xf32, #tpu.memory_space<hbm>>) target(%dma_start3A_73 : memref<80x16xf32, #tpu.memory_space<vmem>>) offsets(%dma_start3A_76 : memref<80xi32, #tpu.memory_space<vmem>>) semaphore(%arg13 : memref<!tpu.dma_semaphore, #tpu.memory_space<semaphore_mem>>)
      %dma_start3A_80 = arith.constant 3 : i32
      %dma_start3A_81 = arith.constant 0 : i32
      %dma_start3A_82 = arith.constant 3 : i32
      %dma_start3A_83 = arith.constant 0 : i32
      %dma_start3A_84 = arith.constant 0 : i32
      %dma_start3A_85 = tpu.memref_slice %arg10[%dma_start3A_82, %dma_start3A_83, %dma_start3A_84] : memref<5x80x16xf32, #tpu.memory_space<vmem>> -> memref<1x80x16xf32, #tpu.memory_space<vmem>>
      %dma_start3A_86 = tpu.memref_squeeze %dma_start3A_85 : memref<1x80x16xf32, #tpu.memory_space<vmem>> -> memref<80x16xf32, #tpu.memory_space<vmem>>
      %dma_start3A_87 = arith.constant 0 : i32
      %dma_start3A_88 = tpu.memref_slice %arg8[%dma_start3A_80, %dma_start3A_81, %dma_start3A_87] : memref<125x2x80xi32, #tpu.memory_space<vmem>> -> memref<1x1x80xi32, #tpu.memory_space<vmem>>
      %dma_start3A_89 = tpu.memref_squeeze %dma_start3A_88 : memref<1x1x80xi32, #tpu.memory_space<vmem>> -> memref<80xi32, #tpu.memory_space<vmem>>
      %dma_start3A_90 = arith.constant 0 : i32
      %dma_start3A_91 = arith.constant 0 : i32
      %dma_start3A_92 = tpu.memref_slice %arg2[%dma_start3A_90, %dma_start3A_91] : memref<10000x16xf32, #tpu.memory_space<hbm>> -> memref<10000x16xf32, #tpu.memory_space<hbm>>
      tpu.enqueue_indirect_dma source(%dma_start3A_92 : memref<10000x16xf32, #tpu.memory_space<hbm>>) target(%dma_start3A_86 : memref<80x16xf32, #tpu.memory_space<vmem>>) offsets(%dma_start3A_89 : memref<80xi32, #tpu.memory_space<vmem>>) semaphore(%arg14 : memref<!tpu.dma_semaphore, #tpu.memory_space<semaphore_mem>>)
      %dma_start3A_93 = arith.constant 4 : i32
      %dma_start3A_94 = arith.constant 0 : i32
      %dma_start3A_95 = arith.constant 4 : i32
      %dma_start3A_96 = arith.constant 0 : i32
      %dma_start3A_97 = arith.constant 0 : i32
      %dma_start3A_98 = tpu.memref_slice %arg10[%dma_start3A_95, %dma_start3A_96, %dma_start3A_97] : memref<5x80x16xf32, #tpu.memory_space<vmem>> -> memref<1x80x16xf32, #tpu.memory_space<vmem>>
      %dma_start3A_99 = tpu.memref_squeeze %dma_start3A_98 : memref<1x80x16xf32, #tpu.memory_space<vmem>> -> memref<80x16xf32, #tpu.memory_space<vmem>>
      %dma_start3A_100 = arith.constant 0 : i32
      %dma_start3A_101 = tpu.memref_slice %arg8[%dma_start3A_93, %dma_start3A_94, %dma_start3A_100] : memref<125x2x80xi32, #tpu.memory_space<vmem>> -> memref<1x1x80xi32, #tpu.memory_space<vmem>>
      %dma_start3A_102 = tpu.memref_squeeze %dma_start3A_101 : memref<1x1x80xi32, #tpu.memory_space<vmem>> -> memref<80xi32, #tpu.memory_space<vmem>>
      %dma_start3A_103 = arith.constant 0 : i32
      %dma_start3A_104 = arith.constant 0 : i32
      %dma_start3A_105 = tpu.memref_slice %arg2[%dma_start3A_103, %dma_start3A_104] : memref<10000x16xf32, #tpu.memory_space<hbm>> -> memref<10000x16xf32, #tpu.memory_space<hbm>>
      tpu.enqueue_indirect_dma source(%dma_start3A_105 : memref<10000x16xf32, #tpu.memory_space<hbm>>) target(%dma_start3A_99 : memref<80x16xf32, #tpu.memory_space<vmem>>) offsets(%dma_start3A_102 : memref<80xi32, #tpu.memory_space<vmem>>) semaphore(%arg15 : memref<!tpu.dma_semaphore, #tpu.memory_space<semaphore_mem>>)
      %scan3A_106 = arith.constant 0 : i32
      %scan3A_107 = arith.constant 0 : i32
      %scan3A_108 = arith.constant 25 : i32
      %scan3A_109 = arith.addi %scan3A_107, %scan3A_108 : i32
      %scan3A_110 = arith.constant 1 : i32
      %scan3A_111 = scf.for %scan3A_113 = %scan3A_107 to %scan3A_109 step %scan3A_110 iter_args(%scan3A_114 = %scan3A_106) -> (i32)  : i32 {
        %mul3A_115 = arith.constant 5 : i32
        %mul3A_116 = arith.muli %scan3A_113, %mul3A_115 : i32
        %add3A_117 = arith.constant 0 : i32
        %add3A_118 = arith.addi %mul3A_116, %add3A_117 : i32
        %dma_wait3A = arith.constant 0 : i32
        %dma_wait3A_119 = arith.constant 0 : i32
        %dma_wait3A_120 = arith.constant 0 : i32
        %dma_wait3A_121 = arith.constant 0 : i32
        %dma_wait3A_122 = tpu.memref_slice %arg10[%dma_wait3A_119, %dma_wait3A_120, %dma_wait3A_121] : memref<5x80x16xf32, #tpu.memory_space<vmem>> -> memref<1x80x16xf32, #tpu.memory_space<vmem>>
        %dma_wait3A_123 = tpu.memref_squeeze %dma_wait3A_122 : memref<1x80x16xf32, #tpu.memory_space<vmem>> -> memref<80x16xf32, #tpu.memory_space<vmem>>
        %dma_wait3A_124 = arith.constant 0 : i32
        %dma_wait3A_125 = tpu.memref_slice %arg8[%add3A_118, %dma_wait3A, %dma_wait3A_124] : memref<125x2x80xi32, #tpu.memory_space<vmem>> -> memref<1x1x80xi32, #tpu.memory_space<vmem>>
        %dma_wait3A_126 = tpu.memref_squeeze %dma_wait3A_125 : memref<1x1x80xi32, #tpu.memory_space<vmem>> -> memref<80xi32, #tpu.memory_space<vmem>>
        %dma_wait3A_127 = arith.constant 0 : i32
        %dma_wait3A_128 = arith.constant 0 : i32
        %dma_wait3A_129 = tpu.memref_slice %arg2[%dma_wait3A_127, %dma_wait3A_128] : memref<10000x16xf32, #tpu.memory_space<hbm>> -> memref<10000x16xf32, #tpu.memory_space<hbm>>
        tpu.wait_indirect_dma semaphore(%arg11 : memref<!tpu.dma_semaphore, #tpu.memory_space<semaphore_mem>>) src(%dma_wait3A_129 : memref<10000x16xf32, #tpu.memory_space<hbm>>) dst(%dma_wait3A_123 : memref<80x16xf32, #tpu.memory_space<vmem>>)
        %run_scoped3A = arith.constant 0 : i32
        %run_scoped3A_130 = arith.constant 1 : i32
        "tpu.region"() ({
          %run_scoped3A_238 = tpu.sem_alloc : memref<!tpu.dma_semaphore, #tpu.memory_space<semaphore_mem>>
          %dma_start3A_239 = arith.constant 0 : i32
          %dma_start3A_240 = arith.constant 0 : i32
          %dma_start3A_241 = tpu.memref_slice %arg10[%run_scoped3A, %dma_start3A_239, %dma_start3A_240] : memref<5x80x16xf32, #tpu.memory_space<vmem>> -> memref<1x80x16xf32, #tpu.memory_space<vmem>>
          %dma_start3A_242 = tpu.memref_squeeze %dma_start3A_241 : memref<1x80x16xf32, #tpu.memory_space<vmem>> -> memref<80x16xf32, #tpu.memory_space<vmem>>
          %dma_start3A_243 = arith.constant 0 : i32
          %dma_start3A_244 = tpu.memref_slice %arg8[%add3A_118, %run_scoped3A_130, %dma_start3A_243] : memref<125x2x80xi32, #tpu.memory_space<vmem>> -> memref<1x1x80xi32, #tpu.memory_space<vmem>>
          %dma_start3A_245 = tpu.memref_squeeze %dma_start3A_244 : memref<1x1x80xi32, #tpu.memory_space<vmem>> -> memref<80xi32, #tpu.memory_space<vmem>>
          %dma_start3A_246 = arith.constant 0 : i32
          %dma_start3A_247 = arith.constant 0 : i32
          %dma_start3A_248 = tpu.memref_slice %arg7[%dma_start3A_246, %dma_start3A_247] : memref<10240x16xf32, #tpu.memory_space<vmem_shared>> -> memref<10240x16xf32, #tpu.memory_space<vmem_shared>>
          tpu.enqueue_indirect_dma source(%dma_start3A_242 : memref<80x16xf32, #tpu.memory_space<vmem>>) target(%dma_start3A_248 : memref<10240x16xf32, #tpu.memory_space<vmem_shared>>) offsets(%dma_start3A_245 : memref<80xi32, #tpu.memory_space<vmem>>) semaphore(%run_scoped3A_238 : memref<!tpu.dma_semaphore, #tpu.memory_space<semaphore_mem>>) {add = true}
          %dma_wait3A_249 = arith.constant 0 : i32
          %dma_wait3A_250 = arith.constant 0 : i32
          %dma_wait3A_251 = tpu.memref_slice %arg10[%run_scoped3A, %dma_wait3A_249, %dma_wait3A_250] : memref<5x80x16xf32, #tpu.memory_space<vmem>> -> memref<1x80x16xf32, #tpu.memory_space<vmem>>
          %dma_wait3A_252 = tpu.memref_squeeze %dma_wait3A_251 : memref<1x80x16xf32, #tpu.memory_space<vmem>> -> memref<80x16xf32, #tpu.memory_space<vmem>>
          %dma_wait3A_253 = arith.constant 0 : i32
          %dma_wait3A_254 = tpu.memref_slice %arg8[%add3A_118, %run_scoped3A_130, %dma_wait3A_253] : memref<125x2x80xi32, #tpu.memory_space<vmem>> -> memref<1x1x80xi32, #tpu.memory_space<vmem>>
          %dma_wait3A_255 = tpu.memref_squeeze %dma_wait3A_254 : memref<1x1x80xi32, #tpu.memory_space<vmem>> -> memref<80xi32, #tpu.memory_space<vmem>>
          %dma_wait3A_256 = arith.constant 0 : i32
          %dma_wait3A_257 = arith.constant 0 : i32
          %dma_wait3A_258 = tpu.memref_slice %arg7[%dma_wait3A_256, %dma_wait3A_257] : memref<10240x16xf32, #tpu.memory_space<vmem_shared>> -> memref<10240x16xf32, #tpu.memory_space<vmem_shared>>
          tpu.wait_indirect_dma semaphore(%run_scoped3A_238 : memref<!tpu.dma_semaphore, #tpu.memory_space<semaphore_mem>>) src(%dma_wait3A_252 : memref<80x16xf32, #tpu.memory_space<vmem>>) dst(%dma_wait3A_258 : memref<10240x16xf32, #tpu.memory_space<vmem_shared>>)
          tpu.yield
        }) : () -> ()
        %add3A_131 = arith.constant 5 : i32
        %add3A_132 = arith.addi %add3A_118, %add3A_131 : i32
        %lt3A = arith.constant 125 : i32
        %lt3A_133 = arith.cmpi slt, %add3A_132, %lt3A : i32
        %convert_element_type3A_134 = arith.extui %lt3A_133 : i1 to i32
        %cond3A_135 = arith.constant 0 : i32
        %cond3A_136 = arith.cmpi ne, %convert_element_type3A_134, %cond3A_135 : i32
        scf.if %cond3A_136 {
          %dma_start3A_238 = arith.constant 0 : i32
          %dma_start3A_239 = arith.constant 0 : i32
          %dma_start3A_240 = arith.constant 0 : i32
          %dma_start3A_241 = arith.constant 0 : i32
          %dma_start3A_242 = tpu.memref_slice %arg10[%dma_start3A_239, %dma_start3A_240, %dma_start3A_241] : memref<5x80x16xf32, #tpu.memory_space<vmem>> -> memref<1x80x16xf32, #tpu.memory_space<vmem>>
          %dma_start3A_243 = tpu.memref_squeeze %dma_start3A_242 : memref<1x80x16xf32, #tpu.memory_space<vmem>> -> memref<80x16xf32, #tpu.memory_space<vmem>>
          %dma_start3A_244 = arith.constant 0 : i32
          %dma_start3A_245 = tpu.memref_slice %arg8[%add3A_132, %dma_start3A_238, %dma_start3A_244] : memref<125x2x80xi32, #tpu.memory_space<vmem>> -> memref<1x1x80xi32, #tpu.memory_space<vmem>>
          %dma_start3A_246 = tpu.memref_squeeze %dma_start3A_245 : memref<1x1x80xi32, #tpu.memory_space<vmem>> -> memref<80xi32, #tpu.memory_space<vmem>>
          %dma_start3A_247 = arith.constant 0 : i32
          %dma_start3A_248 = arith.constant 0 : i32
          %dma_start3A_249 = tpu.memref_slice %arg2[%dma_start3A_247, %dma_start3A_248] : memref<10000x16xf32, #tpu.memory_space<hbm>> -> memref<10000x16xf32, #tpu.memory_space<hbm>>
          tpu.enqueue_indirect_dma source(%dma_start3A_249 : memref<10000x16xf32, #tpu.memory_space<hbm>>) target(%dma_start3A_243 : memref<80x16xf32, #tpu.memory_space<vmem>>) offsets(%dma_start3A_246 : memref<80xi32, #tpu.memory_space<vmem>>) semaphore(%arg11 : memref<!tpu.dma_semaphore, #tpu.memory_space<semaphore_mem>>)
        } else {
        }
        %mul3A_137 = arith.constant 5 : i32
        %mul3A_138 = arith.muli %scan3A_113, %mul3A_137 : i32
        %add3A_139 = arith.constant 1 : i32
        %add3A_140 = arith.addi %mul3A_138, %add3A_139 : i32
        %dma_wait3A_141 = arith.constant 0 : i32
        %dma_wait3A_142 = arith.constant 1 : i32
        %dma_wait3A_143 = arith.constant 0 : i32
        %dma_wait3A_144 = arith.constant 0 : i32
        %dma_wait3A_145 = tpu.memref_slice %arg10[%dma_wait3A_142, %dma_wait3A_143, %dma_wait3A_144] : memref<5x80x16xf32, #tpu.memory_space<vmem>> -> memref<1x80x16xf32, #tpu.memory_space<vmem>>
        %dma_wait3A_146 = tpu.memref_squeeze %dma_wait3A_145 : memref<1x80x16xf32, #tpu.memory_space<vmem>> -> memref<80x16xf32, #tpu.memory_space<vmem>>
        %dma_wait3A_147 = arith.constant 0 : i32
        %dma_wait3A_148 = tpu.memref_slice %arg8[%add3A_140, %dma_wait3A_141, %dma_wait3A_147] : memref<125x2x80xi32, #tpu.memory_space<vmem>> -> memref<1x1x80xi32, #tpu.memory_space<vmem>>
        %dma_wait3A_149 = tpu.memref_squeeze %dma_wait3A_148 : memref<1x1x80xi32, #tpu.memory_space<vmem>> -> memref<80xi32, #tpu.memory_space<vmem>>
        %dma_wait3A_150 = arith.constant 0 : i32
        %dma_wait3A_151 = arith.constant 0 : i32
        %dma_wait3A_152 = tpu.memref_slice %arg2[%dma_wait3A_150, %dma_wait3A_151] : memref<10000x16xf32, #tpu.memory_space<hbm>> -> memref<10000x16xf32, #tpu.memory_space<hbm>>
        tpu.wait_indirect_dma semaphore(%arg12 : memref<!tpu.dma_semaphore, #tpu.memory_space<semaphore_mem>>) src(%dma_wait3A_152 : memref<10000x16xf32, #tpu.memory_space<hbm>>) dst(%dma_wait3A_146 : memref<80x16xf32, #tpu.memory_space<vmem>>)
        %run_scoped3A_153 = arith.constant 1 : i32
        %run_scoped3A_154 = arith.constant 1 : i32
        "tpu.region"() ({
          %run_scoped3A_238 = tpu.sem_alloc : memref<!tpu.dma_semaphore, #tpu.memory_space<semaphore_mem>>
          %dma_start3A_239 = arith.constant 0 : i32
          %dma_start3A_240 = arith.constant 0 : i32
          %dma_start3A_241 = tpu.memref_slice %arg10[%run_scoped3A_153, %dma_start3A_239, %dma_start3A_240] : memref<5x80x16xf32, #tpu.memory_space<vmem>> -> memref<1x80x16xf32, #tpu.memory_space<vmem>>
          %dma_start3A_242 = tpu.memref_squeeze %dma_start3A_241 : memref<1x80x16xf32, #tpu.memory_space<vmem>> -> memref<80x16xf32, #tpu.memory_space<vmem>>
          %dma_start3A_243 = arith.constant 0 : i32
          %dma_start3A_244 = tpu.memref_slice %arg8[%add3A_140, %run_scoped3A_154, %dma_start3A_243] : memref<125x2x80xi32, #tpu.memory_space<vmem>> -> memref<1x1x80xi32, #tpu.memory_space<vmem>>
          %dma_start3A_245 = tpu.memref_squeeze %dma_start3A_244 : memref<1x1x80xi32, #tpu.memory_space<vmem>> -> memref<80xi32, #tpu.memory_space<vmem>>
          %dma_start3A_246 = arith.constant 0 : i32
          %dma_start3A_247 = arith.constant 0 : i32
          %dma_start3A_248 = tpu.memref_slice %arg7[%dma_start3A_246, %dma_start3A_247] : memref<10240x16xf32, #tpu.memory_space<vmem_shared>> -> memref<10240x16xf32, #tpu.memory_space<vmem_shared>>
          tpu.enqueue_indirect_dma source(%dma_start3A_242 : memref<80x16xf32, #tpu.memory_space<vmem>>) target(%dma_start3A_248 : memref<10240x16xf32, #tpu.memory_space<vmem_shared>>) offsets(%dma_start3A_245 : memref<80xi32, #tpu.memory_space<vmem>>) semaphore(%run_scoped3A_238 : memref<!tpu.dma_semaphore, #tpu.memory_space<semaphore_mem>>) {add = true}
          %dma_wait3A_249 = arith.constant 0 : i32
          %dma_wait3A_250 = arith.constant 0 : i32
          %dma_wait3A_251 = tpu.memref_slice %arg10[%run_scoped3A_153, %dma_wait3A_249, %dma_wait3A_250] : memref<5x80x16xf32, #tpu.memory_space<vmem>> -> memref<1x80x16xf32, #tpu.memory_space<vmem>>
          %dma_wait3A_252 = tpu.memref_squeeze %dma_wait3A_251 : memref<1x80x16xf32, #tpu.memory_space<vmem>> -> memref<80x16xf32, #tpu.memory_space<vmem>>
          %dma_wait3A_253 = arith.constant 0 : i32
          %dma_wait3A_254 = tpu.memref_slice %arg8[%add3A_140, %run_scoped3A_154, %dma_wait3A_253] : memref<125x2x80xi32, #tpu.memory_space<vmem>> -> memref<1x1x80xi32, #tpu.memory_space<vmem>>
          %dma_wait3A_255 = tpu.memref_squeeze %dma_wait3A_254 : memref<1x1x80xi32, #tpu.memory_space<vmem>> -> memref<80xi32, #tpu.memory_space<vmem>>
          %dma_wait3A_256 = arith.constant 0 : i32
          %dma_wait3A_257 = arith.constant 0 : i32
          %dma_wait3A_258 = tpu.memref_slice %arg7[%dma_wait3A_256, %dma_wait3A_257] : memref<10240x16xf32, #tpu.memory_space<vmem_shared>> -> memref<10240x16xf32, #tpu.memory_space<vmem_shared>>
          tpu.wait_indirect_dma semaphore(%run_scoped3A_238 : memref<!tpu.dma_semaphore, #tpu.memory_space<semaphore_mem>>) src(%dma_wait3A_252 : memref<80x16xf32, #tpu.memory_space<vmem>>) dst(%dma_wait3A_258 : memref<10240x16xf32, #tpu.memory_space<vmem_shared>>)
          tpu.yield
        }) : () -> ()
        %add3A_155 = arith.constant 5 : i32
        %add3A_156 = arith.addi %add3A_140, %add3A_155 : i32
        %lt3A_157 = arith.constant 125 : i32
        %lt3A_158 = arith.cmpi slt, %add3A_156, %lt3A_157 : i32
        %convert_element_type3A_159 = arith.extui %lt3A_158 : i1 to i32
        %cond3A_160 = arith.constant 0 : i32
        %cond3A_161 = arith.cmpi ne, %convert_element_type3A_159, %cond3A_160 : i32
        scf.if %cond3A_161 {
          %dma_start3A_238 = arith.constant 0 : i32
          %dma_start3A_239 = arith.constant 1 : i32
          %dma_start3A_240 = arith.constant 0 : i32
          %dma_start3A_241 = arith.constant 0 : i32
          %dma_start3A_242 = tpu.memref_slice %arg10[%dma_start3A_239, %dma_start3A_240, %dma_start3A_241] : memref<5x80x16xf32, #tpu.memory_space<vmem>> -> memref<1x80x16xf32, #tpu.memory_space<vmem>>
          %dma_start3A_243 = tpu.memref_squeeze %dma_start3A_242 : memref<1x80x16xf32, #tpu.memory_space<vmem>> -> memref<80x16xf32, #tpu.memory_space<vmem>>
          %dma_start3A_244 = arith.constant 0 : i32
          %dma_start3A_245 = tpu.memref_slice %arg8[%add3A_156, %dma_start3A_238, %dma_start3A_244] : memref<125x2x80xi32, #tpu.memory_space<vmem>> -> memref<1x1x80xi32, #tpu.memory_space<vmem>>
          %dma_start3A_246 = tpu.memref_squeeze %dma_start3A_245 : memref<1x1x80xi32, #tpu.memory_space<vmem>> -> memref<80xi32, #tpu.memory_space<vmem>>
          %dma_start3A_247 = arith.constant 0 : i32
          %dma_start3A_248 = arith.constant 0 : i32
          %dma_start3A_249 = tpu.memref_slice %arg2[%dma_start3A_247, %dma_start3A_248] : memref<10000x16xf32, #tpu.memory_space<hbm>> -> memref<10000x16xf32, #tpu.memory_space<hbm>>
          tpu.enqueue_indirect_dma source(%dma_start3A_249 : memref<10000x16xf32, #tpu.memory_space<hbm>>) target(%dma_start3A_243 : memref<80x16xf32, #tpu.memory_space<vmem>>) offsets(%dma_start3A_246 : memref<80xi32, #tpu.memory_space<vmem>>) semaphore(%arg12 : memref<!tpu.dma_semaphore, #tpu.memory_space<semaphore_mem>>)
        } else {
        }
        %mul3A_162 = arith.constant 5 : i32
        %mul3A_163 = arith.muli %scan3A_113, %mul3A_162 : i32
        %add3A_164 = arith.constant 2 : i32
        %add3A_165 = arith.addi %mul3A_163, %add3A_164 : i32
        %dma_wait3A_166 = arith.constant 0 : i32
        %dma_wait3A_167 = arith.constant 2 : i32
        %dma_wait3A_168 = arith.constant 0 : i32
        %dma_wait3A_169 = arith.constant 0 : i32
        %dma_wait3A_170 = tpu.memref_slice %arg10[%dma_wait3A_167, %dma_wait3A_168, %dma_wait3A_169] : memref<5x80x16xf32, #tpu.memory_space<vmem>> -> memref<1x80x16xf32, #tpu.memory_space<vmem>>
        %dma_wait3A_171 = tpu.memref_squeeze %dma_wait3A_170 : memref<1x80x16xf32, #tpu.memory_space<vmem>> -> memref<80x16xf32, #tpu.memory_space<vmem>>
        %dma_wait3A_172 = arith.constant 0 : i32
        %dma_wait3A_173 = tpu.memref_slice %arg8[%add3A_165, %dma_wait3A_166, %dma_wait3A_172] : memref<125x2x80xi32, #tpu.memory_space<vmem>> -> memref<1x1x80xi32, #tpu.memory_space<vmem>>
        %dma_wait3A_174 = tpu.memref_squeeze %dma_wait3A_173 : memref<1x1x80xi32, #tpu.memory_space<vmem>> -> memref<80xi32, #tpu.memory_space<vmem>>
        %dma_wait3A_175 = arith.constant 0 : i32
        %dma_wait3A_176 = arith.constant 0 : i32
        %dma_wait3A_177 = tpu.memref_slice %arg2[%dma_wait3A_175, %dma_wait3A_176] : memref<10000x16xf32, #tpu.memory_space<hbm>> -> memref<10000x16xf32, #tpu.memory_space<hbm>>
        tpu.wait_indirect_dma semaphore(%arg13 : memref<!tpu.dma_semaphore, #tpu.memory_space<semaphore_mem>>) src(%dma_wait3A_177 : memref<10000x16xf32, #tpu.memory_space<hbm>>) dst(%dma_wait3A_171 : memref<80x16xf32, #tpu.memory_space<vmem>>)
        %run_scoped3A_178 = arith.constant 2 : i32
        %run_scoped3A_179 = arith.constant 1 : i32
        "tpu.region"() ({
          %run_scoped3A_238 = tpu.sem_alloc : memref<!tpu.dma_semaphore, #tpu.memory_space<semaphore_mem>>
          %dma_start3A_239 = arith.constant 0 : i32
          %dma_start3A_240 = arith.constant 0 : i32
          %dma_start3A_241 = tpu.memref_slice %arg10[%run_scoped3A_178, %dma_start3A_239, %dma_start3A_240] : memref<5x80x16xf32, #tpu.memory_space<vmem>> -> memref<1x80x16xf32, #tpu.memory_space<vmem>>
          %dma_start3A_242 = tpu.memref_squeeze %dma_start3A_241 : memref<1x80x16xf32, #tpu.memory_space<vmem>> -> memref<80x16xf32, #tpu.memory_space<vmem>>
          %dma_start3A_243 = arith.constant 0 : i32
          %dma_start3A_244 = tpu.memref_slice %arg8[%add3A_165, %run_scoped3A_179, %dma_start3A_243] : memref<125x2x80xi32, #tpu.memory_space<vmem>> -> memref<1x1x80xi32, #tpu.memory_space<vmem>>
          %dma_start3A_245 = tpu.memref_squeeze %dma_start3A_244 : memref<1x1x80xi32, #tpu.memory_space<vmem>> -> memref<80xi32, #tpu.memory_space<vmem>>
          %dma_start3A_246 = arith.constant 0 : i32
          %dma_start3A_247 = arith.constant 0 : i32
          %dma_start3A_248 = tpu.memref_slice %arg7[%dma_start3A_246, %dma_start3A_247] : memref<10240x16xf32, #tpu.memory_space<vmem_shared>> -> memref<10240x16xf32, #tpu.memory_space<vmem_shared>>
          tpu.enqueue_indirect_dma source(%dma_start3A_242 : memref<80x16xf32, #tpu.memory_space<vmem>>) target(%dma_start3A_248 : memref<10240x16xf32, #tpu.memory_space<vmem_shared>>) offsets(%dma_start3A_245 : memref<80xi32, #tpu.memory_space<vmem>>) semaphore(%run_scoped3A_238 : memref<!tpu.dma_semaphore, #tpu.memory_space<semaphore_mem>>) {add = true}
          %dma_wait3A_249 = arith.constant 0 : i32
          %dma_wait3A_250 = arith.constant 0 : i32
          %dma_wait3A_251 = tpu.memref_slice %arg10[%run_scoped3A_178, %dma_wait3A_249, %dma_wait3A_250] : memref<5x80x16xf32, #tpu.memory_space<vmem>> -> memref<1x80x16xf32, #tpu.memory_space<vmem>>
          %dma_wait3A_252 = tpu.memref_squeeze %dma_wait3A_251 : memref<1x80x16xf32, #tpu.memory_space<vmem>> -> memref<80x16xf32, #tpu.memory_space<vmem>>
          %dma_wait3A_253 = arith.constant 0 : i32
          %dma_wait3A_254 = tpu.memref_slice %arg8[%add3A_165, %run_scoped3A_179, %dma_wait3A_253] : memref<125x2x80xi32, #tpu.memory_space<vmem>> -> memref<1x1x80xi32, #tpu.memory_space<vmem>>
          %dma_wait3A_255 = tpu.memref_squeeze %dma_wait3A_254 : memref<1x1x80xi32, #tpu.memory_space<vmem>> -> memref<80xi32, #tpu.memory_space<vmem>>
          %dma_wait3A_256 = arith.constant 0 : i32
          %dma_wait3A_257 = arith.constant 0 : i32
          %dma_wait3A_258 = tpu.memref_slice %arg7[%dma_wait3A_256, %dma_wait3A_257] : memref<10240x16xf32, #tpu.memory_space<vmem_shared>> -> memref<10240x16xf32, #tpu.memory_space<vmem_shared>>
          tpu.wait_indirect_dma semaphore(%run_scoped3A_238 : memref<!tpu.dma_semaphore, #tpu.memory_space<semaphore_mem>>) src(%dma_wait3A_252 : memref<80x16xf32, #tpu.memory_space<vmem>>) dst(%dma_wait3A_258 : memref<10240x16xf32, #tpu.memory_space<vmem_shared>>)
          tpu.yield
        }) : () -> ()
        %add3A_180 = arith.constant 5 : i32
        %add3A_181 = arith.addi %add3A_165, %add3A_180 : i32
        %lt3A_182 = arith.constant 125 : i32
        %lt3A_183 = arith.cmpi slt, %add3A_181, %lt3A_182 : i32
        %convert_element_type3A_184 = arith.extui %lt3A_183 : i1 to i32
        %cond3A_185 = arith.constant 0 : i32
        %cond3A_186 = arith.cmpi ne, %convert_element_type3A_184, %cond3A_185 : i32
        scf.if %cond3A_186 {
          %dma_start3A_238 = arith.constant 0 : i32
          %dma_start3A_239 = arith.constant 2 : i32
          %dma_start3A_240 = arith.constant 0 : i32
          %dma_start3A_241 = arith.constant 0 : i32
          %dma_start3A_242 = tpu.memref_slice %arg10[%dma_start3A_239, %dma_start3A_240, %dma_start3A_241] : memref<5x80x16xf32, #tpu.memory_space<vmem>> -> memref<1x80x16xf32, #tpu.memory_space<vmem>>
          %dma_start3A_243 = tpu.memref_squeeze %dma_start3A_242 : memref<1x80x16xf32, #tpu.memory_space<vmem>> -> memref<80x16xf32, #tpu.memory_space<vmem>>
          %dma_start3A_244 = arith.constant 0 : i32
          %dma_start3A_245 = tpu.memref_slice %arg8[%add3A_181, %dma_start3A_238, %dma_start3A_244] : memref<125x2x80xi32, #tpu.memory_space<vmem>> -> memref<1x1x80xi32, #tpu.memory_space<vmem>>
          %dma_start3A_246 = tpu.memref_squeeze %dma_start3A_245 : memref<1x1x80xi32, #tpu.memory_space<vmem>> -> memref<80xi32, #tpu.memory_space<vmem>>
          %dma_start3A_247 = arith.constant 0 : i32
          %dma_start3A_248 = arith.constant 0 : i32
          %dma_start3A_249 = tpu.memref_slice %arg2[%dma_start3A_247, %dma_start3A_248] : memref<10000x16xf32, #tpu.memory_space<hbm>> -> memref<10000x16xf32, #tpu.memory_space<hbm>>
          tpu.enqueue_indirect_dma source(%dma_start3A_249 : memref<10000x16xf32, #tpu.memory_space<hbm>>) target(%dma_start3A_243 : memref<80x16xf32, #tpu.memory_space<vmem>>) offsets(%dma_start3A_246 : memref<80xi32, #tpu.memory_space<vmem>>) semaphore(%arg13 : memref<!tpu.dma_semaphore, #tpu.memory_space<semaphore_mem>>)
        } else {
        }
        %mul3A_187 = arith.constant 5 : i32
        %mul3A_188 = arith.muli %scan3A_113, %mul3A_187 : i32
        %add3A_189 = arith.constant 3 : i32
        %add3A_190 = arith.addi %mul3A_188, %add3A_189 : i32
        %dma_wait3A_191 = arith.constant 0 : i32
        %dma_wait3A_192 = arith.constant 3 : i32
        %dma_wait3A_193 = arith.constant 0 : i32
        %dma_wait3A_194 = arith.constant 0 : i32
        %dma_wait3A_195 = tpu.memref_slice %arg10[%dma_wait3A_192, %dma_wait3A_193, %dma_wait3A_194] : memref<5x80x16xf32, #tpu.memory_space<vmem>> -> memref<1x80x16xf32, #tpu.memory_space<vmem>>
        %dma_wait3A_196 = tpu.memref_squeeze %dma_wait3A_195 : memref<1x80x16xf32, #tpu.memory_space<vmem>> -> memref<80x16xf32, #tpu.memory_space<vmem>>
        %dma_wait3A_197 = arith.constant 0 : i32
        %dma_wait3A_198 = tpu.memref_slice %arg8[%add3A_190, %dma_wait3A_191, %dma_wait3A_197] : memref<125x2x80xi32, #tpu.memory_space<vmem>> -> memref<1x1x80xi32, #tpu.memory_space<vmem>>
        %dma_wait3A_199 = tpu.memref_squeeze %dma_wait3A_198 : memref<1x1x80xi32, #tpu.memory_space<vmem>> -> memref<80xi32, #tpu.memory_space<vmem>>
        %dma_wait3A_200 = arith.constant 0 : i32
        %dma_wait3A_201 = arith.constant 0 : i32
        %dma_wait3A_202 = tpu.memref_slice %arg2[%dma_wait3A_200, %dma_wait3A_201] : memref<10000x16xf32, #tpu.memory_space<hbm>> -> memref<10000x16xf32, #tpu.memory_space<hbm>>
        tpu.wait_indirect_dma semaphore(%arg14 : memref<!tpu.dma_semaphore, #tpu.memory_space<semaphore_mem>>) src(%dma_wait3A_202 : memref<10000x16xf32, #tpu.memory_space<hbm>>) dst(%dma_wait3A_196 : memref<80x16xf32, #tpu.memory_space<vmem>>)
        %run_scoped3A_203 = arith.constant 3 : i32
        %run_scoped3A_204 = arith.constant 1 : i32
        "tpu.region"() ({
          %run_scoped3A_238 = tpu.sem_alloc : memref<!tpu.dma_semaphore, #tpu.memory_space<semaphore_mem>>
          %dma_start3A_239 = arith.constant 0 : i32
          %dma_start3A_240 = arith.constant 0 : i32
          %dma_start3A_241 = tpu.memref_slice %arg10[%run_scoped3A_203, %dma_start3A_239, %dma_start3A_240] : memref<5x80x16xf32, #tpu.memory_space<vmem>> -> memref<1x80x16xf32, #tpu.memory_space<vmem>>
          %dma_start3A_242 = tpu.memref_squeeze %dma_start3A_241 : memref<1x80x16xf32, #tpu.memory_space<vmem>> -> memref<80x16xf32, #tpu.memory_space<vmem>>
          %dma_start3A_243 = arith.constant 0 : i32
          %dma_start3A_244 = tpu.memref_slice %arg8[%add3A_190, %run_scoped3A_204, %dma_start3A_243] : memref<125x2x80xi32, #tpu.memory_space<vmem>> -> memref<1x1x80xi32, #tpu.memory_space<vmem>>
          %dma_start3A_245 = tpu.memref_squeeze %dma_start3A_244 : memref<1x1x80xi32, #tpu.memory_space<vmem>> -> memref<80xi32, #tpu.memory_space<vmem>>
          %dma_start3A_246 = arith.constant 0 : i32
          %dma_start3A_247 = arith.constant 0 : i32
          %dma_start3A_248 = tpu.memref_slice %arg7[%dma_start3A_246, %dma_start3A_247] : memref<10240x16xf32, #tpu.memory_space<vmem_shared>> -> memref<10240x16xf32, #tpu.memory_space<vmem_shared>>
          tpu.enqueue_indirect_dma source(%dma_start3A_242 : memref<80x16xf32, #tpu.memory_space<vmem>>) target(%dma_start3A_248 : memref<10240x16xf32, #tpu.memory_space<vmem_shared>>) offsets(%dma_start3A_245 : memref<80xi32, #tpu.memory_space<vmem>>) semaphore(%run_scoped3A_238 : memref<!tpu.dma_semaphore, #tpu.memory_space<semaphore_mem>>) {add = true}
          %dma_wait3A_249 = arith.constant 0 : i32
          %dma_wait3A_250 = arith.constant 0 : i32
          %dma_wait3A_251 = tpu.memref_slice %arg10[%run_scoped3A_203, %dma_wait3A_249, %dma_wait3A_250] : memref<5x80x16xf32, #tpu.memory_space<vmem>> -> memref<1x80x16xf32, #tpu.memory_space<vmem>>
          %dma_wait3A_252 = tpu.memref_squeeze %dma_wait3A_251 : memref<1x80x16xf32, #tpu.memory_space<vmem>> -> memref<80x16xf32, #tpu.memory_space<vmem>>
          %dma_wait3A_253 = arith.constant 0 : i32
          %dma_wait3A_254 = tpu.memref_slice %arg8[%add3A_190, %run_scoped3A_204, %dma_wait3A_253] : memref<125x2x80xi32, #tpu.memory_space<vmem>> -> memref<1x1x80xi32, #tpu.memory_space<vmem>>
          %dma_wait3A_255 = tpu.memref_squeeze %dma_wait3A_254 : memref<1x1x80xi32, #tpu.memory_space<vmem>> -> memref<80xi32, #tpu.memory_space<vmem>>
          %dma_wait3A_256 = arith.constant 0 : i32
          %dma_wait3A_257 = arith.constant 0 : i32
          %dma_wait3A_258 = tpu.memref_slice %arg7[%dma_wait3A_256, %dma_wait3A_257] : memref<10240x16xf32, #tpu.memory_space<vmem_shared>> -> memref<10240x16xf32, #tpu.memory_space<vmem_shared>>
          tpu.wait_indirect_dma semaphore(%run_scoped3A_238 : memref<!tpu.dma_semaphore, #tpu.memory_space<semaphore_mem>>) src(%dma_wait3A_252 : memref<80x16xf32, #tpu.memory_space<vmem>>) dst(%dma_wait3A_258 : memref<10240x16xf32, #tpu.memory_space<vmem_shared>>)
          tpu.yield
        }) : () -> ()
        %add3A_205 = arith.constant 5 : i32
        %add3A_206 = arith.addi %add3A_190, %add3A_205 : i32
        %lt3A_207 = arith.constant 125 : i32
        %lt3A_208 = arith.cmpi slt, %add3A_206, %lt3A_207 : i32
        %convert_element_type3A_209 = arith.extui %lt3A_208 : i1 to i32
        %cond3A_210 = arith.constant 0 : i32
        %cond3A_211 = arith.cmpi ne, %convert_element_type3A_209, %cond3A_210 : i32
        scf.if %cond3A_211 {
          %dma_start3A_238 = arith.constant 0 : i32
          %dma_start3A_239 = arith.constant 3 : i32
          %dma_start3A_240 = arith.constant 0 : i32
          %dma_start3A_241 = arith.constant 0 : i32
          %dma_start3A_242 = tpu.memref_slice %arg10[%dma_start3A_239, %dma_start3A_240, %dma_start3A_241] : memref<5x80x16xf32, #tpu.memory_space<vmem>> -> memref<1x80x16xf32, #tpu.memory_space<vmem>>
          %dma_start3A_243 = tpu.memref_squeeze %dma_start3A_242 : memref<1x80x16xf32, #tpu.memory_space<vmem>> -> memref<80x16xf32, #tpu.memory_space<vmem>>
          %dma_start3A_244 = arith.constant 0 : i32
          %dma_start3A_245 = tpu.memref_slice %arg8[%add3A_206, %dma_start3A_238, %dma_start3A_244] : memref<125x2x80xi32, #tpu.memory_space<vmem>> -> memref<1x1x80xi32, #tpu.memory_space<vmem>>
          %dma_start3A_246 = tpu.memref_squeeze %dma_start3A_245 : memref<1x1x80xi32, #tpu.memory_space<vmem>> -> memref<80xi32, #tpu.memory_space<vmem>>
          %dma_start3A_247 = arith.constant 0 : i32
          %dma_start3A_248 = arith.constant 0 : i32
          %dma_start3A_249 = tpu.memref_slice %arg2[%dma_start3A_247, %dma_start3A_248] : memref<10000x16xf32, #tpu.memory_space<hbm>> -> memref<10000x16xf32, #tpu.memory_space<hbm>>
          tpu.enqueue_indirect_dma source(%dma_start3A_249 : memref<10000x16xf32, #tpu.memory_space<hbm>>) target(%dma_start3A_243 : memref<80x16xf32, #tpu.memory_space<vmem>>) offsets(%dma_start3A_246 : memref<80xi32, #tpu.memory_space<vmem>>) semaphore(%arg14 : memref<!tpu.dma_semaphore, #tpu.memory_space<semaphore_mem>>)
        } else {
        }
        %mul3A_212 = arith.constant 5 : i32
        %mul3A_213 = arith.muli %scan3A_113, %mul3A_212 : i32
        %add3A_214 = arith.constant 4 : i32
        %add3A_215 = arith.addi %mul3A_213, %add3A_214 : i32
        %dma_wait3A_216 = arith.constant 0 : i32
        %dma_wait3A_217 = arith.constant 4 : i32
        %dma_wait3A_218 = arith.constant 0 : i32
        %dma_wait3A_219 = arith.constant 0 : i32
        %dma_wait3A_220 = tpu.memref_slice %arg10[%dma_wait3A_217, %dma_wait3A_218, %dma_wait3A_219] : memref<5x80x16xf32, #tpu.memory_space<vmem>> -> memref<1x80x16xf32, #tpu.memory_space<vmem>>
        %dma_wait3A_221 = tpu.memref_squeeze %dma_wait3A_220 : memref<1x80x16xf32, #tpu.memory_space<vmem>> -> memref<80x16xf32, #tpu.memory_space<vmem>>
        %dma_wait3A_222 = arith.constant 0 : i32
        %dma_wait3A_223 = tpu.memref_slice %arg8[%add3A_215, %dma_wait3A_216, %dma_wait3A_222] : memref<125x2x80xi32, #tpu.memory_space<vmem>> -> memref<1x1x80xi32, #tpu.memory_space<vmem>>
        %dma_wait3A_224 = tpu.memref_squeeze %dma_wait3A_223 : memref<1x1x80xi32, #tpu.memory_space<vmem>> -> memref<80xi32, #tpu.memory_space<vmem>>
        %dma_wait3A_225 = arith.constant 0 : i32
        %dma_wait3A_226 = arith.constant 0 : i32
        %dma_wait3A_227 = tpu.memref_slice %arg2[%dma_wait3A_225, %dma_wait3A_226] : memref<10000x16xf32, #tpu.memory_space<hbm>> -> memref<10000x16xf32, #tpu.memory_space<hbm>>
        tpu.wait_indirect_dma semaphore(%arg15 : memref<!tpu.dma_semaphore, #tpu.memory_space<semaphore_mem>>) src(%dma_wait3A_227 : memref<10000x16xf32, #tpu.memory_space<hbm>>) dst(%dma_wait3A_221 : memref<80x16xf32, #tpu.memory_space<vmem>>)
        %run_scoped3A_228 = arith.constant 4 : i32
        %run_scoped3A_229 = arith.constant 1 : i32
        "tpu.region"() ({
          %run_scoped3A_238 = tpu.sem_alloc : memref<!tpu.dma_semaphore, #tpu.memory_space<semaphore_mem>>
          %dma_start3A_239 = arith.constant 0 : i32
          %dma_start3A_240 = arith.constant 0 : i32
          %dma_start3A_241 = tpu.memref_slice %arg10[%run_scoped3A_228, %dma_start3A_239, %dma_start3A_240] : memref<5x80x16xf32, #tpu.memory_space<vmem>> -> memref<1x80x16xf32, #tpu.memory_space<vmem>>
          %dma_start3A_242 = tpu.memref_squeeze %dma_start3A_241 : memref<1x80x16xf32, #tpu.memory_space<vmem>> -> memref<80x16xf32, #tpu.memory_space<vmem>>
          %dma_start3A_243 = arith.constant 0 : i32
          %dma_start3A_244 = tpu.memref_slice %arg8[%add3A_215, %run_scoped3A_229, %dma_start3A_243] : memref<125x2x80xi32, #tpu.memory_space<vmem>> -> memref<1x1x80xi32, #tpu.memory_space<vmem>>
          %dma_start3A_245 = tpu.memref_squeeze %dma_start3A_244 : memref<1x1x80xi32, #tpu.memory_space<vmem>> -> memref<80xi32, #tpu.memory_space<vmem>>
          %dma_start3A_246 = arith.constant 0 : i32
          %dma_start3A_247 = arith.constant 0 : i32
          %dma_start3A_248 = tpu.memref_slice %arg7[%dma_start3A_246, %dma_start3A_247] : memref<10240x16xf32, #tpu.memory_space<vmem_shared>> -> memref<10240x16xf32, #tpu.memory_space<vmem_shared>>
          tpu.enqueue_indirect_dma source(%dma_start3A_242 : memref<80x16xf32, #tpu.memory_space<vmem>>) target(%dma_start3A_248 : memref<10240x16xf32, #tpu.memory_space<vmem_shared>>) offsets(%dma_start3A_245 : memref<80xi32, #tpu.memory_space<vmem>>) semaphore(%run_scoped3A_238 : memref<!tpu.dma_semaphore, #tpu.memory_space<semaphore_mem>>) {add = true}
          %dma_wait3A_249 = arith.constant 0 : i32
          %dma_wait3A_250 = arith.constant 0 : i32
          %dma_wait3A_251 = tpu.memref_slice %arg10[%run_scoped3A_228, %dma_wait3A_249, %dma_wait3A_250] : memref<5x80x16xf32, #tpu.memory_space<vmem>> -> memref<1x80x16xf32, #tpu.memory_space<vmem>>
          %dma_wait3A_252 = tpu.memref_squeeze %dma_wait3A_251 : memref<1x80x16xf32, #tpu.memory_space<vmem>> -> memref<80x16xf32, #tpu.memory_space<vmem>>
          %dma_wait3A_253 = arith.constant 0 : i32
          %dma_wait3A_254 = tpu.memref_slice %arg8[%add3A_215, %run_scoped3A_229, %dma_wait3A_253] : memref<125x2x80xi32, #tpu.memory_space<vmem>> -> memref<1x1x80xi32, #tpu.memory_space<vmem>>
          %dma_wait3A_255 = tpu.memref_squeeze %dma_wait3A_254 : memref<1x1x80xi32, #tpu.memory_space<vmem>> -> memref<80xi32, #tpu.memory_space<vmem>>
          %dma_wait3A_256 = arith.constant 0 : i32
          %dma_wait3A_257 = arith.constant 0 : i32
          %dma_wait3A_258 = tpu.memref_slice %arg7[%dma_wait3A_256, %dma_wait3A_257] : memref<10240x16xf32, #tpu.memory_space<vmem_shared>> -> memref<10240x16xf32, #tpu.memory_space<vmem_shared>>
          tpu.wait_indirect_dma semaphore(%run_scoped3A_238 : memref<!tpu.dma_semaphore, #tpu.memory_space<semaphore_mem>>) src(%dma_wait3A_252 : memref<80x16xf32, #tpu.memory_space<vmem>>) dst(%dma_wait3A_258 : memref<10240x16xf32, #tpu.memory_space<vmem_shared>>)
          tpu.yield
        }) : () -> ()
        %add3A_230 = arith.constant 5 : i32
        %add3A_231 = arith.addi %add3A_215, %add3A_230 : i32
        %lt3A_232 = arith.constant 125 : i32
        %lt3A_233 = arith.cmpi slt, %add3A_231, %lt3A_232 : i32
        %convert_element_type3A_234 = arith.extui %lt3A_233 : i1 to i32
        %cond3A_235 = arith.constant 0 : i32
        %cond3A_236 = arith.cmpi ne, %convert_element_type3A_234, %cond3A_235 : i32
        scf.if %cond3A_236 {
          %dma_start3A_238 = arith.constant 0 : i32
          %dma_start3A_239 = arith.constant 4 : i32
          %dma_start3A_240 = arith.constant 0 : i32
          %dma_start3A_241 = arith.constant 0 : i32
          %dma_start3A_242 = tpu.memref_slice %arg10[%dma_start3A_239, %dma_start3A_240, %dma_start3A_241] : memref<5x80x16xf32, #tpu.memory_space<vmem>> -> memref<1x80x16xf32, #tpu.memory_space<vmem>>
          %dma_start3A_243 = tpu.memref_squeeze %dma_start3A_242 : memref<1x80x16xf32, #tpu.memory_space<vmem>> -> memref<80x16xf32, #tpu.memory_space<vmem>>
          %dma_start3A_244 = arith.constant 0 : i32
          %dma_start3A_245 = tpu.memref_slice %arg8[%add3A_231, %dma_start3A_238, %dma_start3A_244] : memref<125x2x80xi32, #tpu.memory_space<vmem>> -> memref<1x1x80xi32, #tpu.memory_space<vmem>>
          %dma_start3A_246 = tpu.memref_squeeze %dma_start3A_245 : memref<1x1x80xi32, #tpu.memory_space<vmem>> -> memref<80xi32, #tpu.memory_space<vmem>>
          %dma_start3A_247 = arith.constant 0 : i32
          %dma_start3A_248 = arith.constant 0 : i32
          %dma_start3A_249 = tpu.memref_slice %arg2[%dma_start3A_247, %dma_start3A_248] : memref<10000x16xf32, #tpu.memory_space<hbm>> -> memref<10000x16xf32, #tpu.memory_space<hbm>>
          tpu.enqueue_indirect_dma source(%dma_start3A_249 : memref<10000x16xf32, #tpu.memory_space<hbm>>) target(%dma_start3A_243 : memref<80x16xf32, #tpu.memory_space<vmem>>) offsets(%dma_start3A_246 : memref<80xi32, #tpu.memory_space<vmem>>) semaphore(%arg15 : memref<!tpu.dma_semaphore, #tpu.memory_space<semaphore_mem>>)
        } else {
        }
        %scan3A_237 = arith.constant 0 : i32
        scf.yield %scan3A_237 : i32
      }
      %scan3A_112 = arith.constant 25 : i32
    } else {
    }
    %eq3A_26 = arith.constant 1 : i32
    %eq3A_27 = arith.cmpi eq, %arg0, %eq3A_26 : i32
    %convert_element_type3A_28 = arith.extui %eq3A_27 : i1 to i32
    %cond3A_29 = arith.constant 0 : i32
    %cond3A_30 = arith.cmpi ne, %convert_element_type3A_28, %cond3A_29 : i32
    scf.if %cond3A_30 {
      %scan3A_42 = arith.constant 0 : i32
      %scan3A_43 = arith.constant 0 : i32
      %scan3A_44 = arith.constant 25 : i32
      %scan3A_45 = arith.addi %scan3A_43, %scan3A_44 : i32
      %scan3A_46 = arith.constant 1 : i32
      %scan3A_47 = scf.for %scan3A_49 = %scan3A_43 to %scan3A_45 step %scan3A_46 iter_args(%scan3A_50 = %scan3A_42) -> (i32)  : i32 {
        %mul3A_51 = arith.constant 400 : i32
        %mul3A_52 = arith.muli %scan3A_49, %mul3A_51 : i32
        %add3A_53 = arith.addi %mul3A_23, %mul3A_52 : i32
        "tpu.region"() ({
          %run_scoped3A_79 = tpu.sem_alloc : memref<!tpu.dma_semaphore, #tpu.memory_space<semaphore_mem>>
          %dma_start3A = arith.constant 0 : i32
          %dma_start3A_80 = tpu.memref_slice %arg3[%add3A_53, %dma_start3A] : memref<160000x16xf32, #tpu.memory_space<hbm>> -> memref<400x16xf32, #tpu.memory_space<hbm>>
          %dma_start3A_81 = arith.constant 0 : i32
          %dma_start3A_82 = tpu.memref_slice %arg3[%add3A_53, %dma_start3A_81] : memref<160000x16xf32, #tpu.memory_space<hbm>> -> memref<400x16xf32, #tpu.memory_space<hbm>>
          tpu.enqueue_dma source(%dma_start3A_82 : memref<400x16xf32, #tpu.memory_space<hbm>>) target(%arg9 : memref<400x16xf32, #tpu.memory_space<vmem>>) target_semaphore(%run_scoped3A_79 : memref<!tpu.dma_semaphore, #tpu.memory_space<semaphore_mem>>)
          %dma_wait3A = arith.constant 0 : i32
          %dma_wait3A_83 = tpu.memref_slice %arg3[%add3A_53, %dma_wait3A] : memref<160000x16xf32, #tpu.memory_space<hbm>> -> memref<400x16xf32, #tpu.memory_space<hbm>>
          %dma_wait3A_84 = arith.constant 0 : i32
          %dma_wait3A_85 = tpu.memref_slice %arg3[%add3A_53, %dma_wait3A_84] : memref<160000x16xf32, #tpu.memory_space<hbm>> -> memref<400x16xf32, #tpu.memory_space<hbm>>
          tpu.wait_dma2 semaphore(%run_scoped3A_79 : memref<!tpu.dma_semaphore, #tpu.memory_space<semaphore_mem>>) src(%dma_wait3A_85 : memref<400x16xf32, #tpu.memory_space<hbm>>) dst(%arg9 : memref<400x16xf32, #tpu.memory_space<vmem>>)
          tpu.yield
        }) : () -> ()
        %mul3A_54 = arith.constant 5 : i32
        %mul3A_55 = arith.muli %scan3A_49, %mul3A_54 : i32
        %add3A_56 = arith.constant 0 : i32
        %add3A_57 = arith.addi %mul3A_55, %add3A_56 : i32
        %run_scoped3A = arith.constant 1 : i32
        "tpu.region"() ({
          %run_scoped3A_79 = tpu.sem_alloc : memref<!tpu.dma_semaphore, #tpu.memory_space<semaphore_mem>>
          %dma_start3A = arith.constant 0 : i32
          %dma_start3A_80 = arith.constant 0 : i32
          %dma_start3A_81 = tpu.memref_slice %arg9[%dma_start3A, %dma_start3A_80] : memref<400x16xf32, #tpu.memory_space<vmem>> -> memref<80x16xf32, #tpu.memory_space<vmem>>
          %dma_start3A_82 = arith.constant 0 : i32
          %dma_start3A_83 = tpu.memref_slice %arg8[%add3A_57, %run_scoped3A, %dma_start3A_82] : memref<125x2x80xi32, #tpu.memory_space<vmem>> -> memref<1x1x80xi32, #tpu.memory_space<vmem>>
          %dma_start3A_84 = tpu.memref_squeeze %dma_start3A_83 : memref<1x1x80xi32, #tpu.memory_space<vmem>> -> memref<80xi32, #tpu.memory_space<vmem>>
          %dma_start3A_85 = arith.constant 0 : i32
          %dma_start3A_86 = arith.constant 0 : i32
          %dma_start3A_87 = tpu.memref_slice %arg7[%dma_start3A_85, %dma_start3A_86] : memref<10240x16xf32, #tpu.memory_space<vmem_shared>> -> memref<10240x16xf32, #tpu.memory_space<vmem_shared>>
          tpu.enqueue_indirect_dma source(%dma_start3A_81 : memref<80x16xf32, #tpu.memory_space<vmem>>) target(%dma_start3A_87 : memref<10240x16xf32, #tpu.memory_space<vmem_shared>>) offsets(%dma_start3A_84 : memref<80xi32, #tpu.memory_space<vmem>>) semaphore(%run_scoped3A_79 : memref<!tpu.dma_semaphore, #tpu.memory_space<semaphore_mem>>) {add = true}
          %dma_wait3A = arith.constant 0 : i32
          %dma_wait3A_88 = arith.constant 0 : i32
          %dma_wait3A_89 = tpu.memref_slice %arg9[%dma_wait3A, %dma_wait3A_88] : memref<400x16xf32, #tpu.memory_space<vmem>> -> memref<80x16xf32, #tpu.memory_space<vmem>>
          %dma_wait3A_90 = arith.constant 0 : i32
          %dma_wait3A_91 = tpu.memref_slice %arg8[%add3A_57, %run_scoped3A, %dma_wait3A_90] : memref<125x2x80xi32, #tpu.memory_space<vmem>> -> memref<1x1x80xi32, #tpu.memory_space<vmem>>
          %dma_wait3A_92 = tpu.memref_squeeze %dma_wait3A_91 : memref<1x1x80xi32, #tpu.memory_space<vmem>> -> memref<80xi32, #tpu.memory_space<vmem>>
          %dma_wait3A_93 = arith.constant 0 : i32
          %dma_wait3A_94 = arith.constant 0 : i32
          %dma_wait3A_95 = tpu.memref_slice %arg7[%dma_wait3A_93, %dma_wait3A_94] : memref<10240x16xf32, #tpu.memory_space<vmem_shared>> -> memref<10240x16xf32, #tpu.memory_space<vmem_shared>>
          tpu.wait_indirect_dma semaphore(%run_scoped3A_79 : memref<!tpu.dma_semaphore, #tpu.memory_space<semaphore_mem>>) src(%dma_wait3A_89 : memref<80x16xf32, #tpu.memory_space<vmem>>) dst(%dma_wait3A_95 : memref<10240x16xf32, #tpu.memory_space<vmem_shared>>)
          tpu.yield
        }) : () -> ()
        %mul3A_58 = arith.constant 5 : i32
        %mul3A_59 = arith.muli %scan3A_49, %mul3A_58 : i32
        %add3A_60 = arith.constant 1 : i32
        %add3A_61 = arith.addi %mul3A_59, %add3A_60 : i32
        %run_scoped3A_62 = arith.constant 1 : i32
        "tpu.region"() ({
          %run_scoped3A_79 = tpu.sem_alloc : memref<!tpu.dma_semaphore, #tpu.memory_space<semaphore_mem>>
          %dma_start3A = arith.constant 80 : i32
          %dma_start3A_80 = arith.constant 0 : i32
          %dma_start3A_81 = tpu.memref_slice %arg9[%dma_start3A, %dma_start3A_80] : memref<400x16xf32, #tpu.memory_space<vmem>> -> memref<80x16xf32, #tpu.memory_space<vmem>>
          %dma_start3A_82 = arith.constant 0 : i32
          %dma_start3A_83 = tpu.memref_slice %arg8[%add3A_61, %run_scoped3A_62, %dma_start3A_82] : memref<125x2x80xi32, #tpu.memory_space<vmem>> -> memref<1x1x80xi32, #tpu.memory_space<vmem>>
          %dma_start3A_84 = tpu.memref_squeeze %dma_start3A_83 : memref<1x1x80xi32, #tpu.memory_space<vmem>> -> memref<80xi32, #tpu.memory_space<vmem>>
          %dma_start3A_85 = arith.constant 0 : i32
          %dma_start3A_86 = arith.constant 0 : i32
          %dma_start3A_87 = tpu.memref_slice %arg7[%dma_start3A_85, %dma_start3A_86] : memref<10240x16xf32, #tpu.memory_space<vmem_shared>> -> memref<10240x16xf32, #tpu.memory_space<vmem_shared>>
          tpu.enqueue_indirect_dma source(%dma_start3A_81 : memref<80x16xf32, #tpu.memory_space<vmem>>) target(%dma_start3A_87 : memref<10240x16xf32, #tpu.memory_space<vmem_shared>>) offsets(%dma_start3A_84 : memref<80xi32, #tpu.memory_space<vmem>>) semaphore(%run_scoped3A_79 : memref<!tpu.dma_semaphore, #tpu.memory_space<semaphore_mem>>) {add = true}
          %dma_wait3A = arith.constant 80 : i32
          %dma_wait3A_88 = arith.constant 0 : i32
          %dma_wait3A_89 = tpu.memref_slice %arg9[%dma_wait3A, %dma_wait3A_88] : memref<400x16xf32, #tpu.memory_space<vmem>> -> memref<80x16xf32, #tpu.memory_space<vmem>>
          %dma_wait3A_90 = arith.constant 0 : i32
          %dma_wait3A_91 = tpu.memref_slice %arg8[%add3A_61, %run_scoped3A_62, %dma_wait3A_90] : memref<125x2x80xi32, #tpu.memory_space<vmem>> -> memref<1x1x80xi32, #tpu.memory_space<vmem>>
          %dma_wait3A_92 = tpu.memref_squeeze %dma_wait3A_91 : memref<1x1x80xi32, #tpu.memory_space<vmem>> -> memref<80xi32, #tpu.memory_space<vmem>>
          %dma_wait3A_93 = arith.constant 0 : i32
          %dma_wait3A_94 = arith.constant 0 : i32
          %dma_wait3A_95 = tpu.memref_slice %arg7[%dma_wait3A_93, %dma_wait3A_94] : memref<10240x16xf32, #tpu.memory_space<vmem_shared>> -> memref<10240x16xf32, #tpu.memory_space<vmem_shared>>
          tpu.wait_indirect_dma semaphore(%run_scoped3A_79 : memref<!tpu.dma_semaphore, #tpu.memory_space<semaphore_mem>>) src(%dma_wait3A_89 : memref<80x16xf32, #tpu.memory_space<vmem>>) dst(%dma_wait3A_95 : memref<10240x16xf32, #tpu.memory_space<vmem_shared>>)
          tpu.yield
        }) : () -> ()
        %mul3A_63 = arith.constant 5 : i32
        %mul3A_64 = arith.muli %scan3A_49, %mul3A_63 : i32
        %add3A_65 = arith.constant 2 : i32
        %add3A_66 = arith.addi %mul3A_64, %add3A_65 : i32
        %run_scoped3A_67 = arith.constant 1 : i32
        "tpu.region"() ({
          %run_scoped3A_79 = tpu.sem_alloc : memref<!tpu.dma_semaphore, #tpu.memory_space<semaphore_mem>>
          %dma_start3A = arith.constant 160 : i32
          %dma_start3A_80 = arith.constant 0 : i32
          %dma_start3A_81 = tpu.memref_slice %arg9[%dma_start3A, %dma_start3A_80] : memref<400x16xf32, #tpu.memory_space<vmem>> -> memref<80x16xf32, #tpu.memory_space<vmem>>
          %dma_start3A_82 = arith.constant 0 : i32
          %dma_start3A_83 = tpu.memref_slice %arg8[%add3A_66, %run_scoped3A_67, %dma_start3A_82] : memref<125x2x80xi32, #tpu.memory_space<vmem>> -> memref<1x1x80xi32, #tpu.memory_space<vmem>>
          %dma_start3A_84 = tpu.memref_squeeze %dma_start3A_83 : memref<1x1x80xi32, #tpu.memory_space<vmem>> -> memref<80xi32, #tpu.memory_space<vmem>>
          %dma_start3A_85 = arith.constant 0 : i32
          %dma_start3A_86 = arith.constant 0 : i32
          %dma_start3A_87 = tpu.memref_slice %arg7[%dma_start3A_85, %dma_start3A_86] : memref<10240x16xf32, #tpu.memory_space<vmem_shared>> -> memref<10240x16xf32, #tpu.memory_space<vmem_shared>>
          tpu.enqueue_indirect_dma source(%dma_start3A_81 : memref<80x16xf32, #tpu.memory_space<vmem>>) target(%dma_start3A_87 : memref<10240x16xf32, #tpu.memory_space<vmem_shared>>) offsets(%dma_start3A_84 : memref<80xi32, #tpu.memory_space<vmem>>) semaphore(%run_scoped3A_79 : memref<!tpu.dma_semaphore, #tpu.memory_space<semaphore_mem>>) {add = true}
          %dma_wait3A = arith.constant 160 : i32
          %dma_wait3A_88 = arith.constant 0 : i32
          %dma_wait3A_89 = tpu.memref_slice %arg9[%dma_wait3A, %dma_wait3A_88] : memref<400x16xf32, #tpu.memory_space<vmem>> -> memref<80x16xf32, #tpu.memory_space<vmem>>
          %dma_wait3A_90 = arith.constant 0 : i32
          %dma_wait3A_91 = tpu.memref_slice %arg8[%add3A_66, %run_scoped3A_67, %dma_wait3A_90] : memref<125x2x80xi32, #tpu.memory_space<vmem>> -> memref<1x1x80xi32, #tpu.memory_space<vmem>>
          %dma_wait3A_92 = tpu.memref_squeeze %dma_wait3A_91 : memref<1x1x80xi32, #tpu.memory_space<vmem>> -> memref<80xi32, #tpu.memory_space<vmem>>
          %dma_wait3A_93 = arith.constant 0 : i32
          %dma_wait3A_94 = arith.constant 0 : i32
          %dma_wait3A_95 = tpu.memref_slice %arg7[%dma_wait3A_93, %dma_wait3A_94] : memref<10240x16xf32, #tpu.memory_space<vmem_shared>> -> memref<10240x16xf32, #tpu.memory_space<vmem_shared>>
          tpu.wait_indirect_dma semaphore(%run_scoped3A_79 : memref<!tpu.dma_semaphore, #tpu.memory_space<semaphore_mem>>) src(%dma_wait3A_89 : memref<80x16xf32, #tpu.memory_space<vmem>>) dst(%dma_wait3A_95 : memref<10240x16xf32, #tpu.memory_space<vmem_shared>>)
          tpu.yield
        }) : () -> ()
        %mul3A_68 = arith.constant 5 : i32
        %mul3A_69 = arith.muli %scan3A_49, %mul3A_68 : i32
        %add3A_70 = arith.constant 3 : i32
        %add3A_71 = arith.addi %mul3A_69, %add3A_70 : i32
        %run_scoped3A_72 = arith.constant 1 : i32
        "tpu.region"() ({
          %run_scoped3A_79 = tpu.sem_alloc : memref<!tpu.dma_semaphore, #tpu.memory_space<semaphore_mem>>
          %dma_start3A = arith.constant 240 : i32
          %dma_start3A_80 = arith.constant 0 : i32
          %dma_start3A_81 = tpu.memref_slice %arg9[%dma_start3A, %dma_start3A_80] : memref<400x16xf32, #tpu.memory_space<vmem>> -> memref<80x16xf32, #tpu.memory_space<vmem>>
          %dma_start3A_82 = arith.constant 0 : i32
          %dma_start3A_83 = tpu.memref_slice %arg8[%add3A_71, %run_scoped3A_72, %dma_start3A_82] : memref<125x2x80xi32, #tpu.memory_space<vmem>> -> memref<1x1x80xi32, #tpu.memory_space<vmem>>
          %dma_start3A_84 = tpu.memref_squeeze %dma_start3A_83 : memref<1x1x80xi32, #tpu.memory_space<vmem>> -> memref<80xi32, #tpu.memory_space<vmem>>
          %dma_start3A_85 = arith.constant 0 : i32
          %dma_start3A_86 = arith.constant 0 : i32
          %dma_start3A_87 = tpu.memref_slice %arg7[%dma_start3A_85, %dma_start3A_86] : memref<10240x16xf32, #tpu.memory_space<vmem_shared>> -> memref<10240x16xf32, #tpu.memory_space<vmem_shared>>
          tpu.enqueue_indirect_dma source(%dma_start3A_81 : memref<80x16xf32, #tpu.memory_space<vmem>>) target(%dma_start3A_87 : memref<10240x16xf32, #tpu.memory_space<vmem_shared>>) offsets(%dma_start3A_84 : memref<80xi32, #tpu.memory_space<vmem>>) semaphore(%run_scoped3A_79 : memref<!tpu.dma_semaphore, #tpu.memory_space<semaphore_mem>>) {add = true}
          %dma_wait3A = arith.constant 240 : i32
          %dma_wait3A_88 = arith.constant 0 : i32
          %dma_wait3A_89 = tpu.memref_slice %arg9[%dma_wait3A, %dma_wait3A_88] : memref<400x16xf32, #tpu.memory_space<vmem>> -> memref<80x16xf32, #tpu.memory_space<vmem>>
          %dma_wait3A_90 = arith.constant 0 : i32
          %dma_wait3A_91 = tpu.memref_slice %arg8[%add3A_71, %run_scoped3A_72, %dma_wait3A_90] : memref<125x2x80xi32, #tpu.memory_space<vmem>> -> memref<1x1x80xi32, #tpu.memory_space<vmem>>
          %dma_wait3A_92 = tpu.memref_squeeze %dma_wait3A_91 : memref<1x1x80xi32, #tpu.memory_space<vmem>> -> memref<80xi32, #tpu.memory_space<vmem>>
          %dma_wait3A_93 = arith.constant 0 : i32
          %dma_wait3A_94 = arith.constant 0 : i32
          %dma_wait3A_95 = tpu.memref_slice %arg7[%dma_wait3A_93, %dma_wait3A_94] : memref<10240x16xf32, #tpu.memory_space<vmem_shared>> -> memref<10240x16xf32, #tpu.memory_space<vmem_shared>>
          tpu.wait_indirect_dma semaphore(%run_scoped3A_79 : memref<!tpu.dma_semaphore, #tpu.memory_space<semaphore_mem>>) src(%dma_wait3A_89 : memref<80x16xf32, #tpu.memory_space<vmem>>) dst(%dma_wait3A_95 : memref<10240x16xf32, #tpu.memory_space<vmem_shared>>)
          tpu.yield
        }) : () -> ()
        %mul3A_73 = arith.constant 5 : i32
        %mul3A_74 = arith.muli %scan3A_49, %mul3A_73 : i32
        %add3A_75 = arith.constant 4 : i32
        %add3A_76 = arith.addi %mul3A_74, %add3A_75 : i32
        %run_scoped3A_77 = arith.constant 1 : i32
        "tpu.region"() ({
          %run_scoped3A_79 = tpu.sem_alloc : memref<!tpu.dma_semaphore, #tpu.memory_space<semaphore_mem>>
          %dma_start3A = arith.constant 320 : i32
          %dma_start3A_80 = arith.constant 0 : i32
          %dma_start3A_81 = tpu.memref_slice %arg9[%dma_start3A, %dma_start3A_80] : memref<400x16xf32, #tpu.memory_space<vmem>> -> memref<80x16xf32, #tpu.memory_space<vmem>>
          %dma_start3A_82 = arith.constant 0 : i32
          %dma_start3A_83 = tpu.memref_slice %arg8[%add3A_76, %run_scoped3A_77, %dma_start3A_82] : memref<125x2x80xi32, #tpu.memory_space<vmem>> -> memref<1x1x80xi32, #tpu.memory_space<vmem>>
          %dma_start3A_84 = tpu.memref_squeeze %dma_start3A_83 : memref<1x1x80xi32, #tpu.memory_space<vmem>> -> memref<80xi32, #tpu.memory_space<vmem>>
          %dma_start3A_85 = arith.constant 0 : i32
          %dma_start3A_86 = arith.constant 0 : i32
          %dma_start3A_87 = tpu.memref_slice %arg7[%dma_start3A_85, %dma_start3A_86] : memref<10240x16xf32, #tpu.memory_space<vmem_shared>> -> memref<10240x16xf32, #tpu.memory_space<vmem_shared>>
          tpu.enqueue_indirect_dma source(%dma_start3A_81 : memref<80x16xf32, #tpu.memory_space<vmem>>) target(%dma_start3A_87 : memref<10240x16xf32, #tpu.memory_space<vmem_shared>>) offsets(%dma_start3A_84 : memref<80xi32, #tpu.memory_space<vmem>>) semaphore(%run_scoped3A_79 : memref<!tpu.dma_semaphore, #tpu.memory_space<semaphore_mem>>) {add = true}
          %dma_wait3A = arith.constant 320 : i32
          %dma_wait3A_88 = arith.constant 0 : i32
          %dma_wait3A_89 = tpu.memref_slice %arg9[%dma_wait3A, %dma_wait3A_88] : memref<400x16xf32, #tpu.memory_space<vmem>> -> memref<80x16xf32, #tpu.memory_space<vmem>>
          %dma_wait3A_90 = arith.constant 0 : i32
          %dma_wait3A_91 = tpu.memref_slice %arg8[%add3A_76, %run_scoped3A_77, %dma_wait3A_90] : memref<125x2x80xi32, #tpu.memory_space<vmem>> -> memref<1x1x80xi32, #tpu.memory_space<vmem>>
          %dma_wait3A_92 = tpu.memref_squeeze %dma_wait3A_91 : memref<1x1x80xi32, #tpu.memory_space<vmem>> -> memref<80xi32, #tpu.memory_space<vmem>>
          %dma_wait3A_93 = arith.constant 0 : i32
          %dma_wait3A_94 = arith.constant 0 : i32
          %dma_wait3A_95 = tpu.memref_slice %arg7[%dma_wait3A_93, %dma_wait3A_94] : memref<10240x16xf32, #tpu.memory_space<vmem_shared>> -> memref<10240x16xf32, #tpu.memory_space<vmem_shared>>
          tpu.wait_indirect_dma semaphore(%run_scoped3A_79 : memref<!tpu.dma_semaphore, #tpu.memory_space<semaphore_mem>>) src(%dma_wait3A_89 : memref<80x16xf32, #tpu.memory_space<vmem>>) dst(%dma_wait3A_95 : memref<10240x16xf32, #tpu.memory_space<vmem_shared>>)
          tpu.yield
        }) : () -> ()
        %scan3A_78 = arith.constant 0 : i32
        scf.yield %scan3A_78 : i32
      }
      %scan3A_48 = arith.constant 25 : i32
    } else {
    }
    %barrier3A_31 = arith.constant 0 : index
    tpu.barrier barrier_id(%barrier3A_31)
    %eq3A_32 = arith.constant 0 : i32
    %eq3A_33 = arith.cmpi eq, %arg0, %eq3A_32 : i32
    %convert_element_type3A_34 = arith.extui %eq3A_33 : i1 to i32
    %cond3A_35 = arith.constant 0 : i32
    %cond3A_36 = arith.cmpi ne, %convert_element_type3A_34, %cond3A_35 : i32
    scf.if %cond3A_36 {
      "tpu.region"() ({
        %run_scoped3A = tpu.sem_alloc : memref<!tpu.dma_semaphore, #tpu.memory_space<semaphore_mem>>
        %dma_start3A = arith.constant 0 : i32
        %dma_start3A_42 = tpu.memref_slice %arg6[%mul3A_0, %dma_start3A] : memref<10240x16xf32, #tpu.memory_space<hbm>> -> memref<640x16xf32, #tpu.memory_space<hbm>>
        %dma_start3A_43 = arith.constant 0 : i32
        %dma_start3A_44 = tpu.memref_slice %arg7[%mul3A_0, %dma_start3A_43] : memref<10240x16xf32, #tpu.memory_space<vmem_shared>> -> memref<640x16xf32, #tpu.memory_space<vmem_shared>>
        tpu.enqueue_dma source(%dma_start3A_44 : memref<640x16xf32, #tpu.memory_space<vmem_shared>>) target(%dma_start3A_42 : memref<640x16xf32, #tpu.memory_space<hbm>>) target_semaphore(%run_scoped3A : memref<!tpu.dma_semaphore, #tpu.memory_space<semaphore_mem>>)
        %dma_wait3A = arith.constant 0 : i32
        %dma_wait3A_45 = tpu.memref_slice %arg6[%mul3A_0, %dma_wait3A] : memref<10240x16xf32, #tpu.memory_space<hbm>> -> memref<640x16xf32, #tpu.memory_space<hbm>>
        %dma_wait3A_46 = arith.constant 0 : i32
        %dma_wait3A_47 = tpu.memref_slice %arg7[%mul3A_0, %dma_wait3A_46] : memref<10240x16xf32, #tpu.memory_space<vmem_shared>> -> memref<640x16xf32, #tpu.memory_space<vmem_shared>>
        tpu.wait_dma2 semaphore(%run_scoped3A : memref<!tpu.dma_semaphore, #tpu.memory_space<semaphore_mem>>) src(%dma_wait3A_47 : memref<640x16xf32, #tpu.memory_space<vmem_shared>>) dst(%dma_wait3A_45 : memref<640x16xf32, #tpu.memory_space<hbm>>)
        tpu.yield
      }) : () -> ()
    } else {
    }
    %eq3A_37 = arith.constant 1 : i32
    %eq3A_38 = arith.cmpi eq, %arg0, %eq3A_37 : i32
    %convert_element_type3A_39 = arith.extui %eq3A_38 : i1 to i32
    %cond3A_40 = arith.constant 0 : i32
    %cond3A_41 = arith.cmpi ne, %convert_element_type3A_39, %cond3A_40 : i32
    scf.if %cond3A_41 {
      "tpu.region"() ({
        %run_scoped3A = tpu.sem_alloc : memref<!tpu.dma_semaphore, #tpu.memory_space<semaphore_mem>>
        %dma_start3A = arith.constant 0 : i32
        %dma_start3A_42 = tpu.memref_slice %arg5[%mul3A_0, %dma_start3A] : memref<10240x16xf32, #tpu.memory_space<hbm>> -> memref<640x16xf32, #tpu.memory_space<hbm>>
        %dma_start3A_43 = arith.constant 0 : i32
        %dma_start3A_44 = tpu.memref_slice %arg7[%mul3A_0, %dma_start3A_43] : memref<10240x16xf32, #tpu.memory_space<vmem_shared>> -> memref<640x16xf32, #tpu.memory_space<vmem_shared>>
        tpu.enqueue_dma source(%dma_start3A_44 : memref<640x16xf32, #tpu.memory_space<vmem_shared>>) target(%dma_start3A_42 : memref<640x16xf32, #tpu.memory_space<hbm>>) target_semaphore(%run_scoped3A : memref<!tpu.dma_semaphore, #tpu.memory_space<semaphore_mem>>)
        %dma_wait3A = arith.constant 0 : i32
        %dma_wait3A_45 = tpu.memref_slice %arg5[%mul3A_0, %dma_wait3A] : memref<10240x16xf32, #tpu.memory_space<hbm>> -> memref<640x16xf32, #tpu.memory_space<hbm>>
        %dma_wait3A_46 = arith.constant 0 : i32
        %dma_wait3A_47 = tpu.memref_slice %arg7[%mul3A_0, %dma_wait3A_46] : memref<10240x16xf32, #tpu.memory_space<vmem_shared>> -> memref<640x16xf32, #tpu.memory_space<vmem_shared>>
        tpu.wait_dma2 semaphore(%run_scoped3A : memref<!tpu.dma_semaphore, #tpu.memory_space<semaphore_mem>>) src(%dma_wait3A_47 : memref<640x16xf32, #tpu.memory_space<vmem_shared>>) dst(%dma_wait3A_45 : memref<640x16xf32, #tpu.memory_space<hbm>>)
        tpu.yield
      }) : () -> ()
    } else {
    }
    return
  }
}

module attributes {stable_mosaic.version = 14 : i64} {
  func.func @_tc_s_body(%arg0: i32, %arg1: memref<1000x300xf32, #tpu.memory_space<vmem>>, %arg2: memref<300x16xf32, #tpu.memory_space<vmem>>, %arg3: memref<1000x16xf32, #tpu.memory_space<vmem>>) attributes {dimension_semantics = [#tpu.dimension_semantics<arbitrary>], iteration_bounds = array<i64: 10>, scalar_prefetch = 0 : i64, scratch_operands = 0 : i64, tpu.core_type = #tpu.core_type<tc>, window_params = [{transform_indices = @transform_0, window_bounds = array<i64: 1000, 300>}, {pipeline_mode = #tpu.pipeline_mode<synchronous>, transform_indices = @transform_1, window_bounds = array<i64: 300, 16>}, {transform_indices = @transform_2, window_bounds = array<i64: 1000, 16>}]} {
    %get3A = arith.constant 0 : index
    %get3A_0 = arith.constant 0 : index
    %get3A_1 = vector.load %arg1[%get3A, %get3A_0] : memref<1000x300xf32, #tpu.memory_space<vmem>>, vector<1000x300xf32>
    %get3A_2 = arith.constant 0 : index
    %get3A_3 = arith.constant 0 : index
    %get3A_4 = vector.load %arg2[%get3A_2, %get3A_3] : memref<300x16xf32, #tpu.memory_space<vmem>>, vector<300x16xf32>
    %dot_general3A = arith.constant dense<0.000000e+00> : vector<1000x16xf32>
    %dot_general3A_5 = tpu.matmul %get3A_1, %get3A_4, %dot_general3A {dimension_numbers = #tpu.dot_dimension_numbers<[1], [0], [0], [1], [0, 0, 1, 1], [], []>, precision = #tpu.contract_precision<fp32>, transpose_lhs_hint = false} : vector<1000x300xf32>, vector<300x16xf32>, vector<1000x16xf32> -> vector<1000x16xf32>
    %swap3A = arith.constant 0 : index
    %swap3A_6 = arith.constant 0 : index
    %swap3A_7 = vector.load %arg3[%swap3A, %swap3A_6] : memref<1000x16xf32, #tpu.memory_space<vmem>>, vector<1000x16xf32>
    tpu.vector_store %arg3[%swap3A, %swap3A_6], %dot_general3A_5 {strides = array<i32>} : memref<1000x16xf32, #tpu.memory_space<vmem>>, vector<1000x16xf32>,
    return
  }
  func.func @transform_0(%arg0: i32) -> (i32, i32) {
    %c0_i32 = arith.constant 0 : i32
    %c0_i32_0 = arith.constant 0 : i32
    return %arg0, %c0_i32 : i32, i32
  }
  func.func @transform_1(%arg0: i32) -> (i32, i32) {
    %c0_i32 = arith.constant 0 : i32
    %c0_i32_0 = arith.constant 0 : i32
    %c0_i32_1 = arith.constant 0 : i32
    return %c0_i32, %c0_i32_0 : i32, i32
  }
  func.func @transform_2(%arg0: i32) -> (i32, i32) {
    %c0_i32 = arith.constant 0 : i32
    %c0_i32_0 = arith.constant 0 : i32
    return %arg0, %c0_i32 : i32, i32
  }
}

module attributes {stable_mosaic.version = 14 : i64} {
  func.func @_tc_body(%arg0: i32, %arg1: memref<1x1000x160xbf16, #tpu.memory_space<vmem>>, %arg2: memref<1x1000x160xbf16, #tpu.memory_space<vmem>>, %arg3: memref<1000x16xf32, #tpu.memory_space<vmem>>, %arg4: memref<1000x16xf32, #tpu.memory_space<vmem>>, %arg5: memref<1x1000x1xi32, #tpu.memory_space<vmem>>, %arg6: memref<320x300xbf16, #tpu.memory_space<vmem>>, %arg7: memref<16x300xbf16, #tpu.memory_space<vmem>>, %arg8: memref<16x1xf32, #tpu.memory_space<vmem>>, %arg9: memref<300x300xf32, #tpu.memory_space<vmem>>, %arg10: memref<1x300xf32, #tpu.memory_space<vmem>>, %arg11: memref<300x300xf32, #tpu.memory_space<vmem>>, %arg12: memref<1x300xf32, #tpu.memory_space<vmem>>, %arg13: memref<512x300xf32, #tpu.memory_space<vmem>>, %arg14: memref<1x512xf32, #tpu.memory_space<vmem>>, %arg15: memref<1x512xf32, #tpu.memory_space<vmem>>, %arg16: memref<512x300xf32, #tpu.memory_space<vmem>>, %arg17: memref<512x300xf32, #tpu.memory_space<vmem>>) attributes {dimension_semantics = [#tpu.dimension_semantics<arbitrary>], iteration_bounds = array<i64: 10>, scalar_prefetch = 0 : i64, scratch_operands = 4 : i64, tpu.core_type = #tpu.core_type<tc>, window_params = [{transform_indices = @transform_0, window_bounds = array<i64: 1, 1000, 160>}, {transform_indices = @transform_1, window_bounds = array<i64: 1, 1000, 160>}, {transform_indices = @transform_2, window_bounds = array<i64: 1000, 16>}, {transform_indices = @transform_3, window_bounds = array<i64: 1000, 16>}, {transform_indices = @transform_4, window_bounds = array<i64: 1, 1000, 1>}, {pipeline_mode = #tpu.pipeline_mode<synchronous>, transform_indices = @transform_5, window_bounds = array<i64: 320, 300>}, {pipeline_mode = #tpu.pipeline_mode<synchronous>, transform_indices = @transform_6, window_bounds = array<i64: 16, 300>}, {pipeline_mode = #tpu.pipeline_mode<synchronous>, transform_indices = @transform_7, window_bounds = array<i64: 16, 1>}, {pipeline_mode = #tpu.pipeline_mode<synchronous>, transform_indices = @transform_8, window_bounds = array<i64: 300, 300>}, {pipeline_mode = #tpu.pipeline_mode<synchronous>, transform_indices = @transform_9, window_bounds = array<i64: 1, 300>}, {pipeline_mode = #tpu.pipeline_mode<synchronous>, transform_indices = @transform_10, window_bounds = array<i64: 300, 300>}, {pipeline_mode = #tpu.pipeline_mode<synchronous>, transform_indices = @transform_11, window_bounds = array<i64: 1, 300>}, {pipeline_mode = #tpu.pipeline_mode<synchronous>, transform_indices = @transform_12, window_bounds = array<i64: 512, 300>}]} {
    %eq3A = arith.constant 0 : i32
    %eq3A_0 = arith.cmpi eq, %arg0, %eq3A : i32
    %convert_element_type3A = arith.extui %eq3A_0 : i1 to i32
    %cond3A = arith.constant 0 : i32
    %cond3A_1 = arith.cmpi ne, %convert_element_type3A, %cond3A : i32
    scf.if %cond3A_1 {
      %broadcast_in_dim3A_103 = arith.constant 0xFF800000 : f32
      %broadcast_in_dim3A_104 = vector.broadcast %broadcast_in_dim3A_103 : f32 to vector<1x512xf32>
      %swap3A_105 = arith.constant 0 : index
      %swap3A_106 = arith.constant 0 : index
      %swap3A_107 = vector.load %arg14[%swap3A_105, %swap3A_106] : memref<1x512xf32, #tpu.memory_space<vmem>>, vector<1x512xf32>
      tpu.vector_store %arg14[%swap3A_105, %swap3A_106], %broadcast_in_dim3A_104 {strides = array<i32>} : memref<1x512xf32, #tpu.memory_space<vmem>>, vector<1x512xf32>,
      %broadcast_in_dim3A_108 = arith.constant 0.000000e+00 : f32
      %broadcast_in_dim3A_109 = vector.broadcast %broadcast_in_dim3A_108 : f32 to vector<1x512xf32>
      %swap3A_110 = arith.constant 0 : index
      %swap3A_111 = arith.constant 0 : index
      %swap3A_112 = vector.load %arg15[%swap3A_110, %swap3A_111] : memref<1x512xf32, #tpu.memory_space<vmem>>, vector<1x512xf32>
      tpu.vector_store %arg15[%swap3A_110, %swap3A_111], %broadcast_in_dim3A_109 {strides = array<i32>} : memref<1x512xf32, #tpu.memory_space<vmem>>, vector<1x512xf32>,
      %broadcast_in_dim3A_113 = arith.constant 0.000000e+00 : f32
      %broadcast_in_dim3A_114 = vector.broadcast %broadcast_in_dim3A_113 : f32 to vector<512x300xf32>
      %swap3A_115 = arith.constant 0 : index
      %swap3A_116 = arith.constant 0 : index
      %swap3A_117 = vector.load %arg16[%swap3A_115, %swap3A_116] : memref<512x300xf32, #tpu.memory_space<vmem>>, vector<512x300xf32>
      tpu.vector_store %arg16[%swap3A_115, %swap3A_116], %broadcast_in_dim3A_114 {strides = array<i32>} : memref<512x300xf32, #tpu.memory_space<vmem>>, vector<512x300xf32>,
      %broadcast_in_dim3A_118 = arith.constant 0.000000e+00 : f32
      %broadcast_in_dim3A_119 = vector.broadcast %broadcast_in_dim3A_118 : f32 to vector<512x300xf32>
      %swap3A_120 = arith.constant 0 : index
      %swap3A_121 = arith.constant 0 : index
      %swap3A_122 = vector.load %arg17[%swap3A_120, %swap3A_121] : memref<512x300xf32, #tpu.memory_space<vmem>>, vector<512x300xf32>
      tpu.vector_store %arg17[%swap3A_120, %swap3A_121], %broadcast_in_dim3A_119 {strides = array<i32>} : memref<512x300xf32, #tpu.memory_space<vmem>>, vector<512x300xf32>,
    } else {
    }
    %get3A = arith.constant 0 : index
    %get3A_2 = arith.constant 0 : index
    %get3A_3 = arith.constant 0 : index
    %get3A_4 = vector.load %arg1[%get3A, %get3A_2, %get3A_3] : memref<1x1000x160xbf16, #tpu.memory_space<vmem>>, vector<1x1000x160xbf16>
    %get3A_5 = vector.shape_cast %get3A_4 : vector<1x1000x160xbf16> to vector<1000x160xbf16>
    %get3A_6 = arith.constant 0 : index
    %get3A_7 = arith.constant 0 : index
    %get3A_8 = arith.constant 0 : index
    %get3A_9 = vector.load %arg2[%get3A_6, %get3A_7, %get3A_8] : memref<1x1000x160xbf16, #tpu.memory_space<vmem>>, vector<1x1000x160xbf16>
    %get3A_10 = vector.shape_cast %get3A_9 : vector<1x1000x160xbf16> to vector<1000x160xbf16>
    %get3A_11 = arith.constant 0 : index
    %get3A_12 = arith.constant 0 : index
    %get3A_13 = vector.load %arg3[%get3A_11, %get3A_12] : memref<1000x16xf32, #tpu.memory_space<vmem>>, vector<1000x16xf32>
    %get3A_14 = arith.constant 0 : index
    %get3A_15 = arith.constant 0 : index
    %get3A_16 = vector.load %arg4[%get3A_14, %get3A_15] : memref<1000x16xf32, #tpu.memory_space<vmem>>, vector<1000x16xf32>
    %get3A_17 = arith.constant 0 : index
    %get3A_18 = arith.constant 0 : index
    %get3A_19 = arith.constant 0 : index
    %get3A_20 = vector.load %arg5[%get3A_17, %get3A_18, %get3A_19] : memref<1x1000x1xi32, #tpu.memory_space<vmem>>, vector<1x1000x1xi32>
    %get3A_21 = vector.shape_cast %get3A_20 : vector<1x1000x1xi32> to vector<1000x1xi32>
    %get3A_22 = arith.constant 0 : index
    %get3A_23 = arith.constant 0 : index
    %get3A_24 = vector.load %arg6[%get3A_22, %get3A_23] : memref<320x300xbf16, #tpu.memory_space<vmem>>, vector<320x300xbf16>
    %slice3A = vector.extract_strided_slice %get3A_24 {offsets = [0, 0], sizes = [160, 300], strides = [1, 1]} : vector<320x300xbf16> to vector<160x300xbf16>
    %dot_general3A = arith.constant dense<0.000000e+00> : vector<1000x300xf32>
    %dot_general3A_25 = tpu.matmul %get3A_5, %slice3A, %dot_general3A {dimension_numbers = #tpu.dot_dimension_numbers<[1], [0], [0], [1], [0, 0, 1, 1], [], []>, transpose_lhs_hint = false} : vector<1000x160xbf16>, vector<160x300xbf16>, vector<1000x300xf32> -> vector<1000x300xf32>
    %slice3A_26 = vector.extract_strided_slice %get3A_24 {offsets = [160, 0], sizes = [160, 300], strides = [1, 1]} : vector<320x300xbf16> to vector<160x300xbf16>
    %dot_general3A_27 = arith.constant dense<0.000000e+00> : vector<1000x300xf32>
    %dot_general3A_28 = tpu.matmul %get3A_10, %slice3A_26, %dot_general3A_27 {dimension_numbers = #tpu.dot_dimension_numbers<[1], [0], [0], [1], [0, 0, 1, 1], [], []>, transpose_lhs_hint = false} : vector<1000x160xbf16>, vector<160x300xbf16>, vector<1000x300xf32> -> vector<1000x300xf32>
    %add3A = arith.addf %dot_general3A_25, %dot_general3A_28 : vector<1000x300xf32>
    %convert_element_type3A_29 = arith.truncf %get3A_13 : vector<1000x16xf32> to vector<1000x16xbf16>
    %get3A_30 = arith.constant 0 : index
    %get3A_31 = arith.constant 0 : index
    %get3A_32 = vector.load %arg7[%get3A_30, %get3A_31] : memref<16x300xbf16, #tpu.memory_space<vmem>>, vector<16x300xbf16>
    %dot_general3A_33 = arith.constant dense<0.000000e+00> : vector<1000x300xf32>
    %dot_general3A_34 = tpu.matmul %convert_element_type3A_29, %get3A_32, %dot_general3A_33 {dimension_numbers = #tpu.dot_dimension_numbers<[1], [0], [0], [1], [0, 0, 1, 1], [], []>, transpose_lhs_hint = false} : vector<1000x16xbf16>, vector<16x300xbf16>, vector<1000x300xf32> -> vector<1000x300xf32>
    %add3A_35 = arith.addf %add3A, %dot_general3A_34 : vector<1000x300xf32>
    %max3A = arith.constant 0.000000e+00 : f32
    %max3A_36 = vector.broadcast %max3A : f32 to vector<1000x300xf32>
    %max3A_37 = arith.maximumf %add3A_35, %max3A_36 : vector<1000x300xf32>
    %slice3A_38 = vector.extract_strided_slice %get3A_16 {offsets = [0, 0], sizes = [1000, 1], strides = [1, 1]} : vector<1000x16xf32> to vector<1000x1xf32>
    %get3A_39 = arith.constant 0 : index
    %get3A_40 = arith.constant 0 : index
    %get3A_41 = vector.load %arg8[%get3A_39, %get3A_40] : memref<16x1xf32, #tpu.memory_space<vmem>>, vector<16x1xf32>
    %dot_general3A_42 = arith.constant dense<0.000000e+00> : vector<1000x1xf32>
    %dot_general3A_43 = tpu.matmul %get3A_13, %get3A_41, %dot_general3A_42 {dimension_numbers = #tpu.dot_dimension_numbers<[1], [0], [0], [1], [0, 0, 1, 1], [], []>, precision = #tpu.contract_precision<fp32>, transpose_lhs_hint = false} : vector<1000x16xf32>, vector<16x1xf32>, vector<1000x1xf32> -> vector<1000x1xf32>
    %add3A_44 = arith.addf %slice3A_38, %dot_general3A_43 : vector<1000x1xf32>
    %max3A_45 = arith.constant 0.000000e+00 : f32
    %max3A_46 = vector.broadcast %max3A_45 : f32 to vector<1000x1xf32>
    %max3A_47 = arith.maximumf %add3A_44, %max3A_46 : vector<1000x1xf32>
    %abs3A = math.absf %add3A_44 : vector<1000x1xf32>
    %neg3A = arith.constant 0.000000e+00 : f32
    %neg3A_48 = vector.broadcast %neg3A : f32 to vector<1000x1xf32>
    %neg3A_49 = arith.subf %neg3A_48, %abs3A : vector<1000x1xf32>
    %exp3A = math.exp %neg3A_49 : vector<1000x1xf32>
    %log1p3A = math.log1p %exp3A : vector<1000x1xf32>
    %add3A_50 = arith.addf %max3A_47, %log1p3A : vector<1000x1xf32>
    %iota3A = tpu.iota {dimensions = array<i32: 1>} : vector<1x512xi32>
    %eq3A_51 = vector.broadcast %get3A_21 : vector<1000x1xi32> to vector<1000x512xi32>
    %eq3A_52 = vector.broadcast %iota3A : vector<1x512xi32> to vector<1000x512xi32>
    %eq3A_53 = arith.cmpi eq, %eq3A_51, %eq3A_52 : vector<1000x512xi32>
    %convert_element_type3A_54 = arith.extui %eq3A_53 : vector<1000x512xi1> to vector<1000x512xi32>
    %convert_element_type3A_55 = arith.sitofp %convert_element_type3A_54 : vector<1000x512xi32> to vector<1000x512xf32>
    %convert_element_type3A_56 = arith.truncf %convert_element_type3A_55 : vector<1000x512xf32> to vector<1000x512xbf16>
    %get3A_57 = arith.constant 0 : index
    %get3A_58 = arith.constant 0 : index
    %get3A_59 = vector.load %arg15[%get3A_57, %get3A_58] : memref<1x512xf32, #tpu.memory_space<vmem>>, vector<1x512xf32>
    %convert_element_type3A_60 = arith.extf %convert_element_type3A_56 : vector<1000x512xbf16> to vector<1000x512xf32>
    %reduce_sum3A = arith.constant dense<0.000000e+00> : vector<512xf32>
    %reduce_sum3A_61 = vector.multi_reduction <add>, %convert_element_type3A_60, %reduce_sum3A [0] : vector<1000x512xf32> to vector<512xf32>
    %broadcast_in_dim3A = vector.shape_cast %reduce_sum3A_61 : vector<512xf32> to vector<1x512xf32>
    %add3A_62 = arith.addf %get3A_59, %broadcast_in_dim3A : vector<1x512xf32>
    %swap3A = arith.constant 0 : index
    %swap3A_63 = arith.constant 0 : index
    %swap3A_64 = vector.load %arg15[%swap3A, %swap3A_63] : memref<1x512xf32, #tpu.memory_space<vmem>>, vector<1x512xf32>
    tpu.vector_store %arg15[%swap3A, %swap3A_63], %add3A_62 {strides = array<i32>} : memref<1x512xf32, #tpu.memory_space<vmem>>, vector<1x512xf32>,
    %jit3A = arith.constant 0xFF800000 : f32
    %broadcast_in_dim3A_65 = vector.shape_cast %add3A_50 : vector<1000x1xf32> to vector<1000x1xf32>
    %broadcast_in_dim3A_66 = vector.broadcast %broadcast_in_dim3A_65 : vector<1000x1xf32> to vector<1000x512xf32>
    %broadcast_in_dim3A_67 = vector.broadcast %jit3A : f32 to vector<1000x512xf32>
    %select_n3A = arith.select %eq3A_53, %broadcast_in_dim3A_66, %broadcast_in_dim3A_67 : vector<1000x512xi1>, vector<1000x512xf32>
    %reduce_max3A = arith.constant dense<0xFF800000> : vector<512xf32>
    %reduce_max3A_68 = vector.multi_reduction <maximumf>, %select_n3A, %reduce_max3A [0] : vector<1000x512xf32> to vector<512xf32>
    %broadcast_in_dim3A_69 = vector.shape_cast %reduce_max3A_68 : vector<512xf32> to vector<1x512xf32>
    %get3A_70 = arith.constant 0 : index
    %get3A_71 = arith.constant 0 : index
    %get3A_72 = vector.load %arg14[%get3A_70, %get3A_71] : memref<1x512xf32, #tpu.memory_space<vmem>>, vector<1x512xf32>
    %max3A_73 = arith.maximumf %get3A_72, %broadcast_in_dim3A_69 : vector<1x512xf32>
    %swap3A_74 = arith.constant 0 : index
    %swap3A_75 = arith.constant 0 : index
    %swap3A_76 = vector.load %arg14[%swap3A_74, %swap3A_75] : memref<1x512xf32, #tpu.memory_space<vmem>>, vector<1x512xf32>
    tpu.vector_store %arg14[%swap3A_74, %swap3A_75], %max3A_73 {strides = array<i32>} : memref<1x512xf32, #tpu.memory_space<vmem>>, vector<1x512xf32>,
    %get3A_77 = arith.constant 0 : index
    %get3A_78 = arith.constant 0 : index
    %get3A_79 = vector.load %arg16[%get3A_77, %get3A_78] : memref<512x300xf32, #tpu.memory_space<vmem>>, vector<512x300xf32>
    %convert_element_type3A_80 = arith.truncf %max3A_37 : vector<1000x300xf32> to vector<1000x300xbf16>
    %dot_general3A_81 = arith.constant dense<0.000000e+00> : vector<512x300xf32>
    %dot_general3A_82 = tpu.matmul %convert_element_type3A_56, %convert_element_type3A_80, %dot_general3A_81 {dimension_numbers = #tpu.dot_dimension_numbers<[0], [0], [1], [1], [0, 1, 1, 1], [], []>, transpose_lhs_hint = false} : vector<1000x512xbf16>, vector<1000x300xbf16>, vector<512x300xf32> -> vector<512x300xf32>
    %add3A_83 = arith.addf %get3A_79, %dot_general3A_82 : vector<512x300xf32>
    %swap3A_84 = arith.constant 0 : index
    %swap3A_85 = arith.constant 0 : index
    %swap3A_86 = vector.load %arg16[%swap3A_84, %swap3A_85] : memref<512x300xf32, #tpu.memory_space<vmem>>, vector<512x300xf32>
    tpu.vector_store %arg16[%swap3A_84, %swap3A_85], %add3A_83 {strides = array<i32>} : memref<512x300xf32, #tpu.memory_space<vmem>>, vector<512x300xf32>,
    %get3A_87 = arith.constant 0 : index
    %get3A_88 = arith.constant 0 : index
    %get3A_89 = vector.load %arg17[%get3A_87, %get3A_88] : memref<512x300xf32, #tpu.memory_space<vmem>>, vector<512x300xf32>
    %mul3A = vector.broadcast %add3A_50 : vector<1000x1xf32> to vector<1000x300xf32>
    %mul3A_90 = arith.mulf %max3A_37, %mul3A : vector<1000x300xf32>
    %convert_element_type3A_91 = arith.truncf %mul3A_90 : vector<1000x300xf32> to vector<1000x300xbf16>
    %dot_general3A_92 = arith.constant dense<0.000000e+00> : vector<512x300xf32>
    %dot_general3A_93 = tpu.matmul %convert_element_type3A_56, %convert_element_type3A_91, %dot_general3A_92 {dimension_numbers = #tpu.dot_dimension_numbers<[0], [0], [1], [1], [0, 1, 1, 1], [], []>, transpose_lhs_hint = false} : vector<1000x512xbf16>, vector<1000x300xbf16>, vector<512x300xf32> -> vector<512x300xf32>
    %add3A_94 = arith.addf %get3A_89, %dot_general3A_93 : vector<512x300xf32>
    %swap3A_95 = arith.constant 0 : index
    %swap3A_96 = arith.constant 0 : index
    %swap3A_97 = vector.load %arg17[%swap3A_95, %swap3A_96] : memref<512x300xf32, #tpu.memory_space<vmem>>, vector<512x300xf32>
    tpu.vector_store %arg17[%swap3A_95, %swap3A_96], %add3A_94 {strides = array<i32>} : memref<512x300xf32, #tpu.memory_space<vmem>>, vector<512x300xf32>,
    %eq3A_98 = arith.constant 9 : i32
    %eq3A_99 = arith.cmpi eq, %arg0, %eq3A_98 : i32
    %convert_element_type3A_100 = arith.extui %eq3A_99 : i1 to i32
    %cond3A_101 = arith.constant 0 : i32
    %cond3A_102 = arith.cmpi ne, %convert_element_type3A_100, %cond3A_101 : i32
    scf.if %cond3A_102 {
      %get3A_103 = arith.constant 0 : index
      %get3A_104 = arith.constant 0 : index
      %get3A_105 = vector.load %arg14[%get3A_103, %get3A_104] : memref<1x512xf32, #tpu.memory_space<vmem>>, vector<1x512xf32>
      %get3A_106 = arith.constant 0 : index
      %get3A_107 = arith.constant 0 : index
      %get3A_108 = vector.load %arg15[%get3A_106, %get3A_107] : memref<1x512xf32, #tpu.memory_space<vmem>>, vector<1x512xf32>
      %max3A_109 = arith.constant 1.000000e+00 : f32
      %max3A_110 = vector.broadcast %max3A_109 : f32 to vector<1x512xf32>
      %max3A_111 = arith.maximumf %get3A_108, %max3A_110 : vector<1x512xf32>
      %mul3A_112 = arith.constant 1.000000e+01 : f32
      %mul3A_113 = vector.broadcast %mul3A_112 : f32 to vector<1x512xf32>
      %mul3A_114 = arith.mulf %mul3A_113, %get3A_105 : vector<1x512xf32>
      %div3A = arith.constant 1.000000e+00 : f32
      %div3A_115 = vector.broadcast %div3A : f32 to vector<1x512xf32>
      %div3A_116 = arith.divf %div3A_115, %mul3A_114 : vector<1x512xf32>
      %div3A_117 = arith.constant 1.000000e+00 : f32
      %div3A_118 = vector.broadcast %div3A_117 : f32 to vector<1x512xf32>
      %div3A_119 = arith.divf %div3A_118, %max3A_111 : vector<1x512xf32>
      %concatenate3A = tpu.concatenate %div3A_116, %div3A_119 in 0 : vector<1x512xf32>, vector<1x512xf32> -> vector<2x512xf32>
      %iota3A_120 = tpu.iota {dimensions = array<i32: 0>} : vector<512x512xi32>
      %iota3A_121 = tpu.iota {dimensions = array<i32: 1>} : vector<512x512xi32>
      %eq3A_122 = arith.cmpi eq, %iota3A_120, %iota3A_121 : vector<512x512xi32>
      %convert_element_type3A_123 = arith.extui %eq3A_122 : vector<512x512xi1> to vector<512x512xi32>
      %convert_element_type3A_124 = arith.sitofp %convert_element_type3A_123 : vector<512x512xi32> to vector<512x512xf32>
      %dot_general3A_125 = arith.constant dense<0.000000e+00> : vector<512x2xf32>
      %dot_general3A_126 = tpu.matmul %convert_element_type3A_124, %concatenate3A, %dot_general3A_125 {dimension_numbers = #tpu.dot_dimension_numbers<[1], [1], [0], [0], [0, 0, 1, 0], [], []>, precision = #tpu.contract_precision<fp32>, transpose_lhs_hint = false} : vector<512x512xf32>, vector<2x512xf32>, vector<512x2xf32> -> vector<512x2xf32>
      %slice3A_127 = vector.extract_strided_slice %dot_general3A_126 {offsets = [0, 0], sizes = [512, 1], strides = [1, 1]} : vector<512x2xf32> to vector<512x1xf32>
      %slice3A_128 = vector.extract_strided_slice %dot_general3A_126 {offsets = [0, 1], sizes = [512, 1], strides = [1, 1]} : vector<512x2xf32> to vector<512x1xf32>
      %get3A_129 = arith.constant 0 : index
      %get3A_130 = arith.constant 0 : index
      %get3A_131 = vector.load %arg17[%get3A_129, %get3A_130] : memref<512x300xf32, #tpu.memory_space<vmem>>, vector<512x300xf32>
      %mul3A_132 = vector.broadcast %slice3A_127 : vector<512x1xf32> to vector<512x300xf32>
      %mul3A_133 = arith.mulf %get3A_131, %mul3A_132 : vector<512x300xf32>
      %get3A_134 = arith.constant 0 : index
      %get3A_135 = arith.constant 0 : index
      %get3A_136 = vector.load %arg16[%get3A_134, %get3A_135] : memref<512x300xf32, #tpu.memory_space<vmem>>, vector<512x300xf32>
      %mul3A_137 = arith.constant 0.899999976 : f32
      %mul3A_138 = vector.broadcast %mul3A_137 : f32 to vector<512x300xf32>
      %mul3A_139 = arith.mulf %mul3A_138, %get3A_136 : vector<512x300xf32>
      %add3A_140 = arith.addf %mul3A_133, %mul3A_139 : vector<512x300xf32>
      %mul3A_141 = vector.broadcast %slice3A_128 : vector<512x1xf32> to vector<512x300xf32>
      %mul3A_142 = arith.mulf %add3A_140, %mul3A_141 : vector<512x300xf32>
      %get3A_143 = arith.constant 0 : index
      %get3A_144 = arith.constant 0 : index
      %get3A_145 = vector.load %arg9[%get3A_143, %get3A_144] : memref<300x300xf32, #tpu.memory_space<vmem>>, vector<300x300xf32>
      %dot_general3A_146 = arith.constant dense<0.000000e+00> : vector<512x300xf32>
      %dot_general3A_147 = tpu.matmul %mul3A_142, %get3A_145, %dot_general3A_146 {dimension_numbers = #tpu.dot_dimension_numbers<[1], [0], [0], [1], [0, 0, 1, 1], [], []>, transpose_lhs_hint = false} : vector<512x300xf32>, vector<300x300xf32>, vector<512x300xf32> -> vector<512x300xf32>
      %get3A_148 = arith.constant 0 : index
      %get3A_149 = arith.constant 0 : index
      %get3A_150 = vector.load %arg10[%get3A_148, %get3A_149] : memref<1x300xf32, #tpu.memory_space<vmem>>, vector<1x300xf32>
      %add3A_151 = vector.broadcast %get3A_150 : vector<1x300xf32> to vector<512x300xf32>
      %add3A_152 = arith.addf %dot_general3A_147, %add3A_151 : vector<512x300xf32>
      %max3A_153 = arith.constant 0.000000e+00 : f32
      %max3A_154 = vector.broadcast %max3A_153 : f32 to vector<512x300xf32>
      %max3A_155 = arith.maximumf %add3A_152, %max3A_154 : vector<512x300xf32>
      %get3A_156 = arith.constant 0 : index
      %get3A_157 = arith.constant 0 : index
      %get3A_158 = vector.load %arg11[%get3A_156, %get3A_157] : memref<300x300xf32, #tpu.memory_space<vmem>>, vector<300x300xf32>
      %dot_general3A_159 = arith.constant dense<0.000000e+00> : vector<512x300xf32>
      %dot_general3A_160 = tpu.matmul %max3A_155, %get3A_158, %dot_general3A_159 {dimension_numbers = #tpu.dot_dimension_numbers<[1], [0], [0], [1], [0, 0, 1, 1], [], []>, transpose_lhs_hint = false} : vector<512x300xf32>, vector<300x300xf32>, vector<512x300xf32> -> vector<512x300xf32>
      %get3A_161 = arith.constant 0 : index
      %get3A_162 = arith.constant 0 : index
      %get3A_163 = vector.load %arg12[%get3A_161, %get3A_162] : memref<1x300xf32, #tpu.memory_space<vmem>>, vector<1x300xf32>
      %add3A_164 = vector.broadcast %get3A_163 : vector<1x300xf32> to vector<512x300xf32>
      %add3A_165 = arith.addf %dot_general3A_160, %add3A_164 : vector<512x300xf32>
      %swap3A_166 = arith.constant 0 : index
      %swap3A_167 = arith.constant 0 : index
      %swap3A_168 = vector.load %arg13[%swap3A_166, %swap3A_167] : memref<512x300xf32, #tpu.memory_space<vmem>>, vector<512x300xf32>
      tpu.vector_store %arg13[%swap3A_166, %swap3A_167], %add3A_165 {strides = array<i32>} : memref<512x300xf32, #tpu.memory_space<vmem>>, vector<512x300xf32>,
    } else {
    }
    return
  }
  func.func @transform_0(%arg0: i32) -> (i32, i32, i32) {
    %c0_i32 = arith.constant 0 : i32
    %c0_i32_0 = arith.constant 0 : i32
    %c0_i32_1 = arith.constant 0 : i32
    return %c0_i32, %arg0, %c0_i32_0 : i32, i32, i32
  }
  func.func @transform_1(%arg0: i32) -> (i32, i32, i32) {
    %c1_i32 = arith.constant 1 : i32
    %c0_i32 = arith.constant 0 : i32
    %c0_i32_0 = arith.constant 0 : i32
    return %c1_i32, %arg0, %c0_i32 : i32, i32, i32
  }
  func.func @transform_2(%arg0: i32) -> (i32, i32) {
    %c0_i32 = arith.constant 0 : i32
    %c0_i32_0 = arith.constant 0 : i32
    return %arg0, %c0_i32 : i32, i32
  }
  func.func @transform_3(%arg0: i32) -> (i32, i32) {
    %c0_i32 = arith.constant 0 : i32
    %c0_i32_0 = arith.constant 0 : i32
    return %arg0, %c0_i32 : i32, i32
  }
  func.func @transform_4(%arg0: i32) -> (i32, i32, i32) {
    %c0_i32 = arith.constant 0 : i32
    %c0_i32_0 = arith.constant 0 : i32
    %c0_i32_1 = arith.constant 0 : i32
    return %arg0, %c0_i32, %c0_i32_0 : i32, i32, i32
  }
  func.func @transform_5(%arg0: i32) -> (i32, i32) {
    %c0_i32 = arith.constant 0 : i32
    %c0_i32_0 = arith.constant 0 : i32
    %c0_i32_1 = arith.constant 0 : i32
    return %c0_i32, %c0_i32_0 : i32, i32
  }
  func.func @transform_6(%arg0: i32) -> (i32, i32) {
    %c0_i32 = arith.constant 0 : i32
    %c0_i32_0 = arith.constant 0 : i32
    %c0_i32_1 = arith.constant 0 : i32
    return %c0_i32, %c0_i32_0 : i32, i32
  }
  func.func @transform_7(%arg0: i32) -> (i32, i32) {
    %c0_i32 = arith.constant 0 : i32
    %c0_i32_0 = arith.constant 0 : i32
    %c0_i32_1 = arith.constant 0 : i32
    return %c0_i32, %c0_i32_0 : i32, i32
  }
  func.func @transform_8(%arg0: i32) -> (i32, i32) {
    %c0_i32 = arith.constant 0 : i32
    %c0_i32_0 = arith.constant 0 : i32
    %c0_i32_1 = arith.constant 0 : i32
    return %c0_i32, %c0_i32_0 : i32, i32
  }
  func.func @transform_9(%arg0: i32) -> (i32, i32) {
    %c0_i32 = arith.constant 0 : i32
    %c0_i32_0 = arith.constant 0 : i32
    %c0_i32_1 = arith.constant 0 : i32
    return %c0_i32, %c0_i32_0 : i32, i32
  }
  func.func @transform_10(%arg0: i32) -> (i32, i32) {
    %c0_i32 = arith.constant 0 : i32
    %c0_i32_0 = arith.constant 0 : i32
    %c0_i32_1 = arith.constant 0 : i32
    return %c0_i32, %c0_i32_0 : i32, i32
  }
  func.func @transform_11(%arg0: i32) -> (i32, i32) {
    %c0_i32 = arith.constant 0 : i32
    %c0_i32_0 = arith.constant 0 : i32
    %c0_i32_1 = arith.constant 0 : i32
    return %c0_i32, %c0_i32_0 : i32, i32
  }
  func.func @transform_12(%arg0: i32) -> (i32, i32) {
    %c0_i32 = arith.constant 0 : i32
    %c0_i32_0 = arith.constant 0 : i32
    %c0_i32_1 = arith.constant 0 : i32
    return %c0_i32, %c0_i32_0 : i32, i32
  }
}

</mosaic_0001>

<sc_bundles>
// kernel: kernel.6.cloned.1.call-start
scs
__scs_entry_jumppad:
0x0: {  	(pc) =	sbr.rel $0x88, $3  }
0x1: {  	(tag) =	ssettag $0x0;
	lr =	simm.s32 $0x1  }
0x2: {  	[smem:$0x3F94] =	sst lr;
	_ =	strace $0xD0000000  }
0x3: {  	_ = 	snop  }
0x4: {  	_ = 	snop  }
0x5: {  	_ = 	snop  }
0x6: {  	_ = 	snop  }
0x7: {  	_ = 	snop  }
__scs_overlays_trampoline_lowered:
0x8: {  	[smem:$0x3FA3] =	sst s0  }
0x9: {  	[smem:$0x3FA4] =	sst s1  }
0xa: {  	[smem:$0x3FA5] =	sst s2  }
0xb: {  	[smem:$0x3FA6] =	sst s3  }
0xc: {  	[smem:$0x3FA7] =	sst s4  }
0xd: {  	[smem:$0x3FA8] =	sst s5  }
0xe: {  	[smem:$0x3FA9] =	sst s6  }
0xf: {  	[smem:$0x3FAA] =	sst s7  }
0x10: {  	[smem:$0x3FAB] =	sst s8  }
0x11: {  	[smem:$0x3FAC] =	sst s9;
	s0 =	simm.s32 @!p0 $0x0  }
0x12: {  	s1 =	sld [smem:$0x3F92];
	s0 =	simm.s32 @p0 $0x1  }
0x13: {  	[smem:$0x3FAD] =	sst s0;
	s0 =	simm.s32 @!p1 $0x0  }
0x14: {  	s2 =	sld [smem:$0x3F91];
	s0 =	simm.s32 @p1 $0x1  }
0x15: {  	[smem:$0x3FAE] =	sst s0;
	s0 =	simm.s32 @!p2 $0x0  }
0x16: {  	s3 =	sld [smem:$0x3FDB];
	s0 =	simm.s32 @p2 $0x1  }
0x17: {  	s4 =	simm.s32 $0x1BF5;
	[smem:$0x3FB0] =	sst s0  }
0x18: {  	s0 =	sld [smem:$0x3F93];
	_ =	swait.ge [sflag:s4], $0x0  }
0x19: {  	s7 =	sld [smem:$0x3F94]  }
0x1a: {  	s8 =	sadd.s32 $0xFFFFE003, lr  }
0x1b: {  	s9 =	sadd.s32 $0xFFFFFEF7, lr;
	s5 =	simm.s32 $0xFFFFFFFF;
	p2 =	slt.u32 s8, $0xFFFFF086  }
0x1c: {  	p1 =	slt.u32 s9, $0xF7A;
	s5 =	simm.s32 @!p2 $0x0  }
0x1d: {  	s5 =	simm.s32 @p1 $0x1;
	p0 =	seq.s32 s7, s2  }
0x1e: {  	s7 =	smul.u32 @!p0 $0xF7A, s2;
	p2 =	seq.s32 @!p0 s5, $0x0  }
0x1f: {  	s9 =	smul.u32 $0xF7A, s1;
	s8 =	simm.s32 @!p0 $0x1BF5;
	p2 =	por !p2, p0  }
0x20: {  	[sflag:s8] =	ssyncset.s32 @!p0 $0xFFFFF086;
	s6 =	sadd.s32 @!p0 s3, s7;
	s7 =	simm.s32 @!p0 $0x108  }
0x21: {  	s3 =	sadd.s32 s3, s9;
	s6 =	sadd.s32 @!p0 $0x88, s6;
	s7 =	simm.s32 @p2 $0x1082  }
0x22: {  	[simem:s7], [sflag:s8] =	dma.local @!p0 [hbm:s6], $0xF7A  }
0x23: {  	s9 =	sor.u32 $0xD0000000, s2;
	s6 =	simm.s32 $0x108;
	_ =	swait.ge @!p0 [sflag:s8], $0x0  }
0x24: {  	s3 =	sadd.s32 $0x88, s3;
	s6 =	simm.s32 @!p1 $0x1082;
	[sflag:s4] =	ssyncset.s32 $0xFFFFF086  }
0x25: {  	[simem:s6], [sflag:s4] =	dma.local [hbm:s3], $0xF7A  }
0x26: {  	[smem:$0x3F94] =	sst s1;
	(tag) =	ssettag s2;
	_ =	strace s9  }
0x27: {  	s1 =	sld [smem:$0x3FA4]  }
0x28: {  	s2 =	sld [smem:$0x3FA5]  }
0x29: {  	s4 =	sld [smem:$0x3FA7]  }
0x2a: {  	p0 =	seq.s32 s5, $0x0;
	s5 =	sld [smem:$0x3FA8]  }
0x2b: {  	s6 =	sld [smem:$0x3FA9]  }
0x2c: {  	s7 =	sld [smem:$0x3FAA]  }
0x2d: {  	s3 =	simm.s32 $0x108;
	s8 =	sld [smem:$0x3FAB]  }
0x2e: {  	s3 =	simm.s32 @!p0 $0x1082;
	s9 =	sld [smem:$0x3FAC]  }
0x2f: {  	lr =	sadd.s32 s0, s3;
	s0 =	sld [smem:$0x3FA3]  }
0x30: {  	s3 =	sld [smem:$0x3FA6]  }
0x31: {  	[smem:$0x3FAF] =	sst s10  }
0x32: {  	s10 =	sld [smem:$0x3FAD];
	_ =	sdelay $0x3  }
0x33: {  	p0 =	seq.s32 s10, $0x1;
	s10 =	sld [smem:$0x3FAF];
	_ =	sdelay $0x3  }
0x34: {  	[smem:$0x3FAF] =	sst s10  }
0x35: {  	s10 =	sld [smem:$0x3FAE];
	_ =	sdelay $0x3  }
0x36: {  	p1 =	seq.s32 s10, $0x1;
	s10 =	sld [smem:$0x3FAF];
	_ =	sdelay $0x3  }
0x37: {  	[smem:$0x3FAF] =	sst s10  }
0x38: {  	s10 =	sld [smem:$0x3FB0]  }
0x39: {  	_ = 	snop;
	(pc) =	sbr.ind lr, $3  }
0x3a: {  	_ = 	snop  }
0x3b: {  	_ = 	snop  }
0x3c: {  	p2 =	seq.s32 s10, $0x1;
	s10 =	sld [smem:$0x3FAF]  }
0x3d: {  	_ =	shalt  }
0x3e: {  	_ =	shalt  }
0x3f: {  	_ =	shalt  }
0x40: {  	_ =	shalt  }
0x41: {  	_ =	shalt  }
0x42: {  	_ =	shalt  }
0x43: {  	_ =	shalt  }
0x44: {  	_ =	shalt  }
0x45: {  	_ =	shalt  }
0x46: {  	_ =	shalt  }
0x47: {  	_ =	shalt  }
0x48: {  	_ =	shalt  }
0x49: {  	_ =	shalt  }
0x4a: {  	_ =	shalt  }
0x4b: {  	_ =	shalt  }
0x4c: {  	_ =	shalt  }
0x4d: {  	_ =	shalt  }
0x4e: {  	_ =	shalt  }
0x4f: {  	_ =	shalt  }
0x50: {  	_ =	shalt  }
0x51: {  	_ =	shalt  }
0x52: {  	_ =	shalt  }
0x53: {  	_ =	shalt  }
0x54: {  	_ =	shalt  }
0x55: {  	_ =	shalt  }
0x56: {  	_ =	shalt  }
0x57: {  	_ =	shalt  }
0x58: {  	_ =	shalt  }
0x59: {  	_ =	shalt  }
0x5a: {  	_ =	shalt  }
0x5b: {  	_ =	shalt  }
0x5c: {  	_ =	shalt  }
0x5d: {  	_ =	shalt  }
0x5e: {  	_ =	shalt  }
0x5f: {  	_ =	shalt  }
0x60: {  	_ =	shalt  }
0x61: {  	_ =	shalt  }
0x62: {  	_ =	shalt  }
0x63: {  	_ =	shalt  }
0x64: {  	_ =	shalt  }
0x65: {  	_ =	shalt  }
0x66: {  	_ =	shalt  }
0x67: {  	_ =	shalt  }
0x68: {  	_ =	shalt  }
0x69: {  	_ =	shalt  }
0x6a: {  	_ =	shalt  }
0x6b: {  	_ =	shalt  }
0x6c: {  	_ =	shalt  }
0x6d: {  	_ =	shalt  }
0x6e: {  	_ =	shalt  }
0x6f: {  	_ =	shalt  }
0x70: {  	_ =	shalt  }
0x71: {  	_ =	shalt  }
0x72: {  	_ =	shalt  }
0x73: {  	_ =	shalt  }
0x74: {  	_ =	shalt  }
0x75: {  	_ =	shalt  }
0x76: {  	_ =	shalt  }
0x77: {  	_ =	shalt  }
0x78: {  	_ =	shalt  }
0x79: {  	_ =	shalt  }
0x7a: {  	_ =	shalt  }
0x7b: {  	_ =	shalt  }
0x7c: {  	_ =	shalt  }
0x7d: {  	_ =	shalt  }
0x7e: {  	_ =	shalt  }
0x7f: {  	_ =	shalt  }
0x80: {  	_ =	shalt  }
0x81: {  	_ =	shalt  }
0x82: {  	_ =	shalt  }
0x83: {  	_ =	shalt  }
0x84: {  	_ =	shalt  }
0x85: {  	_ =	shalt  }
0x86: {  	_ =	shalt  }
0x87: {  	_ =	shalt  }
.Lfunc_end0:
.L_simem_size_0:
called_computation_lowered:
.L_overlay_start_0:
0x88: {  	s2 =	sld [smem:$0x3FD9]  }
0x89: {  	s3 =	sld [smem:$0x3FFE];
	_ =	sdelay $0x1  }
0x8a: {  	s1 =	srdreg.scid  }
0x8b: {  	s0 =	sand.u32 $0x1, s1  }
0x8c: {  	s17 =	sshll.u32 s0, $0xA;
	s2 =	sadd.s32 s3, s2  }
0x8d: {  	s2 =	sadd.s32 s2, s17  }
0x8e: {  	[smem:$0x3FBB] =	sst s2  }
0x8f: {  	_ = 	snop  }
0x90: {  	(tm) =	ssettm $0x1  }
0x91: {  	s18 =	sld [smem:$0x3FFB];
	_ =	sdelay $0x3  }
0x92: {  	_ =	strace s18  }
0x93: {  	s2 =	sld [smem:$0x3FFC];
	_ =	sdelay $0x3  }
0x94: {  	_ =	strace s2  }
0x95: {  	s2 =	sld [smem:$0x3FFD];
	_ =	sdelay $0x3  }
0x96: {  	_ =	strace s2  }
0x97: {  	_ =	strace $0x8FFFFFFF  }
0x98: {  	s19 =	sld [smem:$0x3FDB];
	_ =	sdelay $0x1  }
0x99: {  	s20 =	simm.s32 $_scs_section_size  }
0x9a: {  	s4 =	simm.s32 $_size__tile_overlayer_lowered;
	s5 =	simm.s32 $_tile_overlayer_lowered  }
0x9b: {  	s6 =	simm.s32 $0x1BFF;
	s21 =	sshll.u32 s5, $0x1;
	s3 =	sadd.s32 s20, s19  }
0x9c: {  	s22 =	simm.s32 $0x0;
	s4 =	sshll.u32 s4, $0x1;
	s5 =	sadd.s32 s21, s3  }
0x9d: {  	[timem:s22], [sflag:s6] =	dma.local [hbm:s5], s4  }
0x9e: {  	_ =	swait.ge [sflag:s6], s4  }
0x9f: {  	s4 =	ssub.s32 $0x0, s4;
	[sflag:s6] =	ssyncset.done $0x0  }
0xa0: {  	[sflag:s6] =	ssyncadd.s32 s4;
	_ =	sdelay $0x1  }
0xa1: {  	s23 =	simm.s32 $0x1B8B  }
0xa2: {  	_ =	swait.ge [sflag:s23], $0x1  }
0xa3: {  	[sflag:s23] =	ssyncset.done $0x0  }
0xa4: {  	[sflag:s23] =	ssyncadd.s32 $0xFFFFFFFF  }
0xa5: {  	s4 =	sld [smem:$0x0]  }
0xa6: {  	s5 =	sand.u32 $0xFFFFFFFE, s1  }
0xa7: {  	p0 =	sne.s32 s1, s5  }
0xa8: {  	s5 =	sshll.u32 @p0 s5, $0xE  }
0xa9: {  	s5 =	sadd.s32 @p0 $0x11B8D, s5;
	s6 =	sshll.u32 @p0 s4, $0x11  }
0xaa: {  	s5 =	sor.u32 @p0 s6, s5  }
0xab: {  	[sflag:s5] =	ssyncadd.remote.s32 @p0 $0x1;
	_ =	sdelay $0x1  }
0xac: {  	s5 =	simm.s32 @p0 $0x1B8D  }
0xad: {  	_ =	swait.eq @p0 [sflag:s5], $0x1  }
0xae: {  	[sflag:s5] =	ssyncadd.s32 @p0 $0xFFFFFFFF  }
0xaf: {  	s6 =	sshll.u32 @!p0 s1, $0xE  }
0xb0: {  	s6 =	sor.u32 @!p0 $0x4000, s6;
	s5 =	simm.s32 @!p0 $0x1B8D  }
0xb1: {  	s4 =	sshll.u32 @!p0 s4, $0x11;
	s6 =	sadd.s32 @!p0 $0x11B8D, s6;
	_ =	swait.eq @!p0 [sflag:s5], $0x1  }
0xb2: {  	s4 =	sor.u32 @!p0 s4, s6;
	[sflag:s5] =	ssyncadd.s32 @!p0 $0xFFFFFFFF  }
0xb3: {  	s25 =	simm.s32 $0x1B8E;
	s24 =	sld [smem:$0x3FFE];
	[sflag:s4] =	ssyncadd.remote.s32 @!p0 $0x1  }
0xb4: {  	s26 =	simm.s32 $execute0_lowered;
	[smem:$0x3FD2] =	sst s25  }
0xb5: {  	s5 =	sshll.u32 s26, $0x1;
	_ =	strace $0x80000049;
	[dreg:$0x1] =	wrdreg $0xFFFFFFFF  }
0xb6: {  	s28 =	simm.s32 $_size_execute0_lowered;
	s3 =	sadd.s32 s3, s5;
	[dreg:$0x0] =	wrdreg $0x0  }
0xb7: {  	s5 =	sshll.u32 s28, $0x1;
	[dreg:$0x2] =	wrdreg s3  }
0xb8: {  	[dreg:$0x3] =	wrdreg s5  }
0xb9: {  	[dreg:$0x4] =	wrdreg $0xC0  }
0xba: {  	_ =	task [dreg:s22], $0x5FFFF  }
0xbb: {  	[dreg:$0x1] =	wrdreg $0xFFFFFFFF  }
0xbc: {  	[dreg:$0x0] =	wrdreg $0x60  }
0xbd: {  	[dreg:$0x2] =	wrdreg s24  }
0xbe: {  	[dreg:$0x3] =	wrdreg $0x0  }
0xbf: {  	[dreg:$0x4] =	wrdreg $0x9  }
0xc0: {  	_ =	task.clear_ibuf [dreg:s22], $0x5FFFF;
	_ =	strace $0x90000049  }
0xc1: {  	s29 =	simm.s32 $0x9;
	_ =	strace $0x8000004B  }
0xc2: {  	_ =	swait.ge [sflag:s29], $0x1  }
0xc3: {  	[sflag:s29] =	ssyncadd.s32 $0xFFFFFFFF  }
0xc4: {  	_ =	strace $0x9000004B  }
0xc5: {  	_ =	sfence  }
0xc6: {  	s30 =	sld [smem:$0x0];
	_ =	sdelay $0x2  }
0xc7: {  	s31 =	sshll.u32 s1, $0xD;
	s1 =	sshrl.u32 s1, $0x2  }
0xc8: {  	s4 =	sand.u32 $0x4000, s31;
	s1 =	sadd.s32 s1, s30  }
0xc9: {  	s0 =	sor.u32 s4, s0;
	s1 =	sshll.u32 s1, $0x11  }
0xca: {  	s0 =	sor.u32 s1, s0  }
0xcb: {  	s0 =	sadd.s32 $0x8F2B, s0  }
0xcc: {  	[sflag:s0] =	ssyncadd.remote.s32 $0x1  }
0xcd: {  	_ =	sfence.sel $0xFFFF  }
0xce: {  	[dreg:$0x0] =	wrdreg $0xFFFFFFFF;
	(pc) =	sbr.abs _section_cstart, $3  }
0xcf: {  	[dreg:$0x1] =	wrdreg $0xFFFFFFFF  }
0xd0: {  	_ =	task.clear_ibuf [dreg:s22], $0x2FFFF;
	_ =	strace $0x9FFFFFFF  }
0xd1: {  	(tm) =	ssettm $0x7FFFFFFF  }
tec
execute0_lowered:
.L_overlay_start_1:
0x0: {  	(tag) =	ssettag $0x1  }
0x1: {  	s0 =	rddreg [dreg:$0x0]  }
0x2: {  	s2 =	rddreg [dreg:$0x1];
	s3 =	simm.s32 $0x0  }
0x3: {  	s13 =	stileid.u32;
	s6 =	srdreg.scid;
	s12 =	simm.s32 $0x2800  }
0x4: {  	s28 =	simm.s32 $0x9920;
	s30 =	simm.s32 $0x9E20;
	s1 =	smul.u32 $0x4E20, s13  }
0x5: {  	s29 =	simm.s32 $0x3;
	s31 =	simm.s32 $0x4;
	s5 =	smul.u32 $0x9C4, s13  }
0x6: {  	[smem:$0x7FF] =	sst s3;
	s4 =	sadd.s32 $0x1B600, s0;
	s7 =	smul.u32 $0xA000, s13  }
0x7: {  	s8 =	sadd.s32 $0x25600, s0;
	s6 =	sand.u32 $0x1, s6;
	s9 =	smul.u32 $0x2800, s13  }
0x8: {  	_ =	strace $0x8000004A;
	[dreg:$0x3] =	wrdreg s8;
	s19 =	ssub.s32 $0x2, s6  }
0x9: {  	p0 =	sne.s32 s6, $0x0;
	s6 =	simm.s32 $0x7B20;
	s8 =	simm.s32 $0x8A20  }
0xa: {  	s1 =	sadd.s32 s1, s0;
	s5 =	sadd.s32 s5, s0;
	s7 =	sshrl.u32 s7, $0x2  }
0xb: {  	s0 =	sadd.s32 $0x20600, s0;
	s20 =	sshrl.u32 s19, $0x1;
	s16 =	sshrl.u32 s9, $0x3  }
0xc: {  	[dreg:$0x4] =	wrdreg s0;
	s10 =	sadd.s32 s7, s2;
	s0 =	ssub.s32 s19, s20  }
0xd: {  	s7 =	sadd.s32 s9, s2;
	s15 =	sadd.s32 $0x3D800, s5;
	s18 =	sadd.s32 $0x302E00, s1  }
0xe: {  	s19 =	simm.s32 $0x7620;
	s20 =	simm.s32 $0x6;
	s21 =	sadd.s32 $0x500, s10  }
0xf: {  	s5 =	simm.s32 $0x5;
	s22 =	sadd.s32 $0xA00, s10;
	[dreg:$0x5] =	wrdreg s21  }
0x10: {  	s1 =	simm.s32 $0x8020;
	s23 =	sadd.s32 $0xF00, s10;
	[dreg:$0x6] =	wrdreg s22  }
0x11: {  	s9 =	simm.s32 $0x0;
	s24 =	sadd.s32 $0x1400, s10;
	[dreg:$0x7] =	wrdreg s23  }
.Ltmp0:
0x12: {  	s25 =	sadd.s32 $0x1900, s10;
	[dreg:$0x8] =	wrdreg s24;
	(pc) =	sbr.rel .LBB2_1-.Ltmp0, $4  }
0x13: {  	s26 =	sadd.s32 $0x1E00, s10;
	s14 =	sadd.s32 $0x2300, s10;
	[dreg:$0x9] =	wrdreg s25  }
0x14: {  	s17 =	smax.u32 s0, $0x1;
	s0 =	simm.s32 $0xA320;
	[dreg:$0xa] =	wrdreg s26  }
0x15: {  	s22 =	simm.s32 $0x50;
	s23 =	simm.s32 $0x8F20;
	s25 =	simm.s32 $0x9420  }
0x16: {  	v0 =	vimm.f32 $0.0e+00;
	s24 =	simm.s32 $0x1;
	s26 =	simm.s32 $0x2;
	s21 =	simm.s32 $0x8520  }
.LBB2_9:
0x17: {  	[sflag:s20] =	ssyncadd.s32 $0xFFFFFB00;
	s10 =	rddreg [dreg:$0x3];
	s13 =	stileid.u32  }
.LBB2_10:
0x18: {  	s10 =	sadd.s32 s10, s16;
	s9 =	sadd.s32 $0x1, s9  }
0x19: {  	s11 =	sshll.u32 s13, $0x6;
	[bflag:$0x0] =	sbarrier.arrive $0xFFFF;
	p1 =	sne.s32 s9, s17  }
.Ltmp1:
0x1a: {  	s12 =	sshrl.u32 s7, $0x3;
	s11 =	sor.u32 $0x1C06, s11;
	(pc) =	sbr.rel @!p1 .LBB2_11-.Ltmp1, $4  }
0x1b: {  	[hbm:s10], [sflag:s11] =	dma.local [spmem:s12], $0x500  }
0x1c: {  	_ =	swait.ge [sflag:s20], $0x500  }
0x1d: {  	[sflag:s20] =	ssyncset.done $0x0  }
0x1e: {  	s12 =	simm.s32 $0x2800;
	[sflag:s20] =	ssyncadd.s32 $0xFFFFFB00  }
.LBB2_1:
0x1f: {  	s10 =	simm.s32 $0x40;
	s11 =	simm.s32 $0x0  }
.LBB2_2:
0x20: {  	p1 =	sne.s32 s10, $0x13C0;
	[tilespmem:s11+$0x7620] =	vst v0;
	s11 =	smov.u32 s10;
	s10 =	sadd.s32 $0x40, s10  }
.Ltmp2:
0x21: {  	(pc) =	sbr.rel @p1 .LBB2_2-.Ltmp2, $2  }
0x22: {  	_ =	sdelay $0x2  }
0x23: {  	s11 =	sshra.s32 s11, $0x2  }
0x24: {  	[tilespmem:s11+$0x7620] =	vst v0  }
0x25: {  	[spmem:s7] =	stream.linear.scatter [tilespmem:s19], [sflag:$0x6], $0x500, $0x38;
	[tilespmem:$0xA820] =	vst v63  }
0x26: {  	_ =	swait.ge [sflag:s20], $0x500  }
0x27: {  	[sflag:s20] =	ssyncset.done $0x0  }
0x28: {  	s10 =	rddreg [dreg:$0x5];
	[sflag:s20] =	ssyncadd.s32 $0xFFFFFB00  }
0x29: {  	[spmem:s10] =	stream.linear.scatter [tilespmem:s19], [sflag:$0x6], $0x500, $0x38;
	[tilespmem:$0xA820] =	vst v63  }
0x2a: {  	_ =	swait.ge [sflag:s20], $0x500  }
0x2b: {  	[sflag:s20] =	ssyncset.done $0x0  }
0x2c: {  	s11 =	rddreg [dreg:$0x6];
	[sflag:s20] =	ssyncadd.s32 $0xFFFFFB00  }
0x2d: {  	[spmem:s11] =	stream.linear.scatter [tilespmem:s19], [sflag:$0x6], $0x500, $0x38;
	[tilespmem:$0xA820] =	vst v63  }
0x2e: {  	_ =	swait.ge [sflag:s20], $0x500  }
0x2f: {  	[sflag:s20] =	ssyncset.done $0x0  }
0x30: {  	s11 =	rddreg [dreg:$0x7];
	[sflag:s20] =	ssyncadd.s32 $0xFFFFFB00  }
0x31: {  	[spmem:s11] =	stream.linear.scatter [tilespmem:s19], [sflag:$0x6], $0x500, $0x38;
	[tilespmem:$0xA820] =	vst v63  }
0x32: {  	_ =	swait.ge [sflag:s20], $0x500  }
0x33: {  	[sflag:s20] =	ssyncset.done $0x0  }
0x34: {  	s11 =	rddreg [dreg:$0x8];
	[sflag:s20] =	ssyncadd.s32 $0xFFFFFB00  }
0x35: {  	[spmem:s11] =	stream.linear.scatter [tilespmem:s19], [sflag:$0x6], $0x500, $0x38;
	[tilespmem:$0xA820] =	vst v63  }
0x36: {  	_ =	swait.ge [sflag:s20], $0x500  }
0x37: {  	[sflag:s20] =	ssyncset.done $0x0  }
0x38: {  	s11 =	rddreg [dreg:$0x9];
	[sflag:s20] =	ssyncadd.s32 $0xFFFFFB00  }
0x39: {  	[spmem:s11] =	stream.linear.scatter [tilespmem:s19], [sflag:$0x6], $0x500, $0x38;
	[tilespmem:$0xA820] =	vst v63  }
0x3a: {  	_ =	swait.ge [sflag:s20], $0x500  }
0x3b: {  	[sflag:s20] =	ssyncset.done $0x0  }
0x3c: {  	s11 =	rddreg [dreg:$0xa];
	[sflag:s20] =	ssyncadd.s32 $0xFFFFFB00  }
0x3d: {  	[spmem:s11] =	stream.linear.scatter [tilespmem:s19], [sflag:$0x6], $0x500, $0x38;
	[tilespmem:$0xA820] =	vst v63  }
0x3e: {  	_ =	swait.ge [sflag:s20], $0x500  }
0x3f: {  	[sflag:s20] =	ssyncset.done $0x0  }
0x40: {  	[sflag:s20] =	ssyncadd.s32 $0xFFFFFB00  }
0x41: {  	[spmem:s14] =	stream.linear.scatter [tilespmem:s19], [sflag:$0x6], $0x500, $0x38;
	[tilespmem:$0xA820] =	vst v63  }
0x42: {  	_ =	swait.ge [sflag:s20], $0x500  }
0x43: {  	[sflag:s20] =	ssyncset.done $0x0  }
0x44: {  	s11 =	simm.s32 $0x0;
	[sflag:s20] =	ssyncadd.s32 $0xFFFFFB00  }
0x45: {  	[tilespmem:s12], [sflag:$0x6] =	stream.linear.gather [hbm4b:s15+s11], $0x4E20, $0x38;
	[tilespmem:$0xA820] =	vst v63  }
.Ltmp3:
0x46: {  	_ =	swait.ge [sflag:s20], $0x4E20;
	(pc) =	sbr.rel @p0 .LBB2_7-.Ltmp3, $3  }
0x47: {  	[sflag:s20] =	ssyncset.done $0x0  }
0x48: {  	[sflag:s20] =	ssyncadd.s32 $0xFFFFB1E0  }
0x49: {  	[bflag:$0x0] =	sbarrier.arrive $0xFFFF;
	_ =	sdelay $0x1  }
0x4a: {  	[tilespmem:s23], [sflag:$0x1] =	stream.indirect.gather [hbm4b:s4+s22], $0x10, s12, s22, $0xb8;
	[tilespmem:$0xA820] =	vst v63  }
0x4b: {  	s10 =	simm.s32 $0x28A0  }
0x4c: {  	[tilespmem:s25], [sflag:$0x2] =	stream.indirect.gather [hbm4b:s4+s22], $0x10, s10, s22, $0xb8;
	[tilespmem:$0xA820] =	vst v63  }
0x4d: {  	s11 =	simm.s32 $0x2940  }
0x4e: {  	[tilespmem:s28], [sflag:$0x3] =	stream.indirect.gather [hbm4b:s4+s22], $0x10, s11, s22, $0xb8;
	[tilespmem:$0xA820] =	vst v63  }
0x4f: {  	s12 =	simm.s32 $0x29E0  }
0x50: {  	[tilespmem:s30], [sflag:$0x4] =	stream.indirect.gather [hbm4b:s4+s22], $0x10, s12, s22, $0xb8;
	[tilespmem:$0xA820] =	vst v63  }
0x51: {  	s11 =	simm.s32 $0x2A80  }
0x52: {  	[tilespmem:s0], [sflag:$0x5] =	stream.indirect.gather [hbm4b:s4+s22], $0x10, s11, s22, $0xb8;
	[tilespmem:$0xA820] =	vst v63  }
0x53: {  	_ =	swait.ge [sflag:s24], $0x500  }
0x54: {  	[sflag:s24] =	ssyncset.done $0x0  }
0x55: {  	s12 =	simm.s32 $0x2850;
	[sflag:s24] =	ssyncadd.s32 $0xFFFFFB00  }
0x56: {  	[spmem:s2] =	stream.indirect.scatter.add.f32 [tilespmem:s23], [sflag:$0x6], $0x10, s12, s22, $0xb8;
	[tilespmem:$0xA820] =	vst v63  }
0x57: {  	_ =	swait.ge [sflag:s20], $0x500  }
0x58: {  	[sflag:s20] =	ssyncset.done $0x0  }
0x59: {  	s11 =	simm.s32 $0x2B20;
	[sflag:s20] =	ssyncadd.s32 $0xFFFFFB00  }
0x5a: {  	[tilespmem:s23], [sflag:$0x1] =	stream.indirect.gather [hbm4b:s4+s22], $0x10, s11, s22, $0xb8;
	[tilespmem:$0xA820] =	vst v63  }
0x5b: {  	_ =	swait.ge [sflag:s26], $0x500  }
0x5c: {  	[sflag:s26] =	ssyncset.done $0x0  }
0x5d: {  	s12 =	simm.s32 $0x28F0;
	[sflag:s26] =	ssyncadd.s32 $0xFFFFFB00  }
0x5e: {  	[spmem:s2] =	stream.indirect.scatter.add.f32 [tilespmem:s25], [sflag:$0x6], $0x10, s12, s22, $0xb8;
	[tilespmem:$0xA820] =	vst v63  }
0x5f: {  	_ =	swait.ge [sflag:s20], $0x500  }
0x60: {  	[sflag:s20] =	ssyncset.done $0x0  }
0x61: {  	s11 =	simm.s32 $0x2BC0;
	[sflag:s20] =	ssyncadd.s32 $0xFFFFFB00  }
0x62: {  	[tilespmem:s25], [sflag:$0x2] =	stream.indirect.gather [hbm4b:s4+s22], $0x10, s11, s22, $0xb8;
	[tilespmem:$0xA820] =	vst v63  }
0x63: {  	_ =	swait.ge [sflag:s29], $0x500  }
0x64: {  	[sflag:s29] =	ssyncset.done $0x0  }
0x65: {  	s12 =	simm.s32 $0x2990;
	[sflag:s29] =	ssyncadd.s32 $0xFFFFFB00  }
0x66: {  	[spmem:s2] =	stream.indirect.scatter.add.f32 [tilespmem:s28], [sflag:$0x6], $0x10, s12, s22, $0xb8;
	[tilespmem:$0xA820] =	vst v63  }
0x67: {  	_ =	swait.ge [sflag:s20], $0x500  }
0x68: {  	[sflag:s20] =	ssyncset.done $0x0  }
0x69: {  	s11 =	simm.s32 $0x2C60;
	[sflag:s20] =	ssyncadd.s32 $0xFFFFFB00  }
0x6a: {  	[tilespmem:s28], [sflag:$0x3] =	stream.indirect.gather [hbm4b:s4+s22], $0x10, s11, s22, $0xb8;
	[tilespmem:$0xA820] =	vst v63  }
0x6b: {  	_ =	swait.ge [sflag:s31], $0x500  }
0x6c: {  	[sflag:s31] =	ssyncset.done $0x0  }
0x6d: {  	s12 =	simm.s32 $0x2A30;
	[sflag:s31] =	ssyncadd.s32 $0xFFFFFB00  }
0x6e: {  	[spmem:s2] =	stream.indirect.scatter.add.f32 [tilespmem:s30], [sflag:$0x6], $0x10, s12, s22, $0xb8;
	[tilespmem:$0xA820] =	vst v63  }
0x6f: {  	_ =	swait.ge [sflag:s20], $0x500  }
0x70: {  	[sflag:s20] =	ssyncset.done $0x0  }
0x71: {  	s11 =	simm.s32 $0x2D00;
	[sflag:s20] =	ssyncadd.s32 $0xFFFFFB00  }
0x72: {  	[tilespmem:s30], [sflag:$0x4] =	stream.indirect.gather [hbm4b:s4+s22], $0x10, s11, s22, $0xb8;
	[tilespmem:$0xA820] =	vst v63  }
0x73: {  	_ =	swait.ge [sflag:s5], $0x500  }
0x74: {  	[sflag:s5] =	ssyncset.done $0x0  }
0x75: {  	s12 =	simm.s32 $0x2AD0;
	[sflag:s5] =	ssyncadd.s32 $0xFFFFFB00  }
0x76: {  	[spmem:s2] =	stream.indirect.scatter.add.f32 [tilespmem:s0], [sflag:$0x6], $0x10, s12, s22, $0xb8;
	[tilespmem:$0xA820] =	vst v63  }
0x77: {  	_ =	swait.ge [sflag:s20], $0x500  }
0x78: {  	[sflag:s20] =	ssyncset.done $0x0  }
0x79: {  	s10 =	simm.s32 $0xC80;
	s11 =	simm.s32 $0x2DA0;
	[sflag:s20] =	ssyncadd.s32 $0xFFFFFB00  }
.LBB2_5:
0x7a: {  	[tilespmem:s0], [sflag:$0x5] =	stream.indirect.gather [hbm4b:s4+s22], $0x10, s11, s22, $0xb8;
	[tilespmem:$0xA820] =	vst v63  }
0x7b: {  	s11 =	smov.u32 s10  }
0x7c: {  	p1 =	sne.s32 s10, $0x11F80;
	s10 =	sadd.s32 $0xC80, s10;
	_ =	swait.ge [sflag:s24], $0x500  }
0x7d: {  	s11 =	sshra.s32 s11, $0x2;
	[sflag:s24] =	ssyncset.done $0x0  }
0x7e: {  	s12 =	sadd.s32 $0x2850, s11;
	[sflag:s24] =	ssyncadd.s32 $0xFFFFFB00  }
0x7f: {  	[spmem:s2] =	stream.indirect.scatter.add.f32 [tilespmem:s23], [sflag:$0x6], $0x10, s12, s22, $0xb8;
	[tilespmem:$0xA820] =	vst v63  }
0x80: {  	_ =	swait.ge [sflag:s20], $0x500  }
0x81: {  	[sflag:s20] =	ssyncset.done $0x0  }
0x82: {  	s12 =	sadd.s32 $0x2B20, s11;
	[sflag:s20] =	ssyncadd.s32 $0xFFFFFB00  }
0x83: {  	[tilespmem:s23], [sflag:$0x1] =	stream.indirect.gather [hbm4b:s4+s22], $0x10, s12, s22, $0xb8;
	[tilespmem:$0xA820] =	vst v63  }
0x84: {  	_ =	swait.ge [sflag:s26], $0x500  }
0x85: {  	[sflag:s26] =	ssyncset.done $0x0  }
0x86: {  	s12 =	sadd.s32 $0x28F0, s11;
	[sflag:s26] =	ssyncadd.s32 $0xFFFFFB00  }
0x87: {  	[spmem:s2] =	stream.indirect.scatter.add.f32 [tilespmem:s25], [sflag:$0x6], $0x10, s12, s22, $0xb8;
	[tilespmem:$0xA820] =	vst v63  }
0x88: {  	_ =	swait.ge [sflag:s20], $0x500  }
0x89: {  	[sflag:s20] =	ssyncset.done $0x0  }
0x8a: {  	s12 =	sadd.s32 $0x2BC0, s11;
	[sflag:s20] =	ssyncadd.s32 $0xFFFFFB00  }
0x8b: {  	[tilespmem:s25], [sflag:$0x2] =	stream.indirect.gather [hbm4b:s4+s22], $0x10, s12, s22, $0xb8;
	[tilespmem:$0xA820] =	vst v63  }
0x8c: {  	_ =	swait.ge [sflag:s29], $0x500  }
0x8d: {  	[sflag:s29] =	ssyncset.done $0x0  }
0x8e: {  	s12 =	sadd.s32 $0x2990, s11;
	[sflag:s29] =	ssyncadd.s32 $0xFFFFFB00  }
0x8f: {  	[spmem:s2] =	stream.indirect.scatter.add.f32 [tilespmem:s28], [sflag:$0x6], $0x10, s12, s22, $0xb8;
	[tilespmem:$0xA820] =	vst v63  }
0x90: {  	_ =	swait.ge [sflag:s20], $0x500  }
0x91: {  	[sflag:s20] =	ssyncset.done $0x0  }
0x92: {  	s12 =	sadd.s32 $0x2C60, s11;
	[sflag:s20] =	ssyncadd.s32 $0xFFFFFB00  }
0x93: {  	[tilespmem:s28], [sflag:$0x3] =	stream.indirect.gather [hbm4b:s4+s22], $0x10, s12, s22, $0xb8;
	[tilespmem:$0xA820] =	vst v63  }
0x94: {  	_ =	swait.ge [sflag:s31], $0x500  }
0x95: {  	[sflag:s31] =	ssyncset.done $0x0  }
0x96: {  	s12 =	sadd.s32 $0x2A30, s11;
	[sflag:s31] =	ssyncadd.s32 $0xFFFFFB00  }
0x97: {  	[spmem:s2] =	stream.indirect.scatter.add.f32 [tilespmem:s30], [sflag:$0x6], $0x10, s12, s22, $0xb8;
	[tilespmem:$0xA820] =	vst v63  }
0x98: {  	_ =	swait.ge [sflag:s20], $0x500  }
0x99: {  	[sflag:s20] =	ssyncset.done $0x0  }
0x9a: {  	s12 =	sadd.s32 $0x2D00, s11;
	[sflag:s20] =	ssyncadd.s32 $0xFFFFFB00  }
0x9b: {  	[tilespmem:s30], [sflag:$0x4] =	stream.indirect.gather [hbm4b:s4+s22], $0x10, s12, s22, $0xb8;
	[tilespmem:$0xA820] =	vst v63  }
0x9c: {  	_ =	swait.ge [sflag:s5], $0x500  }
0x9d: {  	[sflag:s5] =	ssyncset.done $0x0  }
.Ltmp4:
0x9e: {  	s12 =	sadd.s32 $0x2AD0, s11;
	[sflag:s5] =	ssyncadd.s32 $0xFFFFFB00;
	(pc) =	sbr.rel @p1 .LBB2_5-.Ltmp4, $4  }
0x9f: {  	[spmem:s2] =	stream.indirect.scatter.add.f32 [tilespmem:s0], [sflag:$0x6], $0x10, s12, s22, $0xb8;
	[tilespmem:$0xA820] =	vst v63  }
0xa0: {  	_ =	swait.ge [sflag:s20], $0x500  }
0xa1: {  	[sflag:s20] =	ssyncset.done $0x0  }
0xa2: {  	s11 =	sadd.s32 $0x2DA0, s11;
	[sflag:s20] =	ssyncadd.s32 $0xFFFFFB00  }
0xa3: {  	[tilespmem:s0], [sflag:$0x5] =	stream.indirect.gather [hbm4b:s4+s22], $0x10, s11, s22, $0xb8;
	[tilespmem:$0xA820] =	vst v63  }
0xa4: {  	_ =	swait.ge [sflag:s24], $0x500  }
0xa5: {  	[sflag:s24] =	ssyncset.done $0x0  }
0xa6: {  	s10 =	simm.s32 $0x7350;
	[sflag:s24] =	ssyncadd.s32 $0xFFFFFB00  }
0xa7: {  	[spmem:s2] =	stream.indirect.scatter.add.f32 [tilespmem:s23], [sflag:$0x6], $0x10, s10, s22, $0xb8;
	[tilespmem:$0xA820] =	vst v63  }
0xa8: {  	_ =	swait.ge [sflag:s20], $0x500  }
0xa9: {  	[sflag:s20] =	ssyncset.done $0x0  }
0xaa: {  	[sflag:s20] =	ssyncadd.s32 $0xFFFFFB00  }
0xab: {  	_ =	swait.ge [sflag:s26], $0x500  }
0xac: {  	[sflag:s26] =	ssyncset.done $0x0  }
0xad: {  	s11 =	simm.s32 $0x73F0;
	[sflag:s26] =	ssyncadd.s32 $0xFFFFFB00  }
0xae: {  	[spmem:s2] =	stream.indirect.scatter.add.f32 [tilespmem:s25], [sflag:$0x6], $0x10, s11, s22, $0xb8;
	[tilespmem:$0xA820] =	vst v63  }
0xaf: {  	_ =	swait.ge [sflag:s20], $0x500  }
0xb0: {  	[sflag:s20] =	ssyncset.done $0x0  }
0xb1: {  	[sflag:s20] =	ssyncadd.s32 $0xFFFFFB00  }
0xb2: {  	_ =	swait.ge [sflag:s29], $0x500  }
0xb3: {  	[sflag:s29] =	ssyncset.done $0x0  }
0xb4: {  	s12 =	simm.s32 $0x7490;
	[sflag:s29] =	ssyncadd.s32 $0xFFFFFB00  }
0xb5: {  	[spmem:s2] =	stream.indirect.scatter.add.f32 [tilespmem:s28], [sflag:$0x6], $0x10, s12, s22, $0xb8;
	[tilespmem:$0xA820] =	vst v63  }
0xb6: {  	_ =	swait.ge [sflag:s20], $0x500  }
0xb7: {  	[sflag:s20] =	ssyncset.done $0x0  }
0xb8: {  	[sflag:s20] =	ssyncadd.s32 $0xFFFFFB00  }
0xb9: {  	_ =	swait.ge [sflag:s31], $0x500  }
0xba: {  	[sflag:s31] =	ssyncset.done $0x0  }
0xbb: {  	s11 =	simm.s32 $0x7530;
	[sflag:s31] =	ssyncadd.s32 $0xFFFFFB00  }
0xbc: {  	[spmem:s2] =	stream.indirect.scatter.add.f32 [tilespmem:s30], [sflag:$0x6], $0x10, s11, s22, $0xb8;
	[tilespmem:$0xA820] =	vst v63  }
0xbd: {  	_ =	swait.ge [sflag:s20], $0x500  }
0xbe: {  	[sflag:s20] =	ssyncset.done $0x0  }
0xbf: {  	[sflag:s20] =	ssyncadd.s32 $0xFFFFFB00  }
0xc0: {  	_ =	swait.ge [sflag:s5], $0x500  }
0xc1: {  	[sflag:s5] =	ssyncset.done $0x0  }
.Ltmp5:
0xc2: {  	s12 =	simm.s32 $0x75D0;
	[sflag:s5] =	ssyncadd.s32 $0xFFFFFB00;
	(pc) =	sbr.rel .LBB2_10-.Ltmp5, $4  }
0xc3: {  	[spmem:s2] =	stream.indirect.scatter.add.f32 [tilespmem:s0], [sflag:$0x6], $0x10, s12, s22, $0xb8;
	[tilespmem:$0xA820] =	vst v63  }
0xc4: {  	_ =	swait.ge [sflag:s20], $0x500  }
0xc5: {  	[sflag:s20] =	ssyncset.done $0x0  }
0xc6: {  	s10 =	rddreg [dreg:$0x4];
	[sflag:s20] =	ssyncadd.s32 $0xFFFFFB00  }
.LBB2_7:
0xc7: {  	[tilespmem:s19], [sflag:$0x6] =	stream.linear.gather [hbm4b:s18+s3], $0x1900, $0x38;
	[tilespmem:$0xA820] =	vst v63  }
0xc8: {  	_ =	swait.ge [sflag:s20], $0x1900  }
0xc9: {  	[sflag:s20] =	ssyncset.done $0x0  }
0xca: {  	s10 =	simm.s32 $0x2850;
	[sflag:s20] =	ssyncadd.s32 $0xFFFFE700  }
0xcb: {  	[spmem:s2] =	stream.indirect.scatter.add.f32 [tilespmem:s19], [sflag:$0x6], $0x10, s10, s22, $0xb8;
	[tilespmem:$0xA820] =	vst v63  }
0xcc: {  	_ =	swait.ge [sflag:s20], $0x500  }
0xcd: {  	[sflag:s20] =	ssyncset.done $0x0  }
0xce: {  	s13 =	simm.s32 $0x28F0;
	[sflag:s20] =	ssyncadd.s32 $0xFFFFFB00  }
0xcf: {  	[spmem:s2] =	stream.indirect.scatter.add.f32 [tilespmem:s6], [sflag:$0x6], $0x10, s13, s22, $0xb8;
	[tilespmem:$0xA820] =	vst v63  }
0xd0: {  	_ =	swait.ge [sflag:s20], $0x500  }
0xd1: {  	[sflag:s20] =	ssyncset.done $0x0  }
0xd2: {  	s11 =	simm.s32 $0x2990;
	[sflag:s20] =	ssyncadd.s32 $0xFFFFFB00  }
0xd3: {  	[spmem:s2] =	stream.indirect.scatter.add.f32 [tilespmem:s1], [sflag:$0x6], $0x10, s11, s22, $0xb8;
	[tilespmem:$0xA820] =	vst v63  }
0xd4: {  	_ =	swait.ge [sflag:s20], $0x500  }
0xd5: {  	[sflag:s20] =	ssyncset.done $0x0  }
0xd6: {  	s12 =	simm.s32 $0x2A30;
	[sflag:s20] =	ssyncadd.s32 $0xFFFFFB00  }
0xd7: {  	[spmem:s2] =	stream.indirect.scatter.add.f32 [tilespmem:s21], [sflag:$0x6], $0x10, s12, s22, $0xb8;
	[tilespmem:$0xA820] =	vst v63  }
0xd8: {  	_ =	swait.ge [sflag:s20], $0x500  }
0xd9: {  	[sflag:s20] =	ssyncset.done $0x0  }
0xda: {  	s13 =	simm.s32 $0x2AD0;
	[sflag:s20] =	ssyncadd.s32 $0xFFFFFB00  }
0xdb: {  	[spmem:s2] =	stream.indirect.scatter.add.f32 [tilespmem:s8], [sflag:$0x6], $0x10, s13, s22, $0xb8;
	[tilespmem:$0xA820] =	vst v63  }
0xdc: {  	_ =	swait.ge [sflag:s20], $0x500  }
0xdd: {  	s10 =	simm.s32 $0xC80;
	s11 =	smov.u32 s18;
	[sflag:s20] =	ssyncset.done $0x0  }
.LBB2_8:
0xde: {  	p1 =	sne.s32 s10, $0x12C00;
	[sflag:s20] =	ssyncadd.s32 $0xFFFFFB00;
	s11 =	sadd.s32 $0x320, s11  }
0xdf: {  	[tilespmem:s19], [sflag:$0x6] =	stream.linear.gather [hbm4b:s11+s3], $0x1900, $0x38;
	[tilespmem:$0xA820] =	vst v63  }
0xe0: {  	s12 =	smov.u32 s10;
	s10 =	sadd.s32 $0xC80, s10;
	_ =	swait.ge [sflag:s20], $0x1900  }
0xe1: {  	s12 =	sshra.s32 s12, $0x2;
	[sflag:s20] =	ssyncset.done $0x0  }
0xe2: {  	s13 =	sadd.s32 $0x2850, s12;
	[sflag:s20] =	ssyncadd.s32 $0xFFFFE700  }
0xe3: {  	[spmem:s2] =	stream.indirect.scatter.add.f32 [tilespmem:s19], [sflag:$0x6], $0x10, s13, s22, $0xb8;
	[tilespmem:$0xA820] =	vst v63  }
0xe4: {  	_ =	swait.ge [sflag:s20], $0x500  }
0xe5: {  	[sflag:s20] =	ssyncset.done $0x0  }
0xe6: {  	s13 =	sadd.s32 $0x28F0, s12;
	[sflag:s20] =	ssyncadd.s32 $0xFFFFFB00  }
0xe7: {  	[spmem:s2] =	stream.indirect.scatter.add.f32 [tilespmem:s6], [sflag:$0x6], $0x10, s13, s22, $0xb8;
	[tilespmem:$0xA820] =	vst v63  }
0xe8: {  	_ =	swait.ge [sflag:s20], $0x500  }
0xe9: {  	[sflag:s20] =	ssyncset.done $0x0  }
0xea: {  	s13 =	sadd.s32 $0x2990, s12;
	[sflag:s20] =	ssyncadd.s32 $0xFFFFFB00  }
0xeb: {  	[spmem:s2] =	stream.indirect.scatter.add.f32 [tilespmem:s1], [sflag:$0x6], $0x10, s13, s22, $0xb8;
	[tilespmem:$0xA820] =	vst v63  }
0xec: {  	_ =	swait.ge [sflag:s20], $0x500  }
0xed: {  	[sflag:s20] =	ssyncset.done $0x0  }
0xee: {  	s13 =	sadd.s32 $0x2A30, s12;
	[sflag:s20] =	ssyncadd.s32 $0xFFFFFB00  }
0xef: {  	[spmem:s2] =	stream.indirect.scatter.add.f32 [tilespmem:s21], [sflag:$0x6], $0x10, s13, s22, $0xb8;
	[tilespmem:$0xA820] =	vst v63  }
0xf0: {  	_ =	swait.ge [sflag:s20], $0x500  }
.Ltmp6:
0xf1: {  	[sflag:s20] =	ssyncset.done $0x0;
	(pc) =	sbr.rel @p1 .LBB2_8-.Ltmp6, $4  }
0xf2: {  	s12 =	sadd.s32 $0x2AD0, s12;
	[sflag:s20] =	ssyncadd.s32 $0xFFFFFB00  }
0xf3: {  	[spmem:s2] =	stream.indirect.scatter.add.f32 [tilespmem:s8], [sflag:$0x6], $0x10, s12, s22, $0xb8;
	[tilespmem:$0xA820] =	vst v63  }
0xf4: {  	_ =	swait.ge [sflag:s20], $0x500  }
0xf5: {  	[sflag:s20] =	ssyncset.done $0x0  }
.Ltmp7:
0xf6: {  	_ = 	snop;
	(pc) =	sbr.rel .LBB2_9-.Ltmp7, $1  }
0xf7: {  	_ =	sdelay $0x3  }
.LBB2_11:
0xf8: {  	_ =	sfence.sel $0x180000  }
0xf9: {  	[bflag:$0x0] =	sbarrier.arrive $0xFFFF  }
0xfa: {  	_ =	strace $0x9000004A  }
0xfb: {  	[bflag:$0x2] =	sbarrier.arrive $0xFFFF  }
0xfc: {  	p0 =	sne.s32 s13, $0x0;
	s0 =	rddreg [dreg:$0x2]  }
0xfd: {  	s0 =	sadd.s32 @!p0 $0x100000, s0  }
0xfe: {  	[sflag:s0] =	ssyncadd.tile.s32 @!p0 $0x1;
	_ =	shalt  }
.Lfunc_end2:
_tile_overlayer_lowered:
.L_overlay_start_2:
0xff: {  	(tag) =	ssettag $0x2  }
0x100: {  	s0 =	rddreg [dreg:$0x0];
	s2 =	stileid.u32  }
0x101: {  	s1 =	rddreg [dreg:$0x1];
	p0 =	sne.s32 s2, $0x0  }
0x102: {  	s3 =	rddreg [dreg:$0x2];
	[bflag:$0x3] =	sbarrier.arrive $0xFFFF;
	s2 =	simm.s32 @!p0 $0x1C06  }
0x103: {  	[timem:s3], [sflag:s2] =	dma.local @!p0 [hbm:s0], s1  }
0x104: {  	s0 =	simm.s32 @!p0 $0x6  }
0x105: {  	_ =	swait.ge @!p0 [sflag:s0], s1  }
0x106: {  	s1 =	ssub.s32 @!p0 $0x0, s1;
	[sflag:s0] =	ssyncset.done @!p0 $0x0  }
0x107: {  	[sflag:s0] =	ssyncadd.s32 @!p0 s1  }
0x108: {  	[bflag:$0x3] =	sbarrier.arrive $0xFFFF  }
0x109: {  	_ =	shalt  }

// kernel: kernel.9.cloned.1.call-start
scs
__scs_entry_jumppad:
0x0: {  	(pc) =	sbr.rel $0x88, $3  }
0x1: {  	(tag) =	ssettag $0x0;
	lr =	simm.s32 $0x1  }
0x2: {  	[smem:$0x3F94] =	sst lr;
	_ =	strace $0xD0000000  }
0x3: {  	_ = 	snop  }
0x4: {  	_ = 	snop  }
0x5: {  	_ = 	snop  }
0x6: {  	_ = 	snop  }
0x7: {  	_ = 	snop  }
__scs_overlays_trampoline_lowered:
0x8: {  	[smem:$0x3FA3] =	sst s0  }
0x9: {  	[smem:$0x3FA4] =	sst s1  }
0xa: {  	[smem:$0x3FA5] =	sst s2  }
0xb: {  	[smem:$0x3FA6] =	sst s3  }
0xc: {  	[smem:$0x3FA7] =	sst s4  }
0xd: {  	[smem:$0x3FA8] =	sst s5  }
0xe: {  	[smem:$0x3FA9] =	sst s6  }
0xf: {  	[smem:$0x3FAA] =	sst s7  }
0x10: {  	[smem:$0x3FAB] =	sst s8  }
0x11: {  	[smem:$0x3FAC] =	sst s9;
	s0 =	simm.s32 @!p0 $0x0  }
0x12: {  	s1 =	sld [smem:$0x3F92];
	s0 =	simm.s32 @p0 $0x1  }
0x13: {  	[smem:$0x3FAD] =	sst s0;
	s0 =	simm.s32 @!p1 $0x0  }
0x14: {  	s2 =	sld [smem:$0x3F91];
	s0 =	simm.s32 @p1 $0x1  }
0x15: {  	[smem:$0x3FAE] =	sst s0;
	s0 =	simm.s32 @!p2 $0x0  }
0x16: {  	s3 =	sld [smem:$0x3FDB];
	s0 =	simm.s32 @p2 $0x1  }
0x17: {  	s4 =	simm.s32 $0x1BF5;
	[smem:$0x3FB0] =	sst s0  }
0x18: {  	s0 =	sld [smem:$0x3F93];
	_ =	swait.ge [sflag:s4], $0x0  }
0x19: {  	s7 =	sld [smem:$0x3F94]  }
0x1a: {  	s8 =	sadd.s32 $0xFFFFE003, lr  }
0x1b: {  	s9 =	sadd.s32 $0xFFFFFEF7, lr;
	s5 =	simm.s32 $0xFFFFFFFF;
	p2 =	slt.u32 s8, $0xFFFFF086  }
0x1c: {  	p1 =	slt.u32 s9, $0xF7A;
	s5 =	simm.s32 @!p2 $0x0  }
0x1d: {  	s5 =	simm.s32 @p1 $0x1;
	p0 =	seq.s32 s7, s2  }
0x1e: {  	s7 =	smul.u32 @!p0 $0xF7A, s2;
	p2 =	seq.s32 @!p0 s5, $0x0  }
0x1f: {  	s9 =	smul.u32 $0xF7A, s1;
	s8 =	simm.s32 @!p0 $0x1BF5;
	p2 =	por !p2, p0  }
0x20: {  	[sflag:s8] =	ssyncset.s32 @!p0 $0xFFFFF086;
	s6 =	sadd.s32 @!p0 s3, s7;
	s7 =	simm.s32 @!p0 $0x108  }
0x21: {  	s3 =	sadd.s32 s3, s9;
	s6 =	sadd.s32 @!p0 $0x88, s6;
	s7 =	simm.s32 @p2 $0x1082  }
0x22: {  	[simem:s7], [sflag:s8] =	dma.local @!p0 [hbm:s6], $0xF7A  }
0x23: {  	s9 =	sor.u32 $0xD0000000, s2;
	s6 =	simm.s32 $0x108;
	_ =	swait.ge @!p0 [sflag:s8], $0x0  }
0x24: {  	s3 =	sadd.s32 $0x88, s3;
	s6 =	simm.s32 @!p1 $0x1082;
	[sflag:s4] =	ssyncset.s32 $0xFFFFF086  }
0x25: {  	[simem:s6], [sflag:s4] =	dma.local [hbm:s3], $0xF7A  }
0x26: {  	[smem:$0x3F94] =	sst s1;
	(tag) =	ssettag s2;
	_ =	strace s9  }
0x27: {  	s1 =	sld [smem:$0x3FA4]  }
0x28: {  	s2 =	sld [smem:$0x3FA5]  }
0x29: {  	s4 =	sld [smem:$0x3FA7]  }
0x2a: {  	p0 =	seq.s32 s5, $0x0;
	s5 =	sld [smem:$0x3FA8]  }
0x2b: {  	s6 =	sld [smem:$0x3FA9]  }
0x2c: {  	s7 =	sld [smem:$0x3FAA]  }
0x2d: {  	s3 =	simm.s32 $0x108;
	s8 =	sld [smem:$0x3FAB]  }
0x2e: {  	s3 =	simm.s32 @!p0 $0x1082;
	s9 =	sld [smem:$0x3FAC]  }
0x2f: {  	lr =	sadd.s32 s0, s3;
	s0 =	sld [smem:$0x3FA3]  }
0x30: {  	s3 =	sld [smem:$0x3FA6]  }
0x31: {  	[smem:$0x3FAF] =	sst s10  }
0x32: {  	s10 =	sld [smem:$0x3FAD];
	_ =	sdelay $0x3  }
0x33: {  	p0 =	seq.s32 s10, $0x1;
	s10 =	sld [smem:$0x3FAF];
	_ =	sdelay $0x3  }
0x34: {  	[smem:$0x3FAF] =	sst s10  }
0x35: {  	s10 =	sld [smem:$0x3FAE];
	_ =	sdelay $0x3  }
0x36: {  	p1 =	seq.s32 s10, $0x1;
	s10 =	sld [smem:$0x3FAF];
	_ =	sdelay $0x3  }
0x37: {  	[smem:$0x3FAF] =	sst s10  }
0x38: {  	s10 =	sld [smem:$0x3FB0]  }
0x39: {  	_ = 	snop;
	(pc) =	sbr.ind lr, $3  }
0x3a: {  	_ = 	snop  }
0x3b: {  	_ = 	snop  }
0x3c: {  	p2 =	seq.s32 s10, $0x1;
	s10 =	sld [smem:$0x3FAF]  }
0x3d: {  	_ =	shalt  }
0x3e: {  	_ =	shalt  }
0x3f: {  	_ =	shalt  }
0x40: {  	_ =	shalt  }
0x41: {  	_ =	shalt  }
0x42: {  	_ =	shalt  }
0x43: {  	_ =	shalt  }
0x44: {  	_ =	shalt  }
0x45: {  	_ =	shalt  }
0x46: {  	_ =	shalt  }
0x47: {  	_ =	shalt  }
0x48: {  	_ =	shalt  }
0x49: {  	_ =	shalt  }
0x4a: {  	_ =	shalt  }
0x4b: {  	_ =	shalt  }
0x4c: {  	_ =	shalt  }
0x4d: {  	_ =	shalt  }
0x4e: {  	_ =	shalt  }
0x4f: {  	_ =	shalt  }
0x50: {  	_ =	shalt  }
0x51: {  	_ =	shalt  }
0x52: {  	_ =	shalt  }
0x53: {  	_ =	shalt  }
0x54: {  	_ =	shalt  }
0x55: {  	_ =	shalt  }
0x56: {  	_ =	shalt  }
0x57: {  	_ =	shalt  }
0x58: {  	_ =	shalt  }
0x59: {  	_ =	shalt  }
0x5a: {  	_ =	shalt  }
0x5b: {  	_ =	shalt  }
0x5c: {  	_ =	shalt  }
0x5d: {  	_ =	shalt  }
0x5e: {  	_ =	shalt  }
0x5f: {  	_ =	shalt  }
0x60: {  	_ =	shalt  }
0x61: {  	_ =	shalt  }
0x62: {  	_ =	shalt  }
0x63: {  	_ =	shalt  }
0x64: {  	_ =	shalt  }
0x65: {  	_ =	shalt  }
0x66: {  	_ =	shalt  }
0x67: {  	_ =	shalt  }
0x68: {  	_ =	shalt  }
0x69: {  	_ =	shalt  }
0x6a: {  	_ =	shalt  }
0x6b: {  	_ =	shalt  }
0x6c: {  	_ =	shalt  }
0x6d: {  	_ =	shalt  }
0x6e: {  	_ =	shalt  }
0x6f: {  	_ =	shalt  }
0x70: {  	_ =	shalt  }
0x71: {  	_ =	shalt  }
0x72: {  	_ =	shalt  }
0x73: {  	_ =	shalt  }
0x74: {  	_ =	shalt  }
0x75: {  	_ =	shalt  }
0x76: {  	_ =	shalt  }
0x77: {  	_ =	shalt  }
0x78: {  	_ =	shalt  }
0x79: {  	_ =	shalt  }
0x7a: {  	_ =	shalt  }
0x7b: {  	_ =	shalt  }
0x7c: {  	_ =	shalt  }
0x7d: {  	_ =	shalt  }
0x7e: {  	_ =	shalt  }
0x7f: {  	_ =	shalt  }
0x80: {  	_ =	shalt  }
0x81: {  	_ =	shalt  }
0x82: {  	_ =	shalt  }
0x83: {  	_ =	shalt  }
0x84: {  	_ =	shalt  }
0x85: {  	_ =	shalt  }
0x86: {  	_ =	shalt  }
0x87: {  	_ =	shalt  }
.Lfunc_end0:
.L_simem_size_0:
called_computation.1_lowered:
.L_overlay_start_0:
0x88: {  	s2 =	sld [smem:$0x3FD9]  }
0x89: {  	s3 =	sld [smem:$0x3FFE];
	_ =	sdelay $0x1  }
0x8a: {  	s1 =	srdreg.scid  }
0x8b: {  	s0 =	sand.u32 $0x1, s1  }
0x8c: {  	s16 =	sshll.u32 s0, $0xA;
	s2 =	sadd.s32 s3, s2  }
0x8d: {  	s2 =	sadd.s32 s2, s16  }
0x8e: {  	[smem:$0x3FBB] =	sst s2  }
0x8f: {  	_ = 	snop  }
0x90: {  	(tm) =	ssettm $0x1  }
0x91: {  	s17 =	sld [smem:$0x3FFB];
	_ =	sdelay $0x3  }
0x92: {  	_ =	strace s17  }
0x93: {  	s2 =	sld [smem:$0x3FFC];
	_ =	sdelay $0x3  }
0x94: {  	_ =	strace s2  }
0x95: {  	s2 =	sld [smem:$0x3FFD];
	_ =	sdelay $0x3  }
0x96: {  	_ =	strace s2  }
0x97: {  	_ =	strace $0x8FFFFFFF  }
0x98: {  	s18 =	sld [smem:$0x3FDB];
	_ =	sdelay $0x1  }
0x99: {  	s19 =	simm.s32 $_scs_section_size  }
0x9a: {  	s4 =	simm.s32 $_size__tile_overlayer_lowered;
	s5 =	simm.s32 $_tile_overlayer_lowered  }
0x9b: {  	s22 =	simm.s32 $0x1BFF;
	s21 =	sshll.u32 s5, $0x1;
	s2 =	sadd.s32 s19, s18  }
0x9c: {  	s6 =	simm.s32 $0x0;
	s20 =	sshll.u32 s4, $0x1;
	s4 =	sadd.s32 s21, s2  }
0x9d: {  	[timem:s6], [sflag:s22] =	dma.local [hbm:s4], s20  }
0x9e: {  	_ =	swait.ge [sflag:s22], s20  }
0x9f: {  	s3 =	ssub.s32 $0x0, s20;
	[sflag:s22] =	ssyncset.done $0x0  }
0xa0: {  	[sflag:s22] =	ssyncadd.s32 s3;
	_ =	sdelay $0x1  }
0xa1: {  	s23 =	simm.s32 $0x1B8B  }
0xa2: {  	_ =	swait.ge [sflag:s23], $0x1  }
0xa3: {  	[sflag:s23] =	ssyncset.done $0x0  }
0xa4: {  	s25 =	simm.s32 $0x1B8E;
	s24 =	sld [smem:$0x3FFE];
	[sflag:s23] =	ssyncadd.s32 $0xFFFFFFFF  }
0xa5: {  	s26 =	simm.s32 $execute0_lowered;
	[smem:$0x3FD2] =	sst s25  }
0xa6: {  	s4 =	sshll.u32 s26, $0x1;
	_ =	strace $0x80000046;
	[dreg:$0x1] =	wrdreg $0xFFFFFFFF  }
0xa7: {  	s28 =	simm.s32 $_size_execute0_lowered;
	s2 =	sadd.s32 s2, s4;
	[dreg:$0x0] =	wrdreg $0x0  }
0xa8: {  	s4 =	sshll.u32 s28, $0x1;
	[dreg:$0x2] =	wrdreg s2  }
0xa9: {  	[dreg:$0x3] =	wrdreg s4  }
0xaa: {  	[dreg:$0x4] =	wrdreg $0xC0  }
0xab: {  	_ =	task [dreg:s6], $0x5FFFF  }
0xac: {  	[dreg:$0x1] =	wrdreg $0xFFFFFFFF  }
0xad: {  	[dreg:$0x0] =	wrdreg $0x60  }
0xae: {  	[dreg:$0x2] =	wrdreg s24  }
0xaf: {  	[dreg:$0x3] =	wrdreg $0x0  }
0xb0: {  	[dreg:$0x4] =	wrdreg $0xA  }
0xb1: {  	_ =	task.clear_ibuf [dreg:s6], $0x5FFFF;
	_ =	strace $0x90000046  }
0xb2: {  	s29 =	simm.s32 $0xA;
	_ =	strace $0x80000048  }
0xb3: {  	_ =	swait.ge [sflag:s29], $0x1  }
0xb4: {  	[sflag:s29] =	ssyncadd.s32 $0xFFFFFFFF  }
0xb5: {  	_ =	strace $0x90000048  }
0xb6: {  	_ =	sfence  }
0xb7: {  	s30 =	sld [smem:$0x0];
	_ =	sdelay $0x2  }
0xb8: {  	s31 =	sshll.u32 s1, $0xD;
	s1 =	sshrl.u32 s1, $0x2  }
0xb9: {  	s3 =	sand.u32 $0x4000, s31;
	s1 =	sadd.s32 s1, s30  }
0xba: {  	s0 =	sor.u32 s3, s0;
	s1 =	sshll.u32 s1, $0x11  }
0xbb: {  	s0 =	sor.u32 s1, s0  }
0xbc: {  	s0 =	sadd.s32 $0x8F2B, s0  }
0xbd: {  	[sflag:s0] =	ssyncadd.remote.s32 $0x1  }
0xbe: {  	_ =	sfence.sel $0xFFFF  }
0xbf: {  	[dreg:$0x0] =	wrdreg $0xFFFFFFFF;
	(pc) =	sbr.abs _section_cstart, $3  }
0xc0: {  	[dreg:$0x1] =	wrdreg $0xFFFFFFFF  }
0xc1: {  	_ =	task.clear_ibuf [dreg:s6], $0x2FFFF;
	_ =	strace $0x9FFFFFFF  }
0xc2: {  	(tm) =	ssettm $0x7FFFFFFF  }
0xc3: {  	_ =	shalt  }
tec
execute0_lowered:
.L_overlay_start_1:
0x0: {  	(tag) =	ssettag $0x1  }
0x1: {  	s0 =	rddreg [dreg:$0x0]  }
0x2: {  	s2 =	rddreg [dreg:$0x1];
	s8 =	stileid.u32  }
0x3: {  	s1 =	srdreg.scid;
	s4 =	simm.s32 $0x0;
	s17 =	simm.s32 $0x11620  }
0x4: {  	s18 =	simm.s32 $0x6;
	s19 =	simm.s32 $0xC800;
	s20 =	simm.s32 $0x50  }
0x5: {  	s22 =	simm.s32 $0x12F20;
	s29 =	simm.s32 $0x17A20;
	s3 =	smul.u32 $0x19000, s8  }
0x6: {  	s30 =	simm.s32 $0x1;
	s31 =	simm.s32 $0x2;
	s6 =	smul.u32 $0x9C4, s8  }
0x7: {  	s21 =	simm.s32 $0x5;
	s1 =	sand.u32 $0x1, s1;
	s8 =	smul.u32 $0x32000, s8  }
0x8: {  	[smem:$0x7FF] =	sst s4;
	s4 =	sadd.s32 $0x2E00, s0;
	s5 =	smul.u32 $0x190000, s1  }
0x9: {  	_ =	strace $0x80000047;
	s25 =	ssub.s32 $0x2, s1;
	p0 =	seq.s32 s1, $0x1  }
0xa: {  	s14 =	sadd.s32 s6, s0;
	s26 =	sshrl.u32 s8, $0x2;
	s28 =	sshrl.u32 s25, $0x1  }
0xb: {  	s7 =	sadd.s32 s3, s5;
	s5 =	sadd.s32 $0x47600, s0;
	s3 =	sshrl.u32 s3, $0x1  }
0xc: {  	s13 =	sadd.s32 s26, s2;
	s16 =	ssub.s32 s25, s28;
	s14 =	sadd.s32 $0x3D800, s14  }
0xd: {  	s26 =	simm.s32 $0x16120;
	s25 =	simm.s32 $0x0;
	s24 =	sshrl.u32 s7, $0x4  }
.Ltmp0:
0xe: {  	s6 =	sadd.s32 s3, s2;
	s7 =	sadd.s32 $0x1900, s13;
	(pc) =	sbr.rel .LBB2_1-.Ltmp0, $4  }
0xf: {  	s8 =	sadd.s32 $0x3200, s13;
	s9 =	sadd.s32 $0x4B00, s13;
	s10 =	sadd.s32 $0x6400, s13  }
0x10: {  	s11 =	sadd.s32 $0x7D00, s13;
	s12 =	sadd.s32 $0x9600, s13;
	s13 =	sadd.s32 $0xAF00, s13  }
0x11: {  	s16 =	smax.u32 s16, $0x1;
	s3 =	simm.s32 $0x4;
	s0 =	sadd.s32 s24, s0  }
0x12: {  	v0 =	vimm.bf16 $0.0e+00;
	s24 =	simm.s32 $0x14820;
	s15 =	sadd.s32 $0x5FE00, s0;
	s0 =	simm.s32 $0x3  }
.LBB2_6:
0x13: {  	[tilespmem:s29], [sflag:$0x5] =	stream.indirect.gather [hbm4b:s4+s20], $0x50, s23, s20, $0xb8;
	[tilespmem:$0x19320] =	vst v63  }
.LBB2_10:
0x14: {  	_ =	swait.ge [sflag:s30], $0x1900  }
0x15: {  	[sflag:s30] =	ssyncset.done $0x0  }
0x16: {  	s1 =	simm.s32 $0x11350;
	[sflag:s30] =	ssyncadd.s32 $0xFFFFE700  }
0x17: {  	[spmem:s2] =	stream.indirect.scatter.add.bf16 [tilespmem:s17], [sflag:$0x6], $0x50, s1, s20, $0xb8;
	[tilespmem:$0x19320] =	vst v63  }
0x18: {  	_ =	swait.ge [sflag:s18], $0x1900  }
0x19: {  	[sflag:s18] =	ssyncset.done $0x0  }
0x1a: {  	[sflag:s18] =	ssyncadd.s32 $0xFFFFE700  }
0x1b: {  	_ =	swait.ge [sflag:s31], $0x1900  }
0x1c: {  	[sflag:s31] =	ssyncset.done $0x0  }
0x1d: {  	s28 =	simm.s32 $0x113F0;
	[sflag:s31] =	ssyncadd.s32 $0xFFFFE700  }
0x1e: {  	[spmem:s2] =	stream.indirect.scatter.add.bf16 [tilespmem:s22], [sflag:$0x6], $0x50, s28, s20, $0xb8;
	[tilespmem:$0x19320] =	vst v63  }
0x1f: {  	_ =	swait.ge [sflag:s18], $0x1900  }
0x20: {  	[sflag:s18] =	ssyncset.done $0x0  }
0x21: {  	[sflag:s18] =	ssyncadd.s32 $0xFFFFE700  }
0x22: {  	_ =	swait.ge [sflag:s0], $0x1900  }
0x23: {  	[sflag:s0] =	ssyncset.done $0x0  }
0x24: {  	s23 =	simm.s32 $0x11490;
	[sflag:s0] =	ssyncadd.s32 $0xFFFFE700  }
0x25: {  	[spmem:s2] =	stream.indirect.scatter.add.bf16 [tilespmem:s24], [sflag:$0x6], $0x50, s23, s20, $0xb8;
	[tilespmem:$0x19320] =	vst v63  }
0x26: {  	_ =	swait.ge [sflag:s18], $0x1900  }
0x27: {  	[sflag:s18] =	ssyncset.done $0x0  }
0x28: {  	[sflag:s18] =	ssyncadd.s32 $0xFFFFE700  }
0x29: {  	_ =	swait.ge [sflag:s3], $0x1900  }
0x2a: {  	[sflag:s3] =	ssyncset.done $0x0  }
0x2b: {  	s28 =	simm.s32 $0x11530;
	[sflag:s3] =	ssyncadd.s32 $0xFFFFE700  }
0x2c: {  	[spmem:s2] =	stream.indirect.scatter.add.bf16 [tilespmem:s26], [sflag:$0x6], $0x50, s28, s20, $0xb8;
	[tilespmem:$0x19320] =	vst v63  }
0x2d: {  	_ =	swait.ge [sflag:s18], $0x1900  }
0x2e: {  	[sflag:s18] =	ssyncset.done $0x0  }
0x2f: {  	[sflag:s18] =	ssyncadd.s32 $0xFFFFE700  }
0x30: {  	_ =	swait.ge [sflag:s21], $0x1900  }
0x31: {  	[sflag:s21] =	ssyncset.done $0x0  }
0x32: {  	s23 =	simm.s32 $0x115D0;
	[sflag:s21] =	ssyncadd.s32 $0xFFFFE700  }
0x33: {  	[spmem:s2] =	stream.indirect.scatter.add.bf16 [tilespmem:s29], [sflag:$0x6], $0x50, s23, s20, $0xb8;
	[tilespmem:$0x19320] =	vst v63  }
0x34: {  	s28 =	stileid.u32;
	_ =	swait.ge [sflag:s18], $0x1900  }
0x35: {  	s25 =	sadd.s32 $0x1, s25;
	s1 =	sshll.u32 s28, $0x6;
	[sflag:s18] =	ssyncset.done $0x0  }
0x36: {  	p1 =	sne.s32 s25, s16;
	s1 =	sor.u32 $0x1C06, s1;
	[sflag:s18] =	ssyncadd.s32 $0xFFFFE700  }
.Ltmp1:
0x37: {  	s23 =	sshrl.u32 s6, $0x3;
	[bflag:$0x0] =	sbarrier.arrive $0xFFFF;
	(pc) =	sbr.rel @!p1 .LBB2_11-.Ltmp1, $4  }
0x38: {  	[hbm:s15], [sflag:s1] =	dma.local [spmem:s23], $0x1900  }
0x39: {  	_ =	swait.ge [sflag:s18], $0x1900  }
0x3a: {  	[sflag:s18] =	ssyncset.done $0x0  }
0x3b: {  	[sflag:s18] =	ssyncadd.s32 $0xFFFFE700  }
.LBB2_1:
0x3c: {  	s28 =	simm.s32 $0x140;
	s23 =	simm.s32 $0x0  }
.LBB2_2:
0x3d: {  	p1 =	sne.s32 s28, $0x62C0;
	[tilespmem:s23+$0x11660] =	vst v0;
	s1 =	smov.u32 s28;
	s28 =	sadd.s32 $0x140, s28  }
.Ltmp2:
0x3e: {  	[tilespmem:s23+$0x11650] =	vst v0;
	(pc) =	sbr.rel @p1 .LBB2_2-.Ltmp2, $4  }
0x3f: {  	[tilespmem:s23+$0x11640] =	vst v0  }
0x40: {  	[tilespmem:s23+$0x11620] =	vst v0  }
0x41: {  	[tilespmem:s23+$0x11630] =	vst v0  }
0x42: {  	s23 =	sshra.s32 s1, $0x2  }
0x43: {  	[tilespmem:s23+$0x11660] =	vst v0  }
0x44: {  	[tilespmem:s23+$0x11650] =	vst v0  }
0x45: {  	[tilespmem:s23+$0x11640] =	vst v0  }
0x46: {  	[tilespmem:s23+$0x11620] =	vst v0  }
0x47: {  	[tilespmem:s23+$0x11630] =	vst v0  }
0x48: {  	[spmem:s6] =	stream.linear.scatter [tilespmem:s17], [sflag:$0x6], $0x1900, $0x38;
	[tilespmem:$0x19320] =	vst v63  }
0x49: {  	_ =	swait.ge [sflag:s18], $0x1900  }
0x4a: {  	[sflag:s18] =	ssyncset.done $0x0  }
0x4b: {  	[sflag:s18] =	ssyncadd.s32 $0xFFFFE700  }
0x4c: {  	[spmem:s7] =	stream.linear.scatter [tilespmem:s17], [sflag:$0x6], $0x1900, $0x38;
	[tilespmem:$0x19320] =	vst v63  }
0x4d: {  	_ =	swait.ge [sflag:s18], $0x1900  }
0x4e: {  	[sflag:s18] =	ssyncset.done $0x0  }
0x4f: {  	[sflag:s18] =	ssyncadd.s32 $0xFFFFE700  }
0x50: {  	[spmem:s8] =	stream.linear.scatter [tilespmem:s17], [sflag:$0x6], $0x1900, $0x38;
	[tilespmem:$0x19320] =	vst v63  }
0x51: {  	_ =	swait.ge [sflag:s18], $0x1900  }
0x52: {  	[sflag:s18] =	ssyncset.done $0x0  }
0x53: {  	[sflag:s18] =	ssyncadd.s32 $0xFFFFE700  }
0x54: {  	[spmem:s9] =	stream.linear.scatter [tilespmem:s17], [sflag:$0x6], $0x1900, $0x38;
	[tilespmem:$0x19320] =	vst v63  }
0x55: {  	_ =	swait.ge [sflag:s18], $0x1900  }
0x56: {  	[sflag:s18] =	ssyncset.done $0x0  }
0x57: {  	[sflag:s18] =	ssyncadd.s32 $0xFFFFE700  }
0x58: {  	[spmem:s10] =	stream.linear.scatter [tilespmem:s17], [sflag:$0x6], $0x1900, $0x38;
	[tilespmem:$0x19320] =	vst v63  }
0x59: {  	_ =	swait.ge [sflag:s18], $0x1900  }
0x5a: {  	[sflag:s18] =	ssyncset.done $0x0  }
0x5b: {  	[sflag:s18] =	ssyncadd.s32 $0xFFFFE700  }
0x5c: {  	[spmem:s11] =	stream.linear.scatter [tilespmem:s17], [sflag:$0x6], $0x1900, $0x38;
	[tilespmem:$0x19320] =	vst v63  }
0x5d: {  	_ =	swait.ge [sflag:s18], $0x1900  }
0x5e: {  	[sflag:s18] =	ssyncset.done $0x0  }
0x5f: {  	[sflag:s18] =	ssyncadd.s32 $0xFFFFE700  }
0x60: {  	[spmem:s12] =	stream.linear.scatter [tilespmem:s17], [sflag:$0x6], $0x1900, $0x38;
	[tilespmem:$0x19320] =	vst v63  }
0x61: {  	_ =	swait.ge [sflag:s18], $0x1900  }
0x62: {  	[sflag:s18] =	ssyncset.done $0x0  }
0x63: {  	[sflag:s18] =	ssyncadd.s32 $0xFFFFE700  }
0x64: {  	[spmem:s13] =	stream.linear.scatter [tilespmem:s17], [sflag:$0x6], $0x1900, $0x38;
	[tilespmem:$0x19320] =	vst v63  }
0x65: {  	_ =	swait.ge [sflag:s18], $0x1900  }
0x66: {  	[sflag:s18] =	ssyncset.done $0x0  }
0x67: {  	s1 =	simm.s32 $0x0;
	[sflag:s18] =	ssyncadd.s32 $0xFFFFE700  }
0x68: {  	[tilespmem:s19], [sflag:$0x6] =	stream.linear.gather [hbm4b:s14+s1], $0x4E20, $0x38;
	[tilespmem:$0x19320] =	vst v63  }
.Ltmp3:
0x69: {  	_ =	swait.ge [sflag:s18], $0x4E20;
	(pc) =	sbr.rel @!p0 .LBB2_4-.Ltmp3, $3  }
0x6a: {  	[sflag:s18] =	ssyncset.done $0x0  }
0x6b: {  	[sflag:s18] =	ssyncadd.s32 $0xFFFFB1E0  }
0x6c: {  	[bflag:$0x0] =	sbarrier.arrive $0xFFFF;
	_ =	sdelay $0x1  }
0x6d: {  	[tilespmem:s17], [sflag:$0x1] =	stream.indirect.gather [hbm4b:s5+s20], $0x50, s19, s20, $0xb8;
	[tilespmem:$0x19320] =	vst v63  }
0x6e: {  	s1 =	simm.s32 $0xC8A0  }
0x6f: {  	[tilespmem:s22], [sflag:$0x2] =	stream.indirect.gather [hbm4b:s5+s20], $0x50, s1, s20, $0xb8;
	[tilespmem:$0x19320] =	vst v63  }
0x70: {  	s23 =	simm.s32 $0xC940  }
0x71: {  	[tilespmem:s24], [sflag:$0x3] =	stream.indirect.gather [hbm4b:s5+s20], $0x50, s23, s20, $0xb8;
	[tilespmem:$0x19320] =	vst v63  }
0x72: {  	s23 =	simm.s32 $0xC9E0  }
0x73: {  	[tilespmem:s26], [sflag:$0x4] =	stream.indirect.gather [hbm4b:s5+s20], $0x50, s23, s20, $0xb8;
	[tilespmem:$0x19320] =	vst v63  }
0x74: {  	s23 =	simm.s32 $0xCA80  }
0x75: {  	[tilespmem:s29], [sflag:$0x5] =	stream.indirect.gather [hbm4b:s5+s20], $0x50, s23, s20, $0xb8;
	[tilespmem:$0x19320] =	vst v63  }
0x76: {  	_ =	swait.ge [sflag:s30], $0x1900  }
0x77: {  	[sflag:s30] =	ssyncset.done $0x0  }
0x78: {  	s23 =	simm.s32 $0xC850;
	[sflag:s30] =	ssyncadd.s32 $0xFFFFE700  }
0x79: {  	[spmem:s2] =	stream.indirect.scatter.add.bf16 [tilespmem:s17], [sflag:$0x6], $0x50, s23, s20, $0xb8;
	[tilespmem:$0x19320] =	vst v63  }
0x7a: {  	_ =	swait.ge [sflag:s18], $0x1900  }
0x7b: {  	[sflag:s18] =	ssyncset.done $0x0  }
0x7c: {  	s23 =	simm.s32 $0xCB20;
	[sflag:s18] =	ssyncadd.s32 $0xFFFFE700  }
0x7d: {  	[tilespmem:s17], [sflag:$0x1] =	stream.indirect.gather [hbm4b:s5+s20], $0x50, s23, s20, $0xb8;
	[tilespmem:$0x19320] =	vst v63  }
0x7e: {  	_ =	swait.ge [sflag:s31], $0x1900  }
0x7f: {  	[sflag:s31] =	ssyncset.done $0x0  }
0x80: {  	s23 =	simm.s32 $0xC8F0;
	[sflag:s31] =	ssyncadd.s32 $0xFFFFE700  }
0x81: {  	[spmem:s2] =	stream.indirect.scatter.add.bf16 [tilespmem:s22], [sflag:$0x6], $0x50, s23, s20, $0xb8;
	[tilespmem:$0x19320] =	vst v63  }
0x82: {  	_ =	swait.ge [sflag:s18], $0x1900  }
0x83: {  	[sflag:s18] =	ssyncset.done $0x0  }
0x84: {  	s23 =	simm.s32 $0xCBC0;
	[sflag:s18] =	ssyncadd.s32 $0xFFFFE700  }
0x85: {  	[tilespmem:s22], [sflag:$0x2] =	stream.indirect.gather [hbm4b:s5+s20], $0x50, s23, s20, $0xb8;
	[tilespmem:$0x19320] =	vst v63  }
0x86: {  	_ =	swait.ge [sflag:s0], $0x1900  }
0x87: {  	[sflag:s0] =	ssyncset.done $0x0  }
0x88: {  	s23 =	simm.s32 $0xC990;
	[sflag:s0] =	ssyncadd.s32 $0xFFFFE700  }
0x89: {  	[spmem:s2] =	stream.indirect.scatter.add.bf16 [tilespmem:s24], [sflag:$0x6], $0x50, s23, s20, $0xb8;
	[tilespmem:$0x19320] =	vst v63  }
0x8a: {  	_ =	swait.ge [sflag:s18], $0x1900  }
0x8b: {  	[sflag:s18] =	ssyncset.done $0x0  }
0x8c: {  	s23 =	simm.s32 $0xCC60;
	[sflag:s18] =	ssyncadd.s32 $0xFFFFE700  }
0x8d: {  	[tilespmem:s24], [sflag:$0x3] =	stream.indirect.gather [hbm4b:s5+s20], $0x50, s23, s20, $0xb8;
	[tilespmem:$0x19320] =	vst v63  }
0x8e: {  	_ =	swait.ge [sflag:s3], $0x1900  }
0x8f: {  	[sflag:s3] =	ssyncset.done $0x0  }
0x90: {  	s23 =	simm.s32 $0xCA30;
	[sflag:s3] =	ssyncadd.s32 $0xFFFFE700  }
0x91: {  	[spmem:s2] =	stream.indirect.scatter.add.bf16 [tilespmem:s26], [sflag:$0x6], $0x50, s23, s20, $0xb8;
	[tilespmem:$0x19320] =	vst v63  }
0x92: {  	_ =	swait.ge [sflag:s18], $0x1900  }
0x93: {  	[sflag:s18] =	ssyncset.done $0x0  }
0x94: {  	s23 =	simm.s32 $0xCD00;
	[sflag:s18] =	ssyncadd.s32 $0xFFFFE700  }
0x95: {  	[tilespmem:s26], [sflag:$0x4] =	stream.indirect.gather [hbm4b:s5+s20], $0x50, s23, s20, $0xb8;
	[tilespmem:$0x19320] =	vst v63  }
0x96: {  	_ =	swait.ge [sflag:s21], $0x1900  }
0x97: {  	[sflag:s21] =	ssyncset.done $0x0  }
0x98: {  	s23 =	simm.s32 $0xCAD0;
	[sflag:s21] =	ssyncadd.s32 $0xFFFFE700  }
0x99: {  	[spmem:s2] =	stream.indirect.scatter.add.bf16 [tilespmem:s29], [sflag:$0x6], $0x50, s23, s20, $0xb8;
	[tilespmem:$0x19320] =	vst v63  }
0x9a: {  	_ =	swait.ge [sflag:s18], $0x1900  }
0x9b: {  	[sflag:s18] =	ssyncset.done $0x0  }
0x9c: {  	s28 =	simm.s32 $0xC80;
	s23 =	simm.s32 $0xCDA0;
	[sflag:s18] =	ssyncadd.s32 $0xFFFFE700  }
.LBB2_8:
0x9d: {  	[tilespmem:s29], [sflag:$0x5] =	stream.indirect.gather [hbm4b:s5+s20], $0x50, s23, s20, $0xb8;
	[tilespmem:$0x19320] =	vst v63  }
0x9e: {  	s1 =	smov.u32 s28  }
0x9f: {  	p1 =	sne.s32 s28, $0x11F80;
	s28 =	sadd.s32 $0xC80, s28;
	_ =	swait.ge [sflag:s30], $0x1900  }
0xa0: {  	s23 =	sshra.s32 s1, $0x2;
	[sflag:s30] =	ssyncset.done $0x0  }
0xa1: {  	s1 =	sadd.s32 $0xC850, s23;
	[sflag:s30] =	ssyncadd.s32 $0xFFFFE700  }
0xa2: {  	[spmem:s2] =	stream.indirect.scatter.add.bf16 [tilespmem:s17], [sflag:$0x6], $0x50, s1, s20, $0xb8;
	[tilespmem:$0x19320] =	vst v63  }
0xa3: {  	_ =	swait.ge [sflag:s18], $0x1900  }
0xa4: {  	[sflag:s18] =	ssyncset.done $0x0  }
0xa5: {  	s1 =	sadd.s32 $0xCB20, s23;
	[sflag:s18] =	ssyncadd.s32 $0xFFFFE700  }
0xa6: {  	[tilespmem:s17], [sflag:$0x1] =	stream.indirect.gather [hbm4b:s5+s20], $0x50, s1, s20, $0xb8;
	[tilespmem:$0x19320] =	vst v63  }
0xa7: {  	_ =	swait.ge [sflag:s31], $0x1900  }
0xa8: {  	[sflag:s31] =	ssyncset.done $0x0  }
0xa9: {  	s1 =	sadd.s32 $0xC8F0, s23;
	[sflag:s31] =	ssyncadd.s32 $0xFFFFE700  }
0xaa: {  	[spmem:s2] =	stream.indirect.scatter.add.bf16 [tilespmem:s22], [sflag:$0x6], $0x50, s1, s20, $0xb8;
	[tilespmem:$0x19320] =	vst v63  }
0xab: {  	_ =	swait.ge [sflag:s18], $0x1900  }
0xac: {  	[sflag:s18] =	ssyncset.done $0x0  }
0xad: {  	s1 =	sadd.s32 $0xCBC0, s23;
	[sflag:s18] =	ssyncadd.s32 $0xFFFFE700  }
0xae: {  	[tilespmem:s22], [sflag:$0x2] =	stream.indirect.gather [hbm4b:s5+s20], $0x50, s1, s20, $0xb8;
	[tilespmem:$0x19320] =	vst v63  }
0xaf: {  	_ =	swait.ge [sflag:s0], $0x1900  }
0xb0: {  	[sflag:s0] =	ssyncset.done $0x0  }
0xb1: {  	s1 =	sadd.s32 $0xC990, s23;
	[sflag:s0] =	ssyncadd.s32 $0xFFFFE700  }
0xb2: {  	[spmem:s2] =	stream.indirect.scatter.add.bf16 [tilespmem:s24], [sflag:$0x6], $0x50, s1, s20, $0xb8;
	[tilespmem:$0x19320] =	vst v63  }
0xb3: {  	_ =	swait.ge [sflag:s18], $0x1900  }
0xb4: {  	[sflag:s18] =	ssyncset.done $0x0  }
0xb5: {  	s1 =	sadd.s32 $0xCC60, s23;
	[sflag:s18] =	ssyncadd.s32 $0xFFFFE700  }
0xb6: {  	[tilespmem:s24], [sflag:$0x3] =	stream.indirect.gather [hbm4b:s5+s20], $0x50, s1, s20, $0xb8;
	[tilespmem:$0x19320] =	vst v63  }
0xb7: {  	_ =	swait.ge [sflag:s3], $0x1900  }
0xb8: {  	[sflag:s3] =	ssyncset.done $0x0  }
0xb9: {  	s1 =	sadd.s32 $0xCA30, s23;
	[sflag:s3] =	ssyncadd.s32 $0xFFFFE700  }
0xba: {  	[spmem:s2] =	stream.indirect.scatter.add.bf16 [tilespmem:s26], [sflag:$0x6], $0x50, s1, s20, $0xb8;
	[tilespmem:$0x19320] =	vst v63  }
0xbb: {  	_ =	swait.ge [sflag:s18], $0x1900  }
0xbc: {  	[sflag:s18] =	ssyncset.done $0x0  }
0xbd: {  	s1 =	sadd.s32 $0xCD00, s23;
	[sflag:s18] =	ssyncadd.s32 $0xFFFFE700  }
0xbe: {  	[tilespmem:s26], [sflag:$0x4] =	stream.indirect.gather [hbm4b:s5+s20], $0x50, s1, s20, $0xb8;
	[tilespmem:$0x19320] =	vst v63  }
0xbf: {  	_ =	swait.ge [sflag:s21], $0x1900  }
0xc0: {  	[sflag:s21] =	ssyncset.done $0x0  }
.Ltmp4:
0xc1: {  	s1 =	sadd.s32 $0xCAD0, s23;
	[sflag:s21] =	ssyncadd.s32 $0xFFFFE700;
	(pc) =	sbr.rel @p1 .LBB2_8-.Ltmp4, $4  }
0xc2: {  	[spmem:s2] =	stream.indirect.scatter.add.bf16 [tilespmem:s29], [sflag:$0x6], $0x50, s1, s20, $0xb8;
	[tilespmem:$0x19320] =	vst v63  }
0xc3: {  	_ =	swait.ge [sflag:s18], $0x1900  }
0xc4: {  	[sflag:s18] =	ssyncset.done $0x0  }
0xc5: {  	s23 =	sadd.s32 $0xCDA0, s23;
	[sflag:s18] =	ssyncadd.s32 $0xFFFFE700  }
.Ltmp5:
0xc6: {  	(pc) =	sbr.rel .LBB2_10-.Ltmp5, $2  }
0xc7: {  	_ =	sdelay $0x2  }
0xc8: {  	[tilespmem:s29], [sflag:$0x5] =	stream.indirect.gather [hbm4b:s5+s20], $0x50, s23, s20, $0xb8;
	[tilespmem:$0x19320] =	vst v63  }
.LBB2_4:
0xc9: {  	[tilespmem:s17], [sflag:$0x1] =	stream.indirect.gather [hbm4b:s4+s20], $0x50, s19, s20, $0xb8;
	[tilespmem:$0x19320] =	vst v63  }
0xca: {  	s1 =	simm.s32 $0xC8A0  }
0xcb: {  	[tilespmem:s22], [sflag:$0x2] =	stream.indirect.gather [hbm4b:s4+s20], $0x50, s1, s20, $0xb8;
	[tilespmem:$0x19320] =	vst v63  }
0xcc: {  	s23 =	simm.s32 $0xC940  }
0xcd: {  	[tilespmem:s24], [sflag:$0x3] =	stream.indirect.gather [hbm4b:s4+s20], $0x50, s23, s20, $0xb8;
	[tilespmem:$0x19320] =	vst v63  }
0xce: {  	s23 =	simm.s32 $0xC9E0  }
0xcf: {  	[tilespmem:s26], [sflag:$0x4] =	stream.indirect.gather [hbm4b:s4+s20], $0x50, s23, s20, $0xb8;
	[tilespmem:$0x19320] =	vst v63  }
0xd0: {  	s23 =	simm.s32 $0xCA80  }
0xd1: {  	[tilespmem:s29], [sflag:$0x5] =	stream.indirect.gather [hbm4b:s4+s20], $0x50, s23, s20, $0xb8;
	[tilespmem:$0x19320] =	vst v63  }
0xd2: {  	_ =	swait.ge [sflag:s30], $0x1900  }
0xd3: {  	[sflag:s30] =	ssyncset.done $0x0  }
0xd4: {  	s23 =	simm.s32 $0xC850;
	[sflag:s30] =	ssyncadd.s32 $0xFFFFE700  }
0xd5: {  	[spmem:s2] =	stream.indirect.scatter.add.bf16 [tilespmem:s17], [sflag:$0x6], $0x50, s23, s20, $0xb8;
	[tilespmem:$0x19320] =	vst v63  }
0xd6: {  	_ =	swait.ge [sflag:s18], $0x1900  }
0xd7: {  	[sflag:s18] =	ssyncset.done $0x0  }
0xd8: {  	s23 =	simm.s32 $0xCB20;
	[sflag:s18] =	ssyncadd.s32 $0xFFFFE700  }
0xd9: {  	[tilespmem:s17], [sflag:$0x1] =	stream.indirect.gather [hbm4b:s4+s20], $0x50, s23, s20, $0xb8;
	[tilespmem:$0x19320] =	vst v63  }
0xda: {  	_ =	swait.ge [sflag:s31], $0x1900  }
0xdb: {  	[sflag:s31] =	ssyncset.done $0x0  }
0xdc: {  	s23 =	simm.s32 $0xC8F0;
	[sflag:s31] =	ssyncadd.s32 $0xFFFFE700  }
0xdd: {  	[spmem:s2] =	stream.indirect.scatter.add.bf16 [tilespmem:s22], [sflag:$0x6], $0x50, s23, s20, $0xb8;
	[tilespmem:$0x19320] =	vst v63  }
0xde: {  	_ =	swait.ge [sflag:s18], $0x1900  }
0xdf: {  	[sflag:s18] =	ssyncset.done $0x0  }
0xe0: {  	s23 =	simm.s32 $0xCBC0;
	[sflag:s18] =	ssyncadd.s32 $0xFFFFE700  }
0xe1: {  	[tilespmem:s22], [sflag:$0x2] =	stream.indirect.gather [hbm4b:s4+s20], $0x50, s23, s20, $0xb8;
	[tilespmem:$0x19320] =	vst v63  }
0xe2: {  	_ =	swait.ge [sflag:s0], $0x1900  }
0xe3: {  	[sflag:s0] =	ssyncset.done $0x0  }
0xe4: {  	s23 =	simm.s32 $0xC990;
	[sflag:s0] =	ssyncadd.s32 $0xFFFFE700  }
0xe5: {  	[spmem:s2] =	stream.indirect.scatter.add.bf16 [tilespmem:s24], [sflag:$0x6], $0x50, s23, s20, $0xb8;
	[tilespmem:$0x19320] =	vst v63  }
0xe6: {  	_ =	swait.ge [sflag:s18], $0x1900  }
0xe7: {  	[sflag:s18] =	ssyncset.done $0x0  }
0xe8: {  	s23 =	simm.s32 $0xCC60;
	[sflag:s18] =	ssyncadd.s32 $0xFFFFE700  }
0xe9: {  	[tilespmem:s24], [sflag:$0x3] =	stream.indirect.gather [hbm4b:s4+s20], $0x50, s23, s20, $0xb8;
	[tilespmem:$0x19320] =	vst v63  }
0xea: {  	_ =	swait.ge [sflag:s3], $0x1900  }
0xeb: {  	[sflag:s3] =	ssyncset.done $0x0  }
0xec: {  	s23 =	simm.s32 $0xCA30;
	[sflag:s3] =	ssyncadd.s32 $0xFFFFE700  }
0xed: {  	[spmem:s2] =	stream.indirect.scatter.add.bf16 [tilespmem:s26], [sflag:$0x6], $0x50, s23, s20, $0xb8;
	[tilespmem:$0x19320] =	vst v63  }
0xee: {  	_ =	swait.ge [sflag:s18], $0x1900  }
0xef: {  	[sflag:s18] =	ssyncset.done $0x0  }
0xf0: {  	s23 =	simm.s32 $0xCD00;
	[sflag:s18] =	ssyncadd.s32 $0xFFFFE700  }
0xf1: {  	[tilespmem:s26], [sflag:$0x4] =	stream.indirect.gather [hbm4b:s4+s20], $0x50, s23, s20, $0xb8;
	[tilespmem:$0x19320] =	vst v63  }
0xf2: {  	_ =	swait.ge [sflag:s21], $0x1900  }
0xf3: {  	[sflag:s21] =	ssyncset.done $0x0  }
0xf4: {  	s23 =	simm.s32 $0xCAD0;
	[sflag:s21] =	ssyncadd.s32 $0xFFFFE700  }
0xf5: {  	[spmem:s2] =	stream.indirect.scatter.add.bf16 [tilespmem:s29], [sflag:$0x6], $0x50, s23, s20, $0xb8;
	[tilespmem:$0x19320] =	vst v63  }
0xf6: {  	_ =	swait.ge [sflag:s18], $0x1900  }
0xf7: {  	[sflag:s18] =	ssyncset.done $0x0  }
0xf8: {  	s28 =	simm.s32 $0xC80;
	s23 =	simm.s32 $0xCDA0;
	[sflag:s18] =	ssyncadd.s32 $0xFFFFE700  }
.LBB2_5:
0xf9: {  	[tilespmem:s29], [sflag:$0x5] =	stream.indirect.gather [hbm4b:s4+s20], $0x50, s23, s20, $0xb8;
	[tilespmem:$0x19320] =	vst v63  }
0xfa: {  	s1 =	smov.u32 s28  }
0xfb: {  	p1 =	seq.s32 s28, $0x11F80;
	s28 =	sadd.s32 $0xC80, s28;
	_ =	swait.ge [sflag:s30], $0x1900  }
0xfc: {  	s23 =	sshra.s32 s1, $0x2;
	[sflag:s30] =	ssyncset.done $0x0  }
0xfd: {  	s1 =	sadd.s32 $0xC850, s23;
	[sflag:s30] =	ssyncadd.s32 $0xFFFFE700  }
0xfe: {  	[spmem:s2] =	stream.indirect.scatter.add.bf16 [tilespmem:s17], [sflag:$0x6], $0x50, s1, s20, $0xb8;
	[tilespmem:$0x19320] =	vst v63  }
0xff: {  	_ =	swait.ge [sflag:s18], $0x1900  }
0x100: {  	[sflag:s18] =	ssyncset.done $0x0  }
0x101: {  	s1 =	sadd.s32 $0xCB20, s23;
	[sflag:s18] =	ssyncadd.s32 $0xFFFFE700  }
0x102: {  	[tilespmem:s17], [sflag:$0x1] =	stream.indirect.gather [hbm4b:s4+s20], $0x50, s1, s20, $0xb8;
	[tilespmem:$0x19320] =	vst v63  }
0x103: {  	_ =	swait.ge [sflag:s31], $0x1900  }
0x104: {  	[sflag:s31] =	ssyncset.done $0x0  }
0x105: {  	s1 =	sadd.s32 $0xC8F0, s23;
	[sflag:s31] =	ssyncadd.s32 $0xFFFFE700  }
0x106: {  	[spmem:s2] =	stream.indirect.scatter.add.bf16 [tilespmem:s22], [sflag:$0x6], $0x50, s1, s20, $0xb8;
	[tilespmem:$0x19320] =	vst v63  }
0x107: {  	_ =	swait.ge [sflag:s18], $0x1900  }
0x108: {  	[sflag:s18] =	ssyncset.done $0x0  }
0x109: {  	s1 =	sadd.s32 $0xCBC0, s23;
	[sflag:s18] =	ssyncadd.s32 $0xFFFFE700  }
0x10a: {  	[tilespmem:s22], [sflag:$0x2] =	stream.indirect.gather [hbm4b:s4+s20], $0x50, s1, s20, $0xb8;
	[tilespmem:$0x19320] =	vst v63  }
0x10b: {  	_ =	swait.ge [sflag:s0], $0x1900  }
0x10c: {  	[sflag:s0] =	ssyncset.done $0x0  }
0x10d: {  	s1 =	sadd.s32 $0xC990, s23;
	[sflag:s0] =	ssyncadd.s32 $0xFFFFE700  }
0x10e: {  	[spmem:s2] =	stream.indirect.scatter.add.bf16 [tilespmem:s24], [sflag:$0x6], $0x50, s1, s20, $0xb8;
	[tilespmem:$0x19320] =	vst v63  }
0x10f: {  	_ =	swait.ge [sflag:s18], $0x1900  }
0x110: {  	[sflag:s18] =	ssyncset.done $0x0  }
0x111: {  	s1 =	sadd.s32 $0xCC60, s23;
	[sflag:s18] =	ssyncadd.s32 $0xFFFFE700  }
0x112: {  	[tilespmem:s24], [sflag:$0x3] =	stream.indirect.gather [hbm4b:s4+s20], $0x50, s1, s20, $0xb8;
	[tilespmem:$0x19320] =	vst v63  }
0x113: {  	_ =	swait.ge [sflag:s3], $0x1900  }
0x114: {  	[sflag:s3] =	ssyncset.done $0x0  }
0x115: {  	s1 =	sadd.s32 $0xCA30, s23;
	[sflag:s3] =	ssyncadd.s32 $0xFFFFE700  }
0x116: {  	[spmem:s2] =	stream.indirect.scatter.add.bf16 [tilespmem:s26], [sflag:$0x6], $0x50, s1, s20, $0xb8;
	[tilespmem:$0x19320] =	vst v63  }
0x117: {  	_ =	swait.ge [sflag:s18], $0x1900  }
0x118: {  	[sflag:s18] =	ssyncset.done $0x0  }
0x119: {  	s1 =	sadd.s32 $0xCD00, s23;
	[sflag:s18] =	ssyncadd.s32 $0xFFFFE700  }
0x11a: {  	[tilespmem:s26], [sflag:$0x4] =	stream.indirect.gather [hbm4b:s4+s20], $0x50, s1, s20, $0xb8;
	[tilespmem:$0x19320] =	vst v63  }
0x11b: {  	_ =	swait.ge [sflag:s21], $0x1900  }
0x11c: {  	[sflag:s21] =	ssyncset.done $0x0  }
.Ltmp6:
0x11d: {  	s1 =	sadd.s32 $0xCAD0, s23;
	[sflag:s21] =	ssyncadd.s32 $0xFFFFE700;
	(pc) =	sbr.rel @!p1 .LBB2_5-.Ltmp6, $4  }
0x11e: {  	[spmem:s2] =	stream.indirect.scatter.add.bf16 [tilespmem:s29], [sflag:$0x6], $0x50, s1, s20, $0xb8;
	[tilespmem:$0x19320] =	vst v63  }
0x11f: {  	_ =	swait.ge [sflag:s18], $0x1900  }
0x120: {  	[sflag:s18] =	ssyncset.done $0x0  }
0x121: {  	s23 =	sadd.s32 $0xCDA0, s23;
	[sflag:s18] =	ssyncadd.s32 $0xFFFFE700  }
.Ltmp7:
0x122: {  	_ = 	snop;
	(pc) =	sbr.rel .LBB2_6-.Ltmp7, $1  }
0x123: {  	_ =	sdelay $0x3  }
.LBB2_11:
0x124: {  	_ =	sfence.sel $0x180000  }
0x125: {  	[bflag:$0x0] =	sbarrier.arrive $0xFFFF  }
0x126: {  	_ =	strace $0x90000047  }
0x127: {  	s0 =	stileid.u32;
	[bflag:$0x2] =	sbarrier.arrive $0xFFFF  }
0x128: {  	p0 =	sne.s32 s0, $0x0;
	s0 =	rddreg [dreg:$0x2]  }
0x129: {  	s0 =	sadd.s32 @!p0 $0x100000, s0  }
0x12a: {  	[sflag:s0] =	ssyncadd.tile.s32 @!p0 $0x1;
	_ =	shalt  }
.Lfunc_end2:
_tile_overlayer_lowered:
.L_overlay_start_2:
0x12b: {  	(tag) =	ssettag $0x2  }
0x12c: {  	s0 =	rddreg [dreg:$0x0];
	s2 =	stileid.u32  }
0x12d: {  	s1 =	rddreg [dreg:$0x1];
	p0 =	sne.s32 s2, $0x0  }
0x12e: {  	s3 =	rddreg [dreg:$0x2];
	[bflag:$0x3] =	sbarrier.arrive $0xFFFF;
	s2 =	simm.s32 @!p0 $0x1C06  }
0x12f: {  	[timem:s3], [sflag:s2] =	dma.local @!p0 [hbm:s0], s1  }
0x130: {  	s0 =	simm.s32 @!p0 $0x6  }
0x131: {  	_ =	swait.ge @!p0 [sflag:s0], s1  }
0x132: {  	s1 =	ssub.s32 @!p0 $0x0, s1;
	[sflag:s0] =	ssyncset.done @!p0 $0x0  }
0x133: {  	[sflag:s0] =	ssyncadd.s32 @!p0 s1  }
0x134: {  	[bflag:$0x3] =	sbarrier.arrive $0xFFFF  }
0x135: {  	_ =	shalt  }

</sc_bundles>
